<compile_context>
chip_gen: v7x
topology: tpu7x:2x2x1
jax: 0.10.2.dev20260603
libtpu: 0.0.44.dev20260713+nightly
codegen_flags: <defaults>
</compile_context>

<pallas_src>
import functools

import jax
import jax.numpy as jnp
from jax import lax
from jax.experimental import pallas as pl
from jax.experimental.pallas import tpu as pltpu
from jax.experimental.pallas import tpu_sc as plsc

B = 4096
N_FEAT = 4096
UNITS = 1024
NNZ = 512

NC = 2
NS = 16
LANES = 16
NW = NC * NS
ROWS_PER_W = B // NW
CHUNK = 8
NCHUNK = ROWS_PER_W // CHUNK
JVECS = NNZ // LANES
NVEC = CHUNK * JVECS
NXBUF = 3


def _sc_body(x_hbm, rows_hbm, cols_hbm, w_hbm, out_hbm,
             x_v0, x_v1, x_v2, o_v0, o_v1, w_v, rows_v, cols_v,
             sem_x0, sem_x1, sem_x2, sem_o0, sem_o1):
    wid = lax.axis_index("s") * NC + lax.axis_index("c")
    tile_base = wid * ROWS_PER_W

    pltpu.sync_copy(w_hbm, w_v)
    pltpu.sync_copy(rows_hbm, rows_v)
    pltpu.sync_copy(cols_hbm, cols_v)

    zeros16 = jnp.zeros((LANES,), jnp.float32)

    @plsc.parallel_loop(0, CHUNK * UNITS // LANES)
    def _zero(i):
        r = i // (UNITS // LANES)
        kv = i % (UNITS // LANES)
        sl = pl.ds(kv * LANES, LANES)
        o_v0[r, sl] = zeros16
        o_v1[r, sl] = zeros16

    x_bufs = (x_v0, x_v1, x_v2)
    o_bufs = (o_v0, o_v1)
    x_sems = (sem_x0, sem_x1, sem_x2)
    o_sems = (sem_o0, sem_o1)

    def x_dma(c):
        return pltpu.async_copy(
            x_hbm.at[pl.ds(tile_base + c * CHUNK, CHUNK)],
            x_bufs[c % NXBUF], x_sems[c % NXBUF])

    def o_dma(c):
        return pltpu.async_copy(
            o_bufs[c % 2],
            out_hbm.at[pl.ds(tile_base + c * CHUNK, CHUNK)],
            o_sems[c % 2])

    x_dmas = [x_dma(0), x_dma(1), x_dma(2)]
    out_dmas = [None, None]
    for c in range(NCHUNK):
        x_dmas[c % NXBUF].wait()
        if out_dmas[c % 2] is not None:
            out_dmas[c % 2].wait()
        x_v = x_bufs[c % NXBUF]
        o_v = o_bufs[c % 2]

        @plsc.parallel_loop(0, NVEC, unroll=4)
        def _compute(i):
            r = i // JVECS
            jv = i % JVECS
            sl = pl.ds(jv * LANES, LANES)
            ridx = jnp.full((LANES,), r, jnp.int32)
            g = plsc.load_gather(x_v, [ridx, rows_v[sl]])
            plsc.store_scatter(o_v, [ridx, cols_v[sl]], g * w_v[sl])

        out_dmas[c % 2] = o_dma(c)
        if c + NXBUF < NCHUNK:
            x_dmas[c % NXBUF] = x_dma(c + NXBUF)
    for d in out_dmas:
        if d is not None:
            d.wait()


@functools.partial(jax.jit, static_argnums=())
def _sc_spmm(x, rows, cols, w):
    mesh = plsc.VectorSubcoreMesh(
        core_axis_name="c", subcore_axis_name="s",
        num_cores=NC, num_subcores=NS)
    return pl.kernel(
        _sc_body,
        out_type=jax.ShapeDtypeStruct((B, UNITS), jnp.float32),
        mesh=mesh,
        compiler_params=pltpu.CompilerParams(needs_layout_passes=False),
        scratch_types=[
            pltpu.VMEM((CHUNK, N_FEAT), jnp.float32),
            pltpu.VMEM((CHUNK, N_FEAT), jnp.float32),
            pltpu.VMEM((CHUNK, N_FEAT), jnp.float32),
            pltpu.VMEM((CHUNK, UNITS), jnp.float32),
            pltpu.VMEM((CHUNK, UNITS), jnp.float32),
            pltpu.VMEM((NNZ,), jnp.float32),
            pltpu.VMEM((NNZ,), jnp.int32),
            pltpu.VMEM((NNZ,), jnp.int32),
            pltpu.SemaphoreType.DMA,
            pltpu.SemaphoreType.DMA,
            pltpu.SemaphoreType.DMA,
            pltpu.SemaphoreType.DMA,
            pltpu.SemaphoreType.DMA,
        ],
    )(x, rows, cols, w)


def kernel(x, w, indices):
    rows = indices[:, 0].astype(jnp.int32)
    cols = indices[:, 1].astype(jnp.int32)
    return _sc_spmm(x, rows, cols, w)

# --- scband reference (transcript-rebuilt; emitter-appended) ---
"""Pipeline reference for scband-sparse-linear-68092411511135 (READ-ONLY COPY).

The authoritative reference and input builder live on the scoring server;
editing this copy changes nothing except your own understanding.
"""

import jax, jax.numpy as jnp
import numpy as np

N_FEAT = 4096
UNITS = 1024
NNZ = 512
B = 4096


def _make_indices():
    # Same deterministic pattern as init_kwargs: row = 8*i, col = i
    cols = jnp.arange(NNZ, dtype=jnp.int64)
    rows = cols * 8
    return jnp.stack([rows, cols], axis=1)


def setup_inputs(seed: int = 0) -> dict:
    key = jax.random.key(seed)
    k1, k2 = jax.random.split(key)
    x = jax.random.normal(k1, (B, N_FEAT), dtype=jnp.float32)
    # glorot_uniform over a rank-1 weight of length NNZ: fan_in = fan_out = NNZ
    limit = float(np.sqrt(6.0 / (NNZ + NNZ)))
    w = jax.random.uniform(k2, (NNZ,), minval=-limit, maxval=limit, dtype=jnp.float32)
    return {"x": x, "w": w, "indices": _make_indices()}


def reference(x, w, indices):
    # Equivalent of tf.sparse.sparse_dense_matmul(x, SparseTensor(indices, w, [N_FEAT, UNITS]))
    # out[b, col_j] += x[b, row_j] * w[j]  for each nonzero j
    rows = indices[:, 0]
    cols = indices[:, 1]
    gathered = jnp.take(x, rows, axis=1) * w[None, :]  # [B, NNZ] gather along features
    out = jnp.zeros((x.shape[0], UNITS), dtype=x.dtype).at[:, cols].add(gathered)  # scatter-add
    return out

if __name__ == "__main__":
    import jax
    _d = setup_inputs()
    print(jax.jit(kernel)(*tuple(_d.values())))

</pallas_src>

<mosaic_0001>
#map = affine_map<(d0, d1) -> (0, 0)>
#map1 = affine_map<(d0, d1) -> (0)>
module attributes {stable_mosaic.version = 14 : i64} {
  func.func @_sc_body(%arg0: i32, %arg1: i32, %arg2: memref<4096x4096xf32, #tpu.memory_space<hbm>>, %arg3: memref<512xi32, #tpu.memory_space<hbm>>, %arg4: memref<512xi32, #tpu.memory_space<hbm>>, %arg5: memref<512xf32, #tpu.memory_space<hbm>>, %arg6: memref<4096x1024xf32, #tpu.memory_space<hbm>>, %arg7: memref<8x4096xf32, #tpu.memory_space<vmem>>, %arg8: memref<8x4096xf32, #tpu.memory_space<vmem>>, %arg9: memref<8x4096xf32, #tpu.memory_space<vmem>>, %arg10: memref<8x1024xf32, #tpu.memory_space<vmem>>, %arg11: memref<8x1024xf32, #tpu.memory_space<vmem>>, %arg12: memref<512xf32, #tpu.memory_space<vmem>>, %arg13: memref<512xi32, #tpu.memory_space<vmem>>, %arg14: memref<512xi32, #tpu.memory_space<vmem>>, %arg15: memref<!tpu.dma_semaphore, #tpu.memory_space<semaphore_mem>>, %arg16: memref<!tpu.dma_semaphore, #tpu.memory_space<semaphore_mem>>, %arg17: memref<!tpu.dma_semaphore, #tpu.memory_space<semaphore_mem>>, %arg18: memref<!tpu.dma_semaphore, #tpu.memory_space<semaphore_mem>>, %arg19: memref<!tpu.dma_semaphore, #tpu.memory_space<semaphore_mem>>) attributes {dimension_semantics = [#tpu.dimension_semantics<core_parallel>, #tpu.dimension_semantics<subcore_parallel>], iteration_bounds = array<i64: 2, 16>, scalar_prefetch = 0 : i64, scratch_operands = 13 : i64, tpu.core_type = #tpu.core_type<sc_vector_subcore>, window_params = [{transform_indices = #map}, {transform_indices = #map1}, {transform_indices = #map1}, {transform_indices = #map1}, {transform_indices = #map}]} {
    %mul3A = arith.constant 2 : i32
    %mul3A_0 = arith.muli %arg1, %mul3A : i32
    %add3A = arith.addi %mul3A_0, %arg0 : i32
    %mul3A_1 = arith.constant 128 : i32
    %mul3A_2 = arith.muli %add3A, %mul3A_1 : i32
    "tpu.region"() ({
      %run_scoped3A = tpu.sem_alloc : memref<!tpu.dma_semaphore, #tpu.memory_space<semaphore_mem>>
      tpu.enqueue_dma source(%arg5 : memref<512xf32, #tpu.memory_space<hbm>>) target(%arg12 : memref<512xf32, #tpu.memory_space<vmem>>) target_semaphore(%run_scoped3A : memref<!tpu.dma_semaphore, #tpu.memory_space<semaphore_mem>>)
      tpu.wait_dma2 semaphore(%run_scoped3A : memref<!tpu.dma_semaphore, #tpu.memory_space<semaphore_mem>>) src(%arg5 : memref<512xf32, #tpu.memory_space<hbm>>) dst(%arg12 : memref<512xf32, #tpu.memory_space<vmem>>)
      tpu.yield
    }) : () -> ()
    "tpu.region"() ({
      %run_scoped3A = tpu.sem_alloc : memref<!tpu.dma_semaphore, #tpu.memory_space<semaphore_mem>>
      tpu.enqueue_dma source(%arg3 : memref<512xi32, #tpu.memory_space<hbm>>) target(%arg13 : memref<512xi32, #tpu.memory_space<vmem>>) target_semaphore(%run_scoped3A : memref<!tpu.dma_semaphore, #tpu.memory_space<semaphore_mem>>)
      tpu.wait_dma2 semaphore(%run_scoped3A : memref<!tpu.dma_semaphore, #tpu.memory_space<semaphore_mem>>) src(%arg3 : memref<512xi32, #tpu.memory_space<hbm>>) dst(%arg13 : memref<512xi32, #tpu.memory_space<vmem>>)
      tpu.yield
    }) : () -> ()
    "tpu.region"() ({
      %run_scoped3A = tpu.sem_alloc : memref<!tpu.dma_semaphore, #tpu.memory_space<semaphore_mem>>
      tpu.enqueue_dma source(%arg4 : memref<512xi32, #tpu.memory_space<hbm>>) target(%arg14 : memref<512xi32, #tpu.memory_space<vmem>>) target_semaphore(%run_scoped3A : memref<!tpu.dma_semaphore, #tpu.memory_space<semaphore_mem>>)
      tpu.wait_dma2 semaphore(%run_scoped3A : memref<!tpu.dma_semaphore, #tpu.memory_space<semaphore_mem>>) src(%arg4 : memref<512xi32, #tpu.memory_space<hbm>>) dst(%arg14 : memref<512xi32, #tpu.memory_space<vmem>>)
      tpu.yield
    }) : () -> ()
    %broadcast_in_dim3A = arith.constant 0.000000e+00 : f32
    %broadcast_in_dim3A_3 = vector.broadcast %broadcast_in_dim3A : f32 to vector<16xf32>
    %parallel_loop3A = arith.constant 0 : i32
    %parallel_loop3A_4 = arith.constant 512 : i32
    %parallel_loop3A_5 = arith.constant 1 : i32
    scf.for %parallel_loop3A_372 = %parallel_loop3A to %parallel_loop3A_4 step %parallel_loop3A_5  : i32 {
      %parallel_loop3A_373 = arith.constant 64 : i32
      %parallel_loop3A_374 = arith.divsi %parallel_loop3A_372, %parallel_loop3A_373 : i32
      %parallel_loop3A_375 = arith.constant 0 : i32
      %parallel_loop3A_376 = arith.cmpi sgt, %parallel_loop3A_372, %parallel_loop3A_375 : i32
      %parallel_loop3A_377 = arith.extui %parallel_loop3A_376 : i1 to i32
      %parallel_loop3A_378 = arith.constant 0 : i32
      %parallel_loop3A_379 = arith.cmpi slt, %parallel_loop3A_372, %parallel_loop3A_378 : i32
      %parallel_loop3A_380 = arith.extui %parallel_loop3A_379 : i1 to i32
      %parallel_loop3A_381 = arith.subi %parallel_loop3A_377, %parallel_loop3A_380 : i32
      %parallel_loop3A_382 = arith.constant 0 : i32
      %parallel_loop3A_383 = arith.cmpi sgt, %parallel_loop3A_373, %parallel_loop3A_382 : i32
      %parallel_loop3A_384 = arith.extui %parallel_loop3A_383 : i1 to i32
      %parallel_loop3A_385 = arith.constant 0 : i32
      %parallel_loop3A_386 = arith.cmpi slt, %parallel_loop3A_373, %parallel_loop3A_385 : i32
      %parallel_loop3A_387 = arith.extui %parallel_loop3A_386 : i1 to i32
      %parallel_loop3A_388 = arith.subi %parallel_loop3A_384, %parallel_loop3A_387 : i32
      %parallel_loop3A_389 = arith.cmpi ne, %parallel_loop3A_381, %parallel_loop3A_388 : i32
      %parallel_loop3A_390 = arith.remsi %parallel_loop3A_372, %parallel_loop3A_373 : i32
      %parallel_loop3A_391 = arith.constant 0 : i32
      %parallel_loop3A_392 = arith.cmpi ne, %parallel_loop3A_390, %parallel_loop3A_391 : i32
      %parallel_loop3A_393 = arith.andi %parallel_loop3A_389, %parallel_loop3A_392 : i1
      %parallel_loop3A_394 = arith.constant 1 : i32
      %parallel_loop3A_395 = arith.subi %parallel_loop3A_374, %parallel_loop3A_394 : i32
      %parallel_loop3A_396 = arith.select %parallel_loop3A_393, %parallel_loop3A_395, %parallel_loop3A_374 : i32
      %parallel_loop3A_397 = arith.constant 64 : i32
      %parallel_loop3A_398 = arith.constant 0 : i32
      %parallel_loop3A_399 = arith.cmpi eq, %parallel_loop3A_397, %parallel_loop3A_398 : i32
      %parallel_loop3A_400 = arith.constant 1 : i32
      %parallel_loop3A_401 = arith.select %parallel_loop3A_399, %parallel_loop3A_400, %parallel_loop3A_397 : i32
      %parallel_loop3A_402 = arith.remsi %parallel_loop3A_372, %parallel_loop3A_401 : i32
      %parallel_loop3A_403 = arith.constant 0 : i32
      %parallel_loop3A_404 = arith.cmpi ne, %parallel_loop3A_402, %parallel_loop3A_403 : i32
      %parallel_loop3A_405 = arith.constant 0 : i32
      %parallel_loop3A_406 = arith.cmpi slt, %parallel_loop3A_402, %parallel_loop3A_405 : i32
      %parallel_loop3A_407 = arith.constant 0 : i32
      %parallel_loop3A_408 = arith.cmpi slt, %parallel_loop3A_401, %parallel_loop3A_407 : i32
      %parallel_loop3A_409 = arith.xori %parallel_loop3A_406, %parallel_loop3A_408 : i1
      %parallel_loop3A_410 = arith.andi %parallel_loop3A_409, %parallel_loop3A_404 : i1
      %parallel_loop3A_411 = arith.addi %parallel_loop3A_402, %parallel_loop3A_401 : i32
      %parallel_loop3A_412 = arith.select %parallel_loop3A_410, %parallel_loop3A_411, %parallel_loop3A_402 : i32
      %parallel_loop3A_413 = arith.constant 16 : i32
      %parallel_loop3A_414 = arith.muli %parallel_loop3A_412, %parallel_loop3A_413 : i32
      %parallel_loop3A_415 = arith.index_cast %parallel_loop3A_396 : i32 to index
      %parallel_loop3A_416 = arith.index_cast %parallel_loop3A_414 : i32 to index
      %parallel_loop3A_417 = tpu.vector_load %arg10[%parallel_loop3A_415, %parallel_loop3A_416] {strides = array<i32>} : memref<8x1024xf32, #tpu.memory_space<vmem>>, vector<16xf32>,
      tpu.vector_store %arg10[%parallel_loop3A_415, %parallel_loop3A_416], %broadcast_in_dim3A_3 {strides = array<i32>} : memref<8x1024xf32, #tpu.memory_space<vmem>>, vector<16xf32>,
      %parallel_loop3A_418 = arith.index_cast %parallel_loop3A_396 : i32 to index
      %parallel_loop3A_419 = arith.index_cast %parallel_loop3A_414 : i32 to index
      %parallel_loop3A_420 = tpu.vector_load %arg11[%parallel_loop3A_418, %parallel_loop3A_419] {strides = array<i32>} : memref<8x1024xf32, #tpu.memory_space<vmem>>, vector<16xf32>,
      tpu.vector_store %arg11[%parallel_loop3A_418, %parallel_loop3A_419], %broadcast_in_dim3A_3 {strides = array<i32>} : memref<8x1024xf32, #tpu.memory_space<vmem>>, vector<16xf32>,
    } {sc.loop_unroll_factor = 1 : i64, sc.parallel_access}
    %add3A_6 = arith.constant 0 : i32
    %add3A_7 = arith.addi %mul3A_2, %add3A_6 : i32
    %dma_start3A = arith.constant 0 : i32
    %dma_start3A_8 = tpu.memref_slice %arg2[%add3A_7, %dma_start3A] : memref<4096x4096xf32, #tpu.memory_space<hbm>> -> memref<8x4096xf32, #tpu.memory_space<hbm>>
    %dma_start3A_9 = arith.constant 0 : i32
    %dma_start3A_10 = tpu.memref_slice %arg2[%add3A_7, %dma_start3A_9] : memref<4096x4096xf32, #tpu.memory_space<hbm>> -> memref<8x4096xf32, #tpu.memory_space<hbm>>
    tpu.enqueue_dma source(%dma_start3A_10 : memref<8x4096xf32, #tpu.memory_space<hbm>>) target(%arg7 : memref<8x4096xf32, #tpu.memory_space<vmem>>) target_semaphore(%arg15 : memref<!tpu.dma_semaphore, #tpu.memory_space<semaphore_mem>>)
    %add3A_11 = arith.constant 8 : i32
    %add3A_12 = arith.addi %mul3A_2, %add3A_11 : i32
    %dma_start3A_13 = arith.constant 0 : i32
    %dma_start3A_14 = tpu.memref_slice %arg2[%add3A_12, %dma_start3A_13] : memref<4096x4096xf32, #tpu.memory_space<hbm>> -> memref<8x4096xf32, #tpu.memory_space<hbm>>
    %dma_start3A_15 = arith.constant 0 : i32
    %dma_start3A_16 = tpu.memref_slice %arg2[%add3A_12, %dma_start3A_15] : memref<4096x4096xf32, #tpu.memory_space<hbm>> -> memref<8x4096xf32, #tpu.memory_space<hbm>>
    tpu.enqueue_dma source(%dma_start3A_16 : memref<8x4096xf32, #tpu.memory_space<hbm>>) target(%arg8 : memref<8x4096xf32, #tpu.memory_space<vmem>>) target_semaphore(%arg16 : memref<!tpu.dma_semaphore, #tpu.memory_space<semaphore_mem>>)
    %add3A_17 = arith.constant 16 : i32
    %add3A_18 = arith.addi %mul3A_2, %add3A_17 : i32
    %dma_start3A_19 = arith.constant 0 : i32
    %dma_start3A_20 = tpu.memref_slice %arg2[%add3A_18, %dma_start3A_19] : memref<4096x4096xf32, #tpu.memory_space<hbm>> -> memref<8x4096xf32, #tpu.memory_space<hbm>>
    %dma_start3A_21 = arith.constant 0 : i32
    %dma_start3A_22 = tpu.memref_slice %arg2[%add3A_18, %dma_start3A_21] : memref<4096x4096xf32, #tpu.memory_space<hbm>> -> memref<8x4096xf32, #tpu.memory_space<hbm>>
    tpu.enqueue_dma source(%dma_start3A_22 : memref<8x4096xf32, #tpu.memory_space<hbm>>) target(%arg9 : memref<8x4096xf32, #tpu.memory_space<vmem>>) target_semaphore(%arg17 : memref<!tpu.dma_semaphore, #tpu.memory_space<semaphore_mem>>)
    %dma_wait3A = arith.constant 0 : i32
    %dma_wait3A_23 = tpu.memref_slice %arg2[%add3A_7, %dma_wait3A] : memref<4096x4096xf32, #tpu.memory_space<hbm>> -> memref<8x4096xf32, #tpu.memory_space<hbm>>
    %dma_wait3A_24 = arith.constant 0 : i32
    %dma_wait3A_25 = tpu.memref_slice %arg2[%add3A_7, %dma_wait3A_24] : memref<4096x4096xf32, #tpu.memory_space<hbm>> -> memref<8x4096xf32, #tpu.memory_space<hbm>>
    tpu.wait_dma2 semaphore(%arg15 : memref<!tpu.dma_semaphore, #tpu.memory_space<semaphore_mem>>) src(%dma_wait3A_25 : memref<8x4096xf32, #tpu.memory_space<hbm>>) dst(%arg7 : memref<8x4096xf32, #tpu.memory_space<vmem>>)
    %parallel_loop3A_26 = arith.constant 0 : i32
    %parallel_loop3A_27 = arith.constant 256 : i32
    %parallel_loop3A_28 = arith.constant 1 : i32
    scf.for %parallel_loop3A_372 = %parallel_loop3A_26 to %parallel_loop3A_27 step %parallel_loop3A_28  : i32 {
      %parallel_loop3A_373 = arith.constant 32 : i32
      %parallel_loop3A_374 = arith.divsi %parallel_loop3A_372, %parallel_loop3A_373 : i32
      %parallel_loop3A_375 = arith.constant 0 : i32
      %parallel_loop3A_376 = arith.cmpi sgt, %parallel_loop3A_372, %parallel_loop3A_375 : i32
      %parallel_loop3A_377 = arith.extui %parallel_loop3A_376 : i1 to i32
      %parallel_loop3A_378 = arith.constant 0 : i32
      %parallel_loop3A_379 = arith.cmpi slt, %parallel_loop3A_372, %parallel_loop3A_378 : i32
      %parallel_loop3A_380 = arith.extui %parallel_loop3A_379 : i1 to i32
      %parallel_loop3A_381 = arith.subi %parallel_loop3A_377, %parallel_loop3A_380 : i32
      %parallel_loop3A_382 = arith.constant 0 : i32
      %parallel_loop3A_383 = arith.cmpi sgt, %parallel_loop3A_373, %parallel_loop3A_382 : i32
      %parallel_loop3A_384 = arith.extui %parallel_loop3A_383 : i1 to i32
      %parallel_loop3A_385 = arith.constant 0 : i32
      %parallel_loop3A_386 = arith.cmpi slt, %parallel_loop3A_373, %parallel_loop3A_385 : i32
      %parallel_loop3A_387 = arith.extui %parallel_loop3A_386 : i1 to i32
      %parallel_loop3A_388 = arith.subi %parallel_loop3A_384, %parallel_loop3A_387 : i32
      %parallel_loop3A_389 = arith.cmpi ne, %parallel_loop3A_381, %parallel_loop3A_388 : i32
      %parallel_loop3A_390 = arith.remsi %parallel_loop3A_372, %parallel_loop3A_373 : i32
      %parallel_loop3A_391 = arith.constant 0 : i32
      %parallel_loop3A_392 = arith.cmpi ne, %parallel_loop3A_390, %parallel_loop3A_391 : i32
      %parallel_loop3A_393 = arith.andi %parallel_loop3A_389, %parallel_loop3A_392 : i1
      %parallel_loop3A_394 = arith.constant 1 : i32
      %parallel_loop3A_395 = arith.subi %parallel_loop3A_374, %parallel_loop3A_394 : i32
      %parallel_loop3A_396 = arith.select %parallel_loop3A_393, %parallel_loop3A_395, %parallel_loop3A_374 : i32
      %parallel_loop3A_397 = arith.constant 32 : i32
      %parallel_loop3A_398 = arith.constant 0 : i32
      %parallel_loop3A_399 = arith.cmpi eq, %parallel_loop3A_397, %parallel_loop3A_398 : i32
      %parallel_loop3A_400 = arith.constant 1 : i32
      %parallel_loop3A_401 = arith.select %parallel_loop3A_399, %parallel_loop3A_400, %parallel_loop3A_397 : i32
      %parallel_loop3A_402 = arith.remsi %parallel_loop3A_372, %parallel_loop3A_401 : i32
      %parallel_loop3A_403 = arith.constant 0 : i32
      %parallel_loop3A_404 = arith.cmpi ne, %parallel_loop3A_402, %parallel_loop3A_403 : i32
      %parallel_loop3A_405 = arith.constant 0 : i32
      %parallel_loop3A_406 = arith.cmpi slt, %parallel_loop3A_402, %parallel_loop3A_405 : i32
      %parallel_loop3A_407 = arith.constant 0 : i32
      %parallel_loop3A_408 = arith.cmpi slt, %parallel_loop3A_401, %parallel_loop3A_407 : i32
      %parallel_loop3A_409 = arith.xori %parallel_loop3A_406, %parallel_loop3A_408 : i1
      %parallel_loop3A_410 = arith.andi %parallel_loop3A_409, %parallel_loop3A_404 : i1
      %parallel_loop3A_411 = arith.addi %parallel_loop3A_402, %parallel_loop3A_401 : i32
      %parallel_loop3A_412 = arith.select %parallel_loop3A_410, %parallel_loop3A_411, %parallel_loop3A_402 : i32
      %parallel_loop3A_413 = arith.constant 16 : i32
      %parallel_loop3A_414 = arith.muli %parallel_loop3A_412, %parallel_loop3A_413 : i32
      %parallel_loop3A_415 = vector.broadcast %parallel_loop3A_396 : i32 to vector<16xi32>
      %parallel_loop3A_416 = arith.index_cast %parallel_loop3A_414 : i32 to index
      %parallel_loop3A_417 = tpu.vector_load %arg13[%parallel_loop3A_416] {strides = array<i32>} : memref<512xi32, #tpu.memory_space<vmem>>, vector<16xi32>,
      %parallel_loop3A_418 = tpu.vector_load_idx %arg7[%parallel_loop3A_415, %parallel_loop3A_417] : memref<8x4096xf32, #tpu.memory_space<vmem>>[vector<16xi32>, vector<16xi32>], vector<16xf32>,
      %parallel_loop3A_419 = arith.index_cast %parallel_loop3A_414 : i32 to index
      %parallel_loop3A_420 = tpu.vector_load %arg14[%parallel_loop3A_419] {strides = array<i32>} : memref<512xi32, #tpu.memory_space<vmem>>, vector<16xi32>,
      %parallel_loop3A_421 = arith.index_cast %parallel_loop3A_414 : i32 to index
      %parallel_loop3A_422 = tpu.vector_load %arg12[%parallel_loop3A_421] {strides = array<i32>} : memref<512xf32, #tpu.memory_space<vmem>>, vector<16xf32>,
      %parallel_loop3A_423 = arith.mulf %parallel_loop3A_418, %parallel_loop3A_422 : vector<16xf32>
      tpu.vector_store_idx %arg10[%parallel_loop3A_415, %parallel_loop3A_420], %parallel_loop3A_423 : memref<8x1024xf32, #tpu.memory_space<vmem>>[vector<16xi32>, vector<16xi32>], vector<16xf32>,
    } {sc.loop_unroll_factor = 4 : i64, sc.parallel_access}
    %add3A_29 = arith.constant 0 : i32
    %add3A_30 = arith.addi %mul3A_2, %add3A_29 : i32
    %dma_start3A_31 = arith.constant 0 : i32
    %dma_start3A_32 = tpu.memref_slice %arg6[%add3A_30, %dma_start3A_31] : memref<4096x1024xf32, #tpu.memory_space<hbm>> -> memref<8x1024xf32, #tpu.memory_space<hbm>>
    %dma_start3A_33 = arith.constant 0 : i32
    %dma_start3A_34 = tpu.memref_slice %arg6[%add3A_30, %dma_start3A_33] : memref<4096x1024xf32, #tpu.memory_space<hbm>> -> memref<8x1024xf32, #tpu.memory_space<hbm>>
    tpu.enqueue_dma source(%arg10 : memref<8x1024xf32, #tpu.memory_space<vmem>>) target(%dma_start3A_34 : memref<8x1024xf32, #tpu.memory_space<hbm>>) target_semaphore(%arg18 : memref<!tpu.dma_semaphore, #tpu.memory_space<semaphore_mem>>)
    %add3A_35 = arith.constant 24 : i32
    %add3A_36 = arith.addi %mul3A_2, %add3A_35 : i32
    %dma_start3A_37 = arith.constant 0 : i32
    %dma_start3A_38 = tpu.memref_slice %arg2[%add3A_36, %dma_start3A_37] : memref<4096x4096xf32, #tpu.memory_space<hbm>> -> memref<8x4096xf32, #tpu.memory_space<hbm>>
    %dma_start3A_39 = arith.constant 0 : i32
    %dma_start3A_40 = tpu.memref_slice %arg2[%add3A_36, %dma_start3A_39] : memref<4096x4096xf32, #tpu.memory_space<hbm>> -> memref<8x4096xf32, #tpu.memory_space<hbm>>
    tpu.enqueue_dma source(%dma_start3A_40 : memref<8x4096xf32, #tpu.memory_space<hbm>>) target(%arg7 : memref<8x4096xf32, #tpu.memory_space<vmem>>) target_semaphore(%arg15 : memref<!tpu.dma_semaphore, #tpu.memory_space<semaphore_mem>>)
    %dma_wait3A_41 = arith.constant 0 : i32
    %dma_wait3A_42 = tpu.memref_slice %arg2[%add3A_12, %dma_wait3A_41] : memref<4096x4096xf32, #tpu.memory_space<hbm>> -> memref<8x4096xf32, #tpu.memory_space<hbm>>
    %dma_wait3A_43 = arith.constant 0 : i32
    %dma_wait3A_44 = tpu.memref_slice %arg2[%add3A_12, %dma_wait3A_43] : memref<4096x4096xf32, #tpu.memory_space<hbm>> -> memref<8x4096xf32, #tpu.memory_space<hbm>>
    tpu.wait_dma2 semaphore(%arg16 : memref<!tpu.dma_semaphore, #tpu.memory_space<semaphore_mem>>) src(%dma_wait3A_44 : memref<8x4096xf32, #tpu.memory_space<hbm>>) dst(%arg8 : memref<8x4096xf32, #tpu.memory_space<vmem>>)
    %parallel_loop3A_45 = arith.constant 0 : i32
    %parallel_loop3A_46 = arith.constant 256 : i32
    %parallel_loop3A_47 = arith.constant 1 : i32
    scf.for %parallel_loop3A_372 = %parallel_loop3A_45 to %parallel_loop3A_46 step %parallel_loop3A_47  : i32 {
      %parallel_loop3A_373 = arith.constant 32 : i32
      %parallel_loop3A_374 = arith.divsi %parallel_loop3A_372, %parallel_loop3A_373 : i32
      %parallel_loop3A_375 = arith.constant 0 : i32
      %parallel_loop3A_376 = arith.cmpi sgt, %parallel_loop3A_372, %parallel_loop3A_375 : i32
      %parallel_loop3A_377 = arith.extui %parallel_loop3A_376 : i1 to i32
      %parallel_loop3A_378 = arith.constant 0 : i32
      %parallel_loop3A_379 = arith.cmpi slt, %parallel_loop3A_372, %parallel_loop3A_378 : i32
      %parallel_loop3A_380 = arith.extui %parallel_loop3A_379 : i1 to i32
      %parallel_loop3A_381 = arith.subi %parallel_loop3A_377, %parallel_loop3A_380 : i32
      %parallel_loop3A_382 = arith.constant 0 : i32
      %parallel_loop3A_383 = arith.cmpi sgt, %parallel_loop3A_373, %parallel_loop3A_382 : i32
      %parallel_loop3A_384 = arith.extui %parallel_loop3A_383 : i1 to i32
      %parallel_loop3A_385 = arith.constant 0 : i32
      %parallel_loop3A_386 = arith.cmpi slt, %parallel_loop3A_373, %parallel_loop3A_385 : i32
      %parallel_loop3A_387 = arith.extui %parallel_loop3A_386 : i1 to i32
      %parallel_loop3A_388 = arith.subi %parallel_loop3A_384, %parallel_loop3A_387 : i32
      %parallel_loop3A_389 = arith.cmpi ne, %parallel_loop3A_381, %parallel_loop3A_388 : i32
      %parallel_loop3A_390 = arith.remsi %parallel_loop3A_372, %parallel_loop3A_373 : i32
      %parallel_loop3A_391 = arith.constant 0 : i32
      %parallel_loop3A_392 = arith.cmpi ne, %parallel_loop3A_390, %parallel_loop3A_391 : i32
      %parallel_loop3A_393 = arith.andi %parallel_loop3A_389, %parallel_loop3A_392 : i1
      %parallel_loop3A_394 = arith.constant 1 : i32
      %parallel_loop3A_395 = arith.subi %parallel_loop3A_374, %parallel_loop3A_394 : i32
      %parallel_loop3A_396 = arith.select %parallel_loop3A_393, %parallel_loop3A_395, %parallel_loop3A_374 : i32
      %parallel_loop3A_397 = arith.constant 32 : i32
      %parallel_loop3A_398 = arith.constant 0 : i32
      %parallel_loop3A_399 = arith.cmpi eq, %parallel_loop3A_397, %parallel_loop3A_398 : i32
      %parallel_loop3A_400 = arith.constant 1 : i32
      %parallel_loop3A_401 = arith.select %parallel_loop3A_399, %parallel_loop3A_400, %parallel_loop3A_397 : i32
      %parallel_loop3A_402 = arith.remsi %parallel_loop3A_372, %parallel_loop3A_401 : i32
      %parallel_loop3A_403 = arith.constant 0 : i32
      %parallel_loop3A_404 = arith.cmpi ne, %parallel_loop3A_402, %parallel_loop3A_403 : i32
      %parallel_loop3A_405 = arith.constant 0 : i32
      %parallel_loop3A_406 = arith.cmpi slt, %parallel_loop3A_402, %parallel_loop3A_405 : i32
      %parallel_loop3A_407 = arith.constant 0 : i32
      %parallel_loop3A_408 = arith.cmpi slt, %parallel_loop3A_401, %parallel_loop3A_407 : i32
      %parallel_loop3A_409 = arith.xori %parallel_loop3A_406, %parallel_loop3A_408 : i1
      %parallel_loop3A_410 = arith.andi %parallel_loop3A_409, %parallel_loop3A_404 : i1
      %parallel_loop3A_411 = arith.addi %parallel_loop3A_402, %parallel_loop3A_401 : i32
      %parallel_loop3A_412 = arith.select %parallel_loop3A_410, %parallel_loop3A_411, %parallel_loop3A_402 : i32
      %parallel_loop3A_413 = arith.constant 16 : i32
      %parallel_loop3A_414 = arith.muli %parallel_loop3A_412, %parallel_loop3A_413 : i32
      %parallel_loop3A_415 = vector.broadcast %parallel_loop3A_396 : i32 to vector<16xi32>
      %parallel_loop3A_416 = arith.index_cast %parallel_loop3A_414 : i32 to index
      %parallel_loop3A_417 = tpu.vector_load %arg13[%parallel_loop3A_416] {strides = array<i32>} : memref<512xi32, #tpu.memory_space<vmem>>, vector<16xi32>,
      %parallel_loop3A_418 = tpu.vector_load_idx %arg8[%parallel_loop3A_415, %parallel_loop3A_417] : memref<8x4096xf32, #tpu.memory_space<vmem>>[vector<16xi32>, vector<16xi32>], vector<16xf32>,
      %parallel_loop3A_419 = arith.index_cast %parallel_loop3A_414 : i32 to index
      %parallel_loop3A_420 = tpu.vector_load %arg14[%parallel_loop3A_419] {strides = array<i32>} : memref<512xi32, #tpu.memory_space<vmem>>, vector<16xi32>,
      %parallel_loop3A_421 = arith.index_cast %parallel_loop3A_414 : i32 to index
      %parallel_loop3A_422 = tpu.vector_load %arg12[%parallel_loop3A_421] {strides = array<i32>} : memref<512xf32, #tpu.memory_space<vmem>>, vector<16xf32>,
      %parallel_loop3A_423 = arith.mulf %parallel_loop3A_418, %parallel_loop3A_422 : vector<16xf32>
      tpu.vector_store_idx %arg11[%parallel_loop3A_415, %parallel_loop3A_420], %parallel_loop3A_423 : memref<8x1024xf32, #tpu.memory_space<vmem>>[vector<16xi32>, vector<16xi32>], vector<16xf32>,
    } {sc.loop_unroll_factor = 4 : i64, sc.parallel_access}
    %add3A_48 = arith.constant 8 : i32
    %add3A_49 = arith.addi %mul3A_2, %add3A_48 : i32
    %dma_start3A_50 = arith.constant 0 : i32
    %dma_start3A_51 = tpu.memref_slice %arg6[%add3A_49, %dma_start3A_50] : memref<4096x1024xf32, #tpu.memory_space<hbm>> -> memref<8x1024xf32, #tpu.memory_space<hbm>>
    %dma_start3A_52 = arith.constant 0 : i32
    %dma_start3A_53 = tpu.memref_slice %arg6[%add3A_49, %dma_start3A_52] : memref<4096x1024xf32, #tpu.memory_space<hbm>> -> memref<8x1024xf32, #tpu.memory_space<hbm>>
    tpu.enqueue_dma source(%arg11 : memref<8x1024xf32, #tpu.memory_space<vmem>>) target(%dma_start3A_53 : memref<8x1024xf32, #tpu.memory_space<hbm>>) target_semaphore(%arg19 : memref<!tpu.dma_semaphore, #tpu.memory_space<semaphore_mem>>)
    %add3A_54 = arith.constant 32 : i32
    %add3A_55 = arith.addi %mul3A_2, %add3A_54 : i32
    %dma_start3A_56 = arith.constant 0 : i32
    %dma_start3A_57 = tpu.memref_slice %arg2[%add3A_55, %dma_start3A_56] : memref<4096x4096xf32, #tpu.memory_space<hbm>> -> memref<8x4096xf32, #tpu.memory_space<hbm>>
    %dma_start3A_58 = arith.constant 0 : i32
    %dma_start3A_59 = tpu.memref_slice %arg2[%add3A_55, %dma_start3A_58] : memref<4096x4096xf32, #tpu.memory_space<hbm>> -> memref<8x4096xf32, #tpu.memory_space<hbm>>
    tpu.enqueue_dma source(%dma_start3A_59 : memref<8x4096xf32, #tpu.memory_space<hbm>>) target(%arg8 : memref<8x4096xf32, #tpu.memory_space<vmem>>) target_semaphore(%arg16 : memref<!tpu.dma_semaphore, #tpu.memory_space<semaphore_mem>>)
    %dma_wait3A_60 = arith.constant 0 : i32
    %dma_wait3A_61 = tpu.memref_slice %arg2[%add3A_18, %dma_wait3A_60] : memref<4096x4096xf32, #tpu.memory_space<hbm>> -> memref<8x4096xf32, #tpu.memory_space<hbm>>
    %dma_wait3A_62 = arith.constant 0 : i32
    %dma_wait3A_63 = tpu.memref_slice %arg2[%add3A_18, %dma_wait3A_62] : memref<4096x4096xf32, #tpu.memory_space<hbm>> -> memref<8x4096xf32, #tpu.memory_space<hbm>>
    tpu.wait_dma2 semaphore(%arg17 : memref<!tpu.dma_semaphore, #tpu.memory_space<semaphore_mem>>) src(%dma_wait3A_63 : memref<8x4096xf32, #tpu.memory_space<hbm>>) dst(%arg9 : memref<8x4096xf32, #tpu.memory_space<vmem>>)
    %dma_wait3A_64 = arith.constant 0 : i32
    %dma_wait3A_65 = tpu.memref_slice %arg6[%add3A_30, %dma_wait3A_64] : memref<4096x1024xf32, #tpu.memory_space<hbm>> -> memref<8x1024xf32, #tpu.memory_space<hbm>>
    %dma_wait3A_66 = arith.constant 0 : i32
    %dma_wait3A_67 = tpu.memref_slice %arg6[%add3A_30, %dma_wait3A_66] : memref<4096x1024xf32, #tpu.memory_space<hbm>> -> memref<8x1024xf32, #tpu.memory_space<hbm>>
    tpu.wait_dma2 semaphore(%arg18 : memref<!tpu.dma_semaphore, #tpu.memory_space<semaphore_mem>>) src(%arg10 : memref<8x1024xf32, #tpu.memory_space<vmem>>) dst(%dma_wait3A_67 : memref<8x1024xf32, #tpu.memory_space<hbm>>)
    %parallel_loop3A_68 = arith.constant 0 : i32
    %parallel_loop3A_69 = arith.constant 256 : i32
    %parallel_loop3A_70 = arith.constant 1 : i32
    scf.for %parallel_loop3A_372 = %parallel_loop3A_68 to %parallel_loop3A_69 step %parallel_loop3A_70  : i32 {
      %parallel_loop3A_373 = arith.constant 32 : i32
      %parallel_loop3A_374 = arith.divsi %parallel_loop3A_372, %parallel_loop3A_373 : i32
      %parallel_loop3A_375 = arith.constant 0 : i32
      %parallel_loop3A_376 = arith.cmpi sgt, %parallel_loop3A_372, %parallel_loop3A_375 : i32
      %parallel_loop3A_377 = arith.extui %parallel_loop3A_376 : i1 to i32
      %parallel_loop3A_378 = arith.constant 0 : i32
      %parallel_loop3A_379 = arith.cmpi slt, %parallel_loop3A_372, %parallel_loop3A_378 : i32
      %parallel_loop3A_380 = arith.extui %parallel_loop3A_379 : i1 to i32
      %parallel_loop3A_381 = arith.subi %parallel_loop3A_377, %parallel_loop3A_380 : i32
      %parallel_loop3A_382 = arith.constant 0 : i32
      %parallel_loop3A_383 = arith.cmpi sgt, %parallel_loop3A_373, %parallel_loop3A_382 : i32
      %parallel_loop3A_384 = arith.extui %parallel_loop3A_383 : i1 to i32
      %parallel_loop3A_385 = arith.constant 0 : i32
      %parallel_loop3A_386 = arith.cmpi slt, %parallel_loop3A_373, %parallel_loop3A_385 : i32
      %parallel_loop3A_387 = arith.extui %parallel_loop3A_386 : i1 to i32
      %parallel_loop3A_388 = arith.subi %parallel_loop3A_384, %parallel_loop3A_387 : i32
      %parallel_loop3A_389 = arith.cmpi ne, %parallel_loop3A_381, %parallel_loop3A_388 : i32
      %parallel_loop3A_390 = arith.remsi %parallel_loop3A_372, %parallel_loop3A_373 : i32
      %parallel_loop3A_391 = arith.constant 0 : i32
      %parallel_loop3A_392 = arith.cmpi ne, %parallel_loop3A_390, %parallel_loop3A_391 : i32
      %parallel_loop3A_393 = arith.andi %parallel_loop3A_389, %parallel_loop3A_392 : i1
      %parallel_loop3A_394 = arith.constant 1 : i32
      %parallel_loop3A_395 = arith.subi %parallel_loop3A_374, %parallel_loop3A_394 : i32
      %parallel_loop3A_396 = arith.select %parallel_loop3A_393, %parallel_loop3A_395, %parallel_loop3A_374 : i32
      %parallel_loop3A_397 = arith.constant 32 : i32
      %parallel_loop3A_398 = arith.constant 0 : i32
      %parallel_loop3A_399 = arith.cmpi eq, %parallel_loop3A_397, %parallel_loop3A_398 : i32
      %parallel_loop3A_400 = arith.constant 1 : i32
      %parallel_loop3A_401 = arith.select %parallel_loop3A_399, %parallel_loop3A_400, %parallel_loop3A_397 : i32
      %parallel_loop3A_402 = arith.remsi %parallel_loop3A_372, %parallel_loop3A_401 : i32
      %parallel_loop3A_403 = arith.constant 0 : i32
      %parallel_loop3A_404 = arith.cmpi ne, %parallel_loop3A_402, %parallel_loop3A_403 : i32
      %parallel_loop3A_405 = arith.constant 0 : i32
      %parallel_loop3A_406 = arith.cmpi slt, %parallel_loop3A_402, %parallel_loop3A_405 : i32
      %parallel_loop3A_407 = arith.constant 0 : i32
      %parallel_loop3A_408 = arith.cmpi slt, %parallel_loop3A_401, %parallel_loop3A_407 : i32
      %parallel_loop3A_409 = arith.xori %parallel_loop3A_406, %parallel_loop3A_408 : i1
      %parallel_loop3A_410 = arith.andi %parallel_loop3A_409, %parallel_loop3A_404 : i1
      %parallel_loop3A_411 = arith.addi %parallel_loop3A_402, %parallel_loop3A_401 : i32
      %parallel_loop3A_412 = arith.select %parallel_loop3A_410, %parallel_loop3A_411, %parallel_loop3A_402 : i32
      %parallel_loop3A_413 = arith.constant 16 : i32
      %parallel_loop3A_414 = arith.muli %parallel_loop3A_412, %parallel_loop3A_413 : i32
      %parallel_loop3A_415 = vector.broadcast %parallel_loop3A_396 : i32 to vector<16xi32>
      %parallel_loop3A_416 = arith.index_cast %parallel_loop3A_414 : i32 to index
      %parallel_loop3A_417 = tpu.vector_load %arg13[%parallel_loop3A_416] {strides = array<i32>} : memref<512xi32, #tpu.memory_space<vmem>>, vector<16xi32>,
      %parallel_loop3A_418 = tpu.vector_load_idx %arg9[%parallel_loop3A_415, %parallel_loop3A_417] : memref<8x4096xf32, #tpu.memory_space<vmem>>[vector<16xi32>, vector<16xi32>], vector<16xf32>,
      %parallel_loop3A_419 = arith.index_cast %parallel_loop3A_414 : i32 to index
      %parallel_loop3A_420 = tpu.vector_load %arg14[%parallel_loop3A_419] {strides = array<i32>} : memref<512xi32, #tpu.memory_space<vmem>>, vector<16xi32>,
      %parallel_loop3A_421 = arith.index_cast %parallel_loop3A_414 : i32 to index
      %parallel_loop3A_422 = tpu.vector_load %arg12[%parallel_loop3A_421] {strides = array<i32>} : memref<512xf32, #tpu.memory_space<vmem>>, vector<16xf32>,
      %parallel_loop3A_423 = arith.mulf %parallel_loop3A_418, %parallel_loop3A_422 : vector<16xf32>
      tpu.vector_store_idx %arg10[%parallel_loop3A_415, %parallel_loop3A_420], %parallel_loop3A_423 : memref<8x1024xf32, #tpu.memory_space<vmem>>[vector<16xi32>, vector<16xi32>], vector<16xf32>,
    } {sc.loop_unroll_factor = 4 : i64, sc.parallel_access}
    %add3A_71 = arith.constant 16 : i32
    %add3A_72 = arith.addi %mul3A_2, %add3A_71 : i32
    %dma_start3A_73 = arith.constant 0 : i32
    %dma_start3A_74 = tpu.memref_slice %arg6[%add3A_72, %dma_start3A_73] : memref<4096x1024xf32, #tpu.memory_space<hbm>> -> memref<8x1024xf32, #tpu.memory_space<hbm>>
    %dma_start3A_75 = arith.constant 0 : i32
    %dma_start3A_76 = tpu.memref_slice %arg6[%add3A_72, %dma_start3A_75] : memref<4096x1024xf32, #tpu.memory_space<hbm>> -> memref<8x1024xf32, #tpu.memory_space<hbm>>
    tpu.enqueue_dma source(%arg10 : memref<8x1024xf32, #tpu.memory_space<vmem>>) target(%dma_start3A_76 : memref<8x1024xf32, #tpu.memory_space<hbm>>) target_semaphore(%arg18 : memref<!tpu.dma_semaphore, #tpu.memory_space<semaphore_mem>>)
    %add3A_77 = arith.constant 40 : i32
    %add3A_78 = arith.addi %mul3A_2, %add3A_77 : i32
    %dma_start3A_79 = arith.constant 0 : i32
    %dma_start3A_80 = tpu.memref_slice %arg2[%add3A_78, %dma_start3A_79] : memref<4096x4096xf32, #tpu.memory_space<hbm>> -> memref<8x4096xf32, #tpu.memory_space<hbm>>
    %dma_start3A_81 = arith.constant 0 : i32
    %dma_start3A_82 = tpu.memref_slice %arg2[%add3A_78, %dma_start3A_81] : memref<4096x4096xf32, #tpu.memory_space<hbm>> -> memref<8x4096xf32, #tpu.memory_space<hbm>>
    tpu.enqueue_dma source(%dma_start3A_82 : memref<8x4096xf32, #tpu.memory_space<hbm>>) target(%arg9 : memref<8x4096xf32, #tpu.memory_space<vmem>>) target_semaphore(%arg17 : memref<!tpu.dma_semaphore, #tpu.memory_space<semaphore_mem>>)
    %dma_wait3A_83 = arith.constant 0 : i32
    %dma_wait3A_84 = tpu.memref_slice %arg2[%add3A_36, %dma_wait3A_83] : memref<4096x4096xf32, #tpu.memory_space<hbm>> -> memref<8x4096xf32, #tpu.memory_space<hbm>>
    %dma_wait3A_85 = arith.constant 0 : i32
    %dma_wait3A_86 = tpu.memref_slice %arg2[%add3A_36, %dma_wait3A_85] : memref<4096x4096xf32, #tpu.memory_space<hbm>> -> memref<8x4096xf32, #tpu.memory_space<hbm>>
    tpu.wait_dma2 semaphore(%arg15 : memref<!tpu.dma_semaphore, #tpu.memory_space<semaphore_mem>>) src(%dma_wait3A_86 : memref<8x4096xf32, #tpu.memory_space<hbm>>) dst(%arg7 : memref<8x4096xf32, #tpu.memory_space<vmem>>)
    %dma_wait3A_87 = arith.constant 0 : i32
    %dma_wait3A_88 = tpu.memref_slice %arg6[%add3A_49, %dma_wait3A_87] : memref<4096x1024xf32, #tpu.memory_space<hbm>> -> memref<8x1024xf32, #tpu.memory_space<hbm>>
    %dma_wait3A_89 = arith.constant 0 : i32
    %dma_wait3A_90 = tpu.memref_slice %arg6[%add3A_49, %dma_wait3A_89] : memref<4096x1024xf32, #tpu.memory_space<hbm>> -> memref<8x1024xf32, #tpu.memory_space<hbm>>
    tpu.wait_dma2 semaphore(%arg19 : memref<!tpu.dma_semaphore, #tpu.memory_space<semaphore_mem>>) src(%arg11 : memref<8x1024xf32, #tpu.memory_space<vmem>>) dst(%dma_wait3A_90 : memref<8x1024xf32, #tpu.memory_space<hbm>>)
    %parallel_loop3A_91 = arith.constant 0 : i32
    %parallel_loop3A_92 = arith.constant 256 : i32
    %parallel_loop3A_93 = arith.constant 1 : i32
    scf.for %parallel_loop3A_372 = %parallel_loop3A_91 to %parallel_loop3A_92 step %parallel_loop3A_93  : i32 {
      %parallel_loop3A_373 = arith.constant 32 : i32
      %parallel_loop3A_374 = arith.divsi %parallel_loop3A_372, %parallel_loop3A_373 : i32
      %parallel_loop3A_375 = arith.constant 0 : i32
      %parallel_loop3A_376 = arith.cmpi sgt, %parallel_loop3A_372, %parallel_loop3A_375 : i32
      %parallel_loop3A_377 = arith.extui %parallel_loop3A_376 : i1 to i32
      %parallel_loop3A_378 = arith.constant 0 : i32
      %parallel_loop3A_379 = arith.cmpi slt, %parallel_loop3A_372, %parallel_loop3A_378 : i32
      %parallel_loop3A_380 = arith.extui %parallel_loop3A_379 : i1 to i32
      %parallel_loop3A_381 = arith.subi %parallel_loop3A_377, %parallel_loop3A_380 : i32
      %parallel_loop3A_382 = arith.constant 0 : i32
      %parallel_loop3A_383 = arith.cmpi sgt, %parallel_loop3A_373, %parallel_loop3A_382 : i32
      %parallel_loop3A_384 = arith.extui %parallel_loop3A_383 : i1 to i32
      %parallel_loop3A_385 = arith.constant 0 : i32
      %parallel_loop3A_386 = arith.cmpi slt, %parallel_loop3A_373, %parallel_loop3A_385 : i32
      %parallel_loop3A_387 = arith.extui %parallel_loop3A_386 : i1 to i32
      %parallel_loop3A_388 = arith.subi %parallel_loop3A_384, %parallel_loop3A_387 : i32
      %parallel_loop3A_389 = arith.cmpi ne, %parallel_loop3A_381, %parallel_loop3A_388 : i32
      %parallel_loop3A_390 = arith.remsi %parallel_loop3A_372, %parallel_loop3A_373 : i32
      %parallel_loop3A_391 = arith.constant 0 : i32
      %parallel_loop3A_392 = arith.cmpi ne, %parallel_loop3A_390, %parallel_loop3A_391 : i32
      %parallel_loop3A_393 = arith.andi %parallel_loop3A_389, %parallel_loop3A_392 : i1
      %parallel_loop3A_394 = arith.constant 1 : i32
      %parallel_loop3A_395 = arith.subi %parallel_loop3A_374, %parallel_loop3A_394 : i32
      %parallel_loop3A_396 = arith.select %parallel_loop3A_393, %parallel_loop3A_395, %parallel_loop3A_374 : i32
      %parallel_loop3A_397 = arith.constant 32 : i32
      %parallel_loop3A_398 = arith.constant 0 : i32
      %parallel_loop3A_399 = arith.cmpi eq, %parallel_loop3A_397, %parallel_loop3A_398 : i32
      %parallel_loop3A_400 = arith.constant 1 : i32
      %parallel_loop3A_401 = arith.select %parallel_loop3A_399, %parallel_loop3A_400, %parallel_loop3A_397 : i32
      %parallel_loop3A_402 = arith.remsi %parallel_loop3A_372, %parallel_loop3A_401 : i32
      %parallel_loop3A_403 = arith.constant 0 : i32
      %parallel_loop3A_404 = arith.cmpi ne, %parallel_loop3A_402, %parallel_loop3A_403 : i32
      %parallel_loop3A_405 = arith.constant 0 : i32
      %parallel_loop3A_406 = arith.cmpi slt, %parallel_loop3A_402, %parallel_loop3A_405 : i32
      %parallel_loop3A_407 = arith.constant 0 : i32
      %parallel_loop3A_408 = arith.cmpi slt, %parallel_loop3A_401, %parallel_loop3A_407 : i32
      %parallel_loop3A_409 = arith.xori %parallel_loop3A_406, %parallel_loop3A_408 : i1
      %parallel_loop3A_410 = arith.andi %parallel_loop3A_409, %parallel_loop3A_404 : i1
      %parallel_loop3A_411 = arith.addi %parallel_loop3A_402, %parallel_loop3A_401 : i32
      %parallel_loop3A_412 = arith.select %parallel_loop3A_410, %parallel_loop3A_411, %parallel_loop3A_402 : i32
      %parallel_loop3A_413 = arith.constant 16 : i32
      %parallel_loop3A_414 = arith.muli %parallel_loop3A_412, %parallel_loop3A_413 : i32
      %parallel_loop3A_415 = vector.broadcast %parallel_loop3A_396 : i32 to vector<16xi32>
      %parallel_loop3A_416 = arith.index_cast %parallel_loop3A_414 : i32 to index
      %parallel_loop3A_417 = tpu.vector_load %arg13[%parallel_loop3A_416] {strides = array<i32>} : memref<512xi32, #tpu.memory_space<vmem>>, vector<16xi32>,
      %parallel_loop3A_418 = tpu.vector_load_idx %arg7[%parallel_loop3A_415, %parallel_loop3A_417] : memref<8x4096xf32, #tpu.memory_space<vmem>>[vector<16xi32>, vector<16xi32>], vector<16xf32>,
      %parallel_loop3A_419 = arith.index_cast %parallel_loop3A_414 : i32 to index
      %parallel_loop3A_420 = tpu.vector_load %arg14[%parallel_loop3A_419] {strides = array<i32>} : memref<512xi32, #tpu.memory_space<vmem>>, vector<16xi32>,
      %parallel_loop3A_421 = arith.index_cast %parallel_loop3A_414 : i32 to index
      %parallel_loop3A_422 = tpu.vector_load %arg12[%parallel_loop3A_421] {strides = array<i32>} : memref<512xf32, #tpu.memory_space<vmem>>, vector<16xf32>,
      %parallel_loop3A_423 = arith.mulf %parallel_loop3A_418, %parallel_loop3A_422 : vector<16xf32>
      tpu.vector_store_idx %arg11[%parallel_loop3A_415, %parallel_loop3A_420], %parallel_loop3A_423 : memref<8x1024xf32, #tpu.memory_space<vmem>>[vector<16xi32>, vector<16xi32>], vector<16xf32>,
    } {sc.loop_unroll_factor = 4 : i64, sc.parallel_access}
    %add3A_94 = arith.constant 24 : i32
    %add3A_95 = arith.addi %mul3A_2, %add3A_94 : i32
    %dma_start3A_96 = arith.constant 0 : i32
    %dma_start3A_97 = tpu.memref_slice %arg6[%add3A_95, %dma_start3A_96] : memref<4096x1024xf32, #tpu.memory_space<hbm>> -> memref<8x1024xf32, #tpu.memory_space<hbm>>
    %dma_start3A_98 = arith.constant 0 : i32
    %dma_start3A_99 = tpu.memref_slice %arg6[%add3A_95, %dma_start3A_98] : memref<4096x1024xf32, #tpu.memory_space<hbm>> -> memref<8x1024xf32, #tpu.memory_space<hbm>>
    tpu.enqueue_dma source(%arg11 : memref<8x1024xf32, #tpu.memory_space<vmem>>) target(%dma_start3A_99 : memref<8x1024xf32, #tpu.memory_space<hbm>>) target_semaphore(%arg19 : memref<!tpu.dma_semaphore, #tpu.memory_space<semaphore_mem>>)
    %add3A_100 = arith.constant 48 : i32
    %add3A_101 = arith.addi %mul3A_2, %add3A_100 : i32
    %dma_start3A_102 = arith.constant 0 : i32
    %dma_start3A_103 = tpu.memref_slice %arg2[%add3A_101, %dma_start3A_102] : memref<4096x4096xf32, #tpu.memory_space<hbm>> -> memref<8x4096xf32, #tpu.memory_space<hbm>>
    %dma_start3A_104 = arith.constant 0 : i32
    %dma_start3A_105 = tpu.memref_slice %arg2[%add3A_101, %dma_start3A_104] : memref<4096x4096xf32, #tpu.memory_space<hbm>> -> memref<8x4096xf32, #tpu.memory_space<hbm>>
    tpu.enqueue_dma source(%dma_start3A_105 : memref<8x4096xf32, #tpu.memory_space<hbm>>) target(%arg7 : memref<8x4096xf32, #tpu.memory_space<vmem>>) target_semaphore(%arg15 : memref<!tpu.dma_semaphore, #tpu.memory_space<semaphore_mem>>)
    %dma_wait3A_106 = arith.constant 0 : i32
    %dma_wait3A_107 = tpu.memref_slice %arg2[%add3A_55, %dma_wait3A_106] : memref<4096x4096xf32, #tpu.memory_space<hbm>> -> memref<8x4096xf32, #tpu.memory_space<hbm>>
    %dma_wait3A_108 = arith.constant 0 : i32
    %dma_wait3A_109 = tpu.memref_slice %arg2[%add3A_55, %dma_wait3A_108] : memref<4096x4096xf32, #tpu.memory_space<hbm>> -> memref<8x4096xf32, #tpu.memory_space<hbm>>
    tpu.wait_dma2 semaphore(%arg16 : memref<!tpu.dma_semaphore, #tpu.memory_space<semaphore_mem>>) src(%dma_wait3A_109 : memref<8x4096xf32, #tpu.memory_space<hbm>>) dst(%arg8 : memref<8x4096xf32, #tpu.memory_space<vmem>>)
    %dma_wait3A_110 = arith.constant 0 : i32
    %dma_wait3A_111 = tpu.memref_slice %arg6[%add3A_72, %dma_wait3A_110] : memref<4096x1024xf32, #tpu.memory_space<hbm>> -> memref<8x1024xf32, #tpu.memory_space<hbm>>
    %dma_wait3A_112 = arith.constant 0 : i32
    %dma_wait3A_113 = tpu.memref_slice %arg6[%add3A_72, %dma_wait3A_112] : memref<4096x1024xf32, #tpu.memory_space<hbm>> -> memref<8x1024xf32, #tpu.memory_space<hbm>>
    tpu.wait_dma2 semaphore(%arg18 : memref<!tpu.dma_semaphore, #tpu.memory_space<semaphore_mem>>) src(%arg10 : memref<8x1024xf32, #tpu.memory_space<vmem>>) dst(%dma_wait3A_113 : memref<8x1024xf32, #tpu.memory_space<hbm>>)
    %parallel_loop3A_114 = arith.constant 0 : i32
    %parallel_loop3A_115 = arith.constant 256 : i32
    %parallel_loop3A_116 = arith.constant 1 : i32
    scf.for %parallel_loop3A_372 = %parallel_loop3A_114 to %parallel_loop3A_115 step %parallel_loop3A_116  : i32 {
      %parallel_loop3A_373 = arith.constant 32 : i32
      %parallel_loop3A_374 = arith.divsi %parallel_loop3A_372, %parallel_loop3A_373 : i32
      %parallel_loop3A_375 = arith.constant 0 : i32
      %parallel_loop3A_376 = arith.cmpi sgt, %parallel_loop3A_372, %parallel_loop3A_375 : i32
      %parallel_loop3A_377 = arith.extui %parallel_loop3A_376 : i1 to i32
      %parallel_loop3A_378 = arith.constant 0 : i32
      %parallel_loop3A_379 = arith.cmpi slt, %parallel_loop3A_372, %parallel_loop3A_378 : i32
      %parallel_loop3A_380 = arith.extui %parallel_loop3A_379 : i1 to i32
      %parallel_loop3A_381 = arith.subi %parallel_loop3A_377, %parallel_loop3A_380 : i32
      %parallel_loop3A_382 = arith.constant 0 : i32
      %parallel_loop3A_383 = arith.cmpi sgt, %parallel_loop3A_373, %parallel_loop3A_382 : i32
      %parallel_loop3A_384 = arith.extui %parallel_loop3A_383 : i1 to i32
      %parallel_loop3A_385 = arith.constant 0 : i32
      %parallel_loop3A_386 = arith.cmpi slt, %parallel_loop3A_373, %parallel_loop3A_385 : i32
      %parallel_loop3A_387 = arith.extui %parallel_loop3A_386 : i1 to i32
      %parallel_loop3A_388 = arith.subi %parallel_loop3A_384, %parallel_loop3A_387 : i32
      %parallel_loop3A_389 = arith.cmpi ne, %parallel_loop3A_381, %parallel_loop3A_388 : i32
      %parallel_loop3A_390 = arith.remsi %parallel_loop3A_372, %parallel_loop3A_373 : i32
      %parallel_loop3A_391 = arith.constant 0 : i32
      %parallel_loop3A_392 = arith.cmpi ne, %parallel_loop3A_390, %parallel_loop3A_391 : i32
      %parallel_loop3A_393 = arith.andi %parallel_loop3A_389, %parallel_loop3A_392 : i1
      %parallel_loop3A_394 = arith.constant 1 : i32
      %parallel_loop3A_395 = arith.subi %parallel_loop3A_374, %parallel_loop3A_394 : i32
      %parallel_loop3A_396 = arith.select %parallel_loop3A_393, %parallel_loop3A_395, %parallel_loop3A_374 : i32
      %parallel_loop3A_397 = arith.constant 32 : i32
      %parallel_loop3A_398 = arith.constant 0 : i32
      %parallel_loop3A_399 = arith.cmpi eq, %parallel_loop3A_397, %parallel_loop3A_398 : i32
      %parallel_loop3A_400 = arith.constant 1 : i32
      %parallel_loop3A_401 = arith.select %parallel_loop3A_399, %parallel_loop3A_400, %parallel_loop3A_397 : i32
      %parallel_loop3A_402 = arith.remsi %parallel_loop3A_372, %parallel_loop3A_401 : i32
      %parallel_loop3A_403 = arith.constant 0 : i32
      %parallel_loop3A_404 = arith.cmpi ne, %parallel_loop3A_402, %parallel_loop3A_403 : i32
      %parallel_loop3A_405 = arith.constant 0 : i32
      %parallel_loop3A_406 = arith.cmpi slt, %parallel_loop3A_402, %parallel_loop3A_405 : i32
      %parallel_loop3A_407 = arith.constant 0 : i32
      %parallel_loop3A_408 = arith.cmpi slt, %parallel_loop3A_401, %parallel_loop3A_407 : i32
      %parallel_loop3A_409 = arith.xori %parallel_loop3A_406, %parallel_loop3A_408 : i1
      %parallel_loop3A_410 = arith.andi %parallel_loop3A_409, %parallel_loop3A_404 : i1
      %parallel_loop3A_411 = arith.addi %parallel_loop3A_402, %parallel_loop3A_401 : i32
      %parallel_loop3A_412 = arith.select %parallel_loop3A_410, %parallel_loop3A_411, %parallel_loop3A_402 : i32
      %parallel_loop3A_413 = arith.constant 16 : i32
      %parallel_loop3A_414 = arith.muli %parallel_loop3A_412, %parallel_loop3A_413 : i32
      %parallel_loop3A_415 = vector.broadcast %parallel_loop3A_396 : i32 to vector<16xi32>
      %parallel_loop3A_416 = arith.index_cast %parallel_loop3A_414 : i32 to index
      %parallel_loop3A_417 = tpu.vector_load %arg13[%parallel_loop3A_416] {strides = array<i32>} : memref<512xi32, #tpu.memory_space<vmem>>, vector<16xi32>,
      %parallel_loop3A_418 = tpu.vector_load_idx %arg8[%parallel_loop3A_415, %parallel_loop3A_417] : memref<8x4096xf32, #tpu.memory_space<vmem>>[vector<16xi32>, vector<16xi32>], vector<16xf32>,
      %parallel_loop3A_419 = arith.index_cast %parallel_loop3A_414 : i32 to index
      %parallel_loop3A_420 = tpu.vector_load %arg14[%parallel_loop3A_419] {strides = array<i32>} : memref<512xi32, #tpu.memory_space<vmem>>, vector<16xi32>,
      %parallel_loop3A_421 = arith.index_cast %parallel_loop3A_414 : i32 to index
      %parallel_loop3A_422 = tpu.vector_load %arg12[%parallel_loop3A_421] {strides = array<i32>} : memref<512xf32, #tpu.memory_space<vmem>>, vector<16xf32>,
      %parallel_loop3A_423 = arith.mulf %parallel_loop3A_418, %parallel_loop3A_422 : vector<16xf32>
      tpu.vector_store_idx %arg10[%parallel_loop3A_415, %parallel_loop3A_420], %parallel_loop3A_423 : memref<8x1024xf32, #tpu.memory_space<vmem>>[vector<16xi32>, vector<16xi32>], vector<16xf32>,
    } {sc.loop_unroll_factor = 4 : i64, sc.parallel_access}
    %add3A_117 = arith.constant 32 : i32
    %add3A_118 = arith.addi %mul3A_2, %add3A_117 : i32
    %dma_start3A_119 = arith.constant 0 : i32
    %dma_start3A_120 = tpu.memref_slice %arg6[%add3A_118, %dma_start3A_119] : memref<4096x1024xf32, #tpu.memory_space<hbm>> -> memref<8x1024xf32, #tpu.memory_space<hbm>>
    %dma_start3A_121 = arith.constant 0 : i32
    %dma_start3A_122 = tpu.memref_slice %arg6[%add3A_118, %dma_start3A_121] : memref<4096x1024xf32, #tpu.memory_space<hbm>> -> memref<8x1024xf32, #tpu.memory_space<hbm>>
    tpu.enqueue_dma source(%arg10 : memref<8x1024xf32, #tpu.memory_space<vmem>>) target(%dma_start3A_122 : memref<8x1024xf32, #tpu.memory_space<hbm>>) target_semaphore(%arg18 : memref<!tpu.dma_semaphore, #tpu.memory_space<semaphore_mem>>)
    %add3A_123 = arith.constant 56 : i32
    %add3A_124 = arith.addi %mul3A_2, %add3A_123 : i32
    %dma_start3A_125 = arith.constant 0 : i32
    %dma_start3A_126 = tpu.memref_slice %arg2[%add3A_124, %dma_start3A_125] : memref<4096x4096xf32, #tpu.memory_space<hbm>> -> memref<8x4096xf32, #tpu.memory_space<hbm>>
    %dma_start3A_127 = arith.constant 0 : i32
    %dma_start3A_128 = tpu.memref_slice %arg2[%add3A_124, %dma_start3A_127] : memref<4096x4096xf32, #tpu.memory_space<hbm>> -> memref<8x4096xf32, #tpu.memory_space<hbm>>
    tpu.enqueue_dma source(%dma_start3A_128 : memref<8x4096xf32, #tpu.memory_space<hbm>>) target(%arg8 : memref<8x4096xf32, #tpu.memory_space<vmem>>) target_semaphore(%arg16 : memref<!tpu.dma_semaphore, #tpu.memory_space<semaphore_mem>>)
    %dma_wait3A_129 = arith.constant 0 : i32
    %dma_wait3A_130 = tpu.memref_slice %arg2[%add3A_78, %dma_wait3A_129] : memref<4096x4096xf32, #tpu.memory_space<hbm>> -> memref<8x4096xf32, #tpu.memory_space<hbm>>
    %dma_wait3A_131 = arith.constant 0 : i32
    %dma_wait3A_132 = tpu.memref_slice %arg2[%add3A_78, %dma_wait3A_131] : memref<4096x4096xf32, #tpu.memory_space<hbm>> -> memref<8x4096xf32, #tpu.memory_space<hbm>>
    tpu.wait_dma2 semaphore(%arg17 : memref<!tpu.dma_semaphore, #tpu.memory_space<semaphore_mem>>) src(%dma_wait3A_132 : memref<8x4096xf32, #tpu.memory_space<hbm>>) dst(%arg9 : memref<8x4096xf32, #tpu.memory_space<vmem>>)
    %dma_wait3A_133 = arith.constant 0 : i32
    %dma_wait3A_134 = tpu.memref_slice %arg6[%add3A_95, %dma_wait3A_133] : memref<4096x1024xf32, #tpu.memory_space<hbm>> -> memref<8x1024xf32, #tpu.memory_space<hbm>>
    %dma_wait3A_135 = arith.constant 0 : i32
    %dma_wait3A_136 = tpu.memref_slice %arg6[%add3A_95, %dma_wait3A_135] : memref<4096x1024xf32, #tpu.memory_space<hbm>> -> memref<8x1024xf32, #tpu.memory_space<hbm>>
    tpu.wait_dma2 semaphore(%arg19 : memref<!tpu.dma_semaphore, #tpu.memory_space<semaphore_mem>>) src(%arg11 : memref<8x1024xf32, #tpu.memory_space<vmem>>) dst(%dma_wait3A_136 : memref<8x1024xf32, #tpu.memory_space<hbm>>)
    %parallel_loop3A_137 = arith.constant 0 : i32
    %parallel_loop3A_138 = arith.constant 256 : i32
    %parallel_loop3A_139 = arith.constant 1 : i32
    scf.for %parallel_loop3A_372 = %parallel_loop3A_137 to %parallel_loop3A_138 step %parallel_loop3A_139  : i32 {
      %parallel_loop3A_373 = arith.constant 32 : i32
      %parallel_loop3A_374 = arith.divsi %parallel_loop3A_372, %parallel_loop3A_373 : i32
      %parallel_loop3A_375 = arith.constant 0 : i32
      %parallel_loop3A_376 = arith.cmpi sgt, %parallel_loop3A_372, %parallel_loop3A_375 : i32
      %parallel_loop3A_377 = arith.extui %parallel_loop3A_376 : i1 to i32
      %parallel_loop3A_378 = arith.constant 0 : i32
      %parallel_loop3A_379 = arith.cmpi slt, %parallel_loop3A_372, %parallel_loop3A_378 : i32
      %parallel_loop3A_380 = arith.extui %parallel_loop3A_379 : i1 to i32
      %parallel_loop3A_381 = arith.subi %parallel_loop3A_377, %parallel_loop3A_380 : i32
      %parallel_loop3A_382 = arith.constant 0 : i32
      %parallel_loop3A_383 = arith.cmpi sgt, %parallel_loop3A_373, %parallel_loop3A_382 : i32
      %parallel_loop3A_384 = arith.extui %parallel_loop3A_383 : i1 to i32
      %parallel_loop3A_385 = arith.constant 0 : i32
      %parallel_loop3A_386 = arith.cmpi slt, %parallel_loop3A_373, %parallel_loop3A_385 : i32
      %parallel_loop3A_387 = arith.extui %parallel_loop3A_386 : i1 to i32
      %parallel_loop3A_388 = arith.subi %parallel_loop3A_384, %parallel_loop3A_387 : i32
      %parallel_loop3A_389 = arith.cmpi ne, %parallel_loop3A_381, %parallel_loop3A_388 : i32
      %parallel_loop3A_390 = arith.remsi %parallel_loop3A_372, %parallel_loop3A_373 : i32
      %parallel_loop3A_391 = arith.constant 0 : i32
      %parallel_loop3A_392 = arith.cmpi ne, %parallel_loop3A_390, %parallel_loop3A_391 : i32
      %parallel_loop3A_393 = arith.andi %parallel_loop3A_389, %parallel_loop3A_392 : i1
      %parallel_loop3A_394 = arith.constant 1 : i32
      %parallel_loop3A_395 = arith.subi %parallel_loop3A_374, %parallel_loop3A_394 : i32
      %parallel_loop3A_396 = arith.select %parallel_loop3A_393, %parallel_loop3A_395, %parallel_loop3A_374 : i32
      %parallel_loop3A_397 = arith.constant 32 : i32
      %parallel_loop3A_398 = arith.constant 0 : i32
      %parallel_loop3A_399 = arith.cmpi eq, %parallel_loop3A_397, %parallel_loop3A_398 : i32
      %parallel_loop3A_400 = arith.constant 1 : i32
      %parallel_loop3A_401 = arith.select %parallel_loop3A_399, %parallel_loop3A_400, %parallel_loop3A_397 : i32
      %parallel_loop3A_402 = arith.remsi %parallel_loop3A_372, %parallel_loop3A_401 : i32
      %parallel_loop3A_403 = arith.constant 0 : i32
      %parallel_loop3A_404 = arith.cmpi ne, %parallel_loop3A_402, %parallel_loop3A_403 : i32
      %parallel_loop3A_405 = arith.constant 0 : i32
      %parallel_loop3A_406 = arith.cmpi slt, %parallel_loop3A_402, %parallel_loop3A_405 : i32
      %parallel_loop3A_407 = arith.constant 0 : i32
      %parallel_loop3A_408 = arith.cmpi slt, %parallel_loop3A_401, %parallel_loop3A_407 : i32
      %parallel_loop3A_409 = arith.xori %parallel_loop3A_406, %parallel_loop3A_408 : i1
      %parallel_loop3A_410 = arith.andi %parallel_loop3A_409, %parallel_loop3A_404 : i1
      %parallel_loop3A_411 = arith.addi %parallel_loop3A_402, %parallel_loop3A_401 : i32
      %parallel_loop3A_412 = arith.select %parallel_loop3A_410, %parallel_loop3A_411, %parallel_loop3A_402 : i32
      %parallel_loop3A_413 = arith.constant 16 : i32
      %parallel_loop3A_414 = arith.muli %parallel_loop3A_412, %parallel_loop3A_413 : i32
      %parallel_loop3A_415 = vector.broadcast %parallel_loop3A_396 : i32 to vector<16xi32>
      %parallel_loop3A_416 = arith.index_cast %parallel_loop3A_414 : i32 to index
      %parallel_loop3A_417 = tpu.vector_load %arg13[%parallel_loop3A_416] {strides = array<i32>} : memref<512xi32, #tpu.memory_space<vmem>>, vector<16xi32>,
      %parallel_loop3A_418 = tpu.vector_load_idx %arg9[%parallel_loop3A_415, %parallel_loop3A_417] : memref<8x4096xf32, #tpu.memory_space<vmem>>[vector<16xi32>, vector<16xi32>], vector<16xf32>,
      %parallel_loop3A_419 = arith.index_cast %parallel_loop3A_414 : i32 to index
      %parallel_loop3A_420 = tpu.vector_load %arg14[%parallel_loop3A_419] {strides = array<i32>} : memref<512xi32, #tpu.memory_space<vmem>>, vector<16xi32>,
      %parallel_loop3A_421 = arith.index_cast %parallel_loop3A_414 : i32 to index
      %parallel_loop3A_422 = tpu.vector_load %arg12[%parallel_loop3A_421] {strides = array<i32>} : memref<512xf32, #tpu.memory_space<vmem>>, vector<16xf32>,
      %parallel_loop3A_423 = arith.mulf %parallel_loop3A_418, %parallel_loop3A_422 : vector<16xf32>
      tpu.vector_store_idx %arg11[%parallel_loop3A_415, %parallel_loop3A_420], %parallel_loop3A_423 : memref<8x1024xf32, #tpu.memory_space<vmem>>[vector<16xi32>, vector<16xi32>], vector<16xf32>,
    } {sc.loop_unroll_factor = 4 : i64, sc.parallel_access}
    %add3A_140 = arith.constant 40 : i32
    %add3A_141 = arith.addi %mul3A_2, %add3A_140 : i32
    %dma_start3A_142 = arith.constant 0 : i32
    %dma_start3A_143 = tpu.memref_slice %arg6[%add3A_141, %dma_start3A_142] : memref<4096x1024xf32, #tpu.memory_space<hbm>> -> memref<8x1024xf32, #tpu.memory_space<hbm>>
    %dma_start3A_144 = arith.constant 0 : i32
    %dma_start3A_145 = tpu.memref_slice %arg6[%add3A_141, %dma_start3A_144] : memref<4096x1024xf32, #tpu.memory_space<hbm>> -> memref<8x1024xf32, #tpu.memory_space<hbm>>
    tpu.enqueue_dma source(%arg11 : memref<8x1024xf32, #tpu.memory_space<vmem>>) target(%dma_start3A_145 : memref<8x1024xf32, #tpu.memory_space<hbm>>) target_semaphore(%arg19 : memref<!tpu.dma_semaphore, #tpu.memory_space<semaphore_mem>>)
    %add3A_146 = arith.constant 64 : i32
    %add3A_147 = arith.addi %mul3A_2, %add3A_146 : i32
    %dma_start3A_148 = arith.constant 0 : i32
    %dma_start3A_149 = tpu.memref_slice %arg2[%add3A_147, %dma_start3A_148] : memref<4096x4096xf32, #tpu.memory_space<hbm>> -> memref<8x4096xf32, #tpu.memory_space<hbm>>
    %dma_start3A_150 = arith.constant 0 : i32
    %dma_start3A_151 = tpu.memref_slice %arg2[%add3A_147, %dma_start3A_150] : memref<4096x4096xf32, #tpu.memory_space<hbm>> -> memref<8x4096xf32, #tpu.memory_space<hbm>>
    tpu.enqueue_dma source(%dma_start3A_151 : memref<8x4096xf32, #tpu.memory_space<hbm>>) target(%arg9 : memref<8x4096xf32, #tpu.memory_space<vmem>>) target_semaphore(%arg17 : memref<!tpu.dma_semaphore, #tpu.memory_space<semaphore_mem>>)
    %dma_wait3A_152 = arith.constant 0 : i32
    %dma_wait3A_153 = tpu.memref_slice %arg2[%add3A_101, %dma_wait3A_152] : memref<4096x4096xf32, #tpu.memory_space<hbm>> -> memref<8x4096xf32, #tpu.memory_space<hbm>>
    %dma_wait3A_154 = arith.constant 0 : i32
    %dma_wait3A_155 = tpu.memref_slice %arg2[%add3A_101, %dma_wait3A_154] : memref<4096x4096xf32, #tpu.memory_space<hbm>> -> memref<8x4096xf32, #tpu.memory_space<hbm>>
    tpu.wait_dma2 semaphore(%arg15 : memref<!tpu.dma_semaphore, #tpu.memory_space<semaphore_mem>>) src(%dma_wait3A_155 : memref<8x4096xf32, #tpu.memory_space<hbm>>) dst(%arg7 : memref<8x4096xf32, #tpu.memory_space<vmem>>)
    %dma_wait3A_156 = arith.constant 0 : i32
    %dma_wait3A_157 = tpu.memref_slice %arg6[%add3A_118, %dma_wait3A_156] : memref<4096x1024xf32, #tpu.memory_space<hbm>> -> memref<8x1024xf32, #tpu.memory_space<hbm>>
    %dma_wait3A_158 = arith.constant 0 : i32
    %dma_wait3A_159 = tpu.memref_slice %arg6[%add3A_118, %dma_wait3A_158] : memref<4096x1024xf32, #tpu.memory_space<hbm>> -> memref<8x1024xf32, #tpu.memory_space<hbm>>
    tpu.wait_dma2 semaphore(%arg18 : memref<!tpu.dma_semaphore, #tpu.memory_space<semaphore_mem>>) src(%arg10 : memref<8x1024xf32, #tpu.memory_space<vmem>>) dst(%dma_wait3A_159 : memref<8x1024xf32, #tpu.memory_space<hbm>>)
    %parallel_loop3A_160 = arith.constant 0 : i32
    %parallel_loop3A_161 = arith.constant 256 : i32
    %parallel_loop3A_162 = arith.constant 1 : i32
    scf.for %parallel_loop3A_372 = %parallel_loop3A_160 to %parallel_loop3A_161 step %parallel_loop3A_162  : i32 {
      %parallel_loop3A_373 = arith.constant 32 : i32
      %parallel_loop3A_374 = arith.divsi %parallel_loop3A_372, %parallel_loop3A_373 : i32
      %parallel_loop3A_375 = arith.constant 0 : i32
      %parallel_loop3A_376 = arith.cmpi sgt, %parallel_loop3A_372, %parallel_loop3A_375 : i32
      %parallel_loop3A_377 = arith.extui %parallel_loop3A_376 : i1 to i32
      %parallel_loop3A_378 = arith.constant 0 : i32
      %parallel_loop3A_379 = arith.cmpi slt, %parallel_loop3A_372, %parallel_loop3A_378 : i32
      %parallel_loop3A_380 = arith.extui %parallel_loop3A_379 : i1 to i32
      %parallel_loop3A_381 = arith.subi %parallel_loop3A_377, %parallel_loop3A_380 : i32
      %parallel_loop3A_382 = arith.constant 0 : i32
      %parallel_loop3A_383 = arith.cmpi sgt, %parallel_loop3A_373, %parallel_loop3A_382 : i32
      %parallel_loop3A_384 = arith.extui %parallel_loop3A_383 : i1 to i32
      %parallel_loop3A_385 = arith.constant 0 : i32
      %parallel_loop3A_386 = arith.cmpi slt, %parallel_loop3A_373, %parallel_loop3A_385 : i32
      %parallel_loop3A_387 = arith.extui %parallel_loop3A_386 : i1 to i32
      %parallel_loop3A_388 = arith.subi %parallel_loop3A_384, %parallel_loop3A_387 : i32
      %parallel_loop3A_389 = arith.cmpi ne, %parallel_loop3A_381, %parallel_loop3A_388 : i32
      %parallel_loop3A_390 = arith.remsi %parallel_loop3A_372, %parallel_loop3A_373 : i32
      %parallel_loop3A_391 = arith.constant 0 : i32
      %parallel_loop3A_392 = arith.cmpi ne, %parallel_loop3A_390, %parallel_loop3A_391 : i32
      %parallel_loop3A_393 = arith.andi %parallel_loop3A_389, %parallel_loop3A_392 : i1
      %parallel_loop3A_394 = arith.constant 1 : i32
      %parallel_loop3A_395 = arith.subi %parallel_loop3A_374, %parallel_loop3A_394 : i32
      %parallel_loop3A_396 = arith.select %parallel_loop3A_393, %parallel_loop3A_395, %parallel_loop3A_374 : i32
      %parallel_loop3A_397 = arith.constant 32 : i32
      %parallel_loop3A_398 = arith.constant 0 : i32
      %parallel_loop3A_399 = arith.cmpi eq, %parallel_loop3A_397, %parallel_loop3A_398 : i32
      %parallel_loop3A_400 = arith.constant 1 : i32
      %parallel_loop3A_401 = arith.select %parallel_loop3A_399, %parallel_loop3A_400, %parallel_loop3A_397 : i32
      %parallel_loop3A_402 = arith.remsi %parallel_loop3A_372, %parallel_loop3A_401 : i32
      %parallel_loop3A_403 = arith.constant 0 : i32
      %parallel_loop3A_404 = arith.cmpi ne, %parallel_loop3A_402, %parallel_loop3A_403 : i32
      %parallel_loop3A_405 = arith.constant 0 : i32
      %parallel_loop3A_406 = arith.cmpi slt, %parallel_loop3A_402, %parallel_loop3A_405 : i32
      %parallel_loop3A_407 = arith.constant 0 : i32
      %parallel_loop3A_408 = arith.cmpi slt, %parallel_loop3A_401, %parallel_loop3A_407 : i32
      %parallel_loop3A_409 = arith.xori %parallel_loop3A_406, %parallel_loop3A_408 : i1
      %parallel_loop3A_410 = arith.andi %parallel_loop3A_409, %parallel_loop3A_404 : i1
      %parallel_loop3A_411 = arith.addi %parallel_loop3A_402, %parallel_loop3A_401 : i32
      %parallel_loop3A_412 = arith.select %parallel_loop3A_410, %parallel_loop3A_411, %parallel_loop3A_402 : i32
      %parallel_loop3A_413 = arith.constant 16 : i32
      %parallel_loop3A_414 = arith.muli %parallel_loop3A_412, %parallel_loop3A_413 : i32
      %parallel_loop3A_415 = vector.broadcast %parallel_loop3A_396 : i32 to vector<16xi32>
      %parallel_loop3A_416 = arith.index_cast %parallel_loop3A_414 : i32 to index
      %parallel_loop3A_417 = tpu.vector_load %arg13[%parallel_loop3A_416] {strides = array<i32>} : memref<512xi32, #tpu.memory_space<vmem>>, vector<16xi32>,
      %parallel_loop3A_418 = tpu.vector_load_idx %arg7[%parallel_loop3A_415, %parallel_loop3A_417] : memref<8x4096xf32, #tpu.memory_space<vmem>>[vector<16xi32>, vector<16xi32>], vector<16xf32>,
      %parallel_loop3A_419 = arith.index_cast %parallel_loop3A_414 : i32 to index
      %parallel_loop3A_420 = tpu.vector_load %arg14[%parallel_loop3A_419] {strides = array<i32>} : memref<512xi32, #tpu.memory_space<vmem>>, vector<16xi32>,
      %parallel_loop3A_421 = arith.index_cast %parallel_loop3A_414 : i32 to index
      %parallel_loop3A_422 = tpu.vector_load %arg12[%parallel_loop3A_421] {strides = array<i32>} : memref<512xf32, #tpu.memory_space<vmem>>, vector<16xf32>,
      %parallel_loop3A_423 = arith.mulf %parallel_loop3A_418, %parallel_loop3A_422 : vector<16xf32>
      tpu.vector_store_idx %arg10[%parallel_loop3A_415, %parallel_loop3A_420], %parallel_loop3A_423 : memref<8x1024xf32, #tpu.memory_space<vmem>>[vector<16xi32>, vector<16xi32>], vector<16xf32>,
    } {sc.loop_unroll_factor = 4 : i64, sc.parallel_access}
    %add3A_163 = arith.constant 48 : i32
    %add3A_164 = arith.addi %mul3A_2, %add3A_163 : i32
    %dma_start3A_165 = arith.constant 0 : i32
    %dma_start3A_166 = tpu.memref_slice %arg6[%add3A_164, %dma_start3A_165] : memref<4096x1024xf32, #tpu.memory_space<hbm>> -> memref<8x1024xf32, #tpu.memory_space<hbm>>
    %dma_start3A_167 = arith.constant 0 : i32
    %dma_start3A_168 = tpu.memref_slice %arg6[%add3A_164, %dma_start3A_167] : memref<4096x1024xf32, #tpu.memory_space<hbm>> -> memref<8x1024xf32, #tpu.memory_space<hbm>>
    tpu.enqueue_dma source(%arg10 : memref<8x1024xf32, #tpu.memory_space<vmem>>) target(%dma_start3A_168 : memref<8x1024xf32, #tpu.memory_space<hbm>>) target_semaphore(%arg18 : memref<!tpu.dma_semaphore, #tpu.memory_space<semaphore_mem>>)
    %add3A_169 = arith.constant 72 : i32
    %add3A_170 = arith.addi %mul3A_2, %add3A_169 : i32
    %dma_start3A_171 = arith.constant 0 : i32
    %dma_start3A_172 = tpu.memref_slice %arg2[%add3A_170, %dma_start3A_171] : memref<4096x4096xf32, #tpu.memory_space<hbm>> -> memref<8x4096xf32, #tpu.memory_space<hbm>>
    %dma_start3A_173 = arith.constant 0 : i32
    %dma_start3A_174 = tpu.memref_slice %arg2[%add3A_170, %dma_start3A_173] : memref<4096x4096xf32, #tpu.memory_space<hbm>> -> memref<8x4096xf32, #tpu.memory_space<hbm>>
    tpu.enqueue_dma source(%dma_start3A_174 : memref<8x4096xf32, #tpu.memory_space<hbm>>) target(%arg7 : memref<8x4096xf32, #tpu.memory_space<vmem>>) target_semaphore(%arg15 : memref<!tpu.dma_semaphore, #tpu.memory_space<semaphore_mem>>)
    %dma_wait3A_175 = arith.constant 0 : i32
    %dma_wait3A_176 = tpu.memref_slice %arg2[%add3A_124, %dma_wait3A_175] : memref<4096x4096xf32, #tpu.memory_space<hbm>> -> memref<8x4096xf32, #tpu.memory_space<hbm>>
    %dma_wait3A_177 = arith.constant 0 : i32
    %dma_wait3A_178 = tpu.memref_slice %arg2[%add3A_124, %dma_wait3A_177] : memref<4096x4096xf32, #tpu.memory_space<hbm>> -> memref<8x4096xf32, #tpu.memory_space<hbm>>
    tpu.wait_dma2 semaphore(%arg16 : memref<!tpu.dma_semaphore, #tpu.memory_space<semaphore_mem>>) src(%dma_wait3A_178 : memref<8x4096xf32, #tpu.memory_space<hbm>>) dst(%arg8 : memref<8x4096xf32, #tpu.memory_space<vmem>>)
    %dma_wait3A_179 = arith.constant 0 : i32
    %dma_wait3A_180 = tpu.memref_slice %arg6[%add3A_141, %dma_wait3A_179] : memref<4096x1024xf32, #tpu.memory_space<hbm>> -> memref<8x1024xf32, #tpu.memory_space<hbm>>
    %dma_wait3A_181 = arith.constant 0 : i32
    %dma_wait3A_182 = tpu.memref_slice %arg6[%add3A_141, %dma_wait3A_181] : memref<4096x1024xf32, #tpu.memory_space<hbm>> -> memref<8x1024xf32, #tpu.memory_space<hbm>>
    tpu.wait_dma2 semaphore(%arg19 : memref<!tpu.dma_semaphore, #tpu.memory_space<semaphore_mem>>) src(%arg11 : memref<8x1024xf32, #tpu.memory_space<vmem>>) dst(%dma_wait3A_182 : memref<8x1024xf32, #tpu.memory_space<hbm>>)
    %parallel_loop3A_183 = arith.constant 0 : i32
    %parallel_loop3A_184 = arith.constant 256 : i32
    %parallel_loop3A_185 = arith.constant 1 : i32
    scf.for %parallel_loop3A_372 = %parallel_loop3A_183 to %parallel_loop3A_184 step %parallel_loop3A_185  : i32 {
      %parallel_loop3A_373 = arith.constant 32 : i32
      %parallel_loop3A_374 = arith.divsi %parallel_loop3A_372, %parallel_loop3A_373 : i32
      %parallel_loop3A_375 = arith.constant 0 : i32
      %parallel_loop3A_376 = arith.cmpi sgt, %parallel_loop3A_372, %parallel_loop3A_375 : i32
      %parallel_loop3A_377 = arith.extui %parallel_loop3A_376 : i1 to i32
      %parallel_loop3A_378 = arith.constant 0 : i32
      %parallel_loop3A_379 = arith.cmpi slt, %parallel_loop3A_372, %parallel_loop3A_378 : i32
      %parallel_loop3A_380 = arith.extui %parallel_loop3A_379 : i1 to i32
      %parallel_loop3A_381 = arith.subi %parallel_loop3A_377, %parallel_loop3A_380 : i32
      %parallel_loop3A_382 = arith.constant 0 : i32
      %parallel_loop3A_383 = arith.cmpi sgt, %parallel_loop3A_373, %parallel_loop3A_382 : i32
      %parallel_loop3A_384 = arith.extui %parallel_loop3A_383 : i1 to i32
      %parallel_loop3A_385 = arith.constant 0 : i32
      %parallel_loop3A_386 = arith.cmpi slt, %parallel_loop3A_373, %parallel_loop3A_385 : i32
      %parallel_loop3A_387 = arith.extui %parallel_loop3A_386 : i1 to i32
      %parallel_loop3A_388 = arith.subi %parallel_loop3A_384, %parallel_loop3A_387 : i32
      %parallel_loop3A_389 = arith.cmpi ne, %parallel_loop3A_381, %parallel_loop3A_388 : i32
      %parallel_loop3A_390 = arith.remsi %parallel_loop3A_372, %parallel_loop3A_373 : i32
      %parallel_loop3A_391 = arith.constant 0 : i32
      %parallel_loop3A_392 = arith.cmpi ne, %parallel_loop3A_390, %parallel_loop3A_391 : i32
      %parallel_loop3A_393 = arith.andi %parallel_loop3A_389, %parallel_loop3A_392 : i1
      %parallel_loop3A_394 = arith.constant 1 : i32
      %parallel_loop3A_395 = arith.subi %parallel_loop3A_374, %parallel_loop3A_394 : i32
      %parallel_loop3A_396 = arith.select %parallel_loop3A_393, %parallel_loop3A_395, %parallel_loop3A_374 : i32
      %parallel_loop3A_397 = arith.constant 32 : i32
      %parallel_loop3A_398 = arith.constant 0 : i32
      %parallel_loop3A_399 = arith.cmpi eq, %parallel_loop3A_397, %parallel_loop3A_398 : i32
      %parallel_loop3A_400 = arith.constant 1 : i32
      %parallel_loop3A_401 = arith.select %parallel_loop3A_399, %parallel_loop3A_400, %parallel_loop3A_397 : i32
      %parallel_loop3A_402 = arith.remsi %parallel_loop3A_372, %parallel_loop3A_401 : i32
      %parallel_loop3A_403 = arith.constant 0 : i32
      %parallel_loop3A_404 = arith.cmpi ne, %parallel_loop3A_402, %parallel_loop3A_403 : i32
      %parallel_loop3A_405 = arith.constant 0 : i32
      %parallel_loop3A_406 = arith.cmpi slt, %parallel_loop3A_402, %parallel_loop3A_405 : i32
      %parallel_loop3A_407 = arith.constant 0 : i32
      %parallel_loop3A_408 = arith.cmpi slt, %parallel_loop3A_401, %parallel_loop3A_407 : i32
      %parallel_loop3A_409 = arith.xori %parallel_loop3A_406, %parallel_loop3A_408 : i1
      %parallel_loop3A_410 = arith.andi %parallel_loop3A_409, %parallel_loop3A_404 : i1
      %parallel_loop3A_411 = arith.addi %parallel_loop3A_402, %parallel_loop3A_401 : i32
      %parallel_loop3A_412 = arith.select %parallel_loop3A_410, %parallel_loop3A_411, %parallel_loop3A_402 : i32
      %parallel_loop3A_413 = arith.constant 16 : i32
      %parallel_loop3A_414 = arith.muli %parallel_loop3A_412, %parallel_loop3A_413 : i32
      %parallel_loop3A_415 = vector.broadcast %parallel_loop3A_396 : i32 to vector<16xi32>
      %parallel_loop3A_416 = arith.index_cast %parallel_loop3A_414 : i32 to index
      %parallel_loop3A_417 = tpu.vector_load %arg13[%parallel_loop3A_416] {strides = array<i32>} : memref<512xi32, #tpu.memory_space<vmem>>, vector<16xi32>,
      %parallel_loop3A_418 = tpu.vector_load_idx %arg8[%parallel_loop3A_415, %parallel_loop3A_417] : memref<8x4096xf32, #tpu.memory_space<vmem>>[vector<16xi32>, vector<16xi32>], vector<16xf32>,
      %parallel_loop3A_419 = arith.index_cast %parallel_loop3A_414 : i32 to index
      %parallel_loop3A_420 = tpu.vector_load %arg14[%parallel_loop3A_419] {strides = array<i32>} : memref<512xi32, #tpu.memory_space<vmem>>, vector<16xi32>,
      %parallel_loop3A_421 = arith.index_cast %parallel_loop3A_414 : i32 to index
      %parallel_loop3A_422 = tpu.vector_load %arg12[%parallel_loop3A_421] {strides = array<i32>} : memref<512xf32, #tpu.memory_space<vmem>>, vector<16xf32>,
      %parallel_loop3A_423 = arith.mulf %parallel_loop3A_418, %parallel_loop3A_422 : vector<16xf32>
      tpu.vector_store_idx %arg11[%parallel_loop3A_415, %parallel_loop3A_420], %parallel_loop3A_423 : memref<8x1024xf32, #tpu.memory_space<vmem>>[vector<16xi32>, vector<16xi32>], vector<16xf32>,
    } {sc.loop_unroll_factor = 4 : i64, sc.parallel_access}
    %add3A_186 = arith.constant 56 : i32
    %add3A_187 = arith.addi %mul3A_2, %add3A_186 : i32
    %dma_start3A_188 = arith.constant 0 : i32
    %dma_start3A_189 = tpu.memref_slice %arg6[%add3A_187, %dma_start3A_188] : memref<4096x1024xf32, #tpu.memory_space<hbm>> -> memref<8x1024xf32, #tpu.memory_space<hbm>>
    %dma_start3A_190 = arith.constant 0 : i32
    %dma_start3A_191 = tpu.memref_slice %arg6[%add3A_187, %dma_start3A_190] : memref<4096x1024xf32, #tpu.memory_space<hbm>> -> memref<8x1024xf32, #tpu.memory_space<hbm>>
    tpu.enqueue_dma source(%arg11 : memref<8x1024xf32, #tpu.memory_space<vmem>>) target(%dma_start3A_191 : memref<8x1024xf32, #tpu.memory_space<hbm>>) target_semaphore(%arg19 : memref<!tpu.dma_semaphore, #tpu.memory_space<semaphore_mem>>)
    %add3A_192 = arith.constant 80 : i32
    %add3A_193 = arith.addi %mul3A_2, %add3A_192 : i32
    %dma_start3A_194 = arith.constant 0 : i32
    %dma_start3A_195 = tpu.memref_slice %arg2[%add3A_193, %dma_start3A_194] : memref<4096x4096xf32, #tpu.memory_space<hbm>> -> memref<8x4096xf32, #tpu.memory_space<hbm>>
    %dma_start3A_196 = arith.constant 0 : i32
    %dma_start3A_197 = tpu.memref_slice %arg2[%add3A_193, %dma_start3A_196] : memref<4096x4096xf32, #tpu.memory_space<hbm>> -> memref<8x4096xf32, #tpu.memory_space<hbm>>
    tpu.enqueue_dma source(%dma_start3A_197 : memref<8x4096xf32, #tpu.memory_space<hbm>>) target(%arg8 : memref<8x4096xf32, #tpu.memory_space<vmem>>) target_semaphore(%arg16 : memref<!tpu.dma_semaphore, #tpu.memory_space<semaphore_mem>>)
    %dma_wait3A_198 = arith.constant 0 : i32
    %dma_wait3A_199 = tpu.memref_slice %arg2[%add3A_147, %dma_wait3A_198] : memref<4096x4096xf32, #tpu.memory_space<hbm>> -> memref<8x4096xf32, #tpu.memory_space<hbm>>
    %dma_wait3A_200 = arith.constant 0 : i32
    %dma_wait3A_201 = tpu.memref_slice %arg2[%add3A_147, %dma_wait3A_200] : memref<4096x4096xf32, #tpu.memory_space<hbm>> -> memref<8x4096xf32, #tpu.memory_space<hbm>>
    tpu.wait_dma2 semaphore(%arg17 : memref<!tpu.dma_semaphore, #tpu.memory_space<semaphore_mem>>) src(%dma_wait3A_201 : memref<8x4096xf32, #tpu.memory_space<hbm>>) dst(%arg9 : memref<8x4096xf32, #tpu.memory_space<vmem>>)
    %dma_wait3A_202 = arith.constant 0 : i32
    %dma_wait3A_203 = tpu.memref_slice %arg6[%add3A_164, %dma_wait3A_202] : memref<4096x1024xf32, #tpu.memory_space<hbm>> -> memref<8x1024xf32, #tpu.memory_space<hbm>>
    %dma_wait3A_204 = arith.constant 0 : i32
    %dma_wait3A_205 = tpu.memref_slice %arg6[%add3A_164, %dma_wait3A_204] : memref<4096x1024xf32, #tpu.memory_space<hbm>> -> memref<8x1024xf32, #tpu.memory_space<hbm>>
    tpu.wait_dma2 semaphore(%arg18 : memref<!tpu.dma_semaphore, #tpu.memory_space<semaphore_mem>>) src(%arg10 : memref<8x1024xf32, #tpu.memory_space<vmem>>) dst(%dma_wait3A_205 : memref<8x1024xf32, #tpu.memory_space<hbm>>)
    %parallel_loop3A_206 = arith.constant 0 : i32
    %parallel_loop3A_207 = arith.constant 256 : i32
    %parallel_loop3A_208 = arith.constant 1 : i32
    scf.for %parallel_loop3A_372 = %parallel_loop3A_206 to %parallel_loop3A_207 step %parallel_loop3A_208  : i32 {
      %parallel_loop3A_373 = arith.constant 32 : i32
      %parallel_loop3A_374 = arith.divsi %parallel_loop3A_372, %parallel_loop3A_373 : i32
      %parallel_loop3A_375 = arith.constant 0 : i32
      %parallel_loop3A_376 = arith.cmpi sgt, %parallel_loop3A_372, %parallel_loop3A_375 : i32
      %parallel_loop3A_377 = arith.extui %parallel_loop3A_376 : i1 to i32
      %parallel_loop3A_378 = arith.constant 0 : i32
      %parallel_loop3A_379 = arith.cmpi slt, %parallel_loop3A_372, %parallel_loop3A_378 : i32
      %parallel_loop3A_380 = arith.extui %parallel_loop3A_379 : i1 to i32
      %parallel_loop3A_381 = arith.subi %parallel_loop3A_377, %parallel_loop3A_380 : i32
      %parallel_loop3A_382 = arith.constant 0 : i32
      %parallel_loop3A_383 = arith.cmpi sgt, %parallel_loop3A_373, %parallel_loop3A_382 : i32
      %parallel_loop3A_384 = arith.extui %parallel_loop3A_383 : i1 to i32
      %parallel_loop3A_385 = arith.constant 0 : i32
      %parallel_loop3A_386 = arith.cmpi slt, %parallel_loop3A_373, %parallel_loop3A_385 : i32
      %parallel_loop3A_387 = arith.extui %parallel_loop3A_386 : i1 to i32
      %parallel_loop3A_388 = arith.subi %parallel_loop3A_384, %parallel_loop3A_387 : i32
      %parallel_loop3A_389 = arith.cmpi ne, %parallel_loop3A_381, %parallel_loop3A_388 : i32
      %parallel_loop3A_390 = arith.remsi %parallel_loop3A_372, %parallel_loop3A_373 : i32
      %parallel_loop3A_391 = arith.constant 0 : i32
      %parallel_loop3A_392 = arith.cmpi ne, %parallel_loop3A_390, %parallel_loop3A_391 : i32
      %parallel_loop3A_393 = arith.andi %parallel_loop3A_389, %parallel_loop3A_392 : i1
      %parallel_loop3A_394 = arith.constant 1 : i32
      %parallel_loop3A_395 = arith.subi %parallel_loop3A_374, %parallel_loop3A_394 : i32
      %parallel_loop3A_396 = arith.select %parallel_loop3A_393, %parallel_loop3A_395, %parallel_loop3A_374 : i32
      %parallel_loop3A_397 = arith.constant 32 : i32
      %parallel_loop3A_398 = arith.constant 0 : i32
      %parallel_loop3A_399 = arith.cmpi eq, %parallel_loop3A_397, %parallel_loop3A_398 : i32
      %parallel_loop3A_400 = arith.constant 1 : i32
      %parallel_loop3A_401 = arith.select %parallel_loop3A_399, %parallel_loop3A_400, %parallel_loop3A_397 : i32
      %parallel_loop3A_402 = arith.remsi %parallel_loop3A_372, %parallel_loop3A_401 : i32
      %parallel_loop3A_403 = arith.constant 0 : i32
      %parallel_loop3A_404 = arith.cmpi ne, %parallel_loop3A_402, %parallel_loop3A_403 : i32
      %parallel_loop3A_405 = arith.constant 0 : i32
      %parallel_loop3A_406 = arith.cmpi slt, %parallel_loop3A_402, %parallel_loop3A_405 : i32
      %parallel_loop3A_407 = arith.constant 0 : i32
      %parallel_loop3A_408 = arith.cmpi slt, %parallel_loop3A_401, %parallel_loop3A_407 : i32
      %parallel_loop3A_409 = arith.xori %parallel_loop3A_406, %parallel_loop3A_408 : i1
      %parallel_loop3A_410 = arith.andi %parallel_loop3A_409, %parallel_loop3A_404 : i1
      %parallel_loop3A_411 = arith.addi %parallel_loop3A_402, %parallel_loop3A_401 : i32
      %parallel_loop3A_412 = arith.select %parallel_loop3A_410, %parallel_loop3A_411, %parallel_loop3A_402 : i32
      %parallel_loop3A_413 = arith.constant 16 : i32
      %parallel_loop3A_414 = arith.muli %parallel_loop3A_412, %parallel_loop3A_413 : i32
      %parallel_loop3A_415 = vector.broadcast %parallel_loop3A_396 : i32 to vector<16xi32>
      %parallel_loop3A_416 = arith.index_cast %parallel_loop3A_414 : i32 to index
      %parallel_loop3A_417 = tpu.vector_load %arg13[%parallel_loop3A_416] {strides = array<i32>} : memref<512xi32, #tpu.memory_space<vmem>>, vector<16xi32>,
      %parallel_loop3A_418 = tpu.vector_load_idx %arg9[%parallel_loop3A_415, %parallel_loop3A_417] : memref<8x4096xf32, #tpu.memory_space<vmem>>[vector<16xi32>, vector<16xi32>], vector<16xf32>,
      %parallel_loop3A_419 = arith.index_cast %parallel_loop3A_414 : i32 to index
      %parallel_loop3A_420 = tpu.vector_load %arg14[%parallel_loop3A_419] {strides = array<i32>} : memref<512xi32, #tpu.memory_space<vmem>>, vector<16xi32>,
      %parallel_loop3A_421 = arith.index_cast %parallel_loop3A_414 : i32 to index
      %parallel_loop3A_422 = tpu.vector_load %arg12[%parallel_loop3A_421] {strides = array<i32>} : memref<512xf32, #tpu.memory_space<vmem>>, vector<16xf32>,
      %parallel_loop3A_423 = arith.mulf %parallel_loop3A_418, %parallel_loop3A_422 : vector<16xf32>
      tpu.vector_store_idx %arg10[%parallel_loop3A_415, %parallel_loop3A_420], %parallel_loop3A_423 : memref<8x1024xf32, #tpu.memory_space<vmem>>[vector<16xi32>, vector<16xi32>], vector<16xf32>,
    } {sc.loop_unroll_factor = 4 : i64, sc.parallel_access}
    %add3A_209 = arith.constant 64 : i32
    %add3A_210 = arith.addi %mul3A_2, %add3A_209 : i32
    %dma_start3A_211 = arith.constant 0 : i32
    %dma_start3A_212 = tpu.memref_slice %arg6[%add3A_210, %dma_start3A_211] : memref<4096x1024xf32, #tpu.memory_space<hbm>> -> memref<8x1024xf32, #tpu.memory_space<hbm>>
    %dma_start3A_213 = arith.constant 0 : i32
    %dma_start3A_214 = tpu.memref_slice %arg6[%add3A_210, %dma_start3A_213] : memref<4096x1024xf32, #tpu.memory_space<hbm>> -> memref<8x1024xf32, #tpu.memory_space<hbm>>
    tpu.enqueue_dma source(%arg10 : memref<8x1024xf32, #tpu.memory_space<vmem>>) target(%dma_start3A_214 : memref<8x1024xf32, #tpu.memory_space<hbm>>) target_semaphore(%arg18 : memref<!tpu.dma_semaphore, #tpu.memory_space<semaphore_mem>>)
    %add3A_215 = arith.constant 88 : i32
    %add3A_216 = arith.addi %mul3A_2, %add3A_215 : i32
    %dma_start3A_217 = arith.constant 0 : i32
    %dma_start3A_218 = tpu.memref_slice %arg2[%add3A_216, %dma_start3A_217] : memref<4096x4096xf32, #tpu.memory_space<hbm>> -> memref<8x4096xf32, #tpu.memory_space<hbm>>
    %dma_start3A_219 = arith.constant 0 : i32
    %dma_start3A_220 = tpu.memref_slice %arg2[%add3A_216, %dma_start3A_219] : memref<4096x4096xf32, #tpu.memory_space<hbm>> -> memref<8x4096xf32, #tpu.memory_space<hbm>>
    tpu.enqueue_dma source(%dma_start3A_220 : memref<8x4096xf32, #tpu.memory_space<hbm>>) target(%arg9 : memref<8x4096xf32, #tpu.memory_space<vmem>>) target_semaphore(%arg17 : memref<!tpu.dma_semaphore, #tpu.memory_space<semaphore_mem>>)
    %dma_wait3A_221 = arith.constant 0 : i32
    %dma_wait3A_222 = tpu.memref_slice %arg2[%add3A_170, %dma_wait3A_221] : memref<4096x4096xf32, #tpu.memory_space<hbm>> -> memref<8x4096xf32, #tpu.memory_space<hbm>>
    %dma_wait3A_223 = arith.constant 0 : i32
    %dma_wait3A_224 = tpu.memref_slice %arg2[%add3A_170, %dma_wait3A_223] : memref<4096x4096xf32, #tpu.memory_space<hbm>> -> memref<8x4096xf32, #tpu.memory_space<hbm>>
    tpu.wait_dma2 semaphore(%arg15 : memref<!tpu.dma_semaphore, #tpu.memory_space<semaphore_mem>>) src(%dma_wait3A_224 : memref<8x4096xf32, #tpu.memory_space<hbm>>) dst(%arg7 : memref<8x4096xf32, #tpu.memory_space<vmem>>)
    %dma_wait3A_225 = arith.constant 0 : i32
    %dma_wait3A_226 = tpu.memref_slice %arg6[%add3A_187, %dma_wait3A_225] : memref<4096x1024xf32, #tpu.memory_space<hbm>> -> memref<8x1024xf32, #tpu.memory_space<hbm>>
    %dma_wait3A_227 = arith.constant 0 : i32
    %dma_wait3A_228 = tpu.memref_slice %arg6[%add3A_187, %dma_wait3A_227] : memref<4096x1024xf32, #tpu.memory_space<hbm>> -> memref<8x1024xf32, #tpu.memory_space<hbm>>
    tpu.wait_dma2 semaphore(%arg19 : memref<!tpu.dma_semaphore, #tpu.memory_space<semaphore_mem>>) src(%arg11 : memref<8x1024xf32, #tpu.memory_space<vmem>>) dst(%dma_wait3A_228 : memref<8x1024xf32, #tpu.memory_space<hbm>>)
    %parallel_loop3A_229 = arith.constant 0 : i32
    %parallel_loop3A_230 = arith.constant 256 : i32
    %parallel_loop3A_231 = arith.constant 1 : i32
    scf.for %parallel_loop3A_372 = %parallel_loop3A_229 to %parallel_loop3A_230 step %parallel_loop3A_231  : i32 {
      %parallel_loop3A_373 = arith.constant 32 : i32
      %parallel_loop3A_374 = arith.divsi %parallel_loop3A_372, %parallel_loop3A_373 : i32
      %parallel_loop3A_375 = arith.constant 0 : i32
      %parallel_loop3A_376 = arith.cmpi sgt, %parallel_loop3A_372, %parallel_loop3A_375 : i32
      %parallel_loop3A_377 = arith.extui %parallel_loop3A_376 : i1 to i32
      %parallel_loop3A_378 = arith.constant 0 : i32
      %parallel_loop3A_379 = arith.cmpi slt, %parallel_loop3A_372, %parallel_loop3A_378 : i32
      %parallel_loop3A_380 = arith.extui %parallel_loop3A_379 : i1 to i32
      %parallel_loop3A_381 = arith.subi %parallel_loop3A_377, %parallel_loop3A_380 : i32
      %parallel_loop3A_382 = arith.constant 0 : i32
      %parallel_loop3A_383 = arith.cmpi sgt, %parallel_loop3A_373, %parallel_loop3A_382 : i32
      %parallel_loop3A_384 = arith.extui %parallel_loop3A_383 : i1 to i32
      %parallel_loop3A_385 = arith.constant 0 : i32
      %parallel_loop3A_386 = arith.cmpi slt, %parallel_loop3A_373, %parallel_loop3A_385 : i32
      %parallel_loop3A_387 = arith.extui %parallel_loop3A_386 : i1 to i32
      %parallel_loop3A_388 = arith.subi %parallel_loop3A_384, %parallel_loop3A_387 : i32
      %parallel_loop3A_389 = arith.cmpi ne, %parallel_loop3A_381, %parallel_loop3A_388 : i32
      %parallel_loop3A_390 = arith.remsi %parallel_loop3A_372, %parallel_loop3A_373 : i32
      %parallel_loop3A_391 = arith.constant 0 : i32
      %parallel_loop3A_392 = arith.cmpi ne, %parallel_loop3A_390, %parallel_loop3A_391 : i32
      %parallel_loop3A_393 = arith.andi %parallel_loop3A_389, %parallel_loop3A_392 : i1
      %parallel_loop3A_394 = arith.constant 1 : i32
      %parallel_loop3A_395 = arith.subi %parallel_loop3A_374, %parallel_loop3A_394 : i32
      %parallel_loop3A_396 = arith.select %parallel_loop3A_393, %parallel_loop3A_395, %parallel_loop3A_374 : i32
      %parallel_loop3A_397 = arith.constant 32 : i32
      %parallel_loop3A_398 = arith.constant 0 : i32
      %parallel_loop3A_399 = arith.cmpi eq, %parallel_loop3A_397, %parallel_loop3A_398 : i32
      %parallel_loop3A_400 = arith.constant 1 : i32
      %parallel_loop3A_401 = arith.select %parallel_loop3A_399, %parallel_loop3A_400, %parallel_loop3A_397 : i32
      %parallel_loop3A_402 = arith.remsi %parallel_loop3A_372, %parallel_loop3A_401 : i32
      %parallel_loop3A_403 = arith.constant 0 : i32
      %parallel_loop3A_404 = arith.cmpi ne, %parallel_loop3A_402, %parallel_loop3A_403 : i32
      %parallel_loop3A_405 = arith.constant 0 : i32
      %parallel_loop3A_406 = arith.cmpi slt, %parallel_loop3A_402, %parallel_loop3A_405 : i32
      %parallel_loop3A_407 = arith.constant 0 : i32
      %parallel_loop3A_408 = arith.cmpi slt, %parallel_loop3A_401, %parallel_loop3A_407 : i32
      %parallel_loop3A_409 = arith.xori %parallel_loop3A_406, %parallel_loop3A_408 : i1
      %parallel_loop3A_410 = arith.andi %parallel_loop3A_409, %parallel_loop3A_404 : i1
      %parallel_loop3A_411 = arith.addi %parallel_loop3A_402, %parallel_loop3A_401 : i32
      %parallel_loop3A_412 = arith.select %parallel_loop3A_410, %parallel_loop3A_411, %parallel_loop3A_402 : i32
      %parallel_loop3A_413 = arith.constant 16 : i32
      %parallel_loop3A_414 = arith.muli %parallel_loop3A_412, %parallel_loop3A_413 : i32
      %parallel_loop3A_415 = vector.broadcast %parallel_loop3A_396 : i32 to vector<16xi32>
      %parallel_loop3A_416 = arith.index_cast %parallel_loop3A_414 : i32 to index
      %parallel_loop3A_417 = tpu.vector_load %arg13[%parallel_loop3A_416] {strides = array<i32>} : memref<512xi32, #tpu.memory_space<vmem>>, vector<16xi32>,
      %parallel_loop3A_418 = tpu.vector_load_idx %arg7[%parallel_loop3A_415, %parallel_loop3A_417] : memref<8x4096xf32, #tpu.memory_space<vmem>>[vector<16xi32>, vector<16xi32>], vector<16xf32>,
      %parallel_loop3A_419 = arith.index_cast %parallel_loop3A_414 : i32 to index
      %parallel_loop3A_420 = tpu.vector_load %arg14[%parallel_loop3A_419] {strides = array<i32>} : memref<512xi32, #tpu.memory_space<vmem>>, vector<16xi32>,
      %parallel_loop3A_421 = arith.index_cast %parallel_loop3A_414 : i32 to index
      %parallel_loop3A_422 = tpu.vector_load %arg12[%parallel_loop3A_421] {strides = array<i32>} : memref<512xf32, #tpu.memory_space<vmem>>, vector<16xf32>,
      %parallel_loop3A_423 = arith.mulf %parallel_loop3A_418, %parallel_loop3A_422 : vector<16xf32>
      tpu.vector_store_idx %arg11[%parallel_loop3A_415, %parallel_loop3A_420], %parallel_loop3A_423 : memref<8x1024xf32, #tpu.memory_space<vmem>>[vector<16xi32>, vector<16xi32>], vector<16xf32>,
    } {sc.loop_unroll_factor = 4 : i64, sc.parallel_access}
    %add3A_232 = arith.constant 72 : i32
    %add3A_233 = arith.addi %mul3A_2, %add3A_232 : i32
    %dma_start3A_234 = arith.constant 0 : i32
    %dma_start3A_235 = tpu.memref_slice %arg6[%add3A_233, %dma_start3A_234] : memref<4096x1024xf32, #tpu.memory_space<hbm>> -> memref<8x1024xf32, #tpu.memory_space<hbm>>
    %dma_start3A_236 = arith.constant 0 : i32
    %dma_start3A_237 = tpu.memref_slice %arg6[%add3A_233, %dma_start3A_236] : memref<4096x1024xf32, #tpu.memory_space<hbm>> -> memref<8x1024xf32, #tpu.memory_space<hbm>>
    tpu.enqueue_dma source(%arg11 : memref<8x1024xf32, #tpu.memory_space<vmem>>) target(%dma_start3A_237 : memref<8x1024xf32, #tpu.memory_space<hbm>>) target_semaphore(%arg19 : memref<!tpu.dma_semaphore, #tpu.memory_space<semaphore_mem>>)
    %add3A_238 = arith.constant 96 : i32
    %add3A_239 = arith.addi %mul3A_2, %add3A_238 : i32
    %dma_start3A_240 = arith.constant 0 : i32
    %dma_start3A_241 = tpu.memref_slice %arg2[%add3A_239, %dma_start3A_240] : memref<4096x4096xf32, #tpu.memory_space<hbm>> -> memref<8x4096xf32, #tpu.memory_space<hbm>>
    %dma_start3A_242 = arith.constant 0 : i32
    %dma_start3A_243 = tpu.memref_slice %arg2[%add3A_239, %dma_start3A_242] : memref<4096x4096xf32, #tpu.memory_space<hbm>> -> memref<8x4096xf32, #tpu.memory_space<hbm>>
    tpu.enqueue_dma source(%dma_start3A_243 : memref<8x4096xf32, #tpu.memory_space<hbm>>) target(%arg7 : memref<8x4096xf32, #tpu.memory_space<vmem>>) target_semaphore(%arg15 : memref<!tpu.dma_semaphore, #tpu.memory_space<semaphore_mem>>)
    %dma_wait3A_244 = arith.constant 0 : i32
    %dma_wait3A_245 = tpu.memref_slice %arg2[%add3A_193, %dma_wait3A_244] : memref<4096x4096xf32, #tpu.memory_space<hbm>> -> memref<8x4096xf32, #tpu.memory_space<hbm>>
    %dma_wait3A_246 = arith.constant 0 : i32
    %dma_wait3A_247 = tpu.memref_slice %arg2[%add3A_193, %dma_wait3A_246] : memref<4096x4096xf32, #tpu.memory_space<hbm>> -> memref<8x4096xf32, #tpu.memory_space<hbm>>
    tpu.wait_dma2 semaphore(%arg16 : memref<!tpu.dma_semaphore, #tpu.memory_space<semaphore_mem>>) src(%dma_wait3A_247 : memref<8x4096xf32, #tpu.memory_space<hbm>>) dst(%arg8 : memref<8x4096xf32, #tpu.memory_space<vmem>>)
    %dma_wait3A_248 = arith.constant 0 : i32
    %dma_wait3A_249 = tpu.memref_slice %arg6[%add3A_210, %dma_wait3A_248] : memref<4096x1024xf32, #tpu.memory_space<hbm>> -> memref<8x1024xf32, #tpu.memory_space<hbm>>
    %dma_wait3A_250 = arith.constant 0 : i32
    %dma_wait3A_251 = tpu.memref_slice %arg6[%add3A_210, %dma_wait3A_250] : memref<4096x1024xf32, #tpu.memory_space<hbm>> -> memref<8x1024xf32, #tpu.memory_space<hbm>>
    tpu.wait_dma2 semaphore(%arg18 : memref<!tpu.dma_semaphore, #tpu.memory_space<semaphore_mem>>) src(%arg10 : memref<8x1024xf32, #tpu.memory_space<vmem>>) dst(%dma_wait3A_251 : memref<8x1024xf32, #tpu.memory_space<hbm>>)
    %parallel_loop3A_252 = arith.constant 0 : i32
    %parallel_loop3A_253 = arith.constant 256 : i32
    %parallel_loop3A_254 = arith.constant 1 : i32
    scf.for %parallel_loop3A_372 = %parallel_loop3A_252 to %parallel_loop3A_253 step %parallel_loop3A_254  : i32 {
      %parallel_loop3A_373 = arith.constant 32 : i32
      %parallel_loop3A_374 = arith.divsi %parallel_loop3A_372, %parallel_loop3A_373 : i32
      %parallel_loop3A_375 = arith.constant 0 : i32
      %parallel_loop3A_376 = arith.cmpi sgt, %parallel_loop3A_372, %parallel_loop3A_375 : i32
      %parallel_loop3A_377 = arith.extui %parallel_loop3A_376 : i1 to i32
      %parallel_loop3A_378 = arith.constant 0 : i32
      %parallel_loop3A_379 = arith.cmpi slt, %parallel_loop3A_372, %parallel_loop3A_378 : i32
      %parallel_loop3A_380 = arith.extui %parallel_loop3A_379 : i1 to i32
      %parallel_loop3A_381 = arith.subi %parallel_loop3A_377, %parallel_loop3A_380 : i32
      %parallel_loop3A_382 = arith.constant 0 : i32
      %parallel_loop3A_383 = arith.cmpi sgt, %parallel_loop3A_373, %parallel_loop3A_382 : i32
      %parallel_loop3A_384 = arith.extui %parallel_loop3A_383 : i1 to i32
      %parallel_loop3A_385 = arith.constant 0 : i32
      %parallel_loop3A_386 = arith.cmpi slt, %parallel_loop3A_373, %parallel_loop3A_385 : i32
      %parallel_loop3A_387 = arith.extui %parallel_loop3A_386 : i1 to i32
      %parallel_loop3A_388 = arith.subi %parallel_loop3A_384, %parallel_loop3A_387 : i32
      %parallel_loop3A_389 = arith.cmpi ne, %parallel_loop3A_381, %parallel_loop3A_388 : i32
      %parallel_loop3A_390 = arith.remsi %parallel_loop3A_372, %parallel_loop3A_373 : i32
      %parallel_loop3A_391 = arith.constant 0 : i32
      %parallel_loop3A_392 = arith.cmpi ne, %parallel_loop3A_390, %parallel_loop3A_391 : i32
      %parallel_loop3A_393 = arith.andi %parallel_loop3A_389, %parallel_loop3A_392 : i1
      %parallel_loop3A_394 = arith.constant 1 : i32
      %parallel_loop3A_395 = arith.subi %parallel_loop3A_374, %parallel_loop3A_394 : i32
      %parallel_loop3A_396 = arith.select %parallel_loop3A_393, %parallel_loop3A_395, %parallel_loop3A_374 : i32
      %parallel_loop3A_397 = arith.constant 32 : i32
      %parallel_loop3A_398 = arith.constant 0 : i32
      %parallel_loop3A_399 = arith.cmpi eq, %parallel_loop3A_397, %parallel_loop3A_398 : i32
      %parallel_loop3A_400 = arith.constant 1 : i32
      %parallel_loop3A_401 = arith.select %parallel_loop3A_399, %parallel_loop3A_400, %parallel_loop3A_397 : i32
      %parallel_loop3A_402 = arith.remsi %parallel_loop3A_372, %parallel_loop3A_401 : i32
      %parallel_loop3A_403 = arith.constant 0 : i32
      %parallel_loop3A_404 = arith.cmpi ne, %parallel_loop3A_402, %parallel_loop3A_403 : i32
      %parallel_loop3A_405 = arith.constant 0 : i32
      %parallel_loop3A_406 = arith.cmpi slt, %parallel_loop3A_402, %parallel_loop3A_405 : i32
      %parallel_loop3A_407 = arith.constant 0 : i32
      %parallel_loop3A_408 = arith.cmpi slt, %parallel_loop3A_401, %parallel_loop3A_407 : i32
      %parallel_loop3A_409 = arith.xori %parallel_loop3A_406, %parallel_loop3A_408 : i1
      %parallel_loop3A_410 = arith.andi %parallel_loop3A_409, %parallel_loop3A_404 : i1
      %parallel_loop3A_411 = arith.addi %parallel_loop3A_402, %parallel_loop3A_401 : i32
      %parallel_loop3A_412 = arith.select %parallel_loop3A_410, %parallel_loop3A_411, %parallel_loop3A_402 : i32
      %parallel_loop3A_413 = arith.constant 16 : i32
      %parallel_loop3A_414 = arith.muli %parallel_loop3A_412, %parallel_loop3A_413 : i32
      %parallel_loop3A_415 = vector.broadcast %parallel_loop3A_396 : i32 to vector<16xi32>
      %parallel_loop3A_416 = arith.index_cast %parallel_loop3A_414 : i32 to index
      %parallel_loop3A_417 = tpu.vector_load %arg13[%parallel_loop3A_416] {strides = array<i32>} : memref<512xi32, #tpu.memory_space<vmem>>, vector<16xi32>,
      %parallel_loop3A_418 = tpu.vector_load_idx %arg8[%parallel_loop3A_415, %parallel_loop3A_417] : memref<8x4096xf32, #tpu.memory_space<vmem>>[vector<16xi32>, vector<16xi32>], vector<16xf32>,
      %parallel_loop3A_419 = arith.index_cast %parallel_loop3A_414 : i32 to index
      %parallel_loop3A_420 = tpu.vector_load %arg14[%parallel_loop3A_419] {strides = array<i32>} : memref<512xi32, #tpu.memory_space<vmem>>, vector<16xi32>,
      %parallel_loop3A_421 = arith.index_cast %parallel_loop3A_414 : i32 to index
      %parallel_loop3A_422 = tpu.vector_load %arg12[%parallel_loop3A_421] {strides = array<i32>} : memref<512xf32, #tpu.memory_space<vmem>>, vector<16xf32>,
      %parallel_loop3A_423 = arith.mulf %parallel_loop3A_418, %parallel_loop3A_422 : vector<16xf32>
      tpu.vector_store_idx %arg10[%parallel_loop3A_415, %parallel_loop3A_420], %parallel_loop3A_423 : memref<8x1024xf32, #tpu.memory_space<vmem>>[vector<16xi32>, vector<16xi32>], vector<16xf32>,
    } {sc.loop_unroll_factor = 4 : i64, sc.parallel_access}
    %add3A_255 = arith.constant 80 : i32
    %add3A_256 = arith.addi %mul3A_2, %add3A_255 : i32
    %dma_start3A_257 = arith.constant 0 : i32
    %dma_start3A_258 = tpu.memref_slice %arg6[%add3A_256, %dma_start3A_257] : memref<4096x1024xf32, #tpu.memory_space<hbm>> -> memref<8x1024xf32, #tpu.memory_space<hbm>>
    %dma_start3A_259 = arith.constant 0 : i32
    %dma_start3A_260 = tpu.memref_slice %arg6[%add3A_256, %dma_start3A_259] : memref<4096x1024xf32, #tpu.memory_space<hbm>> -> memref<8x1024xf32, #tpu.memory_space<hbm>>
    tpu.enqueue_dma source(%arg10 : memref<8x1024xf32, #tpu.memory_space<vmem>>) target(%dma_start3A_260 : memref<8x1024xf32, #tpu.memory_space<hbm>>) target_semaphore(%arg18 : memref<!tpu.dma_semaphore, #tpu.memory_space<semaphore_mem>>)
    %add3A_261 = arith.constant 104 : i32
    %add3A_262 = arith.addi %mul3A_2, %add3A_261 : i32
    %dma_start3A_263 = arith.constant 0 : i32
    %dma_start3A_264 = tpu.memref_slice %arg2[%add3A_262, %dma_start3A_263] : memref<4096x4096xf32, #tpu.memory_space<hbm>> -> memref<8x4096xf32, #tpu.memory_space<hbm>>
    %dma_start3A_265 = arith.constant 0 : i32
    %dma_start3A_266 = tpu.memref_slice %arg2[%add3A_262, %dma_start3A_265] : memref<4096x4096xf32, #tpu.memory_space<hbm>> -> memref<8x4096xf32, #tpu.memory_space<hbm>>
    tpu.enqueue_dma source(%dma_start3A_266 : memref<8x4096xf32, #tpu.memory_space<hbm>>) target(%arg8 : memref<8x4096xf32, #tpu.memory_space<vmem>>) target_semaphore(%arg16 : memref<!tpu.dma_semaphore, #tpu.memory_space<semaphore_mem>>)
    %dma_wait3A_267 = arith.constant 0 : i32
    %dma_wait3A_268 = tpu.memref_slice %arg2[%add3A_216, %dma_wait3A_267] : memref<4096x4096xf32, #tpu.memory_space<hbm>> -> memref<8x4096xf32, #tpu.memory_space<hbm>>
    %dma_wait3A_269 = arith.constant 0 : i32
    %dma_wait3A_270 = tpu.memref_slice %arg2[%add3A_216, %dma_wait3A_269] : memref<4096x4096xf32, #tpu.memory_space<hbm>> -> memref<8x4096xf32, #tpu.memory_space<hbm>>
    tpu.wait_dma2 semaphore(%arg17 : memref<!tpu.dma_semaphore, #tpu.memory_space<semaphore_mem>>) src(%dma_wait3A_270 : memref<8x4096xf32, #tpu.memory_space<hbm>>) dst(%arg9 : memref<8x4096xf32, #tpu.memory_space<vmem>>)
    %dma_wait3A_271 = arith.constant 0 : i32
    %dma_wait3A_272 = tpu.memref_slice %arg6[%add3A_233, %dma_wait3A_271] : memref<4096x1024xf32, #tpu.memory_space<hbm>> -> memref<8x1024xf32, #tpu.memory_space<hbm>>
    %dma_wait3A_273 = arith.constant 0 : i32
    %dma_wait3A_274 = tpu.memref_slice %arg6[%add3A_233, %dma_wait3A_273] : memref<4096x1024xf32, #tpu.memory_space<hbm>> -> memref<8x1024xf32, #tpu.memory_space<hbm>>
    tpu.wait_dma2 semaphore(%arg19 : memref<!tpu.dma_semaphore, #tpu.memory_space<semaphore_mem>>) src(%arg11 : memref<8x1024xf32, #tpu.memory_space<vmem>>) dst(%dma_wait3A_274 : memref<8x1024xf32, #tpu.memory_space<hbm>>)
    %parallel_loop3A_275 = arith.constant 0 : i32
    %parallel_loop3A_276 = arith.constant 256 : i32
    %parallel_loop3A_277 = arith.constant 1 : i32
    scf.for %parallel_loop3A_372 = %parallel_loop3A_275 to %parallel_loop3A_276 step %parallel_loop3A_277  : i32 {
      %parallel_loop3A_373 = arith.constant 32 : i32
      %parallel_loop3A_374 = arith.divsi %parallel_loop3A_372, %parallel_loop3A_373 : i32
      %parallel_loop3A_375 = arith.constant 0 : i32
      %parallel_loop3A_376 = arith.cmpi sgt, %parallel_loop3A_372, %parallel_loop3A_375 : i32
      %parallel_loop3A_377 = arith.extui %parallel_loop3A_376 : i1 to i32
      %parallel_loop3A_378 = arith.constant 0 : i32
      %parallel_loop3A_379 = arith.cmpi slt, %parallel_loop3A_372, %parallel_loop3A_378 : i32
      %parallel_loop3A_380 = arith.extui %parallel_loop3A_379 : i1 to i32
      %parallel_loop3A_381 = arith.subi %parallel_loop3A_377, %parallel_loop3A_380 : i32
      %parallel_loop3A_382 = arith.constant 0 : i32
      %parallel_loop3A_383 = arith.cmpi sgt, %parallel_loop3A_373, %parallel_loop3A_382 : i32
      %parallel_loop3A_384 = arith.extui %parallel_loop3A_383 : i1 to i32
      %parallel_loop3A_385 = arith.constant 0 : i32
      %parallel_loop3A_386 = arith.cmpi slt, %parallel_loop3A_373, %parallel_loop3A_385 : i32
      %parallel_loop3A_387 = arith.extui %parallel_loop3A_386 : i1 to i32
      %parallel_loop3A_388 = arith.subi %parallel_loop3A_384, %parallel_loop3A_387 : i32
      %parallel_loop3A_389 = arith.cmpi ne, %parallel_loop3A_381, %parallel_loop3A_388 : i32
      %parallel_loop3A_390 = arith.remsi %parallel_loop3A_372, %parallel_loop3A_373 : i32
      %parallel_loop3A_391 = arith.constant 0 : i32
      %parallel_loop3A_392 = arith.cmpi ne, %parallel_loop3A_390, %parallel_loop3A_391 : i32
      %parallel_loop3A_393 = arith.andi %parallel_loop3A_389, %parallel_loop3A_392 : i1
      %parallel_loop3A_394 = arith.constant 1 : i32
      %parallel_loop3A_395 = arith.subi %parallel_loop3A_374, %parallel_loop3A_394 : i32
      %parallel_loop3A_396 = arith.select %parallel_loop3A_393, %parallel_loop3A_395, %parallel_loop3A_374 : i32
      %parallel_loop3A_397 = arith.constant 32 : i32
      %parallel_loop3A_398 = arith.constant 0 : i32
      %parallel_loop3A_399 = arith.cmpi eq, %parallel_loop3A_397, %parallel_loop3A_398 : i32
      %parallel_loop3A_400 = arith.constant 1 : i32
      %parallel_loop3A_401 = arith.select %parallel_loop3A_399, %parallel_loop3A_400, %parallel_loop3A_397 : i32
      %parallel_loop3A_402 = arith.remsi %parallel_loop3A_372, %parallel_loop3A_401 : i32
      %parallel_loop3A_403 = arith.constant 0 : i32
      %parallel_loop3A_404 = arith.cmpi ne, %parallel_loop3A_402, %parallel_loop3A_403 : i32
      %parallel_loop3A_405 = arith.constant 0 : i32
      %parallel_loop3A_406 = arith.cmpi slt, %parallel_loop3A_402, %parallel_loop3A_405 : i32
      %parallel_loop3A_407 = arith.constant 0 : i32
      %parallel_loop3A_408 = arith.cmpi slt, %parallel_loop3A_401, %parallel_loop3A_407 : i32
      %parallel_loop3A_409 = arith.xori %parallel_loop3A_406, %parallel_loop3A_408 : i1
      %parallel_loop3A_410 = arith.andi %parallel_loop3A_409, %parallel_loop3A_404 : i1
      %parallel_loop3A_411 = arith.addi %parallel_loop3A_402, %parallel_loop3A_401 : i32
      %parallel_loop3A_412 = arith.select %parallel_loop3A_410, %parallel_loop3A_411, %parallel_loop3A_402 : i32
      %parallel_loop3A_413 = arith.constant 16 : i32
      %parallel_loop3A_414 = arith.muli %parallel_loop3A_412, %parallel_loop3A_413 : i32
      %parallel_loop3A_415 = vector.broadcast %parallel_loop3A_396 : i32 to vector<16xi32>
      %parallel_loop3A_416 = arith.index_cast %parallel_loop3A_414 : i32 to index
      %parallel_loop3A_417 = tpu.vector_load %arg13[%parallel_loop3A_416] {strides = array<i32>} : memref<512xi32, #tpu.memory_space<vmem>>, vector<16xi32>,
      %parallel_loop3A_418 = tpu.vector_load_idx %arg9[%parallel_loop3A_415, %parallel_loop3A_417] : memref<8x4096xf32, #tpu.memory_space<vmem>>[vector<16xi32>, vector<16xi32>], vector<16xf32>,
      %parallel_loop3A_419 = arith.index_cast %parallel_loop3A_414 : i32 to index
      %parallel_loop3A_420 = tpu.vector_load %arg14[%parallel_loop3A_419] {strides = array<i32>} : memref<512xi32, #tpu.memory_space<vmem>>, vector<16xi32>,
      %parallel_loop3A_421 = arith.index_cast %parallel_loop3A_414 : i32 to index
      %parallel_loop3A_422 = tpu.vector_load %arg12[%parallel_loop3A_421] {strides = array<i32>} : memref<512xf32, #tpu.memory_space<vmem>>, vector<16xf32>,
      %parallel_loop3A_423 = arith.mulf %parallel_loop3A_418, %parallel_loop3A_422 : vector<16xf32>
      tpu.vector_store_idx %arg11[%parallel_loop3A_415, %parallel_loop3A_420], %parallel_loop3A_423 : memref<8x1024xf32, #tpu.memory_space<vmem>>[vector<16xi32>, vector<16xi32>], vector<16xf32>,
    } {sc.loop_unroll_factor = 4 : i64, sc.parallel_access}
    %add3A_278 = arith.constant 88 : i32
    %add3A_279 = arith.addi %mul3A_2, %add3A_278 : i32
    %dma_start3A_280 = arith.constant 0 : i32
    %dma_start3A_281 = tpu.memref_slice %arg6[%add3A_279, %dma_start3A_280] : memref<4096x1024xf32, #tpu.memory_space<hbm>> -> memref<8x1024xf32, #tpu.memory_space<hbm>>
    %dma_start3A_282 = arith.constant 0 : i32
    %dma_start3A_283 = tpu.memref_slice %arg6[%add3A_279, %dma_start3A_282] : memref<4096x1024xf32, #tpu.memory_space<hbm>> -> memref<8x1024xf32, #tpu.memory_space<hbm>>
    tpu.enqueue_dma source(%arg11 : memref<8x1024xf32, #tpu.memory_space<vmem>>) target(%dma_start3A_283 : memref<8x1024xf32, #tpu.memory_space<hbm>>) target_semaphore(%arg19 : memref<!tpu.dma_semaphore, #tpu.memory_space<semaphore_mem>>)
    %add3A_284 = arith.constant 112 : i32
    %add3A_285 = arith.addi %mul3A_2, %add3A_284 : i32
    %dma_start3A_286 = arith.constant 0 : i32
    %dma_start3A_287 = tpu.memref_slice %arg2[%add3A_285, %dma_start3A_286] : memref<4096x4096xf32, #tpu.memory_space<hbm>> -> memref<8x4096xf32, #tpu.memory_space<hbm>>
    %dma_start3A_288 = arith.constant 0 : i32
    %dma_start3A_289 = tpu.memref_slice %arg2[%add3A_285, %dma_start3A_288] : memref<4096x4096xf32, #tpu.memory_space<hbm>> -> memref<8x4096xf32, #tpu.memory_space<hbm>>
    tpu.enqueue_dma source(%dma_start3A_289 : memref<8x4096xf32, #tpu.memory_space<hbm>>) target(%arg9 : memref<8x4096xf32, #tpu.memory_space<vmem>>) target_semaphore(%arg17 : memref<!tpu.dma_semaphore, #tpu.memory_space<semaphore_mem>>)
    %dma_wait3A_290 = arith.constant 0 : i32
    %dma_wait3A_291 = tpu.memref_slice %arg2[%add3A_239, %dma_wait3A_290] : memref<4096x4096xf32, #tpu.memory_space<hbm>> -> memref<8x4096xf32, #tpu.memory_space<hbm>>
    %dma_wait3A_292 = arith.constant 0 : i32
    %dma_wait3A_293 = tpu.memref_slice %arg2[%add3A_239, %dma_wait3A_292] : memref<4096x4096xf32, #tpu.memory_space<hbm>> -> memref<8x4096xf32, #tpu.memory_space<hbm>>
    tpu.wait_dma2 semaphore(%arg15 : memref<!tpu.dma_semaphore, #tpu.memory_space<semaphore_mem>>) src(%dma_wait3A_293 : memref<8x4096xf32, #tpu.memory_space<hbm>>) dst(%arg7 : memref<8x4096xf32, #tpu.memory_space<vmem>>)
    %dma_wait3A_294 = arith.constant 0 : i32
    %dma_wait3A_295 = tpu.memref_slice %arg6[%add3A_256, %dma_wait3A_294] : memref<4096x1024xf32, #tpu.memory_space<hbm>> -> memref<8x1024xf32, #tpu.memory_space<hbm>>
    %dma_wait3A_296 = arith.constant 0 : i32
    %dma_wait3A_297 = tpu.memref_slice %arg6[%add3A_256, %dma_wait3A_296] : memref<4096x1024xf32, #tpu.memory_space<hbm>> -> memref<8x1024xf32, #tpu.memory_space<hbm>>
    tpu.wait_dma2 semaphore(%arg18 : memref<!tpu.dma_semaphore, #tpu.memory_space<semaphore_mem>>) src(%arg10 : memref<8x1024xf32, #tpu.memory_space<vmem>>) dst(%dma_wait3A_297 : memref<8x1024xf32, #tpu.memory_space<hbm>>)
    %parallel_loop3A_298 = arith.constant 0 : i32
    %parallel_loop3A_299 = arith.constant 256 : i32
    %parallel_loop3A_300 = arith.constant 1 : i32
    scf.for %parallel_loop3A_372 = %parallel_loop3A_298 to %parallel_loop3A_299 step %parallel_loop3A_300  : i32 {
      %parallel_loop3A_373 = arith.constant 32 : i32
      %parallel_loop3A_374 = arith.divsi %parallel_loop3A_372, %parallel_loop3A_373 : i32
      %parallel_loop3A_375 = arith.constant 0 : i32
      %parallel_loop3A_376 = arith.cmpi sgt, %parallel_loop3A_372, %parallel_loop3A_375 : i32
      %parallel_loop3A_377 = arith.extui %parallel_loop3A_376 : i1 to i32
      %parallel_loop3A_378 = arith.constant 0 : i32
      %parallel_loop3A_379 = arith.cmpi slt, %parallel_loop3A_372, %parallel_loop3A_378 : i32
      %parallel_loop3A_380 = arith.extui %parallel_loop3A_379 : i1 to i32
      %parallel_loop3A_381 = arith.subi %parallel_loop3A_377, %parallel_loop3A_380 : i32
      %parallel_loop3A_382 = arith.constant 0 : i32
      %parallel_loop3A_383 = arith.cmpi sgt, %parallel_loop3A_373, %parallel_loop3A_382 : i32
      %parallel_loop3A_384 = arith.extui %parallel_loop3A_383 : i1 to i32
      %parallel_loop3A_385 = arith.constant 0 : i32
      %parallel_loop3A_386 = arith.cmpi slt, %parallel_loop3A_373, %parallel_loop3A_385 : i32
      %parallel_loop3A_387 = arith.extui %parallel_loop3A_386 : i1 to i32
      %parallel_loop3A_388 = arith.subi %parallel_loop3A_384, %parallel_loop3A_387 : i32
      %parallel_loop3A_389 = arith.cmpi ne, %parallel_loop3A_381, %parallel_loop3A_388 : i32
      %parallel_loop3A_390 = arith.remsi %parallel_loop3A_372, %parallel_loop3A_373 : i32
      %parallel_loop3A_391 = arith.constant 0 : i32
      %parallel_loop3A_392 = arith.cmpi ne, %parallel_loop3A_390, %parallel_loop3A_391 : i32
      %parallel_loop3A_393 = arith.andi %parallel_loop3A_389, %parallel_loop3A_392 : i1
      %parallel_loop3A_394 = arith.constant 1 : i32
      %parallel_loop3A_395 = arith.subi %parallel_loop3A_374, %parallel_loop3A_394 : i32
      %parallel_loop3A_396 = arith.select %parallel_loop3A_393, %parallel_loop3A_395, %parallel_loop3A_374 : i32
      %parallel_loop3A_397 = arith.constant 32 : i32
      %parallel_loop3A_398 = arith.constant 0 : i32
      %parallel_loop3A_399 = arith.cmpi eq, %parallel_loop3A_397, %parallel_loop3A_398 : i32
      %parallel_loop3A_400 = arith.constant 1 : i32
      %parallel_loop3A_401 = arith.select %parallel_loop3A_399, %parallel_loop3A_400, %parallel_loop3A_397 : i32
      %parallel_loop3A_402 = arith.remsi %parallel_loop3A_372, %parallel_loop3A_401 : i32
      %parallel_loop3A_403 = arith.constant 0 : i32
      %parallel_loop3A_404 = arith.cmpi ne, %parallel_loop3A_402, %parallel_loop3A_403 : i32
      %parallel_loop3A_405 = arith.constant 0 : i32
      %parallel_loop3A_406 = arith.cmpi slt, %parallel_loop3A_402, %parallel_loop3A_405 : i32
      %parallel_loop3A_407 = arith.constant 0 : i32
      %parallel_loop3A_408 = arith.cmpi slt, %parallel_loop3A_401, %parallel_loop3A_407 : i32
      %parallel_loop3A_409 = arith.xori %parallel_loop3A_406, %parallel_loop3A_408 : i1
      %parallel_loop3A_410 = arith.andi %parallel_loop3A_409, %parallel_loop3A_404 : i1
      %parallel_loop3A_411 = arith.addi %parallel_loop3A_402, %parallel_loop3A_401 : i32
      %parallel_loop3A_412 = arith.select %parallel_loop3A_410, %parallel_loop3A_411, %parallel_loop3A_402 : i32
      %parallel_loop3A_413 = arith.constant 16 : i32
      %parallel_loop3A_414 = arith.muli %parallel_loop3A_412, %parallel_loop3A_413 : i32
      %parallel_loop3A_415 = vector.broadcast %parallel_loop3A_396 : i32 to vector<16xi32>
      %parallel_loop3A_416 = arith.index_cast %parallel_loop3A_414 : i32 to index
      %parallel_loop3A_417 = tpu.vector_load %arg13[%parallel_loop3A_416] {strides = array<i32>} : memref<512xi32, #tpu.memory_space<vmem>>, vector<16xi32>,
      %parallel_loop3A_418 = tpu.vector_load_idx %arg7[%parallel_loop3A_415, %parallel_loop3A_417] : memref<8x4096xf32, #tpu.memory_space<vmem>>[vector<16xi32>, vector<16xi32>], vector<16xf32>,
      %parallel_loop3A_419 = arith.index_cast %parallel_loop3A_414 : i32 to index
      %parallel_loop3A_420 = tpu.vector_load %arg14[%parallel_loop3A_419] {strides = array<i32>} : memref<512xi32, #tpu.memory_space<vmem>>, vector<16xi32>,
      %parallel_loop3A_421 = arith.index_cast %parallel_loop3A_414 : i32 to index
      %parallel_loop3A_422 = tpu.vector_load %arg12[%parallel_loop3A_421] {strides = array<i32>} : memref<512xf32, #tpu.memory_space<vmem>>, vector<16xf32>,
      %parallel_loop3A_423 = arith.mulf %parallel_loop3A_418, %parallel_loop3A_422 : vector<16xf32>
      tpu.vector_store_idx %arg10[%parallel_loop3A_415, %parallel_loop3A_420], %parallel_loop3A_423 : memref<8x1024xf32, #tpu.memory_space<vmem>>[vector<16xi32>, vector<16xi32>], vector<16xf32>,
    } {sc.loop_unroll_factor = 4 : i64, sc.parallel_access}
    %add3A_301 = arith.constant 96 : i32
    %add3A_302 = arith.addi %mul3A_2, %add3A_301 : i32
    %dma_start3A_303 = arith.constant 0 : i32
    %dma_start3A_304 = tpu.memref_slice %arg6[%add3A_302, %dma_start3A_303] : memref<4096x1024xf32, #tpu.memory_space<hbm>> -> memref<8x1024xf32, #tpu.memory_space<hbm>>
    %dma_start3A_305 = arith.constant 0 : i32
    %dma_start3A_306 = tpu.memref_slice %arg6[%add3A_302, %dma_start3A_305] : memref<4096x1024xf32, #tpu.memory_space<hbm>> -> memref<8x1024xf32, #tpu.memory_space<hbm>>
    tpu.enqueue_dma source(%arg10 : memref<8x1024xf32, #tpu.memory_space<vmem>>) target(%dma_start3A_306 : memref<8x1024xf32, #tpu.memory_space<hbm>>) target_semaphore(%arg18 : memref<!tpu.dma_semaphore, #tpu.memory_space<semaphore_mem>>)
    %add3A_307 = arith.constant 120 : i32
    %add3A_308 = arith.addi %mul3A_2, %add3A_307 : i32
    %dma_start3A_309 = arith.constant 0 : i32
    %dma_start3A_310 = tpu.memref_slice %arg2[%add3A_308, %dma_start3A_309] : memref<4096x4096xf32, #tpu.memory_space<hbm>> -> memref<8x4096xf32, #tpu.memory_space<hbm>>
    %dma_start3A_311 = arith.constant 0 : i32
    %dma_start3A_312 = tpu.memref_slice %arg2[%add3A_308, %dma_start3A_311] : memref<4096x4096xf32, #tpu.memory_space<hbm>> -> memref<8x4096xf32, #tpu.memory_space<hbm>>
    tpu.enqueue_dma source(%dma_start3A_312 : memref<8x4096xf32, #tpu.memory_space<hbm>>) target(%arg7 : memref<8x4096xf32, #tpu.memory_space<vmem>>) target_semaphore(%arg15 : memref<!tpu.dma_semaphore, #tpu.memory_space<semaphore_mem>>)
    %dma_wait3A_313 = arith.constant 0 : i32
    %dma_wait3A_314 = tpu.memref_slice %arg2[%add3A_262, %dma_wait3A_313] : memref<4096x4096xf32, #tpu.memory_space<hbm>> -> memref<8x4096xf32, #tpu.memory_space<hbm>>
    %dma_wait3A_315 = arith.constant 0 : i32
    %dma_wait3A_316 = tpu.memref_slice %arg2[%add3A_262, %dma_wait3A_315] : memref<4096x4096xf32, #tpu.memory_space<hbm>> -> memref<8x4096xf32, #tpu.memory_space<hbm>>
    tpu.wait_dma2 semaphore(%arg16 : memref<!tpu.dma_semaphore, #tpu.memory_space<semaphore_mem>>) src(%dma_wait3A_316 : memref<8x4096xf32, #tpu.memory_space<hbm>>) dst(%arg8 : memref<8x4096xf32, #tpu.memory_space<vmem>>)
    %dma_wait3A_317 = arith.constant 0 : i32
    %dma_wait3A_318 = tpu.memref_slice %arg6[%add3A_279, %dma_wait3A_317] : memref<4096x1024xf32, #tpu.memory_space<hbm>> -> memref<8x1024xf32, #tpu.memory_space<hbm>>
    %dma_wait3A_319 = arith.constant 0 : i32
    %dma_wait3A_320 = tpu.memref_slice %arg6[%add3A_279, %dma_wait3A_319] : memref<4096x1024xf32, #tpu.memory_space<hbm>> -> memref<8x1024xf32, #tpu.memory_space<hbm>>
    tpu.wait_dma2 semaphore(%arg19 : memref<!tpu.dma_semaphore, #tpu.memory_space<semaphore_mem>>) src(%arg11 : memref<8x1024xf32, #tpu.memory_space<vmem>>) dst(%dma_wait3A_320 : memref<8x1024xf32, #tpu.memory_space<hbm>>)
    %parallel_loop3A_321 = arith.constant 0 : i32
    %parallel_loop3A_322 = arith.constant 256 : i32
    %parallel_loop3A_323 = arith.constant 1 : i32
    scf.for %parallel_loop3A_372 = %parallel_loop3A_321 to %parallel_loop3A_322 step %parallel_loop3A_323  : i32 {
      %parallel_loop3A_373 = arith.constant 32 : i32
      %parallel_loop3A_374 = arith.divsi %parallel_loop3A_372, %parallel_loop3A_373 : i32
      %parallel_loop3A_375 = arith.constant 0 : i32
      %parallel_loop3A_376 = arith.cmpi sgt, %parallel_loop3A_372, %parallel_loop3A_375 : i32
      %parallel_loop3A_377 = arith.extui %parallel_loop3A_376 : i1 to i32
      %parallel_loop3A_378 = arith.constant 0 : i32
      %parallel_loop3A_379 = arith.cmpi slt, %parallel_loop3A_372, %parallel_loop3A_378 : i32
      %parallel_loop3A_380 = arith.extui %parallel_loop3A_379 : i1 to i32
      %parallel_loop3A_381 = arith.subi %parallel_loop3A_377, %parallel_loop3A_380 : i32
      %parallel_loop3A_382 = arith.constant 0 : i32
      %parallel_loop3A_383 = arith.cmpi sgt, %parallel_loop3A_373, %parallel_loop3A_382 : i32
      %parallel_loop3A_384 = arith.extui %parallel_loop3A_383 : i1 to i32
      %parallel_loop3A_385 = arith.constant 0 : i32
      %parallel_loop3A_386 = arith.cmpi slt, %parallel_loop3A_373, %parallel_loop3A_385 : i32
      %parallel_loop3A_387 = arith.extui %parallel_loop3A_386 : i1 to i32
      %parallel_loop3A_388 = arith.subi %parallel_loop3A_384, %parallel_loop3A_387 : i32
      %parallel_loop3A_389 = arith.cmpi ne, %parallel_loop3A_381, %parallel_loop3A_388 : i32
      %parallel_loop3A_390 = arith.remsi %parallel_loop3A_372, %parallel_loop3A_373 : i32
      %parallel_loop3A_391 = arith.constant 0 : i32
      %parallel_loop3A_392 = arith.cmpi ne, %parallel_loop3A_390, %parallel_loop3A_391 : i32
      %parallel_loop3A_393 = arith.andi %parallel_loop3A_389, %parallel_loop3A_392 : i1
      %parallel_loop3A_394 = arith.constant 1 : i32
      %parallel_loop3A_395 = arith.subi %parallel_loop3A_374, %parallel_loop3A_394 : i32
      %parallel_loop3A_396 = arith.select %parallel_loop3A_393, %parallel_loop3A_395, %parallel_loop3A_374 : i32
      %parallel_loop3A_397 = arith.constant 32 : i32
      %parallel_loop3A_398 = arith.constant 0 : i32
      %parallel_loop3A_399 = arith.cmpi eq, %parallel_loop3A_397, %parallel_loop3A_398 : i32
      %parallel_loop3A_400 = arith.constant 1 : i32
      %parallel_loop3A_401 = arith.select %parallel_loop3A_399, %parallel_loop3A_400, %parallel_loop3A_397 : i32
      %parallel_loop3A_402 = arith.remsi %parallel_loop3A_372, %parallel_loop3A_401 : i32
      %parallel_loop3A_403 = arith.constant 0 : i32
      %parallel_loop3A_404 = arith.cmpi ne, %parallel_loop3A_402, %parallel_loop3A_403 : i32
      %parallel_loop3A_405 = arith.constant 0 : i32
      %parallel_loop3A_406 = arith.cmpi slt, %parallel_loop3A_402, %parallel_loop3A_405 : i32
      %parallel_loop3A_407 = arith.constant 0 : i32
      %parallel_loop3A_408 = arith.cmpi slt, %parallel_loop3A_401, %parallel_loop3A_407 : i32
      %parallel_loop3A_409 = arith.xori %parallel_loop3A_406, %parallel_loop3A_408 : i1
      %parallel_loop3A_410 = arith.andi %parallel_loop3A_409, %parallel_loop3A_404 : i1
      %parallel_loop3A_411 = arith.addi %parallel_loop3A_402, %parallel_loop3A_401 : i32
      %parallel_loop3A_412 = arith.select %parallel_loop3A_410, %parallel_loop3A_411, %parallel_loop3A_402 : i32
      %parallel_loop3A_413 = arith.constant 16 : i32
      %parallel_loop3A_414 = arith.muli %parallel_loop3A_412, %parallel_loop3A_413 : i32
      %parallel_loop3A_415 = vector.broadcast %parallel_loop3A_396 : i32 to vector<16xi32>
      %parallel_loop3A_416 = arith.index_cast %parallel_loop3A_414 : i32 to index
      %parallel_loop3A_417 = tpu.vector_load %arg13[%parallel_loop3A_416] {strides = array<i32>} : memref<512xi32, #tpu.memory_space<vmem>>, vector<16xi32>,
      %parallel_loop3A_418 = tpu.vector_load_idx %arg8[%parallel_loop3A_415, %parallel_loop3A_417] : memref<8x4096xf32, #tpu.memory_space<vmem>>[vector<16xi32>, vector<16xi32>], vector<16xf32>,
      %parallel_loop3A_419 = arith.index_cast %parallel_loop3A_414 : i32 to index
      %parallel_loop3A_420 = tpu.vector_load %arg14[%parallel_loop3A_419] {strides = array<i32>} : memref<512xi32, #tpu.memory_space<vmem>>, vector<16xi32>,
      %parallel_loop3A_421 = arith.index_cast %parallel_loop3A_414 : i32 to index
      %parallel_loop3A_422 = tpu.vector_load %arg12[%parallel_loop3A_421] {strides = array<i32>} : memref<512xf32, #tpu.memory_space<vmem>>, vector<16xf32>,
      %parallel_loop3A_423 = arith.mulf %parallel_loop3A_418, %parallel_loop3A_422 : vector<16xf32>
      tpu.vector_store_idx %arg11[%parallel_loop3A_415, %parallel_loop3A_420], %parallel_loop3A_423 : memref<8x1024xf32, #tpu.memory_space<vmem>>[vector<16xi32>, vector<16xi32>], vector<16xf32>,
    } {sc.loop_unroll_factor = 4 : i64, sc.parallel_access}
    %add3A_324 = arith.constant 104 : i32
    %add3A_325 = arith.addi %mul3A_2, %add3A_324 : i32
    %dma_start3A_326 = arith.constant 0 : i32
    %dma_start3A_327 = tpu.memref_slice %arg6[%add3A_325, %dma_start3A_326] : memref<4096x1024xf32, #tpu.memory_space<hbm>> -> memref<8x1024xf32, #tpu.memory_space<hbm>>
    %dma_start3A_328 = arith.constant 0 : i32
    %dma_start3A_329 = tpu.memref_slice %arg6[%add3A_325, %dma_start3A_328] : memref<4096x1024xf32, #tpu.memory_space<hbm>> -> memref<8x1024xf32, #tpu.memory_space<hbm>>
    tpu.enqueue_dma source(%arg11 : memref<8x1024xf32, #tpu.memory_space<vmem>>) target(%dma_start3A_329 : memref<8x1024xf32, #tpu.memory_space<hbm>>) target_semaphore(%arg19 : memref<!tpu.dma_semaphore, #tpu.memory_space<semaphore_mem>>)
    %dma_wait3A_330 = arith.constant 0 : i32
    %dma_wait3A_331 = tpu.memref_slice %arg2[%add3A_285, %dma_wait3A_330] : memref<4096x4096xf32, #tpu.memory_space<hbm>> -> memref<8x4096xf32, #tpu.memory_space<hbm>>
    %dma_wait3A_332 = arith.constant 0 : i32
    %dma_wait3A_333 = tpu.memref_slice %arg2[%add3A_285, %dma_wait3A_332] : memref<4096x4096xf32, #tpu.memory_space<hbm>> -> memref<8x4096xf32, #tpu.memory_space<hbm>>
    tpu.wait_dma2 semaphore(%arg17 : memref<!tpu.dma_semaphore, #tpu.memory_space<semaphore_mem>>) src(%dma_wait3A_333 : memref<8x4096xf32, #tpu.memory_space<hbm>>) dst(%arg9 : memref<8x4096xf32, #tpu.memory_space<vmem>>)
    %dma_wait3A_334 = arith.constant 0 : i32
    %dma_wait3A_335 = tpu.memref_slice %arg6[%add3A_302, %dma_wait3A_334] : memref<4096x1024xf32, #tpu.memory_space<hbm>> -> memref<8x1024xf32, #tpu.memory_space<hbm>>
    %dma_wait3A_336 = arith.constant 0 : i32
    %dma_wait3A_337 = tpu.memref_slice %arg6[%add3A_302, %dma_wait3A_336] : memref<4096x1024xf32, #tpu.memory_space<hbm>> -> memref<8x1024xf32, #tpu.memory_space<hbm>>
    tpu.wait_dma2 semaphore(%arg18 : memref<!tpu.dma_semaphore, #tpu.memory_space<semaphore_mem>>) src(%arg10 : memref<8x1024xf32, #tpu.memory_space<vmem>>) dst(%dma_wait3A_337 : memref<8x1024xf32, #tpu.memory_space<hbm>>)
    %parallel_loop3A_338 = arith.constant 0 : i32
    %parallel_loop3A_339 = arith.constant 256 : i32
    %parallel_loop3A_340 = arith.constant 1 : i32
    scf.for %parallel_loop3A_372 = %parallel_loop3A_338 to %parallel_loop3A_339 step %parallel_loop3A_340  : i32 {
      %parallel_loop3A_373 = arith.constant 32 : i32
      %parallel_loop3A_374 = arith.divsi %parallel_loop3A_372, %parallel_loop3A_373 : i32
      %parallel_loop3A_375 = arith.constant 0 : i32
      %parallel_loop3A_376 = arith.cmpi sgt, %parallel_loop3A_372, %parallel_loop3A_375 : i32
      %parallel_loop3A_377 = arith.extui %parallel_loop3A_376 : i1 to i32
      %parallel_loop3A_378 = arith.constant 0 : i32
      %parallel_loop3A_379 = arith.cmpi slt, %parallel_loop3A_372, %parallel_loop3A_378 : i32
      %parallel_loop3A_380 = arith.extui %parallel_loop3A_379 : i1 to i32
      %parallel_loop3A_381 = arith.subi %parallel_loop3A_377, %parallel_loop3A_380 : i32
      %parallel_loop3A_382 = arith.constant 0 : i32
      %parallel_loop3A_383 = arith.cmpi sgt, %parallel_loop3A_373, %parallel_loop3A_382 : i32
      %parallel_loop3A_384 = arith.extui %parallel_loop3A_383 : i1 to i32
      %parallel_loop3A_385 = arith.constant 0 : i32
      %parallel_loop3A_386 = arith.cmpi slt, %parallel_loop3A_373, %parallel_loop3A_385 : i32
      %parallel_loop3A_387 = arith.extui %parallel_loop3A_386 : i1 to i32
      %parallel_loop3A_388 = arith.subi %parallel_loop3A_384, %parallel_loop3A_387 : i32
      %parallel_loop3A_389 = arith.cmpi ne, %parallel_loop3A_381, %parallel_loop3A_388 : i32
      %parallel_loop3A_390 = arith.remsi %parallel_loop3A_372, %parallel_loop3A_373 : i32
      %parallel_loop3A_391 = arith.constant 0 : i32
      %parallel_loop3A_392 = arith.cmpi ne, %parallel_loop3A_390, %parallel_loop3A_391 : i32
      %parallel_loop3A_393 = arith.andi %parallel_loop3A_389, %parallel_loop3A_392 : i1
      %parallel_loop3A_394 = arith.constant 1 : i32
      %parallel_loop3A_395 = arith.subi %parallel_loop3A_374, %parallel_loop3A_394 : i32
      %parallel_loop3A_396 = arith.select %parallel_loop3A_393, %parallel_loop3A_395, %parallel_loop3A_374 : i32
      %parallel_loop3A_397 = arith.constant 32 : i32
      %parallel_loop3A_398 = arith.constant 0 : i32
      %parallel_loop3A_399 = arith.cmpi eq, %parallel_loop3A_397, %parallel_loop3A_398 : i32
      %parallel_loop3A_400 = arith.constant 1 : i32
      %parallel_loop3A_401 = arith.select %parallel_loop3A_399, %parallel_loop3A_400, %parallel_loop3A_397 : i32
      %parallel_loop3A_402 = arith.remsi %parallel_loop3A_372, %parallel_loop3A_401 : i32
      %parallel_loop3A_403 = arith.constant 0 : i32
      %parallel_loop3A_404 = arith.cmpi ne, %parallel_loop3A_402, %parallel_loop3A_403 : i32
      %parallel_loop3A_405 = arith.constant 0 : i32
      %parallel_loop3A_406 = arith.cmpi slt, %parallel_loop3A_402, %parallel_loop3A_405 : i32
      %parallel_loop3A_407 = arith.constant 0 : i32
      %parallel_loop3A_408 = arith.cmpi slt, %parallel_loop3A_401, %parallel_loop3A_407 : i32
      %parallel_loop3A_409 = arith.xori %parallel_loop3A_406, %parallel_loop3A_408 : i1
      %parallel_loop3A_410 = arith.andi %parallel_loop3A_409, %parallel_loop3A_404 : i1
      %parallel_loop3A_411 = arith.addi %parallel_loop3A_402, %parallel_loop3A_401 : i32
      %parallel_loop3A_412 = arith.select %parallel_loop3A_410, %parallel_loop3A_411, %parallel_loop3A_402 : i32
      %parallel_loop3A_413 = arith.constant 16 : i32
      %parallel_loop3A_414 = arith.muli %parallel_loop3A_412, %parallel_loop3A_413 : i32
      %parallel_loop3A_415 = vector.broadcast %parallel_loop3A_396 : i32 to vector<16xi32>
      %parallel_loop3A_416 = arith.index_cast %parallel_loop3A_414 : i32 to index
      %parallel_loop3A_417 = tpu.vector_load %arg13[%parallel_loop3A_416] {strides = array<i32>} : memref<512xi32, #tpu.memory_space<vmem>>, vector<16xi32>,
      %parallel_loop3A_418 = tpu.vector_load_idx %arg9[%parallel_loop3A_415, %parallel_loop3A_417] : memref<8x4096xf32, #tpu.memory_space<vmem>>[vector<16xi32>, vector<16xi32>], vector<16xf32>,
      %parallel_loop3A_419 = arith.index_cast %parallel_loop3A_414 : i32 to index
      %parallel_loop3A_420 = tpu.vector_load %arg14[%parallel_loop3A_419] {strides = array<i32>} : memref<512xi32, #tpu.memory_space<vmem>>, vector<16xi32>,
      %parallel_loop3A_421 = arith.index_cast %parallel_loop3A_414 : i32 to index
      %parallel_loop3A_422 = tpu.vector_load %arg12[%parallel_loop3A_421] {strides = array<i32>} : memref<512xf32, #tpu.memory_space<vmem>>, vector<16xf32>,
      %parallel_loop3A_423 = arith.mulf %parallel_loop3A_418, %parallel_loop3A_422 : vector<16xf32>
      tpu.vector_store_idx %arg10[%parallel_loop3A_415, %parallel_loop3A_420], %parallel_loop3A_423 : memref<8x1024xf32, #tpu.memory_space<vmem>>[vector<16xi32>, vector<16xi32>], vector<16xf32>,
    } {sc.loop_unroll_factor = 4 : i64, sc.parallel_access}
    %add3A_341 = arith.constant 112 : i32
    %add3A_342 = arith.addi %mul3A_2, %add3A_341 : i32
    %dma_start3A_343 = arith.constant 0 : i32
    %dma_start3A_344 = tpu.memref_slice %arg6[%add3A_342, %dma_start3A_343] : memref<4096x1024xf32, #tpu.memory_space<hbm>> -> memref<8x1024xf32, #tpu.memory_space<hbm>>
    %dma_start3A_345 = arith.constant 0 : i32
    %dma_start3A_346 = tpu.memref_slice %arg6[%add3A_342, %dma_start3A_345] : memref<4096x1024xf32, #tpu.memory_space<hbm>> -> memref<8x1024xf32, #tpu.memory_space<hbm>>
    tpu.enqueue_dma source(%arg10 : memref<8x1024xf32, #tpu.memory_space<vmem>>) target(%dma_start3A_346 : memref<8x1024xf32, #tpu.memory_space<hbm>>) target_semaphore(%arg18 : memref<!tpu.dma_semaphore, #tpu.memory_space<semaphore_mem>>)
    %dma_wait3A_347 = arith.constant 0 : i32
    %dma_wait3A_348 = tpu.memref_slice %arg2[%add3A_308, %dma_wait3A_347] : memref<4096x4096xf32, #tpu.memory_space<hbm>> -> memref<8x4096xf32, #tpu.memory_space<hbm>>
    %dma_wait3A_349 = arith.constant 0 : i32
    %dma_wait3A_350 = tpu.memref_slice %arg2[%add3A_308, %dma_wait3A_349] : memref<4096x4096xf32, #tpu.memory_space<hbm>> -> memref<8x4096xf32, #tpu.memory_space<hbm>>
    tpu.wait_dma2 semaphore(%arg15 : memref<!tpu.dma_semaphore, #tpu.memory_space<semaphore_mem>>) src(%dma_wait3A_350 : memref<8x4096xf32, #tpu.memory_space<hbm>>) dst(%arg7 : memref<8x4096xf32, #tpu.memory_space<vmem>>)
    %dma_wait3A_351 = arith.constant 0 : i32
    %dma_wait3A_352 = tpu.memref_slice %arg6[%add3A_325, %dma_wait3A_351] : memref<4096x1024xf32, #tpu.memory_space<hbm>> -> memref<8x1024xf32, #tpu.memory_space<hbm>>
    %dma_wait3A_353 = arith.constant 0 : i32
    %dma_wait3A_354 = tpu.memref_slice %arg6[%add3A_325, %dma_wait3A_353] : memref<4096x1024xf32, #tpu.memory_space<hbm>> -> memref<8x1024xf32, #tpu.memory_space<hbm>>
    tpu.wait_dma2 semaphore(%arg19 : memref<!tpu.dma_semaphore, #tpu.memory_space<semaphore_mem>>) src(%arg11 : memref<8x1024xf32, #tpu.memory_space<vmem>>) dst(%dma_wait3A_354 : memref<8x1024xf32, #tpu.memory_space<hbm>>)
    %parallel_loop3A_355 = arith.constant 0 : i32
    %parallel_loop3A_356 = arith.constant 256 : i32
    %parallel_loop3A_357 = arith.constant 1 : i32
    scf.for %parallel_loop3A_372 = %parallel_loop3A_355 to %parallel_loop3A_356 step %parallel_loop3A_357  : i32 {
      %parallel_loop3A_373 = arith.constant 32 : i32
      %parallel_loop3A_374 = arith.divsi %parallel_loop3A_372, %parallel_loop3A_373 : i32
      %parallel_loop3A_375 = arith.constant 0 : i32
      %parallel_loop3A_376 = arith.cmpi sgt, %parallel_loop3A_372, %parallel_loop3A_375 : i32
      %parallel_loop3A_377 = arith.extui %parallel_loop3A_376 : i1 to i32
      %parallel_loop3A_378 = arith.constant 0 : i32
      %parallel_loop3A_379 = arith.cmpi slt, %parallel_loop3A_372, %parallel_loop3A_378 : i32
      %parallel_loop3A_380 = arith.extui %parallel_loop3A_379 : i1 to i32
      %parallel_loop3A_381 = arith.subi %parallel_loop3A_377, %parallel_loop3A_380 : i32
      %parallel_loop3A_382 = arith.constant 0 : i32
      %parallel_loop3A_383 = arith.cmpi sgt, %parallel_loop3A_373, %parallel_loop3A_382 : i32
      %parallel_loop3A_384 = arith.extui %parallel_loop3A_383 : i1 to i32
      %parallel_loop3A_385 = arith.constant 0 : i32
      %parallel_loop3A_386 = arith.cmpi slt, %parallel_loop3A_373, %parallel_loop3A_385 : i32
      %parallel_loop3A_387 = arith.extui %parallel_loop3A_386 : i1 to i32
      %parallel_loop3A_388 = arith.subi %parallel_loop3A_384, %parallel_loop3A_387 : i32
      %parallel_loop3A_389 = arith.cmpi ne, %parallel_loop3A_381, %parallel_loop3A_388 : i32
      %parallel_loop3A_390 = arith.remsi %parallel_loop3A_372, %parallel_loop3A_373 : i32
      %parallel_loop3A_391 = arith.constant 0 : i32
      %parallel_loop3A_392 = arith.cmpi ne, %parallel_loop3A_390, %parallel_loop3A_391 : i32
      %parallel_loop3A_393 = arith.andi %parallel_loop3A_389, %parallel_loop3A_392 : i1
      %parallel_loop3A_394 = arith.constant 1 : i32
      %parallel_loop3A_395 = arith.subi %parallel_loop3A_374, %parallel_loop3A_394 : i32
      %parallel_loop3A_396 = arith.select %parallel_loop3A_393, %parallel_loop3A_395, %parallel_loop3A_374 : i32
      %parallel_loop3A_397 = arith.constant 32 : i32
      %parallel_loop3A_398 = arith.constant 0 : i32
      %parallel_loop3A_399 = arith.cmpi eq, %parallel_loop3A_397, %parallel_loop3A_398 : i32
      %parallel_loop3A_400 = arith.constant 1 : i32
      %parallel_loop3A_401 = arith.select %parallel_loop3A_399, %parallel_loop3A_400, %parallel_loop3A_397 : i32
      %parallel_loop3A_402 = arith.remsi %parallel_loop3A_372, %parallel_loop3A_401 : i32
      %parallel_loop3A_403 = arith.constant 0 : i32
      %parallel_loop3A_404 = arith.cmpi ne, %parallel_loop3A_402, %parallel_loop3A_403 : i32
      %parallel_loop3A_405 = arith.constant 0 : i32
      %parallel_loop3A_406 = arith.cmpi slt, %parallel_loop3A_402, %parallel_loop3A_405 : i32
      %parallel_loop3A_407 = arith.constant 0 : i32
      %parallel_loop3A_408 = arith.cmpi slt, %parallel_loop3A_401, %parallel_loop3A_407 : i32
      %parallel_loop3A_409 = arith.xori %parallel_loop3A_406, %parallel_loop3A_408 : i1
      %parallel_loop3A_410 = arith.andi %parallel_loop3A_409, %parallel_loop3A_404 : i1
      %parallel_loop3A_411 = arith.addi %parallel_loop3A_402, %parallel_loop3A_401 : i32
      %parallel_loop3A_412 = arith.select %parallel_loop3A_410, %parallel_loop3A_411, %parallel_loop3A_402 : i32
      %parallel_loop3A_413 = arith.constant 16 : i32
      %parallel_loop3A_414 = arith.muli %parallel_loop3A_412, %parallel_loop3A_413 : i32
      %parallel_loop3A_415 = vector.broadcast %parallel_loop3A_396 : i32 to vector<16xi32>
      %parallel_loop3A_416 = arith.index_cast %parallel_loop3A_414 : i32 to index
      %parallel_loop3A_417 = tpu.vector_load %arg13[%parallel_loop3A_416] {strides = array<i32>} : memref<512xi32, #tpu.memory_space<vmem>>, vector<16xi32>,
      %parallel_loop3A_418 = tpu.vector_load_idx %arg7[%parallel_loop3A_415, %parallel_loop3A_417] : memref<8x4096xf32, #tpu.memory_space<vmem>>[vector<16xi32>, vector<16xi32>], vector<16xf32>,
      %parallel_loop3A_419 = arith.index_cast %parallel_loop3A_414 : i32 to index
      %parallel_loop3A_420 = tpu.vector_load %arg14[%parallel_loop3A_419] {strides = array<i32>} : memref<512xi32, #tpu.memory_space<vmem>>, vector<16xi32>,
      %parallel_loop3A_421 = arith.index_cast %parallel_loop3A_414 : i32 to index
      %parallel_loop3A_422 = tpu.vector_load %arg12[%parallel_loop3A_421] {strides = array<i32>} : memref<512xf32, #tpu.memory_space<vmem>>, vector<16xf32>,
      %parallel_loop3A_423 = arith.mulf %parallel_loop3A_418, %parallel_loop3A_422 : vector<16xf32>
      tpu.vector_store_idx %arg11[%parallel_loop3A_415, %parallel_loop3A_420], %parallel_loop3A_423 : memref<8x1024xf32, #tpu.memory_space<vmem>>[vector<16xi32>, vector<16xi32>], vector<16xf32>,
    } {sc.loop_unroll_factor = 4 : i64, sc.parallel_access}
    %add3A_358 = arith.constant 120 : i32
    %add3A_359 = arith.addi %mul3A_2, %add3A_358 : i32
    %dma_start3A_360 = arith.constant 0 : i32
    %dma_start3A_361 = tpu.memref_slice %arg6[%add3A_359, %dma_start3A_360] : memref<4096x1024xf32, #tpu.memory_space<hbm>> -> memref<8x1024xf32, #tpu.memory_space<hbm>>
    %dma_start3A_362 = arith.constant 0 : i32
    %dma_start3A_363 = tpu.memref_slice %arg6[%add3A_359, %dma_start3A_362] : memref<4096x1024xf32, #tpu.memory_space<hbm>> -> memref<8x1024xf32, #tpu.memory_space<hbm>>
    tpu.enqueue_dma source(%arg11 : memref<8x1024xf32, #tpu.memory_space<vmem>>) target(%dma_start3A_363 : memref<8x1024xf32, #tpu.memory_space<hbm>>) target_semaphore(%arg19 : memref<!tpu.dma_semaphore, #tpu.memory_space<semaphore_mem>>)
    %dma_wait3A_364 = arith.constant 0 : i32
    %dma_wait3A_365 = tpu.memref_slice %arg6[%add3A_342, %dma_wait3A_364] : memref<4096x1024xf32, #tpu.memory_space<hbm>> -> memref<8x1024xf32, #tpu.memory_space<hbm>>
    %dma_wait3A_366 = arith.constant 0 : i32
    %dma_wait3A_367 = tpu.memref_slice %arg6[%add3A_342, %dma_wait3A_366] : memref<4096x1024xf32, #tpu.memory_space<hbm>> -> memref<8x1024xf32, #tpu.memory_space<hbm>>
    tpu.wait_dma2 semaphore(%arg18 : memref<!tpu.dma_semaphore, #tpu.memory_space<semaphore_mem>>) src(%arg10 : memref<8x1024xf32, #tpu.memory_space<vmem>>) dst(%dma_wait3A_367 : memref<8x1024xf32, #tpu.memory_space<hbm>>)
    %dma_wait3A_368 = arith.constant 0 : i32
    %dma_wait3A_369 = tpu.memref_slice %arg6[%add3A_359, %dma_wait3A_368] : memref<4096x1024xf32, #tpu.memory_space<hbm>> -> memref<8x1024xf32, #tpu.memory_space<hbm>>
    %dma_wait3A_370 = arith.constant 0 : i32
    %dma_wait3A_371 = tpu.memref_slice %arg6[%add3A_359, %dma_wait3A_370] : memref<4096x1024xf32, #tpu.memory_space<hbm>> -> memref<8x1024xf32, #tpu.memory_space<hbm>>
    tpu.wait_dma2 semaphore(%arg19 : memref<!tpu.dma_semaphore, #tpu.memory_space<semaphore_mem>>) src(%arg11 : memref<8x1024xf32, #tpu.memory_space<vmem>>) dst(%dma_wait3A_371 : memref<8x1024xf32, #tpu.memory_space<hbm>>)
    return
  }
}

</mosaic_0001>

<sc_bundles>
// kernel: _sc_spmm.3.cloned.1.call-start
scs
__scs_entry_jumppad:
0x0: {  	(pc) =	sbr.rel $0x88, $3  }
0x1: {  	(tag) =	ssettag $0x0;
	lr =	simm.s32 $0x1  }
0x2: {  	[smem:$0x3F9D] =	sst lr;
	_ =	strace $0xD0000000  }
0x3: {  	_ = 	snop  }
0x4: {  	_ = 	snop  }
0x5: {  	_ = 	snop  }
0x6: {  	_ = 	snop  }
0x7: {  	_ = 	snop  }
__scs_overlays_trampoline_lowered:
0x8: {  	[smem:$0x3FAC] =	sst s0  }
0x9: {  	[smem:$0x3FAD] =	sst s1  }
0xa: {  	[smem:$0x3FAE] =	sst s2  }
0xb: {  	[smem:$0x3FAF] =	sst s3  }
0xc: {  	[smem:$0x3FB0] =	sst s4  }
0xd: {  	[smem:$0x3FB1] =	sst s5  }
0xe: {  	[smem:$0x3FB2] =	sst s6  }
0xf: {  	[smem:$0x3FB3] =	sst s7  }
0x10: {  	[smem:$0x3FB4] =	sst s8  }
0x11: {  	[smem:$0x3FB5] =	sst s9;
	s0 =	simm.s32 @!p0 $0x0  }
0x12: {  	s1 =	sld [smem:$0x3F9B];
	s0 =	simm.s32 @p0 $0x1  }
0x13: {  	[smem:$0x3FB6] =	sst s0;
	s0 =	simm.s32 @!p1 $0x0  }
0x14: {  	s2 =	sld [smem:$0x3F9A];
	s0 =	simm.s32 @p1 $0x1  }
0x15: {  	[smem:$0x3FB7] =	sst s0;
	s0 =	simm.s32 @!p2 $0x0  }
0x16: {  	s3 =	sld [smem:$0x3FDB];
	s0 =	simm.s32 @p2 $0x1  }
0x17: {  	s4 =	simm.s32 $0x1BF5;
	[smem:$0x3FB9] =	sst s0  }
0x18: {  	s0 =	sld [smem:$0x3F9C];
	_ =	swait.ge [sflag:s4], $0x0  }
0x19: {  	s7 =	sld [smem:$0x3F9D]  }
0x1a: {  	s8 =	sadd.s32 $0xFFFFE003, lr  }
0x1b: {  	s9 =	sadd.s32 $0xFFFFFEF7, lr;
	s5 =	simm.s32 $0xFFFFFFFF;
	p2 =	slt.u32 s8, $0xFFFFF086  }
0x1c: {  	p1 =	slt.u32 s9, $0xF7A;
	s5 =	simm.s32 @!p2 $0x0  }
0x1d: {  	s5 =	simm.s32 @p1 $0x1;
	p0 =	seq.s32 s7, s2  }
0x1e: {  	s7 =	smul.u32 @!p0 $0xF7A, s2;
	p2 =	seq.s32 @!p0 s5, $0x0  }
0x1f: {  	s9 =	smul.u32 $0xF7A, s1;
	s8 =	simm.s32 @!p0 $0x1BF5;
	p2 =	por !p2, p0  }
0x20: {  	[sflag:s8] =	ssyncset.s32 @!p0 $0xFFFFF086;
	s6 =	sadd.s32 @!p0 s3, s7;
	s7 =	simm.s32 @!p0 $0x108  }
0x21: {  	s3 =	sadd.s32 s3, s9;
	s6 =	sadd.s32 @!p0 $0x88, s6;
	s7 =	simm.s32 @p2 $0x1082  }
0x22: {  	[simem:s7], [sflag:s8] =	dma.local @!p0 [hbm:s6], $0xF7A  }
0x23: {  	s9 =	sor.u32 $0xD0000000, s2;
	s6 =	simm.s32 $0x108;
	_ =	swait.ge @!p0 [sflag:s8], $0x0  }
0x24: {  	s3 =	sadd.s32 $0x88, s3;
	s6 =	simm.s32 @!p1 $0x1082;
	[sflag:s4] =	ssyncset.s32 $0xFFFFF086  }
0x25: {  	[simem:s6], [sflag:s4] =	dma.local [hbm:s3], $0xF7A  }
0x26: {  	[smem:$0x3F9D] =	sst s1;
	(tag) =	ssettag s2;
	_ =	strace s9  }
0x27: {  	s1 =	sld [smem:$0x3FAD]  }
0x28: {  	s2 =	sld [smem:$0x3FAE]  }
0x29: {  	s4 =	sld [smem:$0x3FB0]  }
0x2a: {  	p0 =	seq.s32 s5, $0x0;
	s5 =	sld [smem:$0x3FB1]  }
0x2b: {  	s6 =	sld [smem:$0x3FB2]  }
0x2c: {  	s7 =	sld [smem:$0x3FB3]  }
0x2d: {  	s3 =	simm.s32 $0x108;
	s8 =	sld [smem:$0x3FB4]  }
0x2e: {  	s3 =	simm.s32 @!p0 $0x1082;
	s9 =	sld [smem:$0x3FB5]  }
0x2f: {  	lr =	sadd.s32 s0, s3;
	s0 =	sld [smem:$0x3FAC]  }
0x30: {  	s3 =	sld [smem:$0x3FAF]  }
0x31: {  	[smem:$0x3FB8] =	sst s10  }
0x32: {  	s10 =	sld [smem:$0x3FB6];
	_ =	sdelay $0x3  }
0x33: {  	p0 =	seq.s32 s10, $0x1;
	s10 =	sld [smem:$0x3FB8];
	_ =	sdelay $0x3  }
0x34: {  	[smem:$0x3FB8] =	sst s10  }
0x35: {  	s10 =	sld [smem:$0x3FB7];
	_ =	sdelay $0x3  }
0x36: {  	p1 =	seq.s32 s10, $0x1;
	s10 =	sld [smem:$0x3FB8];
	_ =	sdelay $0x3  }
0x37: {  	[smem:$0x3FB8] =	sst s10  }
0x38: {  	s10 =	sld [smem:$0x3FB9]  }
0x39: {  	_ = 	snop;
	(pc) =	sbr.ind lr, $3  }
0x3a: {  	_ = 	snop  }
0x3b: {  	_ = 	snop  }
0x3c: {  	p2 =	seq.s32 s10, $0x1;
	s10 =	sld [smem:$0x3FB8]  }
0x3d: {  	_ =	shalt  }
0x3e: {  	_ =	shalt  }
0x3f: {  	_ =	shalt  }
0x40: {  	_ =	shalt  }
0x41: {  	_ =	shalt  }
0x42: {  	_ =	shalt  }
0x43: {  	_ =	shalt  }
0x44: {  	_ =	shalt  }
0x45: {  	_ =	shalt  }
0x46: {  	_ =	shalt  }
0x47: {  	_ =	shalt  }
0x48: {  	_ =	shalt  }
0x49: {  	_ =	shalt  }
0x4a: {  	_ =	shalt  }
0x4b: {  	_ =	shalt  }
0x4c: {  	_ =	shalt  }
0x4d: {  	_ =	shalt  }
0x4e: {  	_ =	shalt  }
0x4f: {  	_ =	shalt  }
0x50: {  	_ =	shalt  }
0x51: {  	_ =	shalt  }
0x52: {  	_ =	shalt  }
0x53: {  	_ =	shalt  }
0x54: {  	_ =	shalt  }
0x55: {  	_ =	shalt  }
0x56: {  	_ =	shalt  }
0x57: {  	_ =	shalt  }
0x58: {  	_ =	shalt  }
0x59: {  	_ =	shalt  }
0x5a: {  	_ =	shalt  }
0x5b: {  	_ =	shalt  }
0x5c: {  	_ =	shalt  }
0x5d: {  	_ =	shalt  }
0x5e: {  	_ =	shalt  }
0x5f: {  	_ =	shalt  }
0x60: {  	_ =	shalt  }
0x61: {  	_ =	shalt  }
0x62: {  	_ =	shalt  }
0x63: {  	_ =	shalt  }
0x64: {  	_ =	shalt  }
0x65: {  	_ =	shalt  }
0x66: {  	_ =	shalt  }
0x67: {  	_ =	shalt  }
0x68: {  	_ =	shalt  }
0x69: {  	_ =	shalt  }
0x6a: {  	_ =	shalt  }
0x6b: {  	_ =	shalt  }
0x6c: {  	_ =	shalt  }
0x6d: {  	_ =	shalt  }
0x6e: {  	_ =	shalt  }
0x6f: {  	_ =	shalt  }
0x70: {  	_ =	shalt  }
0x71: {  	_ =	shalt  }
0x72: {  	_ =	shalt  }
0x73: {  	_ =	shalt  }
0x74: {  	_ =	shalt  }
0x75: {  	_ =	shalt  }
0x76: {  	_ =	shalt  }
0x77: {  	_ =	shalt  }
0x78: {  	_ =	shalt  }
0x79: {  	_ =	shalt  }
0x7a: {  	_ =	shalt  }
0x7b: {  	_ =	shalt  }
0x7c: {  	_ =	shalt  }
0x7d: {  	_ =	shalt  }
0x7e: {  	_ =	shalt  }
0x7f: {  	_ =	shalt  }
0x80: {  	_ =	shalt  }
0x81: {  	_ =	shalt  }
0x82: {  	_ =	shalt  }
0x83: {  	_ =	shalt  }
0x84: {  	_ =	shalt  }
0x85: {  	_ =	shalt  }
0x86: {  	_ =	shalt  }
0x87: {  	_ =	shalt  }
.Lfunc_end0:
.L_simem_size_0:
called_computation_lowered:
.L_overlay_start_0:
0x88: {  	s2 =	sld [smem:$0x3FD9]  }
0x89: {  	s3 =	sld [smem:$0x3FFE];
	_ =	sdelay $0x1  }
0x8a: {  	s1 =	srdreg.scid  }
0x8b: {  	s0 =	sand.u32 $0x1, s1  }
0x8c: {  	s18 =	sshll.u32 s0, $0xA;
	s2 =	sadd.s32 s3, s2  }
0x8d: {  	s2 =	sadd.s32 s2, s18  }
0x8e: {  	[smem:$0x3FC4] =	sst s2  }
0x8f: {  	_ = 	snop  }
0x90: {  	s2 =	sld [smem:$0x3FC9]  }
0x91: {  	s19 =	sld [smem:$0x3FC8]  }
0x92: {  	s4 =	sld [smem:$0x3FC7]  }
0x93: {  	s5 =	sld [smem:$0x3FC6]  }
0x94: {  	s6 =	sld [smem:$0x3FD0];
	(tm) =	ssettm $0x1  }
0x95: {  	s7 =	sld [smem:$0x3FFB];
	_ =	sdelay $0x3  }
0x96: {  	_ =	strace s7  }
0x97: {  	s7 =	sld [smem:$0x3FFC];
	_ =	sdelay $0x3  }
0x98: {  	_ =	strace s7  }
0x99: {  	s7 =	sld [smem:$0x3FFD];
	_ =	sdelay $0x3  }
0x9a: {  	_ =	strace s7  }
0x9b: {  	_ =	strace $0x8FFFFFFF  }
0x9c: {  	s20 =	sld [smem:$0x3FDB];
	_ =	sdelay $0x1  }
0x9d: {  	s8 =	simm.s32 $_scs_section_size  }
0x9e: {  	s9 =	simm.s32 $_size__tile_overlayer_lowered;
	s10 =	simm.s32 $_tile_overlayer_lowered  }
0x9f: {  	s23 =	simm.s32 $0x1BFF;
	s22 =	sshll.u32 s10, $0x1;
	s7 =	sadd.s32 s8, s20  }
0xa0: {  	s11 =	simm.s32 $0x0;
	s21 =	sshll.u32 s9, $0x1;
	s9 =	sadd.s32 s22, s7  }
0xa1: {  	[timem:s11], [sflag:s23] =	dma.local [hbm:s9], s21  }
0xa2: {  	_ =	swait.ge [sflag:s23], s21  }
0xa3: {  	s8 =	ssub.s32 $0x0, s21;
	[sflag:s23] =	ssyncset.done $0x0  }
0xa4: {  	[sflag:s23] =	ssyncadd.s32 s8;
	_ =	sdelay $0x1  }
0xa5: {  	s24 =	simm.s32 $0x1B8B  }
0xa6: {  	_ =	swait.ge [sflag:s24], $0x1  }
0xa7: {  	[sflag:s24] =	ssyncset.done $0x0  }
0xa8: {  	s25 =	simm.s32 $0x1B8E;
	[sflag:s24] =	ssyncadd.s32 $0xFFFFFFFF  }
0xa9: {  	s26 =	simm.s32 $execute0_lowered;
	[smem:$0x3FD2] =	sst s25  }
0xaa: {  	s8 =	sshll.u32 s26, $0x1;
	_ =	strace $0x80000046;
	[dreg:$0x1] =	wrdreg $0xFFFFFFFF  }
0xab: {  	s28 =	simm.s32 $_size_execute0_lowered;
	s7 =	sadd.s32 s7, s8;
	[dreg:$0x0] =	wrdreg $0x0  }
0xac: {  	s8 =	sshll.u32 s28, $0x1;
	[dreg:$0x2] =	wrdreg s7  }
0xad: {  	[dreg:$0x3] =	wrdreg s8  }
0xae: {  	[dreg:$0x4] =	wrdreg $0xC0  }
0xaf: {  	_ =	task [dreg:s11], $0x5FFFF  }
0xb0: {  	[dreg:$0x1] =	wrdreg $0xFFFFFFFF  }
0xb1: {  	[dreg:$0x0] =	wrdreg $0x60  }
0xb2: {  	[dreg:$0x2] =	wrdreg s2  }
0xb3: {  	[dreg:$0x3] =	wrdreg s19  }
0xb4: {  	[dreg:$0x4] =	wrdreg s4  }
0xb5: {  	[dreg:$0x5] =	wrdreg s5  }
0xb6: {  	[dreg:$0x6] =	wrdreg s6  }
0xb7: {  	[dreg:$0x7] =	wrdreg $0x9  }
0xb8: {  	_ =	task.clear_ibuf [dreg:s11], $0x8FFFF;
	_ =	strace $0x90000046  }
0xb9: {  	s29 =	simm.s32 $0x9;
	_ =	strace $0x80000048  }
0xba: {  	_ =	swait.ge [sflag:s29], $0x1  }
0xbb: {  	[sflag:s29] =	ssyncadd.s32 $0xFFFFFFFF  }
0xbc: {  	_ =	strace $0x90000048  }
0xbd: {  	_ =	sfence  }
0xbe: {  	s30 =	sld [smem:$0x0];
	_ =	sdelay $0x2  }
0xbf: {  	s31 =	sshll.u32 s1, $0xD;
	s1 =	sshrl.u32 s1, $0x2  }
0xc0: {  	s3 =	sand.u32 $0x4000, s31;
	s1 =	sadd.s32 s1, s30  }
0xc1: {  	s0 =	sor.u32 s3, s0;
	s1 =	sshll.u32 s1, $0x11  }
0xc2: {  	s0 =	sor.u32 s1, s0  }
0xc3: {  	s0 =	sadd.s32 $0x8F2B, s0  }
0xc4: {  	[sflag:s0] =	ssyncadd.remote.s32 $0x1  }
0xc5: {  	_ =	sfence.sel $0xFFFF  }
0xc6: {  	[dreg:$0x0] =	wrdreg $0xFFFFFFFF;
	(pc) =	sbr.abs _section_cstart, $3  }
0xc7: {  	[dreg:$0x1] =	wrdreg $0xFFFFFFFF  }
0xc8: {  	_ =	task.clear_ibuf [dreg:s11], $0x2FFFF;
	_ =	strace $0x9FFFFFFF  }
0xc9: {  	(tm) =	ssettm $0x7FFFFFFF  }
tec
execute0_lowered:
.L_overlay_start_1:
0x0: {  	(tag) =	ssettag $0x1  }
0x1: {  	s2 =	srdreg.scid  }
0x2: {  	s4 =	stileid.u32;
	s2 =	sand.u32 $0x1, s2  }
0x3: {  	s4 =	sshll.u32 s4, $0x8;
	s3 =	ssub.s32 $0x2, s2;
	s2 =	sshll.u32 s2, $0x7  }
0x4: {  	s0 =	rddreg [dreg:$0x0];
	s1 =	simm.s32 $0x0;
	s2 =	sor.u32 s2, s4  }
0x5: {  	[smem:$0x7FF] =	sst s1;
	s5 =	sshrl.u32 s3, $0x1;
	s18 =	sshll.u32 s2, $0x9  }
0x6: {  	s4 =	ssub.s32 s3, s5;
	s5 =	sshrl.u32 s2, $0x3;
	s3 =	sadd.s32 s0, s18  }
0x7: {  	s6 =	sor.u32 $0x2, s5;
	s9 =	sor.u32 $0x3, s5;
	s12 =	sor.u32 $0x6, s5  }
0x8: {  	s15 =	sor.u32 $0x9, s5;
	s18 =	sor.u32 $0xC, s5;
	s4 =	smax.u32 s4, $0x1  }
0x9: {  	[dreg:$0x6] =	wrdreg s3;
	s3 =	sor.u32 $0x1, s5;
	s8 =	sshll.u32 s6, $0xC  }
0xa: {  	s20 =	sshll.u32 s9, $0xC;
	s22 =	sshll.u32 s12, $0xC;
	s24 =	sshll.u32 s15, $0xC  }
0xb: {  	s26 =	sshll.u32 s18, $0xC;
	s7 =	sshll.u32 s3, $0xC;
	s19 =	sadd.s32 s0, s8  }
0xc: {  	s8 =	sor.u32 $0x5, s5;
	s7 =	sadd.s32 s0, s7;
	[dreg:$0x8] =	wrdreg s19  }
0xd: {  	s11 =	sshll.u32 s8, $0xC;
	[dreg:$0x7] =	wrdreg s7;
	s7 =	sadd.s32 s0, s20  }
0xe: {  	s8 =	sshll.u32 s8, $0xA;
	s21 =	sadd.s32 s0, s11;
	[dreg:$0x9] =	wrdreg s7  }
0xf: {  	s11 =	sor.u32 $0x8, s5;
	s7 =	sor.u32 $0x4, s5;
	[dreg:$0xb] =	wrdreg s21  }
0x10: {  	s14 =	sshll.u32 s11, $0xC;
	s21 =	sor.u32 $0xE, s5;
	s11 =	sshll.u32 s11, $0xA  }
0x11: {  	s10 =	sshll.u32 s7, $0xC;
	s23 =	sadd.s32 s0, s14;
	s14 =	sor.u32 $0xB, s5  }
0x12: {  	s20 =	sshll.u32 s21, $0xC;
	s7 =	sshll.u32 s7, $0xA;
	s10 =	sadd.s32 s0, s10  }
0x13: {  	[dreg:$0xe] =	wrdreg s23;
	s17 =	sshll.u32 s14, $0xC;
	s14 =	sshll.u32 s14, $0xA  }
0x14: {  	[dreg:$0xa] =	wrdreg s10;
	s10 =	sadd.s32 s0, s22;
	s25 =	sadd.s32 s0, s17  }
0x15: {  	s17 =	sor.u32 $0xD, s5;
	s22 =	sadd.s32 s0, s20;
	[dreg:$0xc] =	wrdreg s10  }
0x16: {  	s20 =	sshll.u32 s21, $0xA;
	[dreg:$0x11] =	wrdreg s25;
	s19 =	sshll.u32 s17, $0xC  }
0x17: {  	s10 =	sor.u32 $0x7, s5;
	[dreg:$0x14] =	wrdreg s22;
	s19 =	sadd.s32 s0, s19  }
0x18: {  	s25 =	sshll.u32 s3, $0xA;
	s13 =	sshll.u32 s10, $0xC;
	[dreg:$0x13] =	wrdreg s19  }
0x19: {  	s10 =	sshll.u32 s10, $0xA;
	s13 =	sadd.s32 s0, s13;
	s19 =	rddreg [dreg:$0x4]  }
0x1a: {  	[dreg:$0xd] =	wrdreg s13;
	s13 =	sadd.s32 s0, s24;
	s24 =	sshll.u32 s2, $0x7  }
0x1b: {  	s22 =	sadd.s32 s19, s7;
	s30 =	sadd.s32 s19, s14;
	s2 =	sadd.s32 s19, s20  }
0x1c: {  	s7 =	simm.s32 $0x10000;
	[dreg:$0xf] =	wrdreg s13;
	s13 =	sor.u32 $0xA, s5  }
0x1d: {  	s14 =	simm.s32 $0x5;
	s5 =	sor.u32 $0xF, s5;
	s16 =	sshll.u32 s13, $0xC  }
0x1e: {  	s23 =	sshll.u32 s5, $0xC;
	s13 =	sshll.u32 s13, $0xA;
	s21 =	sshll.u32 s5, $0xA  }
0x1f: {  	s5 =	simm.s32 $0x6;
	s16 =	sadd.s32 s0, s16;
	s29 =	sadd.s32 s19, s13  }
0x20: {  	s13 =	simm.s32 $0x4;
	[dreg:$0x10] =	wrdreg s16;
	s16 =	sadd.s32 s0, s26  }
0x21: {  	s0 =	sadd.s32 s0, s23;
	s26 =	sshll.u32 s6, $0xA;
	s6 =	sshll.u32 s9, $0xA  }
0x22: {  	s23 =	sadd.s32 s19, s8;
	s9 =	sshll.u32 s12, $0xA;
	s12 =	sshll.u32 s15, $0xA  }
0x23: {  	s15 =	sshll.u32 s18, $0xA;
	s18 =	sshll.u32 s17, $0xA;
	[dreg:$0x12] =	wrdreg s16  }
0x24: {  	s8 =	simm.s32 $0x1;
	[dreg:$0x15] =	wrdreg s0;
	s0 =	sadd.s32 s19, s24  }
0x25: {  	s3 =	sadd.s32 s19, s26;
	s24 =	sadd.s32 s19, s9;
	s26 =	sadd.s32 s19, s11  }
0x26: {  	s28 =	sadd.s32 s19, s12;
	s31 =	sadd.s32 s19, s15;
	s9 =	simm.s32 $0x18000  }
0x27: {  	s11 =	simm.s32 $0x1A000;
	s12 =	simm.s32 $0x3;
	[dreg:$0x16] =	wrdreg s0  }
0x28: {  	s15 =	simm.s32 $0x0;
	s0 =	sadd.s32 s19, s25;
	[dreg:$0x18] =	wrdreg s3  }
0x29: {  	s25 =	sadd.s32 s19, s10;
	[dreg:$0x17] =	wrdreg s0;
	s0 =	sadd.s32 s19, s6  }
0x2a: {  	s3 =	sadd.s32 s19, s21;
	s10 =	simm.s32 $0x2;
	[dreg:$0x19] =	wrdreg s0  }
0x2b: {  	v0 =	vimm.f32 $0.0e+00;
	s6 =	simm.s32 $0x8000;
	s0 =	sadd.s32 s19, s18;
	_ =	strace $0x80000047  }
.LBB2_1:
0x2c: {  	s16 =	rddreg [dreg:$0x3];
	s17 =	simm.s32 $0x1C000  }
0x2d: {  	[tilespmem:s17], [sflag:$0x6] =	stream.linear.gather [hbm4b:s16+s1], $0x200, $0x38;
	[tilespmem:$0x1C600] =	vst v63  }
0x2e: {  	_ =	swait.ge [sflag:s5], $0x200  }
0x2f: {  	[sflag:s5] =	ssyncset.done $0x0  }
0x30: {  	[sflag:s5] =	ssyncadd.s32 $0xFFFFFE00  }
0x31: {  	s21 =	simm.s32 $0x1C200;
	s20 =	rddreg [dreg:$0x1]  }
0x32: {  	[tilespmem:s21], [sflag:$0x6] =	stream.linear.gather [hbm4b:s20+s1], $0x200, $0x38;
	[tilespmem:$0x1C600] =	vst v63  }
0x33: {  	_ =	swait.ge [sflag:s5], $0x200  }
0x34: {  	[sflag:s5] =	ssyncset.done $0x0  }
0x35: {  	[sflag:s5] =	ssyncadd.s32 $0xFFFFFE00  }
0x36: {  	s19 =	simm.s32 $0x1C400;
	s18 =	rddreg [dreg:$0x2]  }
0x37: {  	[tilespmem:s19], [sflag:$0x6] =	stream.linear.gather [hbm4b:s18+s1], $0x200, $0x38;
	[tilespmem:$0x1C600] =	vst v63  }
0x38: {  	s20 =	sand.u32 $0x380, s1;
	s21 =	sand.u32 $0x1C00, s1;
	_ =	swait.ge [sflag:s5], $0x200  }
0x39: {  	s16 =	sor.u32 s20, s21;
	s18 =	sand.u32 $0x70, s1;
	[sflag:s5] =	ssyncset.done $0x0  }
0x3a: {  	s17 =	sor.u32 s18, s16;
	[sflag:s5] =	ssyncadd.s32 $0xFFFFFE00  }
0x3b: {  	[tilespmem:s17+$0x1A000] =	vst v0  }
0x3c: {  	s16 =	simm.s32 $0x2;
	s18 =	simm.s32 $0x0;
	[tilespmem:s17+$0x18000] =	vst v0;
	s17 =	simm.s32 $0x0  }
.LBB2_2:
0x3d: {  	s19 =	sand.u32 $0x380, s16  }
0x3e: {  	s17 =	sadd.s32 $0x10, s17;
	s18 =	sadd.s32 $0x80, s18;
	p0 =	sne.s32 s16, $0x3FE  }
.Ltmp0:
0x3f: {  	s16 =	sadd.s32 $0x2, s16;
	s20 =	sand.u32 $0x1C00, s18;
	(pc) =	sbr.rel @p0 .LBB2_2-.Ltmp0, $4  }
0x40: {  	s21 =	sand.u32 $0x70, s17;
	s19 =	sor.u32 s19, s20  }
0x41: {  	s19 =	sor.u32 s21, s19  }
0x42: {  	[tilespmem:s19+$0x1A000] =	vst v0  }
0x43: {  	[tilespmem:s19+$0x18000] =	vst v0  }
0x44: {  	s16 =	simm.s32 $0x0;
	s17 =	rddreg [dreg:$0x6]  }
0x45: {  	[tilespmem:s16], [sflag:$0x1] =	stream.linear.gather [hbm4b:s17+s16], $0x8000, $0x38;
	[tilespmem:$0x1C600] =	vst v63  }
0x46: {  	s20 =	rddreg [dreg:$0x7]  }
0x47: {  	[tilespmem:s6], [sflag:$0x2] =	stream.linear.gather [hbm4b:s20+s16], $0x8000, $0x38;
	[tilespmem:$0x1C600] =	vst v63  }
0x48: {  	s21 =	rddreg [dreg:$0x8]  }
0x49: {  	[tilespmem:s7], [sflag:$0x3] =	stream.linear.gather [hbm4b:s21+s16], $0x8000, $0x38;
	[tilespmem:$0x1C600] =	vst v63  }
0x4a: {  	_ =	swait.ge [sflag:s8], $0x8000  }
0x4b: {  	[sflag:s8] =	ssyncset.done $0x0  }
0x4c: {  	s18 =	sand.u32 $0x1C0, s16;
	[sflag:s8] =	ssyncadd.s32 $0xFFFF8000  }
0x4d: {  	v1 =	vld [tilespmem:s18+$0x1C230]  }
0x4e: {  	s19 =	simm.s32 $0x0;
	s20 =	simm.s32 $0x40;
	v2 =	vld [tilespmem:s18+$0x1C200]  }
0x4f: {  	v4 =	vmov s19;
	s16 =	sand.u32 $0x1C0, s20;
	v5 =	vld [tilespmem:s18+$0x1C220]  }
0x50: {  	v4 =	vshll.u32 v4, $0x7;
	v19 =	vld [tilespmem:s16+$0x1C210]  }
0x51: {  	v4 =	vand.u32 $0x380, v4  }
0x52: {  	v4 =	vbroadcast v4, $0x0;
	v3 =	vld [tilespmem:s18+$0x1C210]  }
0x53: {  	v7 =	vld [tilespmem:s18+$0x1C400];
	v6 =	vshll.u32 v1, $0x3;
	v1 =	vand.u32 $0x7F, v1;
	v9 =	vshll.u32 v2, $0x3  }
0x54: {  	v11 =	vshll.u32 v5, $0x3;
	v2 =	vand.u32 $0x7F, v2;
	v5 =	vand.u32 $0x7F, v5  }
0x55: {  	v8 =	vld [tilespmem:s18+$0x1C410];
	v22 =	vshll.u32 v19, $0x3;
	v19 =	vand.u32 $0x7F, v19;
	v6 =	vand.u32 $0xFFFFFC00, v6  }
0x56: {  	v12 =	vld [tilespmem:s18+$0x1C430];
	v9 =	vand.u32 $0xFFFFFC00, v9;
	v11 =	vand.u32 $0xFFFFFC00, v11;
	v1 =	vor.u32 v6, v1  }
0x57: {  	v6 =	vld [tilespmem:s18+$0x1C420];
	v2 =	vor.u32 v9, v2;
	v5 =	vor.u32 v11, v5;
	v10 =	vor.u32 v4, v1  }
0x58: {  	v16 =	vld [tilespmem:s18+$0x1C030];
	v11 =	vshll.u32 v7, $0x3;
	v7 =	vand.u32 $0x7F, v7;
	v1 =	vshll.u32 v3, $0x3  }
0x59: {  	v18 =	vld [tilespmem:s16+$0x1C200];
	v3 =	vand.u32 $0x7F, v3;
	v9 =	vor.u32 v4, v2;
	v13 =	vand.u32 $0xFFFFFC00, v1  }
0x5a: {  	v25 =	vld [tilespmem:s16+$0x1C430];
	v15 =	vor.u32 v4, v5;
	v11 =	vand.u32 $0xFFFFFC00, v11;
	v3 =	vor.u32 v13, v3  }
0x5b: {  	v2 =	vld [tilespmem:s18+$0x1C010];
	v7 =	vor.u32 v11, v7;
	v13 =	vor.u32 v4, v3;
	v3 =	vshll.u32 v12, $0x3  }
0x5c: {  	v12 =	vand.u32 $0x7F, v12;
	v14 =	vshll.u32 v6, $0x3;
	v17 =	vand.u32 $0xFFFFFC00, v3;
	v5 =	vld.idx.msk [tilespmem:v10+s1+$0x0], $0xffff  }
0x5d: {  	v6 =	vand.u32 $0x7F, v6;
	v10 =	vshll.u32 v8, $0x3;
	v12 =	vor.u32 v17, v12;
	v17 =	vld [tilespmem:s16+$0x1C230]  }
0x5e: {  	s21 =	simm.s32 $0x0;
	v1 =	vld [tilespmem:s18+$0x1C000];
	v14 =	vand.u32 $0xFFFFFC00, v14;
	v8 =	vand.u32 $0x7F, v8;
	v10 =	vand.u32 $0xFFFFFC00, v10  }
0x5f: {  	v11 =	vld [tilespmem:s16+$0x1C220];
	v20 =	vor.u32 v4, v12;
	v10 =	vor.u32 v10, v8;
	v8 =	vmov s21  }
0x60: {  	v3 =	vld [tilespmem:s18+$0x1C020];
	v12 =	vor.u32 v14, v6;
	v6 =	vor.u32 v4, v7;
	v14 =	vshll.u32 v8, $0x7  }
0x61: {  	v8 =	vld [tilespmem:s16+$0x1C400];
	v7 =	vand.u32 $0x380, v14;
	v21 =	vmul.f32 v16, v5;
	v5 =	vor.u32 v4, v10  }
0x62: {  	v10 =	vld [tilespmem:s16+$0x1C410];
	v14 =	vshll.u32 v17, $0x3;
	v4 =	vor.u32 v4, v12;
	v7 =	vbroadcast v7, $0x0  }
0x63: {  	v12 =	vld [tilespmem:s16+$0x1C420];
	v16 =	vand.u32 $0x7F, v17;
	v17 =	vshll.u32 v18, $0x3;
	v14 =	vand.u32 $0xFFFFFC00, v14  }
0x64: {  	v27 =	vshll.u32 v25, $0x3;
	v16 =	vor.u32 v14, v16;
	v14 =	vld.idx.msk [tilespmem:v9+s1+$0x0], $0xffff;
	v9 =	vand.u32 $0xFFFFFC00, v17  }
0x65: {  	v15 =	vld.idx.msk [tilespmem:v15+s1+$0x0], $0xffff;
	v17 =	vshll.u32 v11, $0x3;
	v24 =	vor.u32 v7, v16;
	v16 =	vand.u32 $0x7F, v18  }
0x66: {  	v18 =	vand.u32 $0xFFFFFC00, v22;
	v22 =	vand.u32 $0xFFFFFC00, v17;
	v17 =	vld.idx.msk [tilespmem:v13+s1+$0x0], $0xffff;
	v26 =	vshll.u32 v8, $0x3  }
0x67: {  	v11 =	vand.u32 $0x7F, v11;
	[tilespmem:v20+s9+$0x0] =	vst.idx.msk $0xffff, v21;
	v9 =	vor.u32 v9, v16;
	v16 =	vld [tilespmem:s16+$0x1C000];
	v21 =	vand.u32 $0xFFFFFC00, v26  }
0x68: {  	v13 =	vor.u32 v7, v9;
	v9 =	vor.u32 v18, v19;
	v19 =	vor.u32 v22, v11;
	v18 =	vld [tilespmem:s16+$0x1C010]  }
0x69: {  	v20 =	vld [tilespmem:s16+$0x1C030];
	v23 =	vshll.u32 v10, $0x3;
	v22 =	vshll.u32 v12, $0x3;
	v11 =	vor.u32 v7, v9  }
0x6a: {  	s17 =	simm.s32 $0x4;
	s18 =	simm.s32 $0x80;
	v9 =	vor.u32 v7, v19;
	v19 =	vld.idx.msk [tilespmem:v24+s1+$0x0], $0xffff;
	v24 =	vand.u32 $0x7F, v25;
	v25 =	vand.u32 $0xFFFFFC00, v27  }
.LBB2_4:
0x6b: {  	v23 =	vand.u32 $0xFFFFFC00, v23;
	v26 =	vld [tilespmem:s16+$0x1C020];
	s16 =	sand.u32 $0x1C0, s18;
	v22 =	vand.u32 $0xFFFFFC00, v22;
	v24 =	vor.u32 v25, v24  }
0x6c: {  	v8 =	vand.u32 $0x7F, v8;
	v10 =	vand.u32 $0x7F, v10;
	v25 =	vld [tilespmem:s16+$0x1C230];
	v24 =	vor.u32 v7, v24  }
0x6d: {  	s17 =	sadd.s32 $0x4, s17;
	v12 =	vand.u32 $0x7F, v12;
	v14 =	vmul.f32 v1, v14;
	v17 =	vmul.f32 v2, v17;
	v1 =	vmovc v16;
	v27 =	vld [tilespmem:s16+$0x1C200];
	v2 =	vmovc v18  }
0x6e: {  	v15 =	vmul.f32 v3, v15;
	s19 =	sshrl.u32 s17, $0x5;
	p0 =	slt.u32 s17, $0xFC;
	v10 =	vor.u32 v23, v10;
	v18 =	vor.u32 v21, v8;
	v16 =	vld [tilespmem:s16+$0x1C210]  }
0x6f: {  	v12 =	vor.u32 v22, v12;
	v23 =	vmov s19;
	v21 =	vld [tilespmem:s16+$0x1C220];
	v19 =	vmul.f32 v20, v19;
	[tilespmem:v6+s9+$0x0] =	vst.idx.msk $0xffff, v14  }
0x70: {  	v20 =	vshll.u32 v23, $0x7;
	v6 =	vor.u32 v7, v18;
	v8 =	vld [tilespmem:s16+$0x1C400];
	[tilespmem:v5+s9+$0x0] =	vst.idx.msk $0xffff, v17;
	v5 =	vor.u32 v7, v10  }
0x71: {  	v18 =	vor.u32 v7, v12;
	v14 =	vand.u32 $0x380, v20;
	v3 =	vmovc v26;
	v10 =	vld [tilespmem:s16+$0x1C410];
	v17 =	vshll.u32 v25, $0x3;
	[tilespmem:v24+s9+$0x0] =	vst.idx.msk $0xffff, v19  }
0x72: {  	v7 =	vbroadcast v14, $0x0;
	v14 =	vand.u32 $0x7F, v25;
	v12 =	vld [tilespmem:s16+$0x1C420];
	v17 =	vand.u32 $0xFFFFFC00, v17;
	[tilespmem:v4+s9+$0x0] =	vst.idx.msk $0xffff, v15;
	v4 =	vmovc v18  }
0x73: {  	v15 =	vshll.u32 v27, $0x3;
	v18 =	vshll.u32 v16, $0x3;
	v17 =	vor.u32 v17, v14;
	v14 =	vld.idx.msk [tilespmem:v13+s1+$0x0], $0xffff  }
0x74: {  	v13 =	vand.u32 $0xFFFFFC00, v15;
	v15 =	vshll.u32 v21, $0x3;
	v19 =	vor.u32 v7, v17;
	v24 =	vld [tilespmem:s16+$0x1C430]  }
0x75: {  	v20 =	vand.u32 $0x7F, v27;
	v18 =	vand.u32 $0xFFFFFC00, v18;
	v22 =	vand.u32 $0xFFFFFC00, v15;
	v17 =	vld.idx.msk [tilespmem:v11+s1+$0x0], $0xffff  }
.Ltmp1:
0x76: {  	v21 =	vand.u32 $0x7F, v21;
	v11 =	vor.u32 v13, v20;
	v20 =	vand.u32 $0x7F, v16;
	v15 =	vld.idx.msk [tilespmem:v9+s1+$0x0], $0xffff;
	(pc) =	sbr.rel @p0 .LBB2_4-.Ltmp1, $4  }
0x77: {  	v13 =	vor.u32 v7, v11;
	v9 =	vor.u32 v18, v20;
	v20 =	vor.u32 v22, v21;
	v16 =	vld [tilespmem:s16+$0x1C000]  }
0x78: {  	v21 =	vshll.u32 v8, $0x3;
	v11 =	vor.u32 v7, v9;
	v9 =	vor.u32 v7, v20;
	v18 =	vld [tilespmem:s16+$0x1C010]  }
0x79: {  	v23 =	vshll.u32 v10, $0x3;
	v22 =	vshll.u32 v12, $0x3;
	v19 =	vld.idx.msk [tilespmem:v19+s1+$0x0], $0xffff;
	v25 =	vshll.u32 v24, $0x3  }
0x7a: {  	s18 =	sadd.s32 $0x40, s18;
	v21 =	vand.u32 $0xFFFFFC00, v21;
	v24 =	vand.u32 $0x7F, v24;
	v20 =	vld [tilespmem:s16+$0x1C030];
	v25 =	vand.u32 $0xFFFFFC00, v25  }
0x7b: {  	_ =	sdelay $0x1  }
0x7c: {  	v23 =	vand.u32 $0xFFFFFC00, v23  }
0x7d: {  	v26 =	vld [tilespmem:s16+$0x1C020];
	v22 =	vand.u32 $0xFFFFFC00, v22;
	v24 =	vor.u32 v25, v24;
	v8 =	vand.u32 $0x7F, v8  }
0x7e: {  	v10 =	vand.u32 $0x7F, v10;
	v12 =	vand.u32 $0x7F, v12;
	v13 =	vld.idx.msk [tilespmem:v13+s1+$0x0], $0xffff;
	v1 =	vmul.f32 v1, v14  }
0x7f: {  	v2 =	vmul.f32 v2, v17;
	v11 =	vld.idx.msk [tilespmem:v11+s1+$0x0], $0xffff;
	v24 =	vor.u32 v7, v24;
	v8 =	vor.u32 v21, v8  }
0x80: {  	v9 =	vld.idx.msk [tilespmem:v9+s1+$0x0], $0xffff;
	v3 =	vmul.f32 v3, v15;
	v10 =	vor.u32 v23, v10;
	v8 =	vor.u32 v7, v8  }
0x81: {  	v12 =	vor.u32 v22, v12;
	[tilespmem:v6+s9+$0x0] =	vst.idx.msk $0xffff, v1;
	v1 =	vor.u32 v7, v10  }
0x82: {  	[tilespmem:v5+s9+$0x0] =	vst.idx.msk $0xffff, v2;
	v2 =	vor.u32 v7, v12;
	v14 =	vmul.f32 v20, v19  }
0x83: {  	[tilespmem:v4+s9+$0x0] =	vst.idx.msk $0xffff, v3;
	v5 =	vmul.f32 v16, v13  }
0x84: {  	v3 =	vmul.f32 v18, v11;
	[tilespmem:v24+s9+$0x0] =	vst.idx.msk $0xffff, v14  }
0x85: {  	v4 =	vmul.f32 v26, v9;
	[tilespmem:v8+s9+$0x0] =	vst.idx.msk $0xffff, v5  }
0x86: {  	[tilespmem:v1+s9+$0x0] =	vst.idx.msk $0xffff, v3  }
0x87: {  	[tilespmem:v2+s9+$0x0] =	vst.idx.msk $0xffff, v4  }
0x88: {  	s20 =	simm.s32 $0x0;
	s17 =	rddreg [dreg:$0x16]  }
0x89: {  	[hbm4b:s17+s20] =	stream.linear.scatter [tilespmem:s9], [sflag:$0x4], $0x2000, $0x38;
	[tilespmem:$0x1C600] =	vst v63  }
0x8a: {  	s21 =	rddreg [dreg:$0x9]  }
0x8b: {  	[tilespmem:s20], [sflag:$0x1] =	stream.linear.gather [hbm4b:s21+s20], $0x8000, $0x38;
	[tilespmem:$0x1C600] =	vst v63  }
0x8c: {  	_ =	swait.ge [sflag:s10], $0x8000  }
0x8d: {  	[sflag:s10] =	ssyncset.done $0x0  }
0x8e: {  	s18 =	sand.u32 $0x1C0, s20;
	[sflag:s10] =	ssyncadd.s32 $0xFFFF8000  }
0x8f: {  	v1 =	vld [tilespmem:s18+$0x1C230]  }
0x90: {  	s19 =	simm.s32 $0x0;
	s20 =	simm.s32 $0x40;
	v2 =	vld [tilespmem:s18+$0x1C200]  }
0x91: {  	v4 =	vmov s19;
	s16 =	sand.u32 $0x1C0, s20;
	v5 =	vld [tilespmem:s18+$0x1C220]  }
0x92: {  	v4 =	vshll.u32 v4, $0x7;
	v19 =	vld [tilespmem:s16+$0x1C210]  }
0x93: {  	v4 =	vand.u32 $0x380, v4  }
0x94: {  	v4 =	vbroadcast v4, $0x0;
	v3 =	vld [tilespmem:s18+$0x1C210]  }
0x95: {  	v7 =	vld [tilespmem:s18+$0x1C400];
	v6 =	vshll.u32 v1, $0x3;
	v1 =	vand.u32 $0x7F, v1;
	v9 =	vshll.u32 v2, $0x3  }
0x96: {  	v11 =	vshll.u32 v5, $0x3;
	v2 =	vand.u32 $0x7F, v2;
	v5 =	vand.u32 $0x7F, v5  }
0x97: {  	v8 =	vld [tilespmem:s18+$0x1C410];
	v22 =	vshll.u32 v19, $0x3;
	v19 =	vand.u32 $0x7F, v19;
	v6 =	vand.u32 $0xFFFFFC00, v6  }
0x98: {  	v12 =	vld [tilespmem:s18+$0x1C430];
	v9 =	vand.u32 $0xFFFFFC00, v9;
	v11 =	vand.u32 $0xFFFFFC00, v11;
	v1 =	vor.u32 v6, v1  }
0x99: {  	v6 =	vld [tilespmem:s18+$0x1C420];
	v2 =	vor.u32 v9, v2;
	v5 =	vor.u32 v11, v5;
	v10 =	vor.u32 v4, v1  }
0x9a: {  	v16 =	vld [tilespmem:s18+$0x1C030];
	v11 =	vshll.u32 v7, $0x3;
	v7 =	vand.u32 $0x7F, v7;
	v1 =	vshll.u32 v3, $0x3  }
0x9b: {  	v18 =	vld [tilespmem:s16+$0x1C200];
	v3 =	vand.u32 $0x7F, v3;
	v9 =	vor.u32 v4, v2;
	v13 =	vand.u32 $0xFFFFFC00, v1  }
0x9c: {  	v25 =	vld [tilespmem:s16+$0x1C430];
	v15 =	vor.u32 v4, v5;
	v11 =	vand.u32 $0xFFFFFC00, v11;
	v3 =	vor.u32 v13, v3  }
0x9d: {  	v2 =	vld [tilespmem:s18+$0x1C010];
	v7 =	vor.u32 v11, v7;
	v13 =	vor.u32 v4, v3;
	v3 =	vshll.u32 v12, $0x3  }
0x9e: {  	v12 =	vand.u32 $0x7F, v12;
	v14 =	vshll.u32 v6, $0x3;
	v17 =	vand.u32 $0xFFFFFC00, v3;
	v5 =	vld.idx.msk [tilespmem:v10+s6+$0x0], $0xffff  }
0x9f: {  	v6 =	vand.u32 $0x7F, v6;
	v10 =	vshll.u32 v8, $0x3;
	v12 =	vor.u32 v17, v12;
	v17 =	vld [tilespmem:s16+$0x1C230]  }
0xa0: {  	s21 =	simm.s32 $0x0;
	v1 =	vld [tilespmem:s18+$0x1C000];
	v14 =	vand.u32 $0xFFFFFC00, v14;
	v8 =	vand.u32 $0x7F, v8;
	v10 =	vand.u32 $0xFFFFFC00, v10  }
0xa1: {  	v11 =	vld [tilespmem:s16+$0x1C220];
	v20 =	vor.u32 v4, v12;
	v10 =	vor.u32 v10, v8;
	v8 =	vmov s21  }
0xa2: {  	v3 =	vld [tilespmem:s18+$0x1C020];
	v12 =	vor.u32 v14, v6;
	v6 =	vor.u32 v4, v7;
	v14 =	vshll.u32 v8, $0x7  }
0xa3: {  	v8 =	vld [tilespmem:s16+$0x1C400];
	v7 =	vand.u32 $0x380, v14;
	v21 =	vmul.f32 v16, v5;
	v5 =	vor.u32 v4, v10  }
0xa4: {  	v10 =	vld [tilespmem:s16+$0x1C410];
	v14 =	vshll.u32 v17, $0x3;
	v4 =	vor.u32 v4, v12;
	v7 =	vbroadcast v7, $0x0  }
0xa5: {  	v12 =	vld [tilespmem:s16+$0x1C420];
	v16 =	vand.u32 $0x7F, v17;
	v17 =	vshll.u32 v18, $0x3;
	v14 =	vand.u32 $0xFFFFFC00, v14  }
0xa6: {  	v27 =	vshll.u32 v25, $0x3;
	v16 =	vor.u32 v14, v16;
	v14 =	vld.idx.msk [tilespmem:v9+s6+$0x0], $0xffff;
	v9 =	vand.u32 $0xFFFFFC00, v17  }
0xa7: {  	v15 =	vld.idx.msk [tilespmem:v15+s6+$0x0], $0xffff;
	v17 =	vshll.u32 v11, $0x3;
	v24 =	vor.u32 v7, v16;
	v16 =	vand.u32 $0x7F, v18  }
0xa8: {  	v18 =	vand.u32 $0xFFFFFC00, v22;
	v22 =	vand.u32 $0xFFFFFC00, v17;
	v17 =	vld.idx.msk [tilespmem:v13+s6+$0x0], $0xffff;
	v26 =	vshll.u32 v8, $0x3  }
0xa9: {  	v11 =	vand.u32 $0x7F, v11;
	[tilespmem:v20+s11+$0x0] =	vst.idx.msk $0xffff, v21;
	v9 =	vor.u32 v9, v16;
	v16 =	vld [tilespmem:s16+$0x1C000];
	v21 =	vand.u32 $0xFFFFFC00, v26  }
0xaa: {  	v13 =	vor.u32 v7, v9;
	v9 =	vor.u32 v18, v19;
	v19 =	vor.u32 v22, v11;
	v18 =	vld [tilespmem:s16+$0x1C010]  }
0xab: {  	v20 =	vld [tilespmem:s16+$0x1C030];
	v23 =	vshll.u32 v10, $0x3;
	v22 =	vshll.u32 v12, $0x3;
	v11 =	vor.u32 v7, v9  }
0xac: {  	s17 =	simm.s32 $0x4;
	s18 =	simm.s32 $0x80;
	v9 =	vor.u32 v7, v19;
	v19 =	vld.idx.msk [tilespmem:v24+s6+$0x0], $0xffff;
	v24 =	vand.u32 $0x7F, v25;
	v25 =	vand.u32 $0xFFFFFC00, v27  }
.LBB2_6:
0xad: {  	v23 =	vand.u32 $0xFFFFFC00, v23;
	v26 =	vld [tilespmem:s16+$0x1C020];
	s16 =	sand.u32 $0x1C0, s18;
	v22 =	vand.u32 $0xFFFFFC00, v22;
	v24 =	vor.u32 v25, v24  }
0xae: {  	v8 =	vand.u32 $0x7F, v8;
	v10 =	vand.u32 $0x7F, v10;
	v25 =	vld [tilespmem:s16+$0x1C230];
	v24 =	vor.u32 v7, v24  }
0xaf: {  	s17 =	sadd.s32 $0x4, s17;
	v12 =	vand.u32 $0x7F, v12;
	v14 =	vmul.f32 v1, v14;
	v17 =	vmul.f32 v2, v17;
	v1 =	vmovc v16;
	v27 =	vld [tilespmem:s16+$0x1C200];
	v2 =	vmovc v18  }
0xb0: {  	v15 =	vmul.f32 v3, v15;
	s19 =	sshrl.u32 s17, $0x5;
	p0 =	slt.u32 s17, $0xFC;
	v10 =	vor.u32 v23, v10;
	v18 =	vor.u32 v21, v8;
	v16 =	vld [tilespmem:s16+$0x1C210]  }
0xb1: {  	v12 =	vor.u32 v22, v12;
	v23 =	vmov s19;
	v21 =	vld [tilespmem:s16+$0x1C220];
	v19 =	vmul.f32 v20, v19;
	[tilespmem:v6+s11+$0x0] =	vst.idx.msk $0xffff, v14  }
0xb2: {  	v20 =	vshll.u32 v23, $0x7;
	v6 =	vor.u32 v7, v18;
	v8 =	vld [tilespmem:s16+$0x1C400];
	[tilespmem:v5+s11+$0x0] =	vst.idx.msk $0xffff, v17;
	v5 =	vor.u32 v7, v10  }
0xb3: {  	v18 =	vor.u32 v7, v12;
	v14 =	vand.u32 $0x380, v20;
	v3 =	vmovc v26;
	v10 =	vld [tilespmem:s16+$0x1C410];
	v17 =	vshll.u32 v25, $0x3;
	[tilespmem:v24+s11+$0x0] =	vst.idx.msk $0xffff, v19  }
0xb4: {  	v7 =	vbroadcast v14, $0x0;
	v14 =	vand.u32 $0x7F, v25;
	v12 =	vld [tilespmem:s16+$0x1C420];
	v17 =	vand.u32 $0xFFFFFC00, v17;
	[tilespmem:v4+s11+$0x0] =	vst.idx.msk $0xffff, v15;
	v4 =	vmovc v18  }
0xb5: {  	v15 =	vshll.u32 v27, $0x3;
	v18 =	vshll.u32 v16, $0x3;
	v17 =	vor.u32 v17, v14;
	v14 =	vld.idx.msk [tilespmem:v13+s6+$0x0], $0xffff  }
0xb6: {  	v13 =	vand.u32 $0xFFFFFC00, v15;
	v15 =	vshll.u32 v21, $0x3;
	v19 =	vor.u32 v7, v17;
	v24 =	vld [tilespmem:s16+$0x1C430]  }
0xb7: {  	v20 =	vand.u32 $0x7F, v27;
	v18 =	vand.u32 $0xFFFFFC00, v18;
	v22 =	vand.u32 $0xFFFFFC00, v15;
	v17 =	vld.idx.msk [tilespmem:v11+s6+$0x0], $0xffff  }
.Ltmp2:
0xb8: {  	v21 =	vand.u32 $0x7F, v21;
	v11 =	vor.u32 v13, v20;
	v20 =	vand.u32 $0x7F, v16;
	v15 =	vld.idx.msk [tilespmem:v9+s6+$0x0], $0xffff;
	(pc) =	sbr.rel @p0 .LBB2_6-.Ltmp2, $4  }
0xb9: {  	v13 =	vor.u32 v7, v11;
	v9 =	vor.u32 v18, v20;
	v20 =	vor.u32 v22, v21;
	v16 =	vld [tilespmem:s16+$0x1C000]  }
0xba: {  	v21 =	vshll.u32 v8, $0x3;
	v11 =	vor.u32 v7, v9;
	v9 =	vor.u32 v7, v20;
	v18 =	vld [tilespmem:s16+$0x1C010]  }
0xbb: {  	v23 =	vshll.u32 v10, $0x3;
	v22 =	vshll.u32 v12, $0x3;
	v19 =	vld.idx.msk [tilespmem:v19+s6+$0x0], $0xffff;
	v25 =	vshll.u32 v24, $0x3  }
0xbc: {  	s18 =	sadd.s32 $0x40, s18;
	v21 =	vand.u32 $0xFFFFFC00, v21;
	v24 =	vand.u32 $0x7F, v24;
	v20 =	vld [tilespmem:s16+$0x1C030];
	v25 =	vand.u32 $0xFFFFFC00, v25  }
0xbd: {  	_ =	sdelay $0x1  }
0xbe: {  	v23 =	vand.u32 $0xFFFFFC00, v23  }
0xbf: {  	v26 =	vld [tilespmem:s16+$0x1C020];
	v22 =	vand.u32 $0xFFFFFC00, v22;
	v24 =	vor.u32 v25, v24;
	v8 =	vand.u32 $0x7F, v8  }
0xc0: {  	v10 =	vand.u32 $0x7F, v10;
	v12 =	vand.u32 $0x7F, v12;
	v13 =	vld.idx.msk [tilespmem:v13+s6+$0x0], $0xffff;
	v1 =	vmul.f32 v1, v14  }
0xc1: {  	v2 =	vmul.f32 v2, v17;
	v11 =	vld.idx.msk [tilespmem:v11+s6+$0x0], $0xffff;
	v24 =	vor.u32 v7, v24;
	v8 =	vor.u32 v21, v8  }
0xc2: {  	v9 =	vld.idx.msk [tilespmem:v9+s6+$0x0], $0xffff;
	v3 =	vmul.f32 v3, v15;
	v10 =	vor.u32 v23, v10;
	v8 =	vor.u32 v7, v8  }
0xc3: {  	v12 =	vor.u32 v22, v12;
	[tilespmem:v6+s11+$0x0] =	vst.idx.msk $0xffff, v1;
	v1 =	vor.u32 v7, v10  }
0xc4: {  	[tilespmem:v5+s11+$0x0] =	vst.idx.msk $0xffff, v2;
	v2 =	vor.u32 v7, v12;
	v14 =	vmul.f32 v20, v19  }
0xc5: {  	[tilespmem:v4+s11+$0x0] =	vst.idx.msk $0xffff, v3;
	v5 =	vmul.f32 v16, v13  }
0xc6: {  	v3 =	vmul.f32 v18, v11;
	[tilespmem:v24+s11+$0x0] =	vst.idx.msk $0xffff, v14  }
0xc7: {  	v4 =	vmul.f32 v26, v9;
	[tilespmem:v8+s11+$0x0] =	vst.idx.msk $0xffff, v5  }
0xc8: {  	[tilespmem:v1+s11+$0x0] =	vst.idx.msk $0xffff, v3  }
0xc9: {  	[tilespmem:v2+s11+$0x0] =	vst.idx.msk $0xffff, v4  }
0xca: {  	s20 =	simm.s32 $0x0;
	s17 =	rddreg [dreg:$0x17]  }
0xcb: {  	[hbm4b:s17+s20] =	stream.linear.scatter [tilespmem:s11], [sflag:$0x5], $0x2000, $0x38;
	[tilespmem:$0x1C600] =	vst v63  }
0xcc: {  	s21 =	rddreg [dreg:$0xa]  }
0xcd: {  	[tilespmem:s6], [sflag:$0x2] =	stream.linear.gather [hbm4b:s21+s20], $0x8000, $0x38;
	[tilespmem:$0x1C600] =	vst v63  }
0xce: {  	_ =	swait.ge [sflag:s12], $0x8000  }
0xcf: {  	[sflag:s12] =	ssyncset.done $0x0  }
0xd0: {  	[sflag:s12] =	ssyncadd.s32 $0xFFFF8000  }
0xd1: {  	_ =	swait.ge [sflag:s13], $0x2000  }
0xd2: {  	[sflag:s13] =	ssyncset.done $0x0  }
0xd3: {  	s18 =	sand.u32 $0x1C0, s20;
	[sflag:s13] =	ssyncadd.s32 $0xFFFFE000  }
0xd4: {  	v1 =	vld [tilespmem:s18+$0x1C230]  }
0xd5: {  	s19 =	simm.s32 $0x0;
	s20 =	simm.s32 $0x40;
	v2 =	vld [tilespmem:s18+$0x1C200]  }
0xd6: {  	v4 =	vmov s19;
	s16 =	sand.u32 $0x1C0, s20;
	v5 =	vld [tilespmem:s18+$0x1C220]  }
0xd7: {  	v4 =	vshll.u32 v4, $0x7;
	v19 =	vld [tilespmem:s16+$0x1C210]  }
0xd8: {  	v4 =	vand.u32 $0x380, v4  }
0xd9: {  	v4 =	vbroadcast v4, $0x0;
	v3 =	vld [tilespmem:s18+$0x1C210]  }
0xda: {  	v7 =	vld [tilespmem:s18+$0x1C400];
	v6 =	vshll.u32 v1, $0x3;
	v1 =	vand.u32 $0x7F, v1;
	v9 =	vshll.u32 v2, $0x3  }
0xdb: {  	v11 =	vshll.u32 v5, $0x3;
	v2 =	vand.u32 $0x7F, v2;
	v5 =	vand.u32 $0x7F, v5  }
0xdc: {  	v8 =	vld [tilespmem:s18+$0x1C410];
	v22 =	vshll.u32 v19, $0x3;
	v19 =	vand.u32 $0x7F, v19;
	v6 =	vand.u32 $0xFFFFFC00, v6  }
0xdd: {  	v12 =	vld [tilespmem:s18+$0x1C430];
	v9 =	vand.u32 $0xFFFFFC00, v9;
	v11 =	vand.u32 $0xFFFFFC00, v11;
	v1 =	vor.u32 v6, v1  }
0xde: {  	v6 =	vld [tilespmem:s18+$0x1C420];
	v2 =	vor.u32 v9, v2;
	v5 =	vor.u32 v11, v5;
	v10 =	vor.u32 v4, v1  }
0xdf: {  	v16 =	vld [tilespmem:s18+$0x1C030];
	v11 =	vshll.u32 v7, $0x3;
	v7 =	vand.u32 $0x7F, v7;
	v1 =	vshll.u32 v3, $0x3  }
0xe0: {  	v18 =	vld [tilespmem:s16+$0x1C200];
	v3 =	vand.u32 $0x7F, v3;
	v9 =	vor.u32 v4, v2;
	v13 =	vand.u32 $0xFFFFFC00, v1  }
0xe1: {  	v25 =	vld [tilespmem:s16+$0x1C430];
	v15 =	vor.u32 v4, v5;
	v11 =	vand.u32 $0xFFFFFC00, v11;
	v3 =	vor.u32 v13, v3  }
0xe2: {  	v2 =	vld [tilespmem:s18+$0x1C010];
	v7 =	vor.u32 v11, v7;
	v13 =	vor.u32 v4, v3;
	v3 =	vshll.u32 v12, $0x3  }
0xe3: {  	v12 =	vand.u32 $0x7F, v12;
	v14 =	vshll.u32 v6, $0x3;
	v17 =	vand.u32 $0xFFFFFC00, v3;
	v5 =	vld.idx.msk [tilespmem:v10+s7+$0x0], $0xffff  }
0xe4: {  	v6 =	vand.u32 $0x7F, v6;
	v10 =	vshll.u32 v8, $0x3;
	v12 =	vor.u32 v17, v12;
	v17 =	vld [tilespmem:s16+$0x1C230]  }
0xe5: {  	s21 =	simm.s32 $0x0;
	v1 =	vld [tilespmem:s18+$0x1C000];
	v14 =	vand.u32 $0xFFFFFC00, v14;
	v8 =	vand.u32 $0x7F, v8;
	v10 =	vand.u32 $0xFFFFFC00, v10  }
0xe6: {  	v11 =	vld [tilespmem:s16+$0x1C220];
	v20 =	vor.u32 v4, v12;
	v10 =	vor.u32 v10, v8;
	v8 =	vmov s21  }
0xe7: {  	v3 =	vld [tilespmem:s18+$0x1C020];
	v12 =	vor.u32 v14, v6;
	v6 =	vor.u32 v4, v7;
	v14 =	vshll.u32 v8, $0x7  }
0xe8: {  	v8 =	vld [tilespmem:s16+$0x1C400];
	v7 =	vand.u32 $0x380, v14;
	v21 =	vmul.f32 v16, v5;
	v5 =	vor.u32 v4, v10  }
0xe9: {  	v10 =	vld [tilespmem:s16+$0x1C410];
	v14 =	vshll.u32 v17, $0x3;
	v4 =	vor.u32 v4, v12;
	v7 =	vbroadcast v7, $0x0  }
0xea: {  	v12 =	vld [tilespmem:s16+$0x1C420];
	v16 =	vand.u32 $0x7F, v17;
	v17 =	vshll.u32 v18, $0x3;
	v14 =	vand.u32 $0xFFFFFC00, v14  }
0xeb: {  	v27 =	vshll.u32 v25, $0x3;
	v16 =	vor.u32 v14, v16;
	v14 =	vld.idx.msk [tilespmem:v9+s7+$0x0], $0xffff;
	v9 =	vand.u32 $0xFFFFFC00, v17  }
0xec: {  	v15 =	vld.idx.msk [tilespmem:v15+s7+$0x0], $0xffff;
	v17 =	vshll.u32 v11, $0x3;
	v24 =	vor.u32 v7, v16;
	v16 =	vand.u32 $0x7F, v18  }
0xed: {  	v18 =	vand.u32 $0xFFFFFC00, v22;
	v22 =	vand.u32 $0xFFFFFC00, v17;
	v17 =	vld.idx.msk [tilespmem:v13+s7+$0x0], $0xffff;
	v26 =	vshll.u32 v8, $0x3  }
0xee: {  	v11 =	vand.u32 $0x7F, v11;
	[tilespmem:v20+s9+$0x0] =	vst.idx.msk $0xffff, v21;
	v9 =	vor.u32 v9, v16;
	v16 =	vld [tilespmem:s16+$0x1C000];
	v21 =	vand.u32 $0xFFFFFC00, v26  }
0xef: {  	v13 =	vor.u32 v7, v9;
	v9 =	vor.u32 v18, v19;
	v19 =	vor.u32 v22, v11;
	v18 =	vld [tilespmem:s16+$0x1C010]  }
0xf0: {  	v20 =	vld [tilespmem:s16+$0x1C030];
	v23 =	vshll.u32 v10, $0x3;
	v22 =	vshll.u32 v12, $0x3;
	v11 =	vor.u32 v7, v9  }
0xf1: {  	s17 =	simm.s32 $0x4;
	s18 =	simm.s32 $0x80;
	v9 =	vor.u32 v7, v19;
	v19 =	vld.idx.msk [tilespmem:v24+s7+$0x0], $0xffff;
	v24 =	vand.u32 $0x7F, v25;
	v25 =	vand.u32 $0xFFFFFC00, v27  }
.LBB2_8:
0xf2: {  	v23 =	vand.u32 $0xFFFFFC00, v23;
	v26 =	vld [tilespmem:s16+$0x1C020];
	s16 =	sand.u32 $0x1C0, s18;
	v22 =	vand.u32 $0xFFFFFC00, v22;
	v24 =	vor.u32 v25, v24  }
0xf3: {  	v8 =	vand.u32 $0x7F, v8;
	v10 =	vand.u32 $0x7F, v10;
	v25 =	vld [tilespmem:s16+$0x1C230];
	v24 =	vor.u32 v7, v24  }
0xf4: {  	s17 =	sadd.s32 $0x4, s17;
	v12 =	vand.u32 $0x7F, v12;
	v14 =	vmul.f32 v1, v14;
	v17 =	vmul.f32 v2, v17;
	v1 =	vmovc v16;
	v27 =	vld [tilespmem:s16+$0x1C200];
	v2 =	vmovc v18  }
0xf5: {  	v15 =	vmul.f32 v3, v15;
	s19 =	sshrl.u32 s17, $0x5;
	p0 =	slt.u32 s17, $0xFC;
	v10 =	vor.u32 v23, v10;
	v18 =	vor.u32 v21, v8;
	v16 =	vld [tilespmem:s16+$0x1C210]  }
0xf6: {  	v12 =	vor.u32 v22, v12;
	v23 =	vmov s19;
	v21 =	vld [tilespmem:s16+$0x1C220];
	v19 =	vmul.f32 v20, v19;
	[tilespmem:v6+s9+$0x0] =	vst.idx.msk $0xffff, v14  }
0xf7: {  	v20 =	vshll.u32 v23, $0x7;
	v6 =	vor.u32 v7, v18;
	v8 =	vld [tilespmem:s16+$0x1C400];
	[tilespmem:v5+s9+$0x0] =	vst.idx.msk $0xffff, v17;
	v5 =	vor.u32 v7, v10  }
0xf8: {  	v18 =	vor.u32 v7, v12;
	v14 =	vand.u32 $0x380, v20;
	v3 =	vmovc v26;
	v10 =	vld [tilespmem:s16+$0x1C410];
	v17 =	vshll.u32 v25, $0x3;
	[tilespmem:v24+s9+$0x0] =	vst.idx.msk $0xffff, v19  }
0xf9: {  	v7 =	vbroadcast v14, $0x0;
	v14 =	vand.u32 $0x7F, v25;
	v12 =	vld [tilespmem:s16+$0x1C420];
	v17 =	vand.u32 $0xFFFFFC00, v17;
	[tilespmem:v4+s9+$0x0] =	vst.idx.msk $0xffff, v15;
	v4 =	vmovc v18  }
0xfa: {  	v15 =	vshll.u32 v27, $0x3;
	v18 =	vshll.u32 v16, $0x3;
	v17 =	vor.u32 v17, v14;
	v14 =	vld.idx.msk [tilespmem:v13+s7+$0x0], $0xffff  }
0xfb: {  	v13 =	vand.u32 $0xFFFFFC00, v15;
	v15 =	vshll.u32 v21, $0x3;
	v19 =	vor.u32 v7, v17;
	v24 =	vld [tilespmem:s16+$0x1C430]  }
0xfc: {  	v20 =	vand.u32 $0x7F, v27;
	v18 =	vand.u32 $0xFFFFFC00, v18;
	v22 =	vand.u32 $0xFFFFFC00, v15;
	v17 =	vld.idx.msk [tilespmem:v11+s7+$0x0], $0xffff  }
.Ltmp3:
0xfd: {  	v21 =	vand.u32 $0x7F, v21;
	v11 =	vor.u32 v13, v20;
	v20 =	vand.u32 $0x7F, v16;
	v15 =	vld.idx.msk [tilespmem:v9+s7+$0x0], $0xffff;
	(pc) =	sbr.rel @p0 .LBB2_8-.Ltmp3, $4  }
0xfe: {  	v13 =	vor.u32 v7, v11;
	v9 =	vor.u32 v18, v20;
	v20 =	vor.u32 v22, v21;
	v16 =	vld [tilespmem:s16+$0x1C000]  }
0xff: {  	v21 =	vshll.u32 v8, $0x3;
	v11 =	vor.u32 v7, v9;
	v9 =	vor.u32 v7, v20;
	v18 =	vld [tilespmem:s16+$0x1C010]  }
0x100: {  	v23 =	vshll.u32 v10, $0x3;
	v22 =	vshll.u32 v12, $0x3;
	v19 =	vld.idx.msk [tilespmem:v19+s7+$0x0], $0xffff;
	v25 =	vshll.u32 v24, $0x3  }
0x101: {  	s18 =	sadd.s32 $0x40, s18;
	v21 =	vand.u32 $0xFFFFFC00, v21;
	v24 =	vand.u32 $0x7F, v24;
	v20 =	vld [tilespmem:s16+$0x1C030];
	v25 =	vand.u32 $0xFFFFFC00, v25  }
0x102: {  	_ =	sdelay $0x1  }
0x103: {  	v23 =	vand.u32 $0xFFFFFC00, v23  }
0x104: {  	v26 =	vld [tilespmem:s16+$0x1C020];
	v22 =	vand.u32 $0xFFFFFC00, v22;
	v24 =	vor.u32 v25, v24;
	v8 =	vand.u32 $0x7F, v8  }
0x105: {  	v10 =	vand.u32 $0x7F, v10;
	v12 =	vand.u32 $0x7F, v12;
	v13 =	vld.idx.msk [tilespmem:v13+s7+$0x0], $0xffff;
	v1 =	vmul.f32 v1, v14  }
0x106: {  	v2 =	vmul.f32 v2, v17;
	v11 =	vld.idx.msk [tilespmem:v11+s7+$0x0], $0xffff;
	v24 =	vor.u32 v7, v24;
	v8 =	vor.u32 v21, v8  }
0x107: {  	v9 =	vld.idx.msk [tilespmem:v9+s7+$0x0], $0xffff;
	v3 =	vmul.f32 v3, v15;
	v10 =	vor.u32 v23, v10;
	v8 =	vor.u32 v7, v8  }
0x108: {  	v12 =	vor.u32 v22, v12;
	[tilespmem:v6+s9+$0x0] =	vst.idx.msk $0xffff, v1;
	v1 =	vor.u32 v7, v10  }
0x109: {  	[tilespmem:v5+s9+$0x0] =	vst.idx.msk $0xffff, v2;
	v2 =	vor.u32 v7, v12;
	v14 =	vmul.f32 v20, v19  }
0x10a: {  	[tilespmem:v4+s9+$0x0] =	vst.idx.msk $0xffff, v3;
	v5 =	vmul.f32 v16, v13  }
0x10b: {  	v3 =	vmul.f32 v18, v11;
	[tilespmem:v24+s9+$0x0] =	vst.idx.msk $0xffff, v14  }
0x10c: {  	v4 =	vmul.f32 v26, v9;
	[tilespmem:v8+s9+$0x0] =	vst.idx.msk $0xffff, v5  }
0x10d: {  	[tilespmem:v1+s9+$0x0] =	vst.idx.msk $0xffff, v3  }
0x10e: {  	[tilespmem:v2+s9+$0x0] =	vst.idx.msk $0xffff, v4  }
0x10f: {  	s20 =	simm.s32 $0x0;
	s17 =	rddreg [dreg:$0x18]  }
0x110: {  	[hbm4b:s17+s20] =	stream.linear.scatter [tilespmem:s9], [sflag:$0x4], $0x2000, $0x38;
	[tilespmem:$0x1C600] =	vst v63  }
0x111: {  	s21 =	rddreg [dreg:$0xb]  }
0x112: {  	[tilespmem:s7], [sflag:$0x3] =	stream.linear.gather [hbm4b:s21+s20], $0x8000, $0x38;
	[tilespmem:$0x1C600] =	vst v63  }
0x113: {  	_ =	swait.ge [sflag:s8], $0x8000  }
0x114: {  	[sflag:s8] =	ssyncset.done $0x0  }
0x115: {  	[sflag:s8] =	ssyncadd.s32 $0xFFFF8000  }
0x116: {  	_ =	swait.ge [sflag:s14], $0x2000  }
0x117: {  	[sflag:s14] =	ssyncset.done $0x0  }
0x118: {  	s18 =	sand.u32 $0x1C0, s20;
	[sflag:s14] =	ssyncadd.s32 $0xFFFFE000  }
0x119: {  	v1 =	vld [tilespmem:s18+$0x1C230]  }
0x11a: {  	s19 =	simm.s32 $0x0;
	s20 =	simm.s32 $0x40;
	v2 =	vld [tilespmem:s18+$0x1C200]  }
0x11b: {  	v4 =	vmov s19;
	s16 =	sand.u32 $0x1C0, s20;
	v5 =	vld [tilespmem:s18+$0x1C220]  }
0x11c: {  	v4 =	vshll.u32 v4, $0x7;
	v19 =	vld [tilespmem:s16+$0x1C210]  }
0x11d: {  	v4 =	vand.u32 $0x380, v4  }
0x11e: {  	v4 =	vbroadcast v4, $0x0;
	v3 =	vld [tilespmem:s18+$0x1C210]  }
0x11f: {  	v7 =	vld [tilespmem:s18+$0x1C400];
	v6 =	vshll.u32 v1, $0x3;
	v1 =	vand.u32 $0x7F, v1;
	v9 =	vshll.u32 v2, $0x3  }
0x120: {  	v11 =	vshll.u32 v5, $0x3;
	v2 =	vand.u32 $0x7F, v2;
	v5 =	vand.u32 $0x7F, v5  }
0x121: {  	v8 =	vld [tilespmem:s18+$0x1C410];
	v22 =	vshll.u32 v19, $0x3;
	v19 =	vand.u32 $0x7F, v19;
	v6 =	vand.u32 $0xFFFFFC00, v6  }
0x122: {  	v12 =	vld [tilespmem:s18+$0x1C430];
	v9 =	vand.u32 $0xFFFFFC00, v9;
	v11 =	vand.u32 $0xFFFFFC00, v11;
	v1 =	vor.u32 v6, v1  }
0x123: {  	v6 =	vld [tilespmem:s18+$0x1C420];
	v2 =	vor.u32 v9, v2;
	v5 =	vor.u32 v11, v5;
	v10 =	vor.u32 v4, v1  }
0x124: {  	v16 =	vld [tilespmem:s18+$0x1C030];
	v11 =	vshll.u32 v7, $0x3;
	v7 =	vand.u32 $0x7F, v7;
	v1 =	vshll.u32 v3, $0x3  }
0x125: {  	v18 =	vld [tilespmem:s16+$0x1C200];
	v3 =	vand.u32 $0x7F, v3;
	v9 =	vor.u32 v4, v2;
	v13 =	vand.u32 $0xFFFFFC00, v1  }
0x126: {  	v25 =	vld [tilespmem:s16+$0x1C430];
	v15 =	vor.u32 v4, v5;
	v11 =	vand.u32 $0xFFFFFC00, v11;
	v3 =	vor.u32 v13, v3  }
0x127: {  	v2 =	vld [tilespmem:s18+$0x1C010];
	v7 =	vor.u32 v11, v7;
	v13 =	vor.u32 v4, v3;
	v3 =	vshll.u32 v12, $0x3  }
0x128: {  	v12 =	vand.u32 $0x7F, v12;
	v14 =	vshll.u32 v6, $0x3;
	v17 =	vand.u32 $0xFFFFFC00, v3;
	v5 =	vld.idx.msk [tilespmem:v10+s1+$0x0], $0xffff  }
0x129: {  	v6 =	vand.u32 $0x7F, v6;
	v10 =	vshll.u32 v8, $0x3;
	v12 =	vor.u32 v17, v12;
	v17 =	vld [tilespmem:s16+$0x1C230]  }
0x12a: {  	s21 =	simm.s32 $0x0;
	v1 =	vld [tilespmem:s18+$0x1C000];
	v14 =	vand.u32 $0xFFFFFC00, v14;
	v8 =	vand.u32 $0x7F, v8;
	v10 =	vand.u32 $0xFFFFFC00, v10  }
0x12b: {  	v11 =	vld [tilespmem:s16+$0x1C220];
	v20 =	vor.u32 v4, v12;
	v10 =	vor.u32 v10, v8;
	v8 =	vmov s21  }
0x12c: {  	v3 =	vld [tilespmem:s18+$0x1C020];
	v12 =	vor.u32 v14, v6;
	v6 =	vor.u32 v4, v7;
	v14 =	vshll.u32 v8, $0x7  }
0x12d: {  	v8 =	vld [tilespmem:s16+$0x1C400];
	v7 =	vand.u32 $0x380, v14;
	v21 =	vmul.f32 v16, v5;
	v5 =	vor.u32 v4, v10  }
0x12e: {  	v10 =	vld [tilespmem:s16+$0x1C410];
	v14 =	vshll.u32 v17, $0x3;
	v4 =	vor.u32 v4, v12;
	v7 =	vbroadcast v7, $0x0  }
0x12f: {  	v12 =	vld [tilespmem:s16+$0x1C420];
	v16 =	vand.u32 $0x7F, v17;
	v17 =	vshll.u32 v18, $0x3;
	v14 =	vand.u32 $0xFFFFFC00, v14  }
0x130: {  	v27 =	vshll.u32 v25, $0x3;
	v16 =	vor.u32 v14, v16;
	v14 =	vld.idx.msk [tilespmem:v9+s1+$0x0], $0xffff;
	v9 =	vand.u32 $0xFFFFFC00, v17  }
0x131: {  	v15 =	vld.idx.msk [tilespmem:v15+s1+$0x0], $0xffff;
	v17 =	vshll.u32 v11, $0x3;
	v24 =	vor.u32 v7, v16;
	v16 =	vand.u32 $0x7F, v18  }
0x132: {  	v18 =	vand.u32 $0xFFFFFC00, v22;
	v22 =	vand.u32 $0xFFFFFC00, v17;
	v17 =	vld.idx.msk [tilespmem:v13+s1+$0x0], $0xffff;
	v26 =	vshll.u32 v8, $0x3  }
0x133: {  	v11 =	vand.u32 $0x7F, v11;
	[tilespmem:v20+s11+$0x0] =	vst.idx.msk $0xffff, v21;
	v9 =	vor.u32 v9, v16;
	v16 =	vld [tilespmem:s16+$0x1C000];
	v21 =	vand.u32 $0xFFFFFC00, v26  }
0x134: {  	v13 =	vor.u32 v7, v9;
	v9 =	vor.u32 v18, v19;
	v19 =	vor.u32 v22, v11;
	v18 =	vld [tilespmem:s16+$0x1C010]  }
0x135: {  	v20 =	vld [tilespmem:s16+$0x1C030];
	v23 =	vshll.u32 v10, $0x3;
	v22 =	vshll.u32 v12, $0x3;
	v11 =	vor.u32 v7, v9  }
0x136: {  	s17 =	simm.s32 $0x4;
	s18 =	simm.s32 $0x80;
	v9 =	vor.u32 v7, v19;
	v19 =	vld.idx.msk [tilespmem:v24+s1+$0x0], $0xffff;
	v24 =	vand.u32 $0x7F, v25;
	v25 =	vand.u32 $0xFFFFFC00, v27  }
.LBB2_10:
0x137: {  	v23 =	vand.u32 $0xFFFFFC00, v23;
	v26 =	vld [tilespmem:s16+$0x1C020];
	s16 =	sand.u32 $0x1C0, s18;
	v22 =	vand.u32 $0xFFFFFC00, v22;
	v24 =	vor.u32 v25, v24  }
0x138: {  	v8 =	vand.u32 $0x7F, v8;
	v10 =	vand.u32 $0x7F, v10;
	v25 =	vld [tilespmem:s16+$0x1C230];
	v24 =	vor.u32 v7, v24  }
0x139: {  	s17 =	sadd.s32 $0x4, s17;
	v12 =	vand.u32 $0x7F, v12;
	v14 =	vmul.f32 v1, v14;
	v17 =	vmul.f32 v2, v17;
	v1 =	vmovc v16;
	v27 =	vld [tilespmem:s16+$0x1C200];
	v2 =	vmovc v18  }
0x13a: {  	v15 =	vmul.f32 v3, v15;
	s19 =	sshrl.u32 s17, $0x5;
	p0 =	slt.u32 s17, $0xFC;
	v10 =	vor.u32 v23, v10;
	v18 =	vor.u32 v21, v8;
	v16 =	vld [tilespmem:s16+$0x1C210]  }
0x13b: {  	v12 =	vor.u32 v22, v12;
	v23 =	vmov s19;
	v21 =	vld [tilespmem:s16+$0x1C220];
	v19 =	vmul.f32 v20, v19;
	[tilespmem:v6+s11+$0x0] =	vst.idx.msk $0xffff, v14  }
0x13c: {  	v20 =	vshll.u32 v23, $0x7;
	v6 =	vor.u32 v7, v18;
	v8 =	vld [tilespmem:s16+$0x1C400];
	[tilespmem:v5+s11+$0x0] =	vst.idx.msk $0xffff, v17;
	v5 =	vor.u32 v7, v10  }
0x13d: {  	v18 =	vor.u32 v7, v12;
	v14 =	vand.u32 $0x380, v20;
	v3 =	vmovc v26;
	v10 =	vld [tilespmem:s16+$0x1C410];
	v17 =	vshll.u32 v25, $0x3;
	[tilespmem:v24+s11+$0x0] =	vst.idx.msk $0xffff, v19  }
0x13e: {  	v7 =	vbroadcast v14, $0x0;
	v14 =	vand.u32 $0x7F, v25;
	v12 =	vld [tilespmem:s16+$0x1C420];
	v17 =	vand.u32 $0xFFFFFC00, v17;
	[tilespmem:v4+s11+$0x0] =	vst.idx.msk $0xffff, v15;
	v4 =	vmovc v18  }
0x13f: {  	v15 =	vshll.u32 v27, $0x3;
	v18 =	vshll.u32 v16, $0x3;
	v17 =	vor.u32 v17, v14;
	v14 =	vld.idx.msk [tilespmem:v13+s1+$0x0], $0xffff  }
0x140: {  	v13 =	vand.u32 $0xFFFFFC00, v15;
	v15 =	vshll.u32 v21, $0x3;
	v19 =	vor.u32 v7, v17;
	v24 =	vld [tilespmem:s16+$0x1C430]  }
0x141: {  	v20 =	vand.u32 $0x7F, v27;
	v18 =	vand.u32 $0xFFFFFC00, v18;
	v22 =	vand.u32 $0xFFFFFC00, v15;
	v17 =	vld.idx.msk [tilespmem:v11+s1+$0x0], $0xffff  }
.Ltmp4:
0x142: {  	v21 =	vand.u32 $0x7F, v21;
	v11 =	vor.u32 v13, v20;
	v20 =	vand.u32 $0x7F, v16;
	v15 =	vld.idx.msk [tilespmem:v9+s1+$0x0], $0xffff;
	(pc) =	sbr.rel @p0 .LBB2_10-.Ltmp4, $4  }
0x143: {  	v13 =	vor.u32 v7, v11;
	v9 =	vor.u32 v18, v20;
	v20 =	vor.u32 v22, v21;
	v16 =	vld [tilespmem:s16+$0x1C000]  }
0x144: {  	v21 =	vshll.u32 v8, $0x3;
	v11 =	vor.u32 v7, v9;
	v9 =	vor.u32 v7, v20;
	v18 =	vld [tilespmem:s16+$0x1C010]  }
0x145: {  	v23 =	vshll.u32 v10, $0x3;
	v22 =	vshll.u32 v12, $0x3;
	v19 =	vld.idx.msk [tilespmem:v19+s1+$0x0], $0xffff;
	v25 =	vshll.u32 v24, $0x3  }
0x146: {  	s18 =	sadd.s32 $0x40, s18;
	v21 =	vand.u32 $0xFFFFFC00, v21;
	v24 =	vand.u32 $0x7F, v24;
	v20 =	vld [tilespmem:s16+$0x1C030];
	v25 =	vand.u32 $0xFFFFFC00, v25  }
0x147: {  	_ =	sdelay $0x1  }
0x148: {  	v23 =	vand.u32 $0xFFFFFC00, v23  }
0x149: {  	v26 =	vld [tilespmem:s16+$0x1C020];
	v22 =	vand.u32 $0xFFFFFC00, v22;
	v24 =	vor.u32 v25, v24;
	v8 =	vand.u32 $0x7F, v8  }
0x14a: {  	v10 =	vand.u32 $0x7F, v10;
	v12 =	vand.u32 $0x7F, v12;
	v13 =	vld.idx.msk [tilespmem:v13+s1+$0x0], $0xffff;
	v1 =	vmul.f32 v1, v14  }
0x14b: {  	v2 =	vmul.f32 v2, v17;
	v11 =	vld.idx.msk [tilespmem:v11+s1+$0x0], $0xffff;
	v24 =	vor.u32 v7, v24;
	v8 =	vor.u32 v21, v8  }
0x14c: {  	v9 =	vld.idx.msk [tilespmem:v9+s1+$0x0], $0xffff;
	v3 =	vmul.f32 v3, v15;
	v10 =	vor.u32 v23, v10;
	v8 =	vor.u32 v7, v8  }
0x14d: {  	v12 =	vor.u32 v22, v12;
	[tilespmem:v6+s11+$0x0] =	vst.idx.msk $0xffff, v1;
	v1 =	vor.u32 v7, v10  }
0x14e: {  	[tilespmem:v5+s11+$0x0] =	vst.idx.msk $0xffff, v2;
	v2 =	vor.u32 v7, v12;
	v14 =	vmul.f32 v20, v19  }
0x14f: {  	[tilespmem:v4+s11+$0x0] =	vst.idx.msk $0xffff, v3;
	v5 =	vmul.f32 v16, v13  }
0x150: {  	v3 =	vmul.f32 v18, v11;
	[tilespmem:v24+s11+$0x0] =	vst.idx.msk $0xffff, v14  }
0x151: {  	v4 =	vmul.f32 v26, v9;
	[tilespmem:v8+s11+$0x0] =	vst.idx.msk $0xffff, v5  }
0x152: {  	[tilespmem:v1+s11+$0x0] =	vst.idx.msk $0xffff, v3  }
0x153: {  	[tilespmem:v2+s11+$0x0] =	vst.idx.msk $0xffff, v4  }
0x154: {  	s20 =	simm.s32 $0x0;
	s17 =	rddreg [dreg:$0x19]  }
0x155: {  	[hbm4b:s17+s20] =	stream.linear.scatter [tilespmem:s11], [sflag:$0x5], $0x2000, $0x38;
	[tilespmem:$0x1C600] =	vst v63  }
0x156: {  	s21 =	rddreg [dreg:$0xc]  }
0x157: {  	[tilespmem:s20], [sflag:$0x1] =	stream.linear.gather [hbm4b:s21+s20], $0x8000, $0x38;
	[tilespmem:$0x1C600] =	vst v63  }
0x158: {  	_ =	swait.ge [sflag:s10], $0x8000  }
0x159: {  	[sflag:s10] =	ssyncset.done $0x0  }
0x15a: {  	[sflag:s10] =	ssyncadd.s32 $0xFFFF8000  }
0x15b: {  	_ =	swait.ge [sflag:s13], $0x2000  }
0x15c: {  	[sflag:s13] =	ssyncset.done $0x0  }
0x15d: {  	s18 =	sand.u32 $0x1C0, s20;
	[sflag:s13] =	ssyncadd.s32 $0xFFFFE000  }
0x15e: {  	v1 =	vld [tilespmem:s18+$0x1C230]  }
0x15f: {  	s19 =	simm.s32 $0x0;
	s20 =	simm.s32 $0x40;
	v2 =	vld [tilespmem:s18+$0x1C200]  }
0x160: {  	v4 =	vmov s19;
	s16 =	sand.u32 $0x1C0, s20;
	v5 =	vld [tilespmem:s18+$0x1C220]  }
0x161: {  	v4 =	vshll.u32 v4, $0x7;
	v19 =	vld [tilespmem:s16+$0x1C210]  }
0x162: {  	v4 =	vand.u32 $0x380, v4  }
0x163: {  	v4 =	vbroadcast v4, $0x0;
	v3 =	vld [tilespmem:s18+$0x1C210]  }
0x164: {  	v7 =	vld [tilespmem:s18+$0x1C400];
	v6 =	vshll.u32 v1, $0x3;
	v1 =	vand.u32 $0x7F, v1;
	v9 =	vshll.u32 v2, $0x3  }
0x165: {  	v11 =	vshll.u32 v5, $0x3;
	v2 =	vand.u32 $0x7F, v2;
	v5 =	vand.u32 $0x7F, v5  }
0x166: {  	v8 =	vld [tilespmem:s18+$0x1C410];
	v22 =	vshll.u32 v19, $0x3;
	v19 =	vand.u32 $0x7F, v19;
	v6 =	vand.u32 $0xFFFFFC00, v6  }
0x167: {  	v12 =	vld [tilespmem:s18+$0x1C430];
	v9 =	vand.u32 $0xFFFFFC00, v9;
	v11 =	vand.u32 $0xFFFFFC00, v11;
	v1 =	vor.u32 v6, v1  }
0x168: {  	v6 =	vld [tilespmem:s18+$0x1C420];
	v2 =	vor.u32 v9, v2;
	v5 =	vor.u32 v11, v5;
	v10 =	vor.u32 v4, v1  }
0x169: {  	v16 =	vld [tilespmem:s18+$0x1C030];
	v11 =	vshll.u32 v7, $0x3;
	v7 =	vand.u32 $0x7F, v7;
	v1 =	vshll.u32 v3, $0x3  }
0x16a: {  	v18 =	vld [tilespmem:s16+$0x1C200];
	v3 =	vand.u32 $0x7F, v3;
	v9 =	vor.u32 v4, v2;
	v13 =	vand.u32 $0xFFFFFC00, v1  }
0x16b: {  	v25 =	vld [tilespmem:s16+$0x1C430];
	v15 =	vor.u32 v4, v5;
	v11 =	vand.u32 $0xFFFFFC00, v11;
	v3 =	vor.u32 v13, v3  }
0x16c: {  	v2 =	vld [tilespmem:s18+$0x1C010];
	v7 =	vor.u32 v11, v7;
	v13 =	vor.u32 v4, v3;
	v3 =	vshll.u32 v12, $0x3  }
0x16d: {  	v12 =	vand.u32 $0x7F, v12;
	v14 =	vshll.u32 v6, $0x3;
	v17 =	vand.u32 $0xFFFFFC00, v3;
	v5 =	vld.idx.msk [tilespmem:v10+s6+$0x0], $0xffff  }
0x16e: {  	v6 =	vand.u32 $0x7F, v6;
	v10 =	vshll.u32 v8, $0x3;
	v12 =	vor.u32 v17, v12;
	v17 =	vld [tilespmem:s16+$0x1C230]  }
0x16f: {  	s21 =	simm.s32 $0x0;
	v1 =	vld [tilespmem:s18+$0x1C000];
	v14 =	vand.u32 $0xFFFFFC00, v14;
	v8 =	vand.u32 $0x7F, v8;
	v10 =	vand.u32 $0xFFFFFC00, v10  }
0x170: {  	v11 =	vld [tilespmem:s16+$0x1C220];
	v20 =	vor.u32 v4, v12;
	v10 =	vor.u32 v10, v8;
	v8 =	vmov s21  }
0x171: {  	v3 =	vld [tilespmem:s18+$0x1C020];
	v12 =	vor.u32 v14, v6;
	v6 =	vor.u32 v4, v7;
	v14 =	vshll.u32 v8, $0x7  }
0x172: {  	v8 =	vld [tilespmem:s16+$0x1C400];
	v7 =	vand.u32 $0x380, v14;
	v21 =	vmul.f32 v16, v5;
	v5 =	vor.u32 v4, v10  }
0x173: {  	v10 =	vld [tilespmem:s16+$0x1C410];
	v14 =	vshll.u32 v17, $0x3;
	v4 =	vor.u32 v4, v12;
	v7 =	vbroadcast v7, $0x0  }
0x174: {  	v12 =	vld [tilespmem:s16+$0x1C420];
	v16 =	vand.u32 $0x7F, v17;
	v17 =	vshll.u32 v18, $0x3;
	v14 =	vand.u32 $0xFFFFFC00, v14  }
0x175: {  	v27 =	vshll.u32 v25, $0x3;
	v16 =	vor.u32 v14, v16;
	v14 =	vld.idx.msk [tilespmem:v9+s6+$0x0], $0xffff;
	v9 =	vand.u32 $0xFFFFFC00, v17  }
0x176: {  	v15 =	vld.idx.msk [tilespmem:v15+s6+$0x0], $0xffff;
	v17 =	vshll.u32 v11, $0x3;
	v24 =	vor.u32 v7, v16;
	v16 =	vand.u32 $0x7F, v18  }
0x177: {  	v18 =	vand.u32 $0xFFFFFC00, v22;
	v22 =	vand.u32 $0xFFFFFC00, v17;
	v17 =	vld.idx.msk [tilespmem:v13+s6+$0x0], $0xffff;
	v26 =	vshll.u32 v8, $0x3  }
0x178: {  	v11 =	vand.u32 $0x7F, v11;
	[tilespmem:v20+s9+$0x0] =	vst.idx.msk $0xffff, v21;
	v9 =	vor.u32 v9, v16;
	v16 =	vld [tilespmem:s16+$0x1C000];
	v21 =	vand.u32 $0xFFFFFC00, v26  }
0x179: {  	v13 =	vor.u32 v7, v9;
	v9 =	vor.u32 v18, v19;
	v19 =	vor.u32 v22, v11;
	v18 =	vld [tilespmem:s16+$0x1C010]  }
0x17a: {  	v20 =	vld [tilespmem:s16+$0x1C030];
	v23 =	vshll.u32 v10, $0x3;
	v22 =	vshll.u32 v12, $0x3;
	v11 =	vor.u32 v7, v9  }
0x17b: {  	s17 =	simm.s32 $0x4;
	s18 =	simm.s32 $0x80;
	v9 =	vor.u32 v7, v19;
	v19 =	vld.idx.msk [tilespmem:v24+s6+$0x0], $0xffff;
	v24 =	vand.u32 $0x7F, v25;
	v25 =	vand.u32 $0xFFFFFC00, v27  }
.LBB2_12:
0x17c: {  	v23 =	vand.u32 $0xFFFFFC00, v23;
	v26 =	vld [tilespmem:s16+$0x1C020];
	s16 =	sand.u32 $0x1C0, s18;
	v22 =	vand.u32 $0xFFFFFC00, v22;
	v24 =	vor.u32 v25, v24  }
0x17d: {  	v8 =	vand.u32 $0x7F, v8;
	v10 =	vand.u32 $0x7F, v10;
	v25 =	vld [tilespmem:s16+$0x1C230];
	v24 =	vor.u32 v7, v24  }
0x17e: {  	s17 =	sadd.s32 $0x4, s17;
	v12 =	vand.u32 $0x7F, v12;
	v14 =	vmul.f32 v1, v14;
	v17 =	vmul.f32 v2, v17;
	v1 =	vmovc v16;
	v27 =	vld [tilespmem:s16+$0x1C200];
	v2 =	vmovc v18  }
0x17f: {  	v15 =	vmul.f32 v3, v15;
	s19 =	sshrl.u32 s17, $0x5;
	p0 =	slt.u32 s17, $0xFC;
	v10 =	vor.u32 v23, v10;
	v18 =	vor.u32 v21, v8;
	v16 =	vld [tilespmem:s16+$0x1C210]  }
0x180: {  	v12 =	vor.u32 v22, v12;
	v23 =	vmov s19;
	v21 =	vld [tilespmem:s16+$0x1C220];
	v19 =	vmul.f32 v20, v19;
	[tilespmem:v6+s9+$0x0] =	vst.idx.msk $0xffff, v14  }
0x181: {  	v20 =	vshll.u32 v23, $0x7;
	v6 =	vor.u32 v7, v18;
	v8 =	vld [tilespmem:s16+$0x1C400];
	[tilespmem:v5+s9+$0x0] =	vst.idx.msk $0xffff, v17;
	v5 =	vor.u32 v7, v10  }
0x182: {  	v18 =	vor.u32 v7, v12;
	v14 =	vand.u32 $0x380, v20;
	v3 =	vmovc v26;
	v10 =	vld [tilespmem:s16+$0x1C410];
	v17 =	vshll.u32 v25, $0x3;
	[tilespmem:v24+s9+$0x0] =	vst.idx.msk $0xffff, v19  }
0x183: {  	v7 =	vbroadcast v14, $0x0;
	v14 =	vand.u32 $0x7F, v25;
	v12 =	vld [tilespmem:s16+$0x1C420];
	v17 =	vand.u32 $0xFFFFFC00, v17;
	[tilespmem:v4+s9+$0x0] =	vst.idx.msk $0xffff, v15;
	v4 =	vmovc v18  }
0x184: {  	v15 =	vshll.u32 v27, $0x3;
	v18 =	vshll.u32 v16, $0x3;
	v17 =	vor.u32 v17, v14;
	v14 =	vld.idx.msk [tilespmem:v13+s6+$0x0], $0xffff  }
0x185: {  	v13 =	vand.u32 $0xFFFFFC00, v15;
	v15 =	vshll.u32 v21, $0x3;
	v19 =	vor.u32 v7, v17;
	v24 =	vld [tilespmem:s16+$0x1C430]  }
0x186: {  	v20 =	vand.u32 $0x7F, v27;
	v18 =	vand.u32 $0xFFFFFC00, v18;
	v22 =	vand.u32 $0xFFFFFC00, v15;
	v17 =	vld.idx.msk [tilespmem:v11+s6+$0x0], $0xffff  }
.Ltmp5:
0x187: {  	v21 =	vand.u32 $0x7F, v21;
	v11 =	vor.u32 v13, v20;
	v20 =	vand.u32 $0x7F, v16;
	v15 =	vld.idx.msk [tilespmem:v9+s6+$0x0], $0xffff;
	(pc) =	sbr.rel @p0 .LBB2_12-.Ltmp5, $4  }
0x188: {  	v13 =	vor.u32 v7, v11;
	v9 =	vor.u32 v18, v20;
	v20 =	vor.u32 v22, v21;
	v16 =	vld [tilespmem:s16+$0x1C000]  }
0x189: {  	v21 =	vshll.u32 v8, $0x3;
	v11 =	vor.u32 v7, v9;
	v9 =	vor.u32 v7, v20;
	v18 =	vld [tilespmem:s16+$0x1C010]  }
0x18a: {  	v23 =	vshll.u32 v10, $0x3;
	v22 =	vshll.u32 v12, $0x3;
	v19 =	vld.idx.msk [tilespmem:v19+s6+$0x0], $0xffff;
	v25 =	vshll.u32 v24, $0x3  }
0x18b: {  	s18 =	sadd.s32 $0x40, s18;
	v21 =	vand.u32 $0xFFFFFC00, v21;
	v24 =	vand.u32 $0x7F, v24;
	v20 =	vld [tilespmem:s16+$0x1C030];
	v25 =	vand.u32 $0xFFFFFC00, v25  }
0x18c: {  	_ =	sdelay $0x1  }
0x18d: {  	v23 =	vand.u32 $0xFFFFFC00, v23  }
0x18e: {  	v26 =	vld [tilespmem:s16+$0x1C020];
	v22 =	vand.u32 $0xFFFFFC00, v22;
	v24 =	vor.u32 v25, v24;
	v8 =	vand.u32 $0x7F, v8  }
0x18f: {  	v10 =	vand.u32 $0x7F, v10;
	v12 =	vand.u32 $0x7F, v12;
	v13 =	vld.idx.msk [tilespmem:v13+s6+$0x0], $0xffff;
	v1 =	vmul.f32 v1, v14  }
0x190: {  	v2 =	vmul.f32 v2, v17;
	v11 =	vld.idx.msk [tilespmem:v11+s6+$0x0], $0xffff;
	v24 =	vor.u32 v7, v24;
	v8 =	vor.u32 v21, v8  }
0x191: {  	v9 =	vld.idx.msk [tilespmem:v9+s6+$0x0], $0xffff;
	v3 =	vmul.f32 v3, v15;
	v10 =	vor.u32 v23, v10;
	v8 =	vor.u32 v7, v8  }
0x192: {  	v12 =	vor.u32 v22, v12;
	[tilespmem:v6+s9+$0x0] =	vst.idx.msk $0xffff, v1;
	v1 =	vor.u32 v7, v10  }
0x193: {  	[tilespmem:v5+s9+$0x0] =	vst.idx.msk $0xffff, v2;
	v2 =	vor.u32 v7, v12;
	v14 =	vmul.f32 v20, v19  }
0x194: {  	[tilespmem:v4+s9+$0x0] =	vst.idx.msk $0xffff, v3;
	v5 =	vmul.f32 v16, v13  }
0x195: {  	v3 =	vmul.f32 v18, v11;
	[tilespmem:v24+s9+$0x0] =	vst.idx.msk $0xffff, v14  }
0x196: {  	v4 =	vmul.f32 v26, v9;
	[tilespmem:v8+s9+$0x0] =	vst.idx.msk $0xffff, v5  }
0x197: {  	[tilespmem:v1+s9+$0x0] =	vst.idx.msk $0xffff, v3  }
0x198: {  	s21 =	simm.s32 $0x0;
	[tilespmem:v2+s9+$0x0] =	vst.idx.msk $0xffff, v4  }
0x199: {  	[hbm4b:s22+s21] =	stream.linear.scatter [tilespmem:s9], [sflag:$0x4], $0x2000, $0x38;
	[tilespmem:$0x1C600] =	vst v63  }
0x19a: {  	s17 =	rddreg [dreg:$0xd]  }
0x19b: {  	[tilespmem:s6], [sflag:$0x2] =	stream.linear.gather [hbm4b:s17+s21], $0x8000, $0x38;
	[tilespmem:$0x1C600] =	vst v63  }
0x19c: {  	_ =	swait.ge [sflag:s12], $0x8000  }
0x19d: {  	[sflag:s12] =	ssyncset.done $0x0  }
0x19e: {  	[sflag:s12] =	ssyncadd.s32 $0xFFFF8000  }
0x19f: {  	_ =	swait.ge [sflag:s14], $0x2000  }
0x1a0: {  	[sflag:s14] =	ssyncset.done $0x0  }
0x1a1: {  	s18 =	sand.u32 $0x1C0, s21;
	[sflag:s14] =	ssyncadd.s32 $0xFFFFE000  }
0x1a2: {  	v1 =	vld [tilespmem:s18+$0x1C230]  }
0x1a3: {  	s19 =	simm.s32 $0x0;
	s20 =	simm.s32 $0x40;
	v2 =	vld [tilespmem:s18+$0x1C200]  }
0x1a4: {  	s16 =	sand.u32 $0x1C0, s20;
	v4 =	vmov s19;
	v5 =	vld [tilespmem:s18+$0x1C220]  }
0x1a5: {  	v4 =	vshll.u32 v4, $0x7;
	v19 =	vld [tilespmem:s16+$0x1C210]  }
0x1a6: {  	v4 =	vand.u32 $0x380, v4  }
0x1a7: {  	v4 =	vbroadcast v4, $0x0;
	v3 =	vld [tilespmem:s18+$0x1C210]  }
0x1a8: {  	v7 =	vld [tilespmem:s18+$0x1C400];
	v6 =	vshll.u32 v1, $0x3;
	v1 =	vand.u32 $0x7F, v1;
	v9 =	vshll.u32 v2, $0x3  }
0x1a9: {  	v11 =	vshll.u32 v5, $0x3;
	v2 =	vand.u32 $0x7F, v2;
	v5 =	vand.u32 $0x7F, v5  }
0x1aa: {  	v8 =	vld [tilespmem:s18+$0x1C410];
	v22 =	vshll.u32 v19, $0x3;
	v19 =	vand.u32 $0x7F, v19;
	v6 =	vand.u32 $0xFFFFFC00, v6  }
0x1ab: {  	v12 =	vld [tilespmem:s18+$0x1C430];
	v9 =	vand.u32 $0xFFFFFC00, v9;
	v11 =	vand.u32 $0xFFFFFC00, v11;
	v1 =	vor.u32 v6, v1  }
0x1ac: {  	v6 =	vld [tilespmem:s18+$0x1C420];
	v2 =	vor.u32 v9, v2;
	v5 =	vor.u32 v11, v5;
	v10 =	vor.u32 v4, v1  }
0x1ad: {  	v16 =	vld [tilespmem:s18+$0x1C030];
	v11 =	vshll.u32 v7, $0x3;
	v7 =	vand.u32 $0x7F, v7;
	v1 =	vshll.u32 v3, $0x3  }
0x1ae: {  	v18 =	vld [tilespmem:s16+$0x1C200];
	v3 =	vand.u32 $0x7F, v3;
	v9 =	vor.u32 v4, v2;
	v13 =	vand.u32 $0xFFFFFC00, v1  }
0x1af: {  	v25 =	vld [tilespmem:s16+$0x1C430];
	v15 =	vor.u32 v4, v5;
	v11 =	vand.u32 $0xFFFFFC00, v11;
	v3 =	vor.u32 v13, v3  }
0x1b0: {  	v2 =	vld [tilespmem:s18+$0x1C010];
	v7 =	vor.u32 v11, v7;
	v13 =	vor.u32 v4, v3;
	v3 =	vshll.u32 v12, $0x3  }
0x1b1: {  	v12 =	vand.u32 $0x7F, v12;
	v14 =	vshll.u32 v6, $0x3;
	v17 =	vand.u32 $0xFFFFFC00, v3;
	v5 =	vld.idx.msk [tilespmem:v10+s7+$0x0], $0xffff  }
0x1b2: {  	v6 =	vand.u32 $0x7F, v6;
	v10 =	vshll.u32 v8, $0x3;
	v12 =	vor.u32 v17, v12;
	v17 =	vld [tilespmem:s16+$0x1C230]  }
0x1b3: {  	s21 =	simm.s32 $0x0;
	v1 =	vld [tilespmem:s18+$0x1C000];
	v14 =	vand.u32 $0xFFFFFC00, v14;
	v8 =	vand.u32 $0x7F, v8;
	v10 =	vand.u32 $0xFFFFFC00, v10  }
0x1b4: {  	v11 =	vld [tilespmem:s16+$0x1C220];
	v20 =	vor.u32 v4, v12;
	v10 =	vor.u32 v10, v8;
	v8 =	vmov s21  }
0x1b5: {  	v3 =	vld [tilespmem:s18+$0x1C020];
	v12 =	vor.u32 v14, v6;
	v6 =	vor.u32 v4, v7;
	v14 =	vshll.u32 v8, $0x7  }
0x1b6: {  	v8 =	vld [tilespmem:s16+$0x1C400];
	v7 =	vand.u32 $0x380, v14;
	v21 =	vmul.f32 v16, v5;
	v5 =	vor.u32 v4, v10  }
0x1b7: {  	v10 =	vld [tilespmem:s16+$0x1C410];
	v14 =	vshll.u32 v17, $0x3;
	v4 =	vor.u32 v4, v12;
	v7 =	vbroadcast v7, $0x0  }
0x1b8: {  	v12 =	vld [tilespmem:s16+$0x1C420];
	v16 =	vand.u32 $0x7F, v17;
	v17 =	vshll.u32 v18, $0x3;
	v14 =	vand.u32 $0xFFFFFC00, v14  }
0x1b9: {  	v27 =	vshll.u32 v25, $0x3;
	v16 =	vor.u32 v14, v16;
	v14 =	vld.idx.msk [tilespmem:v9+s7+$0x0], $0xffff;
	v9 =	vand.u32 $0xFFFFFC00, v17  }
0x1ba: {  	v15 =	vld.idx.msk [tilespmem:v15+s7+$0x0], $0xffff;
	v17 =	vshll.u32 v11, $0x3;
	v24 =	vor.u32 v7, v16;
	v16 =	vand.u32 $0x7F, v18  }
0x1bb: {  	v18 =	vand.u32 $0xFFFFFC00, v22;
	v22 =	vand.u32 $0xFFFFFC00, v17;
	v17 =	vld.idx.msk [tilespmem:v13+s7+$0x0], $0xffff;
	v26 =	vshll.u32 v8, $0x3  }
0x1bc: {  	v11 =	vand.u32 $0x7F, v11;
	[tilespmem:v20+s11+$0x0] =	vst.idx.msk $0xffff, v21;
	v9 =	vor.u32 v9, v16;
	v16 =	vld [tilespmem:s16+$0x1C000];
	v21 =	vand.u32 $0xFFFFFC00, v26  }
0x1bd: {  	v13 =	vor.u32 v7, v9;
	v9 =	vor.u32 v18, v19;
	v19 =	vor.u32 v22, v11;
	v18 =	vld [tilespmem:s16+$0x1C010]  }
0x1be: {  	v20 =	vld [tilespmem:s16+$0x1C030];
	v23 =	vshll.u32 v10, $0x3;
	v22 =	vshll.u32 v12, $0x3;
	v11 =	vor.u32 v7, v9  }
0x1bf: {  	s17 =	simm.s32 $0x4;
	s18 =	simm.s32 $0x80;
	v9 =	vor.u32 v7, v19;
	v19 =	vld.idx.msk [tilespmem:v24+s7+$0x0], $0xffff;
	v24 =	vand.u32 $0x7F, v25;
	v25 =	vand.u32 $0xFFFFFC00, v27  }
.LBB2_14:
0x1c0: {  	v23 =	vand.u32 $0xFFFFFC00, v23;
	v26 =	vld [tilespmem:s16+$0x1C020];
	s16 =	sand.u32 $0x1C0, s18;
	v22 =	vand.u32 $0xFFFFFC00, v22;
	v24 =	vor.u32 v25, v24  }
0x1c1: {  	v8 =	vand.u32 $0x7F, v8;
	v10 =	vand.u32 $0x7F, v10;
	v25 =	vld [tilespmem:s16+$0x1C230];
	v24 =	vor.u32 v7, v24  }
0x1c2: {  	s17 =	sadd.s32 $0x4, s17;
	v12 =	vand.u32 $0x7F, v12;
	v14 =	vmul.f32 v1, v14;
	v17 =	vmul.f32 v2, v17;
	v1 =	vmovc v16;
	v27 =	vld [tilespmem:s16+$0x1C200];
	v2 =	vmovc v18  }
0x1c3: {  	v15 =	vmul.f32 v3, v15;
	s19 =	sshrl.u32 s17, $0x5;
	p0 =	slt.u32 s17, $0xFC;
	v10 =	vor.u32 v23, v10;
	v18 =	vor.u32 v21, v8;
	v16 =	vld [tilespmem:s16+$0x1C210]  }
0x1c4: {  	v12 =	vor.u32 v22, v12;
	v23 =	vmov s19;
	v21 =	vld [tilespmem:s16+$0x1C220];
	v19 =	vmul.f32 v20, v19;
	[tilespmem:v6+s11+$0x0] =	vst.idx.msk $0xffff, v14  }
0x1c5: {  	v20 =	vshll.u32 v23, $0x7;
	v6 =	vor.u32 v7, v18;
	v8 =	vld [tilespmem:s16+$0x1C400];
	[tilespmem:v5+s11+$0x0] =	vst.idx.msk $0xffff, v17;
	v5 =	vor.u32 v7, v10  }
0x1c6: {  	v18 =	vor.u32 v7, v12;
	v14 =	vand.u32 $0x380, v20;
	v3 =	vmovc v26;
	v10 =	vld [tilespmem:s16+$0x1C410];
	v17 =	vshll.u32 v25, $0x3;
	[tilespmem:v24+s11+$0x0] =	vst.idx.msk $0xffff, v19  }
0x1c7: {  	v7 =	vbroadcast v14, $0x0;
	v14 =	vand.u32 $0x7F, v25;
	v12 =	vld [tilespmem:s16+$0x1C420];
	v17 =	vand.u32 $0xFFFFFC00, v17;
	[tilespmem:v4+s11+$0x0] =	vst.idx.msk $0xffff, v15;
	v4 =	vmovc v18  }
0x1c8: {  	v15 =	vshll.u32 v27, $0x3;
	v18 =	vshll.u32 v16, $0x3;
	v17 =	vor.u32 v17, v14;
	v14 =	vld.idx.msk [tilespmem:v13+s7+$0x0], $0xffff  }
0x1c9: {  	v13 =	vand.u32 $0xFFFFFC00, v15;
	v15 =	vshll.u32 v21, $0x3;
	v19 =	vor.u32 v7, v17;
	v24 =	vld [tilespmem:s16+$0x1C430]  }
0x1ca: {  	v20 =	vand.u32 $0x7F, v27;
	v18 =	vand.u32 $0xFFFFFC00, v18;
	v22 =	vand.u32 $0xFFFFFC00, v15;
	v17 =	vld.idx.msk [tilespmem:v11+s7+$0x0], $0xffff  }
.Ltmp6:
0x1cb: {  	v21 =	vand.u32 $0x7F, v21;
	v11 =	vor.u32 v13, v20;
	v20 =	vand.u32 $0x7F, v16;
	v15 =	vld.idx.msk [tilespmem:v9+s7+$0x0], $0xffff;
	(pc) =	sbr.rel @p0 .LBB2_14-.Ltmp6, $4  }
0x1cc: {  	v13 =	vor.u32 v7, v11;
	v9 =	vor.u32 v18, v20;
	v20 =	vor.u32 v22, v21;
	v16 =	vld [tilespmem:s16+$0x1C000]  }
0x1cd: {  	v21 =	vshll.u32 v8, $0x3;
	v11 =	vor.u32 v7, v9;
	v9 =	vor.u32 v7, v20;
	v18 =	vld [tilespmem:s16+$0x1C010]  }
0x1ce: {  	v23 =	vshll.u32 v10, $0x3;
	v22 =	vshll.u32 v12, $0x3;
	v19 =	vld.idx.msk [tilespmem:v19+s7+$0x0], $0xffff;
	v25 =	vshll.u32 v24, $0x3  }
0x1cf: {  	s18 =	sadd.s32 $0x40, s18;
	v21 =	vand.u32 $0xFFFFFC00, v21;
	v24 =	vand.u32 $0x7F, v24;
	v20 =	vld [tilespmem:s16+$0x1C030];
	v25 =	vand.u32 $0xFFFFFC00, v25  }
0x1d0: {  	_ =	sdelay $0x1  }
0x1d1: {  	v23 =	vand.u32 $0xFFFFFC00, v23  }
0x1d2: {  	v26 =	vld [tilespmem:s16+$0x1C020];
	v22 =	vand.u32 $0xFFFFFC00, v22;
	v24 =	vor.u32 v25, v24;
	v8 =	vand.u32 $0x7F, v8  }
0x1d3: {  	v10 =	vand.u32 $0x7F, v10;
	v12 =	vand.u32 $0x7F, v12;
	v13 =	vld.idx.msk [tilespmem:v13+s7+$0x0], $0xffff;
	v1 =	vmul.f32 v1, v14  }
0x1d4: {  	v2 =	vmul.f32 v2, v17;
	v11 =	vld.idx.msk [tilespmem:v11+s7+$0x0], $0xffff;
	v24 =	vor.u32 v7, v24;
	v8 =	vor.u32 v21, v8  }
0x1d5: {  	v9 =	vld.idx.msk [tilespmem:v9+s7+$0x0], $0xffff;
	v3 =	vmul.f32 v3, v15;
	v10 =	vor.u32 v23, v10;
	v8 =	vor.u32 v7, v8  }
0x1d6: {  	v12 =	vor.u32 v22, v12;
	[tilespmem:v6+s11+$0x0] =	vst.idx.msk $0xffff, v1;
	v1 =	vor.u32 v7, v10  }
0x1d7: {  	[tilespmem:v5+s11+$0x0] =	vst.idx.msk $0xffff, v2;
	v2 =	vor.u32 v7, v12;
	v14 =	vmul.f32 v20, v19  }
0x1d8: {  	[tilespmem:v4+s11+$0x0] =	vst.idx.msk $0xffff, v3;
	v5 =	vmul.f32 v16, v13  }
0x1d9: {  	v3 =	vmul.f32 v18, v11;
	[tilespmem:v24+s11+$0x0] =	vst.idx.msk $0xffff, v14  }
0x1da: {  	v4 =	vmul.f32 v26, v9;
	[tilespmem:v8+s11+$0x0] =	vst.idx.msk $0xffff, v5  }
0x1db: {  	[tilespmem:v1+s11+$0x0] =	vst.idx.msk $0xffff, v3  }
0x1dc: {  	s21 =	simm.s32 $0x0;
	[tilespmem:v2+s11+$0x0] =	vst.idx.msk $0xffff, v4  }
0x1dd: {  	[hbm4b:s23+s21] =	stream.linear.scatter [tilespmem:s11], [sflag:$0x5], $0x2000, $0x38;
	[tilespmem:$0x1C600] =	vst v63  }
0x1de: {  	s17 =	rddreg [dreg:$0xe]  }
0x1df: {  	[tilespmem:s7], [sflag:$0x3] =	stream.linear.gather [hbm4b:s17+s21], $0x8000, $0x38;
	[tilespmem:$0x1C600] =	vst v63  }
0x1e0: {  	_ =	swait.ge [sflag:s8], $0x8000  }
0x1e1: {  	[sflag:s8] =	ssyncset.done $0x0  }
0x1e2: {  	[sflag:s8] =	ssyncadd.s32 $0xFFFF8000  }
0x1e3: {  	_ =	swait.ge [sflag:s13], $0x2000  }
0x1e4: {  	[sflag:s13] =	ssyncset.done $0x0  }
0x1e5: {  	s18 =	sand.u32 $0x1C0, s21;
	[sflag:s13] =	ssyncadd.s32 $0xFFFFE000  }
0x1e6: {  	v1 =	vld [tilespmem:s18+$0x1C230]  }
0x1e7: {  	s19 =	simm.s32 $0x0;
	s20 =	simm.s32 $0x40;
	v2 =	vld [tilespmem:s18+$0x1C200]  }
0x1e8: {  	s16 =	sand.u32 $0x1C0, s20;
	v4 =	vmov s19;
	v5 =	vld [tilespmem:s18+$0x1C220]  }
0x1e9: {  	v4 =	vshll.u32 v4, $0x7;
	v19 =	vld [tilespmem:s16+$0x1C210]  }
0x1ea: {  	v4 =	vand.u32 $0x380, v4  }
0x1eb: {  	v4 =	vbroadcast v4, $0x0;
	v3 =	vld [tilespmem:s18+$0x1C210]  }
0x1ec: {  	v7 =	vld [tilespmem:s18+$0x1C400];
	v6 =	vshll.u32 v1, $0x3;
	v1 =	vand.u32 $0x7F, v1;
	v9 =	vshll.u32 v2, $0x3  }
0x1ed: {  	v11 =	vshll.u32 v5, $0x3;
	v2 =	vand.u32 $0x7F, v2;
	v5 =	vand.u32 $0x7F, v5  }
0x1ee: {  	v8 =	vld [tilespmem:s18+$0x1C410];
	v22 =	vshll.u32 v19, $0x3;
	v19 =	vand.u32 $0x7F, v19;
	v6 =	vand.u32 $0xFFFFFC00, v6  }
0x1ef: {  	v12 =	vld [tilespmem:s18+$0x1C430];
	v9 =	vand.u32 $0xFFFFFC00, v9;
	v11 =	vand.u32 $0xFFFFFC00, v11;
	v1 =	vor.u32 v6, v1  }
0x1f0: {  	v6 =	vld [tilespmem:s18+$0x1C420];
	v2 =	vor.u32 v9, v2;
	v5 =	vor.u32 v11, v5;
	v10 =	vor.u32 v4, v1  }
0x1f1: {  	v16 =	vld [tilespmem:s18+$0x1C030];
	v11 =	vshll.u32 v7, $0x3;
	v7 =	vand.u32 $0x7F, v7;
	v1 =	vshll.u32 v3, $0x3  }
0x1f2: {  	v18 =	vld [tilespmem:s16+$0x1C200];
	v3 =	vand.u32 $0x7F, v3;
	v9 =	vor.u32 v4, v2;
	v13 =	vand.u32 $0xFFFFFC00, v1  }
0x1f3: {  	v25 =	vld [tilespmem:s16+$0x1C430];
	v15 =	vor.u32 v4, v5;
	v11 =	vand.u32 $0xFFFFFC00, v11;
	v3 =	vor.u32 v13, v3  }
0x1f4: {  	v2 =	vld [tilespmem:s18+$0x1C010];
	v7 =	vor.u32 v11, v7;
	v13 =	vor.u32 v4, v3;
	v3 =	vshll.u32 v12, $0x3  }
0x1f5: {  	v12 =	vand.u32 $0x7F, v12;
	v14 =	vshll.u32 v6, $0x3;
	v17 =	vand.u32 $0xFFFFFC00, v3;
	v5 =	vld.idx.msk [tilespmem:v10+s1+$0x0], $0xffff  }
0x1f6: {  	v6 =	vand.u32 $0x7F, v6;
	v10 =	vshll.u32 v8, $0x3;
	v12 =	vor.u32 v17, v12;
	v17 =	vld [tilespmem:s16+$0x1C230]  }
0x1f7: {  	s21 =	simm.s32 $0x0;
	v1 =	vld [tilespmem:s18+$0x1C000];
	v14 =	vand.u32 $0xFFFFFC00, v14;
	v8 =	vand.u32 $0x7F, v8;
	v10 =	vand.u32 $0xFFFFFC00, v10  }
0x1f8: {  	v11 =	vld [tilespmem:s16+$0x1C220];
	v20 =	vor.u32 v4, v12;
	v10 =	vor.u32 v10, v8;
	v8 =	vmov s21  }
0x1f9: {  	v3 =	vld [tilespmem:s18+$0x1C020];
	v12 =	vor.u32 v14, v6;
	v6 =	vor.u32 v4, v7;
	v14 =	vshll.u32 v8, $0x7  }
0x1fa: {  	v8 =	vld [tilespmem:s16+$0x1C400];
	v7 =	vand.u32 $0x380, v14;
	v21 =	vmul.f32 v16, v5;
	v5 =	vor.u32 v4, v10  }
0x1fb: {  	v10 =	vld [tilespmem:s16+$0x1C410];
	v14 =	vshll.u32 v17, $0x3;
	v4 =	vor.u32 v4, v12;
	v7 =	vbroadcast v7, $0x0  }
0x1fc: {  	v12 =	vld [tilespmem:s16+$0x1C420];
	v16 =	vand.u32 $0x7F, v17;
	v17 =	vshll.u32 v18, $0x3;
	v14 =	vand.u32 $0xFFFFFC00, v14  }
0x1fd: {  	v27 =	vshll.u32 v25, $0x3;
	v16 =	vor.u32 v14, v16;
	v14 =	vld.idx.msk [tilespmem:v9+s1+$0x0], $0xffff;
	v9 =	vand.u32 $0xFFFFFC00, v17  }
0x1fe: {  	v15 =	vld.idx.msk [tilespmem:v15+s1+$0x0], $0xffff;
	v17 =	vshll.u32 v11, $0x3;
	v24 =	vor.u32 v7, v16;
	v16 =	vand.u32 $0x7F, v18  }
0x1ff: {  	v18 =	vand.u32 $0xFFFFFC00, v22;
	v22 =	vand.u32 $0xFFFFFC00, v17;
	v17 =	vld.idx.msk [tilespmem:v13+s1+$0x0], $0xffff;
	v26 =	vshll.u32 v8, $0x3  }
0x200: {  	v11 =	vand.u32 $0x7F, v11;
	[tilespmem:v20+s9+$0x0] =	vst.idx.msk $0xffff, v21;
	v9 =	vor.u32 v9, v16;
	v16 =	vld [tilespmem:s16+$0x1C000];
	v21 =	vand.u32 $0xFFFFFC00, v26  }
0x201: {  	v13 =	vor.u32 v7, v9;
	v9 =	vor.u32 v18, v19;
	v19 =	vor.u32 v22, v11;
	v18 =	vld [tilespmem:s16+$0x1C010]  }
0x202: {  	v20 =	vld [tilespmem:s16+$0x1C030];
	v23 =	vshll.u32 v10, $0x3;
	v22 =	vshll.u32 v12, $0x3;
	v11 =	vor.u32 v7, v9  }
0x203: {  	s17 =	simm.s32 $0x4;
	s18 =	simm.s32 $0x80;
	v9 =	vor.u32 v7, v19;
	v19 =	vld.idx.msk [tilespmem:v24+s1+$0x0], $0xffff;
	v24 =	vand.u32 $0x7F, v25;
	v25 =	vand.u32 $0xFFFFFC00, v27  }
.LBB2_16:
0x204: {  	v23 =	vand.u32 $0xFFFFFC00, v23;
	v26 =	vld [tilespmem:s16+$0x1C020];
	s16 =	sand.u32 $0x1C0, s18;
	v22 =	vand.u32 $0xFFFFFC00, v22;
	v24 =	vor.u32 v25, v24  }
0x205: {  	v8 =	vand.u32 $0x7F, v8;
	v10 =	vand.u32 $0x7F, v10;
	v25 =	vld [tilespmem:s16+$0x1C230];
	v24 =	vor.u32 v7, v24  }
0x206: {  	s17 =	sadd.s32 $0x4, s17;
	v12 =	vand.u32 $0x7F, v12;
	v14 =	vmul.f32 v1, v14;
	v17 =	vmul.f32 v2, v17;
	v1 =	vmovc v16;
	v27 =	vld [tilespmem:s16+$0x1C200];
	v2 =	vmovc v18  }
0x207: {  	v15 =	vmul.f32 v3, v15;
	s19 =	sshrl.u32 s17, $0x5;
	p0 =	slt.u32 s17, $0xFC;
	v10 =	vor.u32 v23, v10;
	v18 =	vor.u32 v21, v8;
	v16 =	vld [tilespmem:s16+$0x1C210]  }
0x208: {  	v12 =	vor.u32 v22, v12;
	v23 =	vmov s19;
	v21 =	vld [tilespmem:s16+$0x1C220];
	v19 =	vmul.f32 v20, v19;
	[tilespmem:v6+s9+$0x0] =	vst.idx.msk $0xffff, v14  }
0x209: {  	v20 =	vshll.u32 v23, $0x7;
	v6 =	vor.u32 v7, v18;
	v8 =	vld [tilespmem:s16+$0x1C400];
	[tilespmem:v5+s9+$0x0] =	vst.idx.msk $0xffff, v17;
	v5 =	vor.u32 v7, v10  }
0x20a: {  	v18 =	vor.u32 v7, v12;
	v14 =	vand.u32 $0x380, v20;
	v3 =	vmovc v26;
	v10 =	vld [tilespmem:s16+$0x1C410];
	v17 =	vshll.u32 v25, $0x3;
	[tilespmem:v24+s9+$0x0] =	vst.idx.msk $0xffff, v19  }
0x20b: {  	v7 =	vbroadcast v14, $0x0;
	v14 =	vand.u32 $0x7F, v25;
	v12 =	vld [tilespmem:s16+$0x1C420];
	v17 =	vand.u32 $0xFFFFFC00, v17;
	[tilespmem:v4+s9+$0x0] =	vst.idx.msk $0xffff, v15;
	v4 =	vmovc v18  }
0x20c: {  	v15 =	vshll.u32 v27, $0x3;
	v18 =	vshll.u32 v16, $0x3;
	v17 =	vor.u32 v17, v14;
	v14 =	vld.idx.msk [tilespmem:v13+s1+$0x0], $0xffff  }
0x20d: {  	v13 =	vand.u32 $0xFFFFFC00, v15;
	v15 =	vshll.u32 v21, $0x3;
	v19 =	vor.u32 v7, v17;
	v24 =	vld [tilespmem:s16+$0x1C430]  }
0x20e: {  	v20 =	vand.u32 $0x7F, v27;
	v18 =	vand.u32 $0xFFFFFC00, v18;
	v22 =	vand.u32 $0xFFFFFC00, v15;
	v17 =	vld.idx.msk [tilespmem:v11+s1+$0x0], $0xffff  }
.Ltmp7:
0x20f: {  	v21 =	vand.u32 $0x7F, v21;
	v11 =	vor.u32 v13, v20;
	v20 =	vand.u32 $0x7F, v16;
	v15 =	vld.idx.msk [tilespmem:v9+s1+$0x0], $0xffff;
	(pc) =	sbr.rel @p0 .LBB2_16-.Ltmp7, $4  }
0x210: {  	v13 =	vor.u32 v7, v11;
	v9 =	vor.u32 v18, v20;
	v20 =	vor.u32 v22, v21;
	v16 =	vld [tilespmem:s16+$0x1C000]  }
0x211: {  	v21 =	vshll.u32 v8, $0x3;
	v11 =	vor.u32 v7, v9;
	v9 =	vor.u32 v7, v20;
	v18 =	vld [tilespmem:s16+$0x1C010]  }
0x212: {  	v23 =	vshll.u32 v10, $0x3;
	v22 =	vshll.u32 v12, $0x3;
	v19 =	vld.idx.msk [tilespmem:v19+s1+$0x0], $0xffff;
	v25 =	vshll.u32 v24, $0x3  }
0x213: {  	s18 =	sadd.s32 $0x40, s18;
	v21 =	vand.u32 $0xFFFFFC00, v21;
	v24 =	vand.u32 $0x7F, v24;
	v20 =	vld [tilespmem:s16+$0x1C030];
	v25 =	vand.u32 $0xFFFFFC00, v25  }
0x214: {  	_ =	sdelay $0x1  }
0x215: {  	v23 =	vand.u32 $0xFFFFFC00, v23  }
0x216: {  	v26 =	vld [tilespmem:s16+$0x1C020];
	v22 =	vand.u32 $0xFFFFFC00, v22;
	v24 =	vor.u32 v25, v24;
	v8 =	vand.u32 $0x7F, v8  }
0x217: {  	v10 =	vand.u32 $0x7F, v10;
	v12 =	vand.u32 $0x7F, v12;
	v13 =	vld.idx.msk [tilespmem:v13+s1+$0x0], $0xffff;
	v1 =	vmul.f32 v1, v14  }
0x218: {  	v2 =	vmul.f32 v2, v17;
	v11 =	vld.idx.msk [tilespmem:v11+s1+$0x0], $0xffff;
	v24 =	vor.u32 v7, v24;
	v8 =	vor.u32 v21, v8  }
0x219: {  	v9 =	vld.idx.msk [tilespmem:v9+s1+$0x0], $0xffff;
	v3 =	vmul.f32 v3, v15;
	v10 =	vor.u32 v23, v10;
	v8 =	vor.u32 v7, v8  }
0x21a: {  	v12 =	vor.u32 v22, v12;
	[tilespmem:v6+s9+$0x0] =	vst.idx.msk $0xffff, v1;
	v1 =	vor.u32 v7, v10  }
0x21b: {  	[tilespmem:v5+s9+$0x0] =	vst.idx.msk $0xffff, v2;
	v2 =	vor.u32 v7, v12;
	v14 =	vmul.f32 v20, v19  }
0x21c: {  	[tilespmem:v4+s9+$0x0] =	vst.idx.msk $0xffff, v3;
	v5 =	vmul.f32 v16, v13  }
0x21d: {  	v3 =	vmul.f32 v18, v11;
	[tilespmem:v24+s9+$0x0] =	vst.idx.msk $0xffff, v14  }
0x21e: {  	v4 =	vmul.f32 v26, v9;
	[tilespmem:v8+s9+$0x0] =	vst.idx.msk $0xffff, v5  }
0x21f: {  	[tilespmem:v1+s9+$0x0] =	vst.idx.msk $0xffff, v3  }
0x220: {  	s21 =	simm.s32 $0x0;
	[tilespmem:v2+s9+$0x0] =	vst.idx.msk $0xffff, v4  }
0x221: {  	[hbm4b:s24+s21] =	stream.linear.scatter [tilespmem:s9], [sflag:$0x4], $0x2000, $0x38;
	[tilespmem:$0x1C600] =	vst v63  }
0x222: {  	s17 =	rddreg [dreg:$0xf]  }
0x223: {  	[tilespmem:s21], [sflag:$0x1] =	stream.linear.gather [hbm4b:s17+s21], $0x8000, $0x38;
	[tilespmem:$0x1C600] =	vst v63  }
0x224: {  	_ =	swait.ge [sflag:s10], $0x8000  }
0x225: {  	[sflag:s10] =	ssyncset.done $0x0  }
0x226: {  	[sflag:s10] =	ssyncadd.s32 $0xFFFF8000  }
0x227: {  	_ =	swait.ge [sflag:s14], $0x2000  }
0x228: {  	[sflag:s14] =	ssyncset.done $0x0  }
0x229: {  	s18 =	sand.u32 $0x1C0, s21;
	[sflag:s14] =	ssyncadd.s32 $0xFFFFE000  }
0x22a: {  	v1 =	vld [tilespmem:s18+$0x1C230]  }
0x22b: {  	s19 =	simm.s32 $0x0;
	s20 =	simm.s32 $0x40;
	v2 =	vld [tilespmem:s18+$0x1C200]  }
0x22c: {  	s16 =	sand.u32 $0x1C0, s20;
	v4 =	vmov s19;
	v5 =	vld [tilespmem:s18+$0x1C220]  }
0x22d: {  	v4 =	vshll.u32 v4, $0x7;
	v19 =	vld [tilespmem:s16+$0x1C210]  }
0x22e: {  	v4 =	vand.u32 $0x380, v4  }
0x22f: {  	v4 =	vbroadcast v4, $0x0;
	v3 =	vld [tilespmem:s18+$0x1C210]  }
0x230: {  	v7 =	vld [tilespmem:s18+$0x1C400];
	v6 =	vshll.u32 v1, $0x3;
	v1 =	vand.u32 $0x7F, v1;
	v9 =	vshll.u32 v2, $0x3  }
0x231: {  	v11 =	vshll.u32 v5, $0x3;
	v2 =	vand.u32 $0x7F, v2;
	v5 =	vand.u32 $0x7F, v5  }
0x232: {  	v8 =	vld [tilespmem:s18+$0x1C410];
	v22 =	vshll.u32 v19, $0x3;
	v19 =	vand.u32 $0x7F, v19;
	v6 =	vand.u32 $0xFFFFFC00, v6  }
0x233: {  	v12 =	vld [tilespmem:s18+$0x1C430];
	v9 =	vand.u32 $0xFFFFFC00, v9;
	v11 =	vand.u32 $0xFFFFFC00, v11;
	v1 =	vor.u32 v6, v1  }
0x234: {  	v6 =	vld [tilespmem:s18+$0x1C420];
	v2 =	vor.u32 v9, v2;
	v5 =	vor.u32 v11, v5;
	v10 =	vor.u32 v4, v1  }
0x235: {  	v16 =	vld [tilespmem:s18+$0x1C030];
	v11 =	vshll.u32 v7, $0x3;
	v7 =	vand.u32 $0x7F, v7;
	v1 =	vshll.u32 v3, $0x3  }
0x236: {  	v18 =	vld [tilespmem:s16+$0x1C200];
	v3 =	vand.u32 $0x7F, v3;
	v9 =	vor.u32 v4, v2;
	v13 =	vand.u32 $0xFFFFFC00, v1  }
0x237: {  	v25 =	vld [tilespmem:s16+$0x1C430];
	v15 =	vor.u32 v4, v5;
	v11 =	vand.u32 $0xFFFFFC00, v11;
	v3 =	vor.u32 v13, v3  }
0x238: {  	v2 =	vld [tilespmem:s18+$0x1C010];
	v7 =	vor.u32 v11, v7;
	v13 =	vor.u32 v4, v3;
	v3 =	vshll.u32 v12, $0x3  }
0x239: {  	v12 =	vand.u32 $0x7F, v12;
	v14 =	vshll.u32 v6, $0x3;
	v17 =	vand.u32 $0xFFFFFC00, v3;
	v5 =	vld.idx.msk [tilespmem:v10+s6+$0x0], $0xffff  }
0x23a: {  	v6 =	vand.u32 $0x7F, v6;
	v10 =	vshll.u32 v8, $0x3;
	v12 =	vor.u32 v17, v12;
	v17 =	vld [tilespmem:s16+$0x1C230]  }
0x23b: {  	s21 =	simm.s32 $0x0;
	v1 =	vld [tilespmem:s18+$0x1C000];
	v14 =	vand.u32 $0xFFFFFC00, v14;
	v8 =	vand.u32 $0x7F, v8;
	v10 =	vand.u32 $0xFFFFFC00, v10  }
0x23c: {  	v11 =	vld [tilespmem:s16+$0x1C220];
	v20 =	vor.u32 v4, v12;
	v10 =	vor.u32 v10, v8;
	v8 =	vmov s21  }
0x23d: {  	v3 =	vld [tilespmem:s18+$0x1C020];
	v12 =	vor.u32 v14, v6;
	v6 =	vor.u32 v4, v7;
	v14 =	vshll.u32 v8, $0x7  }
0x23e: {  	v8 =	vld [tilespmem:s16+$0x1C400];
	v7 =	vand.u32 $0x380, v14;
	v21 =	vmul.f32 v16, v5;
	v5 =	vor.u32 v4, v10  }
0x23f: {  	v10 =	vld [tilespmem:s16+$0x1C410];
	v14 =	vshll.u32 v17, $0x3;
	v4 =	vor.u32 v4, v12;
	v7 =	vbroadcast v7, $0x0  }
0x240: {  	v12 =	vld [tilespmem:s16+$0x1C420];
	v16 =	vand.u32 $0x7F, v17;
	v17 =	vshll.u32 v18, $0x3;
	v14 =	vand.u32 $0xFFFFFC00, v14  }
0x241: {  	v27 =	vshll.u32 v25, $0x3;
	v16 =	vor.u32 v14, v16;
	v14 =	vld.idx.msk [tilespmem:v9+s6+$0x0], $0xffff;
	v9 =	vand.u32 $0xFFFFFC00, v17  }
0x242: {  	v15 =	vld.idx.msk [tilespmem:v15+s6+$0x0], $0xffff;
	v17 =	vshll.u32 v11, $0x3;
	v24 =	vor.u32 v7, v16;
	v16 =	vand.u32 $0x7F, v18  }
0x243: {  	v18 =	vand.u32 $0xFFFFFC00, v22;
	v22 =	vand.u32 $0xFFFFFC00, v17;
	v17 =	vld.idx.msk [tilespmem:v13+s6+$0x0], $0xffff;
	v26 =	vshll.u32 v8, $0x3  }
0x244: {  	v11 =	vand.u32 $0x7F, v11;
	[tilespmem:v20+s11+$0x0] =	vst.idx.msk $0xffff, v21;
	v9 =	vor.u32 v9, v16;
	v16 =	vld [tilespmem:s16+$0x1C000];
	v21 =	vand.u32 $0xFFFFFC00, v26  }
0x245: {  	v13 =	vor.u32 v7, v9;
	v9 =	vor.u32 v18, v19;
	v19 =	vor.u32 v22, v11;
	v18 =	vld [tilespmem:s16+$0x1C010]  }
0x246: {  	v20 =	vld [tilespmem:s16+$0x1C030];
	v23 =	vshll.u32 v10, $0x3;
	v22 =	vshll.u32 v12, $0x3;
	v11 =	vor.u32 v7, v9  }
0x247: {  	s17 =	simm.s32 $0x4;
	s18 =	simm.s32 $0x80;
	v9 =	vor.u32 v7, v19;
	v19 =	vld.idx.msk [tilespmem:v24+s6+$0x0], $0xffff;
	v24 =	vand.u32 $0x7F, v25;
	v25 =	vand.u32 $0xFFFFFC00, v27  }
.LBB2_18:
0x248: {  	v23 =	vand.u32 $0xFFFFFC00, v23;
	v26 =	vld [tilespmem:s16+$0x1C020];
	s16 =	sand.u32 $0x1C0, s18;
	v22 =	vand.u32 $0xFFFFFC00, v22;
	v24 =	vor.u32 v25, v24  }
0x249: {  	v8 =	vand.u32 $0x7F, v8;
	v10 =	vand.u32 $0x7F, v10;
	v25 =	vld [tilespmem:s16+$0x1C230];
	v24 =	vor.u32 v7, v24  }
0x24a: {  	s17 =	sadd.s32 $0x4, s17;
	v12 =	vand.u32 $0x7F, v12;
	v14 =	vmul.f32 v1, v14;
	v17 =	vmul.f32 v2, v17;
	v1 =	vmovc v16;
	v27 =	vld [tilespmem:s16+$0x1C200];
	v2 =	vmovc v18  }
0x24b: {  	v15 =	vmul.f32 v3, v15;
	s19 =	sshrl.u32 s17, $0x5;
	p0 =	slt.u32 s17, $0xFC;
	v10 =	vor.u32 v23, v10;
	v18 =	vor.u32 v21, v8;
	v16 =	vld [tilespmem:s16+$0x1C210]  }
0x24c: {  	v12 =	vor.u32 v22, v12;
	v23 =	vmov s19;
	v21 =	vld [tilespmem:s16+$0x1C220];
	v19 =	vmul.f32 v20, v19;
	[tilespmem:v6+s11+$0x0] =	vst.idx.msk $0xffff, v14  }
0x24d: {  	v20 =	vshll.u32 v23, $0x7;
	v6 =	vor.u32 v7, v18;
	v8 =	vld [tilespmem:s16+$0x1C400];
	[tilespmem:v5+s11+$0x0] =	vst.idx.msk $0xffff, v17;
	v5 =	vor.u32 v7, v10  }
0x24e: {  	v18 =	vor.u32 v7, v12;
	v14 =	vand.u32 $0x380, v20;
	v3 =	vmovc v26;
	v10 =	vld [tilespmem:s16+$0x1C410];
	v17 =	vshll.u32 v25, $0x3;
	[tilespmem:v24+s11+$0x0] =	vst.idx.msk $0xffff, v19  }
0x24f: {  	v7 =	vbroadcast v14, $0x0;
	v14 =	vand.u32 $0x7F, v25;
	v12 =	vld [tilespmem:s16+$0x1C420];
	v17 =	vand.u32 $0xFFFFFC00, v17;
	[tilespmem:v4+s11+$0x0] =	vst.idx.msk $0xffff, v15;
	v4 =	vmovc v18  }
0x250: {  	v15 =	vshll.u32 v27, $0x3;
	v18 =	vshll.u32 v16, $0x3;
	v17 =	vor.u32 v17, v14;
	v14 =	vld.idx.msk [tilespmem:v13+s6+$0x0], $0xffff  }
0x251: {  	v13 =	vand.u32 $0xFFFFFC00, v15;
	v15 =	vshll.u32 v21, $0x3;
	v19 =	vor.u32 v7, v17;
	v24 =	vld [tilespmem:s16+$0x1C430]  }
0x252: {  	v20 =	vand.u32 $0x7F, v27;
	v18 =	vand.u32 $0xFFFFFC00, v18;
	v22 =	vand.u32 $0xFFFFFC00, v15;
	v17 =	vld.idx.msk [tilespmem:v11+s6+$0x0], $0xffff  }
.Ltmp8:
0x253: {  	v21 =	vand.u32 $0x7F, v21;
	v11 =	vor.u32 v13, v20;
	v20 =	vand.u32 $0x7F, v16;
	v15 =	vld.idx.msk [tilespmem:v9+s6+$0x0], $0xffff;
	(pc) =	sbr.rel @p0 .LBB2_18-.Ltmp8, $4  }
0x254: {  	v13 =	vor.u32 v7, v11;
	v9 =	vor.u32 v18, v20;
	v20 =	vor.u32 v22, v21;
	v16 =	vld [tilespmem:s16+$0x1C000]  }
0x255: {  	v21 =	vshll.u32 v8, $0x3;
	v11 =	vor.u32 v7, v9;
	v9 =	vor.u32 v7, v20;
	v18 =	vld [tilespmem:s16+$0x1C010]  }
0x256: {  	v23 =	vshll.u32 v10, $0x3;
	v22 =	vshll.u32 v12, $0x3;
	v19 =	vld.idx.msk [tilespmem:v19+s6+$0x0], $0xffff;
	v25 =	vshll.u32 v24, $0x3  }
0x257: {  	s18 =	sadd.s32 $0x40, s18;
	v21 =	vand.u32 $0xFFFFFC00, v21;
	v24 =	vand.u32 $0x7F, v24;
	v20 =	vld [tilespmem:s16+$0x1C030];
	v25 =	vand.u32 $0xFFFFFC00, v25  }
0x258: {  	_ =	sdelay $0x1  }
0x259: {  	v23 =	vand.u32 $0xFFFFFC00, v23  }
0x25a: {  	v26 =	vld [tilespmem:s16+$0x1C020];
	v22 =	vand.u32 $0xFFFFFC00, v22;
	v24 =	vor.u32 v25, v24;
	v8 =	vand.u32 $0x7F, v8  }
0x25b: {  	v10 =	vand.u32 $0x7F, v10;
	v12 =	vand.u32 $0x7F, v12;
	v13 =	vld.idx.msk [tilespmem:v13+s6+$0x0], $0xffff;
	v1 =	vmul.f32 v1, v14  }
0x25c: {  	v2 =	vmul.f32 v2, v17;
	v11 =	vld.idx.msk [tilespmem:v11+s6+$0x0], $0xffff;
	v24 =	vor.u32 v7, v24;
	v8 =	vor.u32 v21, v8  }
0x25d: {  	v9 =	vld.idx.msk [tilespmem:v9+s6+$0x0], $0xffff;
	v3 =	vmul.f32 v3, v15;
	v10 =	vor.u32 v23, v10;
	v8 =	vor.u32 v7, v8  }
0x25e: {  	v12 =	vor.u32 v22, v12;
	[tilespmem:v6+s11+$0x0] =	vst.idx.msk $0xffff, v1;
	v1 =	vor.u32 v7, v10  }
0x25f: {  	[tilespmem:v5+s11+$0x0] =	vst.idx.msk $0xffff, v2;
	v2 =	vor.u32 v7, v12;
	v14 =	vmul.f32 v20, v19  }
0x260: {  	[tilespmem:v4+s11+$0x0] =	vst.idx.msk $0xffff, v3;
	v5 =	vmul.f32 v16, v13  }
0x261: {  	v3 =	vmul.f32 v18, v11;
	[tilespmem:v24+s11+$0x0] =	vst.idx.msk $0xffff, v14  }
0x262: {  	v4 =	vmul.f32 v26, v9;
	[tilespmem:v8+s11+$0x0] =	vst.idx.msk $0xffff, v5  }
0x263: {  	[tilespmem:v1+s11+$0x0] =	vst.idx.msk $0xffff, v3  }
0x264: {  	s21 =	simm.s32 $0x0;
	[tilespmem:v2+s11+$0x0] =	vst.idx.msk $0xffff, v4  }
0x265: {  	[hbm4b:s25+s21] =	stream.linear.scatter [tilespmem:s11], [sflag:$0x5], $0x2000, $0x38;
	[tilespmem:$0x1C600] =	vst v63  }
0x266: {  	s17 =	rddreg [dreg:$0x10]  }
0x267: {  	[tilespmem:s6], [sflag:$0x2] =	stream.linear.gather [hbm4b:s17+s21], $0x8000, $0x38;
	[tilespmem:$0x1C600] =	vst v63  }
0x268: {  	_ =	swait.ge [sflag:s12], $0x8000  }
0x269: {  	[sflag:s12] =	ssyncset.done $0x0  }
0x26a: {  	[sflag:s12] =	ssyncadd.s32 $0xFFFF8000  }
0x26b: {  	_ =	swait.ge [sflag:s13], $0x2000  }
0x26c: {  	[sflag:s13] =	ssyncset.done $0x0  }
0x26d: {  	s18 =	sand.u32 $0x1C0, s21;
	[sflag:s13] =	ssyncadd.s32 $0xFFFFE000  }
0x26e: {  	v1 =	vld [tilespmem:s18+$0x1C230]  }
0x26f: {  	s19 =	simm.s32 $0x0;
	s20 =	simm.s32 $0x40;
	v2 =	vld [tilespmem:s18+$0x1C200]  }
0x270: {  	s16 =	sand.u32 $0x1C0, s20;
	v4 =	vmov s19;
	v5 =	vld [tilespmem:s18+$0x1C220]  }
0x271: {  	v4 =	vshll.u32 v4, $0x7;
	v19 =	vld [tilespmem:s16+$0x1C210]  }
0x272: {  	v4 =	vand.u32 $0x380, v4  }
0x273: {  	v4 =	vbroadcast v4, $0x0;
	v3 =	vld [tilespmem:s18+$0x1C210]  }
0x274: {  	v7 =	vld [tilespmem:s18+$0x1C400];
	v6 =	vshll.u32 v1, $0x3;
	v1 =	vand.u32 $0x7F, v1;
	v9 =	vshll.u32 v2, $0x3  }
0x275: {  	v11 =	vshll.u32 v5, $0x3;
	v2 =	vand.u32 $0x7F, v2;
	v5 =	vand.u32 $0x7F, v5  }
0x276: {  	v8 =	vld [tilespmem:s18+$0x1C410];
	v22 =	vshll.u32 v19, $0x3;
	v19 =	vand.u32 $0x7F, v19;
	v6 =	vand.u32 $0xFFFFFC00, v6  }
0x277: {  	v12 =	vld [tilespmem:s18+$0x1C430];
	v9 =	vand.u32 $0xFFFFFC00, v9;
	v11 =	vand.u32 $0xFFFFFC00, v11;
	v1 =	vor.u32 v6, v1  }
0x278: {  	v6 =	vld [tilespmem:s18+$0x1C420];
	v2 =	vor.u32 v9, v2;
	v5 =	vor.u32 v11, v5;
	v10 =	vor.u32 v4, v1  }
0x279: {  	v16 =	vld [tilespmem:s18+$0x1C030];
	v11 =	vshll.u32 v7, $0x3;
	v7 =	vand.u32 $0x7F, v7;
	v1 =	vshll.u32 v3, $0x3  }
0x27a: {  	v18 =	vld [tilespmem:s16+$0x1C200];
	v3 =	vand.u32 $0x7F, v3;
	v9 =	vor.u32 v4, v2;
	v13 =	vand.u32 $0xFFFFFC00, v1  }
0x27b: {  	v25 =	vld [tilespmem:s16+$0x1C430];
	v15 =	vor.u32 v4, v5;
	v11 =	vand.u32 $0xFFFFFC00, v11;
	v3 =	vor.u32 v13, v3  }
0x27c: {  	v2 =	vld [tilespmem:s18+$0x1C010];
	v7 =	vor.u32 v11, v7;
	v13 =	vor.u32 v4, v3;
	v3 =	vshll.u32 v12, $0x3  }
0x27d: {  	v12 =	vand.u32 $0x7F, v12;
	v14 =	vshll.u32 v6, $0x3;
	v17 =	vand.u32 $0xFFFFFC00, v3;
	v5 =	vld.idx.msk [tilespmem:v10+s7+$0x0], $0xffff  }
0x27e: {  	v6 =	vand.u32 $0x7F, v6;
	v10 =	vshll.u32 v8, $0x3;
	v12 =	vor.u32 v17, v12;
	v17 =	vld [tilespmem:s16+$0x1C230]  }
0x27f: {  	s21 =	simm.s32 $0x0;
	v1 =	vld [tilespmem:s18+$0x1C000];
	v14 =	vand.u32 $0xFFFFFC00, v14;
	v8 =	vand.u32 $0x7F, v8;
	v10 =	vand.u32 $0xFFFFFC00, v10  }
0x280: {  	v11 =	vld [tilespmem:s16+$0x1C220];
	v20 =	vor.u32 v4, v12;
	v10 =	vor.u32 v10, v8;
	v8 =	vmov s21  }
0x281: {  	v3 =	vld [tilespmem:s18+$0x1C020];
	v12 =	vor.u32 v14, v6;
	v6 =	vor.u32 v4, v7;
	v14 =	vshll.u32 v8, $0x7  }
0x282: {  	v8 =	vld [tilespmem:s16+$0x1C400];
	v7 =	vand.u32 $0x380, v14;
	v21 =	vmul.f32 v16, v5;
	v5 =	vor.u32 v4, v10  }
0x283: {  	v10 =	vld [tilespmem:s16+$0x1C410];
	v14 =	vshll.u32 v17, $0x3;
	v4 =	vor.u32 v4, v12;
	v7 =	vbroadcast v7, $0x0  }
0x284: {  	v12 =	vld [tilespmem:s16+$0x1C420];
	v16 =	vand.u32 $0x7F, v17;
	v17 =	vshll.u32 v18, $0x3;
	v14 =	vand.u32 $0xFFFFFC00, v14  }
0x285: {  	v27 =	vshll.u32 v25, $0x3;
	v16 =	vor.u32 v14, v16;
	v14 =	vld.idx.msk [tilespmem:v9+s7+$0x0], $0xffff;
	v9 =	vand.u32 $0xFFFFFC00, v17  }
0x286: {  	v15 =	vld.idx.msk [tilespmem:v15+s7+$0x0], $0xffff;
	v17 =	vshll.u32 v11, $0x3;
	v24 =	vor.u32 v7, v16;
	v16 =	vand.u32 $0x7F, v18  }
0x287: {  	v18 =	vand.u32 $0xFFFFFC00, v22;
	v22 =	vand.u32 $0xFFFFFC00, v17;
	v17 =	vld.idx.msk [tilespmem:v13+s7+$0x0], $0xffff;
	v26 =	vshll.u32 v8, $0x3  }
0x288: {  	v11 =	vand.u32 $0x7F, v11;
	[tilespmem:v20+s9+$0x0] =	vst.idx.msk $0xffff, v21;
	v9 =	vor.u32 v9, v16;
	v16 =	vld [tilespmem:s16+$0x1C000];
	v21 =	vand.u32 $0xFFFFFC00, v26  }
0x289: {  	v13 =	vor.u32 v7, v9;
	v9 =	vor.u32 v18, v19;
	v19 =	vor.u32 v22, v11;
	v18 =	vld [tilespmem:s16+$0x1C010]  }
0x28a: {  	v20 =	vld [tilespmem:s16+$0x1C030];
	v23 =	vshll.u32 v10, $0x3;
	v22 =	vshll.u32 v12, $0x3;
	v11 =	vor.u32 v7, v9  }
0x28b: {  	s17 =	simm.s32 $0x4;
	s18 =	simm.s32 $0x80;
	v9 =	vor.u32 v7, v19;
	v19 =	vld.idx.msk [tilespmem:v24+s7+$0x0], $0xffff;
	v24 =	vand.u32 $0x7F, v25;
	v25 =	vand.u32 $0xFFFFFC00, v27  }
.LBB2_20:
0x28c: {  	v23 =	vand.u32 $0xFFFFFC00, v23;
	v26 =	vld [tilespmem:s16+$0x1C020];
	s16 =	sand.u32 $0x1C0, s18;
	v22 =	vand.u32 $0xFFFFFC00, v22;
	v24 =	vor.u32 v25, v24  }
0x28d: {  	v8 =	vand.u32 $0x7F, v8;
	v10 =	vand.u32 $0x7F, v10;
	v25 =	vld [tilespmem:s16+$0x1C230];
	v24 =	vor.u32 v7, v24  }
0x28e: {  	s17 =	sadd.s32 $0x4, s17;
	v12 =	vand.u32 $0x7F, v12;
	v14 =	vmul.f32 v1, v14;
	v17 =	vmul.f32 v2, v17;
	v1 =	vmovc v16;
	v27 =	vld [tilespmem:s16+$0x1C200];
	v2 =	vmovc v18  }
0x28f: {  	v15 =	vmul.f32 v3, v15;
	s19 =	sshrl.u32 s17, $0x5;
	p0 =	slt.u32 s17, $0xFC;
	v10 =	vor.u32 v23, v10;
	v18 =	vor.u32 v21, v8;
	v16 =	vld [tilespmem:s16+$0x1C210]  }
0x290: {  	v12 =	vor.u32 v22, v12;
	v23 =	vmov s19;
	v21 =	vld [tilespmem:s16+$0x1C220];
	v19 =	vmul.f32 v20, v19;
	[tilespmem:v6+s9+$0x0] =	vst.idx.msk $0xffff, v14  }
0x291: {  	v20 =	vshll.u32 v23, $0x7;
	v6 =	vor.u32 v7, v18;
	v8 =	vld [tilespmem:s16+$0x1C400];
	[tilespmem:v5+s9+$0x0] =	vst.idx.msk $0xffff, v17;
	v5 =	vor.u32 v7, v10  }
0x292: {  	v18 =	vor.u32 v7, v12;
	v14 =	vand.u32 $0x380, v20;
	v3 =	vmovc v26;
	v10 =	vld [tilespmem:s16+$0x1C410];
	v17 =	vshll.u32 v25, $0x3;
	[tilespmem:v24+s9+$0x0] =	vst.idx.msk $0xffff, v19  }
0x293: {  	v7 =	vbroadcast v14, $0x0;
	v14 =	vand.u32 $0x7F, v25;
	v12 =	vld [tilespmem:s16+$0x1C420];
	v17 =	vand.u32 $0xFFFFFC00, v17;
	[tilespmem:v4+s9+$0x0] =	vst.idx.msk $0xffff, v15;
	v4 =	vmovc v18  }
0x294: {  	v15 =	vshll.u32 v27, $0x3;
	v18 =	vshll.u32 v16, $0x3;
	v17 =	vor.u32 v17, v14;
	v14 =	vld.idx.msk [tilespmem:v13+s7+$0x0], $0xffff  }
0x295: {  	v13 =	vand.u32 $0xFFFFFC00, v15;
	v15 =	vshll.u32 v21, $0x3;
	v19 =	vor.u32 v7, v17;
	v24 =	vld [tilespmem:s16+$0x1C430]  }
0x296: {  	v20 =	vand.u32 $0x7F, v27;
	v18 =	vand.u32 $0xFFFFFC00, v18;
	v22 =	vand.u32 $0xFFFFFC00, v15;
	v17 =	vld.idx.msk [tilespmem:v11+s7+$0x0], $0xffff  }
.Ltmp9:
0x297: {  	v21 =	vand.u32 $0x7F, v21;
	v11 =	vor.u32 v13, v20;
	v20 =	vand.u32 $0x7F, v16;
	v15 =	vld.idx.msk [tilespmem:v9+s7+$0x0], $0xffff;
	(pc) =	sbr.rel @p0 .LBB2_20-.Ltmp9, $4  }
0x298: {  	v13 =	vor.u32 v7, v11;
	v9 =	vor.u32 v18, v20;
	v20 =	vor.u32 v22, v21;
	v16 =	vld [tilespmem:s16+$0x1C000]  }
0x299: {  	v21 =	vshll.u32 v8, $0x3;
	v11 =	vor.u32 v7, v9;
	v9 =	vor.u32 v7, v20;
	v18 =	vld [tilespmem:s16+$0x1C010]  }
0x29a: {  	v23 =	vshll.u32 v10, $0x3;
	v22 =	vshll.u32 v12, $0x3;
	v19 =	vld.idx.msk [tilespmem:v19+s7+$0x0], $0xffff;
	v25 =	vshll.u32 v24, $0x3  }
0x29b: {  	s18 =	sadd.s32 $0x40, s18;
	v21 =	vand.u32 $0xFFFFFC00, v21;
	v24 =	vand.u32 $0x7F, v24;
	v20 =	vld [tilespmem:s16+$0x1C030];
	v25 =	vand.u32 $0xFFFFFC00, v25  }
0x29c: {  	_ =	sdelay $0x1  }
0x29d: {  	v23 =	vand.u32 $0xFFFFFC00, v23  }
0x29e: {  	v26 =	vld [tilespmem:s16+$0x1C020];
	v22 =	vand.u32 $0xFFFFFC00, v22;
	v24 =	vor.u32 v25, v24;
	v8 =	vand.u32 $0x7F, v8  }
0x29f: {  	v10 =	vand.u32 $0x7F, v10;
	v12 =	vand.u32 $0x7F, v12;
	v13 =	vld.idx.msk [tilespmem:v13+s7+$0x0], $0xffff;
	v1 =	vmul.f32 v1, v14  }
0x2a0: {  	v2 =	vmul.f32 v2, v17;
	v11 =	vld.idx.msk [tilespmem:v11+s7+$0x0], $0xffff;
	v24 =	vor.u32 v7, v24;
	v8 =	vor.u32 v21, v8  }
0x2a1: {  	v9 =	vld.idx.msk [tilespmem:v9+s7+$0x0], $0xffff;
	v3 =	vmul.f32 v3, v15;
	v10 =	vor.u32 v23, v10;
	v8 =	vor.u32 v7, v8  }
0x2a2: {  	v12 =	vor.u32 v22, v12;
	[tilespmem:v6+s9+$0x0] =	vst.idx.msk $0xffff, v1;
	v1 =	vor.u32 v7, v10  }
0x2a3: {  	[tilespmem:v5+s9+$0x0] =	vst.idx.msk $0xffff, v2;
	v2 =	vor.u32 v7, v12;
	v14 =	vmul.f32 v20, v19  }
0x2a4: {  	[tilespmem:v4+s9+$0x0] =	vst.idx.msk $0xffff, v3;
	v5 =	vmul.f32 v16, v13  }
0x2a5: {  	v3 =	vmul.f32 v18, v11;
	[tilespmem:v24+s9+$0x0] =	vst.idx.msk $0xffff, v14  }
0x2a6: {  	v4 =	vmul.f32 v26, v9;
	[tilespmem:v8+s9+$0x0] =	vst.idx.msk $0xffff, v5  }
0x2a7: {  	[tilespmem:v1+s9+$0x0] =	vst.idx.msk $0xffff, v3  }
0x2a8: {  	s21 =	simm.s32 $0x0;
	[tilespmem:v2+s9+$0x0] =	vst.idx.msk $0xffff, v4  }
0x2a9: {  	[hbm4b:s26+s21] =	stream.linear.scatter [tilespmem:s9], [sflag:$0x4], $0x2000, $0x38;
	[tilespmem:$0x1C600] =	vst v63  }
0x2aa: {  	s17 =	rddreg [dreg:$0x11]  }
0x2ab: {  	[tilespmem:s7], [sflag:$0x3] =	stream.linear.gather [hbm4b:s17+s21], $0x8000, $0x38;
	[tilespmem:$0x1C600] =	vst v63  }
0x2ac: {  	_ =	swait.ge [sflag:s8], $0x8000  }
0x2ad: {  	[sflag:s8] =	ssyncset.done $0x0  }
0x2ae: {  	[sflag:s8] =	ssyncadd.s32 $0xFFFF8000  }
0x2af: {  	_ =	swait.ge [sflag:s14], $0x2000  }
0x2b0: {  	[sflag:s14] =	ssyncset.done $0x0  }
0x2b1: {  	s18 =	sand.u32 $0x1C0, s21;
	[sflag:s14] =	ssyncadd.s32 $0xFFFFE000  }
0x2b2: {  	v1 =	vld [tilespmem:s18+$0x1C230]  }
0x2b3: {  	s19 =	simm.s32 $0x0;
	s20 =	simm.s32 $0x40;
	v2 =	vld [tilespmem:s18+$0x1C200]  }
0x2b4: {  	s16 =	sand.u32 $0x1C0, s20;
	v4 =	vmov s19;
	v5 =	vld [tilespmem:s18+$0x1C220]  }
0x2b5: {  	v4 =	vshll.u32 v4, $0x7;
	v19 =	vld [tilespmem:s16+$0x1C210]  }
0x2b6: {  	v4 =	vand.u32 $0x380, v4  }
0x2b7: {  	v4 =	vbroadcast v4, $0x0;
	v3 =	vld [tilespmem:s18+$0x1C210]  }
0x2b8: {  	v7 =	vld [tilespmem:s18+$0x1C400];
	v6 =	vshll.u32 v1, $0x3;
	v1 =	vand.u32 $0x7F, v1;
	v9 =	vshll.u32 v2, $0x3  }
0x2b9: {  	v11 =	vshll.u32 v5, $0x3;
	v2 =	vand.u32 $0x7F, v2;
	v5 =	vand.u32 $0x7F, v5  }
0x2ba: {  	v8 =	vld [tilespmem:s18+$0x1C410];
	v22 =	vshll.u32 v19, $0x3;
	v19 =	vand.u32 $0x7F, v19;
	v6 =	vand.u32 $0xFFFFFC00, v6  }
0x2bb: {  	v12 =	vld [tilespmem:s18+$0x1C430];
	v9 =	vand.u32 $0xFFFFFC00, v9;
	v11 =	vand.u32 $0xFFFFFC00, v11;
	v1 =	vor.u32 v6, v1  }
0x2bc: {  	v6 =	vld [tilespmem:s18+$0x1C420];
	v2 =	vor.u32 v9, v2;
	v5 =	vor.u32 v11, v5;
	v10 =	vor.u32 v4, v1  }
0x2bd: {  	v16 =	vld [tilespmem:s18+$0x1C030];
	v11 =	vshll.u32 v7, $0x3;
	v7 =	vand.u32 $0x7F, v7;
	v1 =	vshll.u32 v3, $0x3  }
0x2be: {  	v18 =	vld [tilespmem:s16+$0x1C200];
	v3 =	vand.u32 $0x7F, v3;
	v9 =	vor.u32 v4, v2;
	v13 =	vand.u32 $0xFFFFFC00, v1  }
0x2bf: {  	v25 =	vld [tilespmem:s16+$0x1C430];
	v15 =	vor.u32 v4, v5;
	v11 =	vand.u32 $0xFFFFFC00, v11;
	v3 =	vor.u32 v13, v3  }
0x2c0: {  	v2 =	vld [tilespmem:s18+$0x1C010];
	v7 =	vor.u32 v11, v7;
	v13 =	vor.u32 v4, v3;
	v3 =	vshll.u32 v12, $0x3  }
0x2c1: {  	v12 =	vand.u32 $0x7F, v12;
	v14 =	vshll.u32 v6, $0x3;
	v17 =	vand.u32 $0xFFFFFC00, v3;
	v5 =	vld.idx.msk [tilespmem:v10+s1+$0x0], $0xffff  }
0x2c2: {  	v6 =	vand.u32 $0x7F, v6;
	v10 =	vshll.u32 v8, $0x3;
	v12 =	vor.u32 v17, v12;
	v17 =	vld [tilespmem:s16+$0x1C230]  }
0x2c3: {  	s21 =	simm.s32 $0x0;
	v1 =	vld [tilespmem:s18+$0x1C000];
	v14 =	vand.u32 $0xFFFFFC00, v14;
	v8 =	vand.u32 $0x7F, v8;
	v10 =	vand.u32 $0xFFFFFC00, v10  }
0x2c4: {  	v11 =	vld [tilespmem:s16+$0x1C220];
	v20 =	vor.u32 v4, v12;
	v10 =	vor.u32 v10, v8;
	v8 =	vmov s21  }
0x2c5: {  	v3 =	vld [tilespmem:s18+$0x1C020];
	v12 =	vor.u32 v14, v6;
	v6 =	vor.u32 v4, v7;
	v14 =	vshll.u32 v8, $0x7  }
0x2c6: {  	v8 =	vld [tilespmem:s16+$0x1C400];
	v7 =	vand.u32 $0x380, v14;
	v21 =	vmul.f32 v16, v5;
	v5 =	vor.u32 v4, v10  }
0x2c7: {  	v10 =	vld [tilespmem:s16+$0x1C410];
	v14 =	vshll.u32 v17, $0x3;
	v4 =	vor.u32 v4, v12;
	v7 =	vbroadcast v7, $0x0  }
0x2c8: {  	v12 =	vld [tilespmem:s16+$0x1C420];
	v16 =	vand.u32 $0x7F, v17;
	v17 =	vshll.u32 v18, $0x3;
	v14 =	vand.u32 $0xFFFFFC00, v14  }
0x2c9: {  	v27 =	vshll.u32 v25, $0x3;
	v16 =	vor.u32 v14, v16;
	v14 =	vld.idx.msk [tilespmem:v9+s1+$0x0], $0xffff;
	v9 =	vand.u32 $0xFFFFFC00, v17  }
0x2ca: {  	v15 =	vld.idx.msk [tilespmem:v15+s1+$0x0], $0xffff;
	v17 =	vshll.u32 v11, $0x3;
	v24 =	vor.u32 v7, v16;
	v16 =	vand.u32 $0x7F, v18  }
0x2cb: {  	v18 =	vand.u32 $0xFFFFFC00, v22;
	v22 =	vand.u32 $0xFFFFFC00, v17;
	v17 =	vld.idx.msk [tilespmem:v13+s1+$0x0], $0xffff;
	v26 =	vshll.u32 v8, $0x3  }
0x2cc: {  	v11 =	vand.u32 $0x7F, v11;
	[tilespmem:v20+s11+$0x0] =	vst.idx.msk $0xffff, v21;
	v9 =	vor.u32 v9, v16;
	v16 =	vld [tilespmem:s16+$0x1C000];
	v21 =	vand.u32 $0xFFFFFC00, v26  }
0x2cd: {  	v13 =	vor.u32 v7, v9;
	v9 =	vor.u32 v18, v19;
	v19 =	vor.u32 v22, v11;
	v18 =	vld [tilespmem:s16+$0x1C010]  }
0x2ce: {  	v20 =	vld [tilespmem:s16+$0x1C030];
	v23 =	vshll.u32 v10, $0x3;
	v22 =	vshll.u32 v12, $0x3;
	v11 =	vor.u32 v7, v9  }
0x2cf: {  	s17 =	simm.s32 $0x4;
	s18 =	simm.s32 $0x80;
	v9 =	vor.u32 v7, v19;
	v19 =	vld.idx.msk [tilespmem:v24+s1+$0x0], $0xffff;
	v24 =	vand.u32 $0x7F, v25;
	v25 =	vand.u32 $0xFFFFFC00, v27  }
.LBB2_22:
0x2d0: {  	v23 =	vand.u32 $0xFFFFFC00, v23;
	v26 =	vld [tilespmem:s16+$0x1C020];
	s16 =	sand.u32 $0x1C0, s18;
	v22 =	vand.u32 $0xFFFFFC00, v22;
	v24 =	vor.u32 v25, v24  }
0x2d1: {  	v8 =	vand.u32 $0x7F, v8;
	v10 =	vand.u32 $0x7F, v10;
	v25 =	vld [tilespmem:s16+$0x1C230];
	v24 =	vor.u32 v7, v24  }
0x2d2: {  	s17 =	sadd.s32 $0x4, s17;
	v12 =	vand.u32 $0x7F, v12;
	v14 =	vmul.f32 v1, v14;
	v17 =	vmul.f32 v2, v17;
	v1 =	vmovc v16;
	v27 =	vld [tilespmem:s16+$0x1C200];
	v2 =	vmovc v18  }
0x2d3: {  	v15 =	vmul.f32 v3, v15;
	s19 =	sshrl.u32 s17, $0x5;
	p0 =	slt.u32 s17, $0xFC;
	v10 =	vor.u32 v23, v10;
	v18 =	vor.u32 v21, v8;
	v16 =	vld [tilespmem:s16+$0x1C210]  }
0x2d4: {  	v12 =	vor.u32 v22, v12;
	v23 =	vmov s19;
	v21 =	vld [tilespmem:s16+$0x1C220];
	v19 =	vmul.f32 v20, v19;
	[tilespmem:v6+s11+$0x0] =	vst.idx.msk $0xffff, v14  }
0x2d5: {  	v20 =	vshll.u32 v23, $0x7;
	v6 =	vor.u32 v7, v18;
	v8 =	vld [tilespmem:s16+$0x1C400];
	[tilespmem:v5+s11+$0x0] =	vst.idx.msk $0xffff, v17;
	v5 =	vor.u32 v7, v10  }
0x2d6: {  	v18 =	vor.u32 v7, v12;
	v14 =	vand.u32 $0x380, v20;
	v3 =	vmovc v26;
	v10 =	vld [tilespmem:s16+$0x1C410];
	v17 =	vshll.u32 v25, $0x3;
	[tilespmem:v24+s11+$0x0] =	vst.idx.msk $0xffff, v19  }
0x2d7: {  	v7 =	vbroadcast v14, $0x0;
	v14 =	vand.u32 $0x7F, v25;
	v12 =	vld [tilespmem:s16+$0x1C420];
	v17 =	vand.u32 $0xFFFFFC00, v17;
	[tilespmem:v4+s11+$0x0] =	vst.idx.msk $0xffff, v15;
	v4 =	vmovc v18  }
0x2d8: {  	v15 =	vshll.u32 v27, $0x3;
	v18 =	vshll.u32 v16, $0x3;
	v17 =	vor.u32 v17, v14;
	v14 =	vld.idx.msk [tilespmem:v13+s1+$0x0], $0xffff  }
0x2d9: {  	v13 =	vand.u32 $0xFFFFFC00, v15;
	v15 =	vshll.u32 v21, $0x3;
	v19 =	vor.u32 v7, v17;
	v24 =	vld [tilespmem:s16+$0x1C430]  }
0x2da: {  	v20 =	vand.u32 $0x7F, v27;
	v18 =	vand.u32 $0xFFFFFC00, v18;
	v22 =	vand.u32 $0xFFFFFC00, v15;
	v17 =	vld.idx.msk [tilespmem:v11+s1+$0x0], $0xffff  }
.Ltmp10:
0x2db: {  	v21 =	vand.u32 $0x7F, v21;
	v11 =	vor.u32 v13, v20;
	v20 =	vand.u32 $0x7F, v16;
	v15 =	vld.idx.msk [tilespmem:v9+s1+$0x0], $0xffff;
	(pc) =	sbr.rel @p0 .LBB2_22-.Ltmp10, $4  }
0x2dc: {  	v13 =	vor.u32 v7, v11;
	v9 =	vor.u32 v18, v20;
	v20 =	vor.u32 v22, v21;
	v16 =	vld [tilespmem:s16+$0x1C000]  }
0x2dd: {  	v21 =	vshll.u32 v8, $0x3;
	v11 =	vor.u32 v7, v9;
	v9 =	vor.u32 v7, v20;
	v18 =	vld [tilespmem:s16+$0x1C010]  }
0x2de: {  	v23 =	vshll.u32 v10, $0x3;
	v22 =	vshll.u32 v12, $0x3;
	v19 =	vld.idx.msk [tilespmem:v19+s1+$0x0], $0xffff;
	v25 =	vshll.u32 v24, $0x3  }
0x2df: {  	s18 =	sadd.s32 $0x40, s18;
	v21 =	vand.u32 $0xFFFFFC00, v21;
	v24 =	vand.u32 $0x7F, v24;
	v20 =	vld [tilespmem:s16+$0x1C030];
	v25 =	vand.u32 $0xFFFFFC00, v25  }
0x2e0: {  	_ =	sdelay $0x1  }
0x2e1: {  	v23 =	vand.u32 $0xFFFFFC00, v23  }
0x2e2: {  	v26 =	vld [tilespmem:s16+$0x1C020];
	v22 =	vand.u32 $0xFFFFFC00, v22;
	v24 =	vor.u32 v25, v24;
	v8 =	vand.u32 $0x7F, v8  }
0x2e3: {  	v10 =	vand.u32 $0x7F, v10;
	v12 =	vand.u32 $0x7F, v12;
	v13 =	vld.idx.msk [tilespmem:v13+s1+$0x0], $0xffff;
	v1 =	vmul.f32 v1, v14  }
0x2e4: {  	v2 =	vmul.f32 v2, v17;
	v11 =	vld.idx.msk [tilespmem:v11+s1+$0x0], $0xffff;
	v24 =	vor.u32 v7, v24;
	v8 =	vor.u32 v21, v8  }
0x2e5: {  	v9 =	vld.idx.msk [tilespmem:v9+s1+$0x0], $0xffff;
	v3 =	vmul.f32 v3, v15;
	v10 =	vor.u32 v23, v10;
	v8 =	vor.u32 v7, v8  }
0x2e6: {  	v12 =	vor.u32 v22, v12;
	[tilespmem:v6+s11+$0x0] =	vst.idx.msk $0xffff, v1;
	v1 =	vor.u32 v7, v10  }
0x2e7: {  	[tilespmem:v5+s11+$0x0] =	vst.idx.msk $0xffff, v2;
	v2 =	vor.u32 v7, v12;
	v14 =	vmul.f32 v20, v19  }
0x2e8: {  	[tilespmem:v4+s11+$0x0] =	vst.idx.msk $0xffff, v3;
	v5 =	vmul.f32 v16, v13  }
0x2e9: {  	v3 =	vmul.f32 v18, v11;
	[tilespmem:v24+s11+$0x0] =	vst.idx.msk $0xffff, v14  }
0x2ea: {  	v4 =	vmul.f32 v26, v9;
	[tilespmem:v8+s11+$0x0] =	vst.idx.msk $0xffff, v5  }
0x2eb: {  	[tilespmem:v1+s11+$0x0] =	vst.idx.msk $0xffff, v3  }
0x2ec: {  	s21 =	simm.s32 $0x0;
	[tilespmem:v2+s11+$0x0] =	vst.idx.msk $0xffff, v4  }
0x2ed: {  	[hbm4b:s28+s21] =	stream.linear.scatter [tilespmem:s11], [sflag:$0x5], $0x2000, $0x38;
	[tilespmem:$0x1C600] =	vst v63  }
0x2ee: {  	s17 =	rddreg [dreg:$0x12]  }
0x2ef: {  	[tilespmem:s21], [sflag:$0x1] =	stream.linear.gather [hbm4b:s17+s21], $0x8000, $0x38;
	[tilespmem:$0x1C600] =	vst v63  }
0x2f0: {  	_ =	swait.ge [sflag:s10], $0x8000  }
0x2f1: {  	[sflag:s10] =	ssyncset.done $0x0  }
0x2f2: {  	[sflag:s10] =	ssyncadd.s32 $0xFFFF8000  }
0x2f3: {  	_ =	swait.ge [sflag:s13], $0x2000  }
0x2f4: {  	[sflag:s13] =	ssyncset.done $0x0  }
0x2f5: {  	s18 =	sand.u32 $0x1C0, s21;
	[sflag:s13] =	ssyncadd.s32 $0xFFFFE000  }
0x2f6: {  	v1 =	vld [tilespmem:s18+$0x1C230]  }
0x2f7: {  	s19 =	simm.s32 $0x0;
	s20 =	simm.s32 $0x40;
	v2 =	vld [tilespmem:s18+$0x1C200]  }
0x2f8: {  	s16 =	sand.u32 $0x1C0, s20;
	v4 =	vmov s19;
	v5 =	vld [tilespmem:s18+$0x1C220]  }
0x2f9: {  	v4 =	vshll.u32 v4, $0x7;
	v19 =	vld [tilespmem:s16+$0x1C210]  }
0x2fa: {  	v4 =	vand.u32 $0x380, v4  }
0x2fb: {  	v4 =	vbroadcast v4, $0x0;
	v3 =	vld [tilespmem:s18+$0x1C210]  }
0x2fc: {  	v7 =	vld [tilespmem:s18+$0x1C400];
	v6 =	vshll.u32 v1, $0x3;
	v1 =	vand.u32 $0x7F, v1;
	v9 =	vshll.u32 v2, $0x3  }
0x2fd: {  	v11 =	vshll.u32 v5, $0x3;
	v2 =	vand.u32 $0x7F, v2;
	v5 =	vand.u32 $0x7F, v5  }
0x2fe: {  	v8 =	vld [tilespmem:s18+$0x1C410];
	v22 =	vshll.u32 v19, $0x3;
	v19 =	vand.u32 $0x7F, v19;
	v6 =	vand.u32 $0xFFFFFC00, v6  }
0x2ff: {  	v12 =	vld [tilespmem:s18+$0x1C430];
	v9 =	vand.u32 $0xFFFFFC00, v9;
	v11 =	vand.u32 $0xFFFFFC00, v11;
	v1 =	vor.u32 v6, v1  }
0x300: {  	v6 =	vld [tilespmem:s18+$0x1C420];
	v2 =	vor.u32 v9, v2;
	v5 =	vor.u32 v11, v5;
	v10 =	vor.u32 v4, v1  }
0x301: {  	v16 =	vld [tilespmem:s18+$0x1C030];
	v11 =	vshll.u32 v7, $0x3;
	v7 =	vand.u32 $0x7F, v7;
	v1 =	vshll.u32 v3, $0x3  }
0x302: {  	v18 =	vld [tilespmem:s16+$0x1C200];
	v3 =	vand.u32 $0x7F, v3;
	v9 =	vor.u32 v4, v2;
	v13 =	vand.u32 $0xFFFFFC00, v1  }
0x303: {  	v25 =	vld [tilespmem:s16+$0x1C430];
	v15 =	vor.u32 v4, v5;
	v11 =	vand.u32 $0xFFFFFC00, v11;
	v3 =	vor.u32 v13, v3  }
0x304: {  	v2 =	vld [tilespmem:s18+$0x1C010];
	v7 =	vor.u32 v11, v7;
	v13 =	vor.u32 v4, v3;
	v3 =	vshll.u32 v12, $0x3  }
0x305: {  	v12 =	vand.u32 $0x7F, v12;
	v14 =	vshll.u32 v6, $0x3;
	v17 =	vand.u32 $0xFFFFFC00, v3;
	v5 =	vld.idx.msk [tilespmem:v10+s6+$0x0], $0xffff  }
0x306: {  	v6 =	vand.u32 $0x7F, v6;
	v10 =	vshll.u32 v8, $0x3;
	v12 =	vor.u32 v17, v12;
	v17 =	vld [tilespmem:s16+$0x1C230]  }
0x307: {  	s21 =	simm.s32 $0x0;
	v1 =	vld [tilespmem:s18+$0x1C000];
	v14 =	vand.u32 $0xFFFFFC00, v14;
	v8 =	vand.u32 $0x7F, v8;
	v10 =	vand.u32 $0xFFFFFC00, v10  }
0x308: {  	v11 =	vld [tilespmem:s16+$0x1C220];
	v20 =	vor.u32 v4, v12;
	v10 =	vor.u32 v10, v8;
	v8 =	vmov s21  }
0x309: {  	v3 =	vld [tilespmem:s18+$0x1C020];
	v12 =	vor.u32 v14, v6;
	v6 =	vor.u32 v4, v7;
	v14 =	vshll.u32 v8, $0x7  }
0x30a: {  	v8 =	vld [tilespmem:s16+$0x1C400];
	v7 =	vand.u32 $0x380, v14;
	v21 =	vmul.f32 v16, v5;
	v5 =	vor.u32 v4, v10  }
0x30b: {  	v10 =	vld [tilespmem:s16+$0x1C410];
	v14 =	vshll.u32 v17, $0x3;
	v4 =	vor.u32 v4, v12;
	v7 =	vbroadcast v7, $0x0  }
0x30c: {  	v12 =	vld [tilespmem:s16+$0x1C420];
	v16 =	vand.u32 $0x7F, v17;
	v17 =	vshll.u32 v18, $0x3;
	v14 =	vand.u32 $0xFFFFFC00, v14  }
0x30d: {  	v27 =	vshll.u32 v25, $0x3;
	v16 =	vor.u32 v14, v16;
	v14 =	vld.idx.msk [tilespmem:v9+s6+$0x0], $0xffff;
	v9 =	vand.u32 $0xFFFFFC00, v17  }
0x30e: {  	v15 =	vld.idx.msk [tilespmem:v15+s6+$0x0], $0xffff;
	v17 =	vshll.u32 v11, $0x3;
	v24 =	vor.u32 v7, v16;
	v16 =	vand.u32 $0x7F, v18  }
0x30f: {  	v18 =	vand.u32 $0xFFFFFC00, v22;
	v22 =	vand.u32 $0xFFFFFC00, v17;
	v17 =	vld.idx.msk [tilespmem:v13+s6+$0x0], $0xffff;
	v26 =	vshll.u32 v8, $0x3  }
0x310: {  	v11 =	vand.u32 $0x7F, v11;
	[tilespmem:v20+s9+$0x0] =	vst.idx.msk $0xffff, v21;
	v9 =	vor.u32 v9, v16;
	v16 =	vld [tilespmem:s16+$0x1C000];
	v21 =	vand.u32 $0xFFFFFC00, v26  }
0x311: {  	v13 =	vor.u32 v7, v9;
	v9 =	vor.u32 v18, v19;
	v19 =	vor.u32 v22, v11;
	v18 =	vld [tilespmem:s16+$0x1C010]  }
0x312: {  	v20 =	vld [tilespmem:s16+$0x1C030];
	v23 =	vshll.u32 v10, $0x3;
	v22 =	vshll.u32 v12, $0x3;
	v11 =	vor.u32 v7, v9  }
0x313: {  	s17 =	simm.s32 $0x4;
	s18 =	simm.s32 $0x80;
	v9 =	vor.u32 v7, v19;
	v19 =	vld.idx.msk [tilespmem:v24+s6+$0x0], $0xffff;
	v24 =	vand.u32 $0x7F, v25;
	v25 =	vand.u32 $0xFFFFFC00, v27  }
.LBB2_24:
0x314: {  	v23 =	vand.u32 $0xFFFFFC00, v23;
	v26 =	vld [tilespmem:s16+$0x1C020];
	s16 =	sand.u32 $0x1C0, s18;
	v22 =	vand.u32 $0xFFFFFC00, v22;
	v24 =	vor.u32 v25, v24  }
0x315: {  	v8 =	vand.u32 $0x7F, v8;
	v10 =	vand.u32 $0x7F, v10;
	v25 =	vld [tilespmem:s16+$0x1C230];
	v24 =	vor.u32 v7, v24  }
0x316: {  	s17 =	sadd.s32 $0x4, s17;
	v12 =	vand.u32 $0x7F, v12;
	v14 =	vmul.f32 v1, v14;
	v17 =	vmul.f32 v2, v17;
	v1 =	vmovc v16;
	v27 =	vld [tilespmem:s16+$0x1C200];
	v2 =	vmovc v18  }
0x317: {  	v15 =	vmul.f32 v3, v15;
	s19 =	sshrl.u32 s17, $0x5;
	p0 =	slt.u32 s17, $0xFC;
	v10 =	vor.u32 v23, v10;
	v18 =	vor.u32 v21, v8;
	v16 =	vld [tilespmem:s16+$0x1C210]  }
0x318: {  	v12 =	vor.u32 v22, v12;
	v23 =	vmov s19;
	v21 =	vld [tilespmem:s16+$0x1C220];
	v19 =	vmul.f32 v20, v19;
	[tilespmem:v6+s9+$0x0] =	vst.idx.msk $0xffff, v14  }
0x319: {  	v20 =	vshll.u32 v23, $0x7;
	v6 =	vor.u32 v7, v18;
	v8 =	vld [tilespmem:s16+$0x1C400];
	[tilespmem:v5+s9+$0x0] =	vst.idx.msk $0xffff, v17;
	v5 =	vor.u32 v7, v10  }
0x31a: {  	v18 =	vor.u32 v7, v12;
	v14 =	vand.u32 $0x380, v20;
	v3 =	vmovc v26;
	v10 =	vld [tilespmem:s16+$0x1C410];
	v17 =	vshll.u32 v25, $0x3;
	[tilespmem:v24+s9+$0x0] =	vst.idx.msk $0xffff, v19  }
0x31b: {  	v7 =	vbroadcast v14, $0x0;
	v14 =	vand.u32 $0x7F, v25;
	v12 =	vld [tilespmem:s16+$0x1C420];
	v17 =	vand.u32 $0xFFFFFC00, v17;
	[tilespmem:v4+s9+$0x0] =	vst.idx.msk $0xffff, v15;
	v4 =	vmovc v18  }
0x31c: {  	v15 =	vshll.u32 v27, $0x3;
	v18 =	vshll.u32 v16, $0x3;
	v17 =	vor.u32 v17, v14;
	v14 =	vld.idx.msk [tilespmem:v13+s6+$0x0], $0xffff  }
0x31d: {  	v13 =	vand.u32 $0xFFFFFC00, v15;
	v15 =	vshll.u32 v21, $0x3;
	v19 =	vor.u32 v7, v17;
	v24 =	vld [tilespmem:s16+$0x1C430]  }
0x31e: {  	v20 =	vand.u32 $0x7F, v27;
	v18 =	vand.u32 $0xFFFFFC00, v18;
	v22 =	vand.u32 $0xFFFFFC00, v15;
	v17 =	vld.idx.msk [tilespmem:v11+s6+$0x0], $0xffff  }
.Ltmp11:
0x31f: {  	v21 =	vand.u32 $0x7F, v21;
	v11 =	vor.u32 v13, v20;
	v20 =	vand.u32 $0x7F, v16;
	v15 =	vld.idx.msk [tilespmem:v9+s6+$0x0], $0xffff;
	(pc) =	sbr.rel @p0 .LBB2_24-.Ltmp11, $4  }
0x320: {  	v13 =	vor.u32 v7, v11;
	v9 =	vor.u32 v18, v20;
	v20 =	vor.u32 v22, v21;
	v16 =	vld [tilespmem:s16+$0x1C000]  }
0x321: {  	v21 =	vshll.u32 v8, $0x3;
	v11 =	vor.u32 v7, v9;
	v9 =	vor.u32 v7, v20;
	v18 =	vld [tilespmem:s16+$0x1C010]  }
0x322: {  	v23 =	vshll.u32 v10, $0x3;
	v22 =	vshll.u32 v12, $0x3;
	v19 =	vld.idx.msk [tilespmem:v19+s6+$0x0], $0xffff;
	v25 =	vshll.u32 v24, $0x3  }
0x323: {  	s18 =	sadd.s32 $0x40, s18;
	v21 =	vand.u32 $0xFFFFFC00, v21;
	v24 =	vand.u32 $0x7F, v24;
	v20 =	vld [tilespmem:s16+$0x1C030];
	v25 =	vand.u32 $0xFFFFFC00, v25  }
0x324: {  	_ =	sdelay $0x1  }
0x325: {  	v23 =	vand.u32 $0xFFFFFC00, v23  }
0x326: {  	v26 =	vld [tilespmem:s16+$0x1C020];
	v22 =	vand.u32 $0xFFFFFC00, v22;
	v24 =	vor.u32 v25, v24;
	v8 =	vand.u32 $0x7F, v8  }
0x327: {  	v10 =	vand.u32 $0x7F, v10;
	v12 =	vand.u32 $0x7F, v12;
	v13 =	vld.idx.msk [tilespmem:v13+s6+$0x0], $0xffff;
	v1 =	vmul.f32 v1, v14  }
0x328: {  	v2 =	vmul.f32 v2, v17;
	v11 =	vld.idx.msk [tilespmem:v11+s6+$0x0], $0xffff;
	v24 =	vor.u32 v7, v24;
	v8 =	vor.u32 v21, v8  }
0x329: {  	v9 =	vld.idx.msk [tilespmem:v9+s6+$0x0], $0xffff;
	v3 =	vmul.f32 v3, v15;
	v10 =	vor.u32 v23, v10;
	v8 =	vor.u32 v7, v8  }
0x32a: {  	v12 =	vor.u32 v22, v12;
	[tilespmem:v6+s9+$0x0] =	vst.idx.msk $0xffff, v1;
	v1 =	vor.u32 v7, v10  }
0x32b: {  	[tilespmem:v5+s9+$0x0] =	vst.idx.msk $0xffff, v2;
	v2 =	vor.u32 v7, v12;
	v14 =	vmul.f32 v20, v19  }
0x32c: {  	[tilespmem:v4+s9+$0x0] =	vst.idx.msk $0xffff, v3;
	v5 =	vmul.f32 v16, v13  }
0x32d: {  	v3 =	vmul.f32 v18, v11;
	[tilespmem:v24+s9+$0x0] =	vst.idx.msk $0xffff, v14  }
0x32e: {  	v4 =	vmul.f32 v26, v9;
	[tilespmem:v8+s9+$0x0] =	vst.idx.msk $0xffff, v5  }
0x32f: {  	[tilespmem:v1+s9+$0x0] =	vst.idx.msk $0xffff, v3  }
0x330: {  	s21 =	simm.s32 $0x0;
	[tilespmem:v2+s9+$0x0] =	vst.idx.msk $0xffff, v4  }
0x331: {  	[hbm4b:s29+s21] =	stream.linear.scatter [tilespmem:s9], [sflag:$0x4], $0x2000, $0x38;
	[tilespmem:$0x1C600] =	vst v63  }
0x332: {  	s17 =	rddreg [dreg:$0x13]  }
0x333: {  	[tilespmem:s6], [sflag:$0x2] =	stream.linear.gather [hbm4b:s17+s21], $0x8000, $0x38;
	[tilespmem:$0x1C600] =	vst v63  }
0x334: {  	_ =	swait.ge [sflag:s12], $0x8000  }
0x335: {  	[sflag:s12] =	ssyncset.done $0x0  }
0x336: {  	[sflag:s12] =	ssyncadd.s32 $0xFFFF8000  }
0x337: {  	_ =	swait.ge [sflag:s14], $0x2000  }
0x338: {  	[sflag:s14] =	ssyncset.done $0x0  }
0x339: {  	s18 =	sand.u32 $0x1C0, s21;
	[sflag:s14] =	ssyncadd.s32 $0xFFFFE000  }
0x33a: {  	v1 =	vld [tilespmem:s18+$0x1C230]  }
0x33b: {  	s19 =	simm.s32 $0x0;
	s20 =	simm.s32 $0x40;
	v2 =	vld [tilespmem:s18+$0x1C200]  }
0x33c: {  	s16 =	sand.u32 $0x1C0, s20;
	v4 =	vmov s19;
	v5 =	vld [tilespmem:s18+$0x1C220]  }
0x33d: {  	v4 =	vshll.u32 v4, $0x7;
	v19 =	vld [tilespmem:s16+$0x1C210]  }
0x33e: {  	v4 =	vand.u32 $0x380, v4  }
0x33f: {  	v4 =	vbroadcast v4, $0x0;
	v3 =	vld [tilespmem:s18+$0x1C210]  }
0x340: {  	v7 =	vld [tilespmem:s18+$0x1C400];
	v6 =	vshll.u32 v1, $0x3;
	v1 =	vand.u32 $0x7F, v1;
	v9 =	vshll.u32 v2, $0x3  }
0x341: {  	v11 =	vshll.u32 v5, $0x3;
	v2 =	vand.u32 $0x7F, v2;
	v5 =	vand.u32 $0x7F, v5  }
0x342: {  	v8 =	vld [tilespmem:s18+$0x1C410];
	v22 =	vshll.u32 v19, $0x3;
	v19 =	vand.u32 $0x7F, v19;
	v6 =	vand.u32 $0xFFFFFC00, v6  }
0x343: {  	v12 =	vld [tilespmem:s18+$0x1C430];
	v9 =	vand.u32 $0xFFFFFC00, v9;
	v11 =	vand.u32 $0xFFFFFC00, v11;
	v1 =	vor.u32 v6, v1  }
0x344: {  	v6 =	vld [tilespmem:s18+$0x1C420];
	v2 =	vor.u32 v9, v2;
	v5 =	vor.u32 v11, v5;
	v10 =	vor.u32 v4, v1  }
0x345: {  	v16 =	vld [tilespmem:s18+$0x1C030];
	v11 =	vshll.u32 v7, $0x3;
	v7 =	vand.u32 $0x7F, v7;
	v1 =	vshll.u32 v3, $0x3  }
0x346: {  	v18 =	vld [tilespmem:s16+$0x1C200];
	v3 =	vand.u32 $0x7F, v3;
	v9 =	vor.u32 v4, v2;
	v13 =	vand.u32 $0xFFFFFC00, v1  }
0x347: {  	v25 =	vld [tilespmem:s16+$0x1C430];
	v15 =	vor.u32 v4, v5;
	v11 =	vand.u32 $0xFFFFFC00, v11;
	v3 =	vor.u32 v13, v3  }
0x348: {  	v2 =	vld [tilespmem:s18+$0x1C010];
	v7 =	vor.u32 v11, v7;
	v13 =	vor.u32 v4, v3;
	v3 =	vshll.u32 v12, $0x3  }
0x349: {  	v12 =	vand.u32 $0x7F, v12;
	v14 =	vshll.u32 v6, $0x3;
	v17 =	vand.u32 $0xFFFFFC00, v3;
	v5 =	vld.idx.msk [tilespmem:v10+s7+$0x0], $0xffff  }
0x34a: {  	v6 =	vand.u32 $0x7F, v6;
	v10 =	vshll.u32 v8, $0x3;
	v12 =	vor.u32 v17, v12;
	v17 =	vld [tilespmem:s16+$0x1C230]  }
0x34b: {  	s21 =	simm.s32 $0x0;
	v1 =	vld [tilespmem:s18+$0x1C000];
	v14 =	vand.u32 $0xFFFFFC00, v14;
	v8 =	vand.u32 $0x7F, v8;
	v10 =	vand.u32 $0xFFFFFC00, v10  }
0x34c: {  	v11 =	vld [tilespmem:s16+$0x1C220];
	v20 =	vor.u32 v4, v12;
	v10 =	vor.u32 v10, v8;
	v8 =	vmov s21  }
0x34d: {  	v3 =	vld [tilespmem:s18+$0x1C020];
	v12 =	vor.u32 v14, v6;
	v6 =	vor.u32 v4, v7;
	v14 =	vshll.u32 v8, $0x7  }
0x34e: {  	v8 =	vld [tilespmem:s16+$0x1C400];
	v7 =	vand.u32 $0x380, v14;
	v21 =	vmul.f32 v16, v5;
	v5 =	vor.u32 v4, v10  }
0x34f: {  	v10 =	vld [tilespmem:s16+$0x1C410];
	v14 =	vshll.u32 v17, $0x3;
	v4 =	vor.u32 v4, v12;
	v7 =	vbroadcast v7, $0x0  }
0x350: {  	v12 =	vld [tilespmem:s16+$0x1C420];
	v16 =	vand.u32 $0x7F, v17;
	v17 =	vshll.u32 v18, $0x3;
	v14 =	vand.u32 $0xFFFFFC00, v14  }
0x351: {  	v27 =	vshll.u32 v25, $0x3;
	v16 =	vor.u32 v14, v16;
	v14 =	vld.idx.msk [tilespmem:v9+s7+$0x0], $0xffff;
	v9 =	vand.u32 $0xFFFFFC00, v17  }
0x352: {  	v15 =	vld.idx.msk [tilespmem:v15+s7+$0x0], $0xffff;
	v17 =	vshll.u32 v11, $0x3;
	v24 =	vor.u32 v7, v16;
	v16 =	vand.u32 $0x7F, v18  }
0x353: {  	v18 =	vand.u32 $0xFFFFFC00, v22;
	v22 =	vand.u32 $0xFFFFFC00, v17;
	v17 =	vld.idx.msk [tilespmem:v13+s7+$0x0], $0xffff;
	v26 =	vshll.u32 v8, $0x3  }
0x354: {  	v11 =	vand.u32 $0x7F, v11;
	[tilespmem:v20+s11+$0x0] =	vst.idx.msk $0xffff, v21;
	v9 =	vor.u32 v9, v16;
	v16 =	vld [tilespmem:s16+$0x1C000];
	v21 =	vand.u32 $0xFFFFFC00, v26  }
0x355: {  	v13 =	vor.u32 v7, v9;
	v9 =	vor.u32 v18, v19;
	v19 =	vor.u32 v22, v11;
	v18 =	vld [tilespmem:s16+$0x1C010]  }
0x356: {  	v20 =	vld [tilespmem:s16+$0x1C030];
	v23 =	vshll.u32 v10, $0x3;
	v22 =	vshll.u32 v12, $0x3;
	v11 =	vor.u32 v7, v9  }
0x357: {  	s17 =	simm.s32 $0x4;
	s18 =	simm.s32 $0x80;
	v9 =	vor.u32 v7, v19;
	v19 =	vld.idx.msk [tilespmem:v24+s7+$0x0], $0xffff;
	v24 =	vand.u32 $0x7F, v25;
	v25 =	vand.u32 $0xFFFFFC00, v27  }
.LBB2_26:
0x358: {  	v23 =	vand.u32 $0xFFFFFC00, v23;
	v26 =	vld [tilespmem:s16+$0x1C020];
	s16 =	sand.u32 $0x1C0, s18;
	v22 =	vand.u32 $0xFFFFFC00, v22;
	v24 =	vor.u32 v25, v24  }
0x359: {  	v8 =	vand.u32 $0x7F, v8;
	v10 =	vand.u32 $0x7F, v10;
	v25 =	vld [tilespmem:s16+$0x1C230];
	v24 =	vor.u32 v7, v24  }
0x35a: {  	s17 =	sadd.s32 $0x4, s17;
	v12 =	vand.u32 $0x7F, v12;
	v14 =	vmul.f32 v1, v14;
	v17 =	vmul.f32 v2, v17;
	v1 =	vmovc v16;
	v27 =	vld [tilespmem:s16+$0x1C200];
	v2 =	vmovc v18  }
0x35b: {  	v15 =	vmul.f32 v3, v15;
	s19 =	sshrl.u32 s17, $0x5;
	p0 =	slt.u32 s17, $0xFC;
	v10 =	vor.u32 v23, v10;
	v18 =	vor.u32 v21, v8;
	v16 =	vld [tilespmem:s16+$0x1C210]  }
0x35c: {  	v12 =	vor.u32 v22, v12;
	v23 =	vmov s19;
	v21 =	vld [tilespmem:s16+$0x1C220];
	v19 =	vmul.f32 v20, v19;
	[tilespmem:v6+s11+$0x0] =	vst.idx.msk $0xffff, v14  }
0x35d: {  	v20 =	vshll.u32 v23, $0x7;
	v6 =	vor.u32 v7, v18;
	v8 =	vld [tilespmem:s16+$0x1C400];
	[tilespmem:v5+s11+$0x0] =	vst.idx.msk $0xffff, v17;
	v5 =	vor.u32 v7, v10  }
0x35e: {  	v18 =	vor.u32 v7, v12;
	v14 =	vand.u32 $0x380, v20;
	v3 =	vmovc v26;
	v10 =	vld [tilespmem:s16+$0x1C410];
	v17 =	vshll.u32 v25, $0x3;
	[tilespmem:v24+s11+$0x0] =	vst.idx.msk $0xffff, v19  }
0x35f: {  	v7 =	vbroadcast v14, $0x0;
	v14 =	vand.u32 $0x7F, v25;
	v12 =	vld [tilespmem:s16+$0x1C420];
	v17 =	vand.u32 $0xFFFFFC00, v17;
	[tilespmem:v4+s11+$0x0] =	vst.idx.msk $0xffff, v15;
	v4 =	vmovc v18  }
0x360: {  	v15 =	vshll.u32 v27, $0x3;
	v18 =	vshll.u32 v16, $0x3;
	v17 =	vor.u32 v17, v14;
	v14 =	vld.idx.msk [tilespmem:v13+s7+$0x0], $0xffff  }
0x361: {  	v13 =	vand.u32 $0xFFFFFC00, v15;
	v15 =	vshll.u32 v21, $0x3;
	v19 =	vor.u32 v7, v17;
	v24 =	vld [tilespmem:s16+$0x1C430]  }
0x362: {  	v20 =	vand.u32 $0x7F, v27;
	v18 =	vand.u32 $0xFFFFFC00, v18;
	v22 =	vand.u32 $0xFFFFFC00, v15;
	v17 =	vld.idx.msk [tilespmem:v11+s7+$0x0], $0xffff  }
.Ltmp12:
0x363: {  	v21 =	vand.u32 $0x7F, v21;
	v11 =	vor.u32 v13, v20;
	v20 =	vand.u32 $0x7F, v16;
	v15 =	vld.idx.msk [tilespmem:v9+s7+$0x0], $0xffff;
	(pc) =	sbr.rel @p0 .LBB2_26-.Ltmp12, $4  }
0x364: {  	v13 =	vor.u32 v7, v11;
	v9 =	vor.u32 v18, v20;
	v20 =	vor.u32 v22, v21;
	v16 =	vld [tilespmem:s16+$0x1C000]  }
0x365: {  	v21 =	vshll.u32 v8, $0x3;
	v11 =	vor.u32 v7, v9;
	v9 =	vor.u32 v7, v20;
	v18 =	vld [tilespmem:s16+$0x1C010]  }
0x366: {  	v23 =	vshll.u32 v10, $0x3;
	v22 =	vshll.u32 v12, $0x3;
	v19 =	vld.idx.msk [tilespmem:v19+s7+$0x0], $0xffff;
	v25 =	vshll.u32 v24, $0x3  }
0x367: {  	s18 =	sadd.s32 $0x40, s18;
	v21 =	vand.u32 $0xFFFFFC00, v21;
	v24 =	vand.u32 $0x7F, v24;
	v20 =	vld [tilespmem:s16+$0x1C030];
	v25 =	vand.u32 $0xFFFFFC00, v25  }
0x368: {  	_ =	sdelay $0x1  }
0x369: {  	v23 =	vand.u32 $0xFFFFFC00, v23  }
0x36a: {  	v26 =	vld [tilespmem:s16+$0x1C020];
	v22 =	vand.u32 $0xFFFFFC00, v22;
	v24 =	vor.u32 v25, v24;
	v8 =	vand.u32 $0x7F, v8  }
0x36b: {  	v10 =	vand.u32 $0x7F, v10;
	v12 =	vand.u32 $0x7F, v12;
	v13 =	vld.idx.msk [tilespmem:v13+s7+$0x0], $0xffff;
	v1 =	vmul.f32 v1, v14  }
0x36c: {  	v2 =	vmul.f32 v2, v17;
	v11 =	vld.idx.msk [tilespmem:v11+s7+$0x0], $0xffff;
	v24 =	vor.u32 v7, v24;
	v8 =	vor.u32 v21, v8  }
0x36d: {  	v9 =	vld.idx.msk [tilespmem:v9+s7+$0x0], $0xffff;
	v3 =	vmul.f32 v3, v15;
	v10 =	vor.u32 v23, v10;
	v8 =	vor.u32 v7, v8  }
0x36e: {  	v12 =	vor.u32 v22, v12;
	[tilespmem:v6+s11+$0x0] =	vst.idx.msk $0xffff, v1;
	v1 =	vor.u32 v7, v10  }
0x36f: {  	[tilespmem:v5+s11+$0x0] =	vst.idx.msk $0xffff, v2;
	v2 =	vor.u32 v7, v12;
	v14 =	vmul.f32 v20, v19  }
0x370: {  	[tilespmem:v4+s11+$0x0] =	vst.idx.msk $0xffff, v3;
	v5 =	vmul.f32 v16, v13  }
0x371: {  	v3 =	vmul.f32 v18, v11;
	[tilespmem:v24+s11+$0x0] =	vst.idx.msk $0xffff, v14  }
0x372: {  	v4 =	vmul.f32 v26, v9;
	[tilespmem:v8+s11+$0x0] =	vst.idx.msk $0xffff, v5  }
0x373: {  	[tilespmem:v1+s11+$0x0] =	vst.idx.msk $0xffff, v3  }
0x374: {  	s21 =	simm.s32 $0x0;
	[tilespmem:v2+s11+$0x0] =	vst.idx.msk $0xffff, v4  }
0x375: {  	[hbm4b:s30+s21] =	stream.linear.scatter [tilespmem:s11], [sflag:$0x5], $0x2000, $0x38;
	[tilespmem:$0x1C600] =	vst v63  }
0x376: {  	s17 =	rddreg [dreg:$0x14]  }
0x377: {  	[tilespmem:s7], [sflag:$0x3] =	stream.linear.gather [hbm4b:s17+s21], $0x8000, $0x38;
	[tilespmem:$0x1C600] =	vst v63  }
0x378: {  	_ =	swait.ge [sflag:s8], $0x8000  }
0x379: {  	[sflag:s8] =	ssyncset.done $0x0  }
0x37a: {  	[sflag:s8] =	ssyncadd.s32 $0xFFFF8000  }
0x37b: {  	_ =	swait.ge [sflag:s13], $0x2000  }
0x37c: {  	[sflag:s13] =	ssyncset.done $0x0  }
0x37d: {  	s18 =	sand.u32 $0x1C0, s21;
	[sflag:s13] =	ssyncadd.s32 $0xFFFFE000  }
0x37e: {  	v1 =	vld [tilespmem:s18+$0x1C230]  }
0x37f: {  	s19 =	simm.s32 $0x0;
	s20 =	simm.s32 $0x40;
	v2 =	vld [tilespmem:s18+$0x1C200]  }
0x380: {  	s16 =	sand.u32 $0x1C0, s20;
	v4 =	vmov s19;
	v5 =	vld [tilespmem:s18+$0x1C220]  }
0x381: {  	v4 =	vshll.u32 v4, $0x7;
	v19 =	vld [tilespmem:s16+$0x1C210]  }
0x382: {  	v4 =	vand.u32 $0x380, v4  }
0x383: {  	v4 =	vbroadcast v4, $0x0;
	v3 =	vld [tilespmem:s18+$0x1C210]  }
0x384: {  	v7 =	vld [tilespmem:s18+$0x1C400];
	v6 =	vshll.u32 v1, $0x3;
	v1 =	vand.u32 $0x7F, v1;
	v9 =	vshll.u32 v2, $0x3  }
0x385: {  	v11 =	vshll.u32 v5, $0x3;
	v2 =	vand.u32 $0x7F, v2;
	v5 =	vand.u32 $0x7F, v5  }
0x386: {  	v8 =	vld [tilespmem:s18+$0x1C410];
	v22 =	vshll.u32 v19, $0x3;
	v19 =	vand.u32 $0x7F, v19;
	v6 =	vand.u32 $0xFFFFFC00, v6  }
0x387: {  	v12 =	vld [tilespmem:s18+$0x1C430];
	v9 =	vand.u32 $0xFFFFFC00, v9;
	v11 =	vand.u32 $0xFFFFFC00, v11;
	v1 =	vor.u32 v6, v1  }
0x388: {  	v6 =	vld [tilespmem:s18+$0x1C420];
	v2 =	vor.u32 v9, v2;
	v5 =	vor.u32 v11, v5;
	v10 =	vor.u32 v4, v1  }
0x389: {  	v16 =	vld [tilespmem:s18+$0x1C030];
	v11 =	vshll.u32 v7, $0x3;
	v7 =	vand.u32 $0x7F, v7;
	v1 =	vshll.u32 v3, $0x3  }
0x38a: {  	v18 =	vld [tilespmem:s16+$0x1C200];
	v3 =	vand.u32 $0x7F, v3;
	v9 =	vor.u32 v4, v2;
	v13 =	vand.u32 $0xFFFFFC00, v1  }
0x38b: {  	v25 =	vld [tilespmem:s16+$0x1C430];
	v15 =	vor.u32 v4, v5;
	v11 =	vand.u32 $0xFFFFFC00, v11;
	v3 =	vor.u32 v13, v3  }
0x38c: {  	v2 =	vld [tilespmem:s18+$0x1C010];
	v7 =	vor.u32 v11, v7;
	v13 =	vor.u32 v4, v3;
	v3 =	vshll.u32 v12, $0x3  }
0x38d: {  	v12 =	vand.u32 $0x7F, v12;
	v14 =	vshll.u32 v6, $0x3;
	v17 =	vand.u32 $0xFFFFFC00, v3;
	v5 =	vld.idx.msk [tilespmem:v10+s1+$0x0], $0xffff  }
0x38e: {  	v6 =	vand.u32 $0x7F, v6;
	v10 =	vshll.u32 v8, $0x3;
	v12 =	vor.u32 v17, v12;
	v17 =	vld [tilespmem:s16+$0x1C230]  }
0x38f: {  	s21 =	simm.s32 $0x0;
	v1 =	vld [tilespmem:s18+$0x1C000];
	v14 =	vand.u32 $0xFFFFFC00, v14;
	v8 =	vand.u32 $0x7F, v8;
	v10 =	vand.u32 $0xFFFFFC00, v10  }
0x390: {  	v11 =	vld [tilespmem:s16+$0x1C220];
	v20 =	vor.u32 v4, v12;
	v10 =	vor.u32 v10, v8;
	v8 =	vmov s21  }
0x391: {  	v3 =	vld [tilespmem:s18+$0x1C020];
	v12 =	vor.u32 v14, v6;
	v6 =	vor.u32 v4, v7;
	v14 =	vshll.u32 v8, $0x7  }
0x392: {  	v8 =	vld [tilespmem:s16+$0x1C400];
	v7 =	vand.u32 $0x380, v14;
	v21 =	vmul.f32 v16, v5;
	v5 =	vor.u32 v4, v10  }
0x393: {  	v10 =	vld [tilespmem:s16+$0x1C410];
	v14 =	vshll.u32 v17, $0x3;
	v4 =	vor.u32 v4, v12;
	v7 =	vbroadcast v7, $0x0  }
0x394: {  	v12 =	vld [tilespmem:s16+$0x1C420];
	v16 =	vand.u32 $0x7F, v17;
	v17 =	vshll.u32 v18, $0x3;
	v14 =	vand.u32 $0xFFFFFC00, v14  }
0x395: {  	v27 =	vshll.u32 v25, $0x3;
	v16 =	vor.u32 v14, v16;
	v14 =	vld.idx.msk [tilespmem:v9+s1+$0x0], $0xffff;
	v9 =	vand.u32 $0xFFFFFC00, v17  }
0x396: {  	v15 =	vld.idx.msk [tilespmem:v15+s1+$0x0], $0xffff;
	v17 =	vshll.u32 v11, $0x3;
	v24 =	vor.u32 v7, v16;
	v16 =	vand.u32 $0x7F, v18  }
0x397: {  	v18 =	vand.u32 $0xFFFFFC00, v22;
	v22 =	vand.u32 $0xFFFFFC00, v17;
	v17 =	vld.idx.msk [tilespmem:v13+s1+$0x0], $0xffff;
	v26 =	vshll.u32 v8, $0x3  }
0x398: {  	v11 =	vand.u32 $0x7F, v11;
	[tilespmem:v20+s9+$0x0] =	vst.idx.msk $0xffff, v21;
	v9 =	vor.u32 v9, v16;
	v16 =	vld [tilespmem:s16+$0x1C000];
	v21 =	vand.u32 $0xFFFFFC00, v26  }
0x399: {  	v13 =	vor.u32 v7, v9;
	v9 =	vor.u32 v18, v19;
	v19 =	vor.u32 v22, v11;
	v18 =	vld [tilespmem:s16+$0x1C010]  }
0x39a: {  	v20 =	vld [tilespmem:s16+$0x1C030];
	v23 =	vshll.u32 v10, $0x3;
	v22 =	vshll.u32 v12, $0x3;
	v11 =	vor.u32 v7, v9  }
0x39b: {  	s17 =	simm.s32 $0x4;
	s18 =	simm.s32 $0x80;
	v9 =	vor.u32 v7, v19;
	v19 =	vld.idx.msk [tilespmem:v24+s1+$0x0], $0xffff;
	v24 =	vand.u32 $0x7F, v25;
	v25 =	vand.u32 $0xFFFFFC00, v27  }
.LBB2_28:
0x39c: {  	v23 =	vand.u32 $0xFFFFFC00, v23;
	v26 =	vld [tilespmem:s16+$0x1C020];
	s16 =	sand.u32 $0x1C0, s18;
	v22 =	vand.u32 $0xFFFFFC00, v22;
	v24 =	vor.u32 v25, v24  }
0x39d: {  	v8 =	vand.u32 $0x7F, v8;
	v10 =	vand.u32 $0x7F, v10;
	v25 =	vld [tilespmem:s16+$0x1C230];
	v24 =	vor.u32 v7, v24  }
0x39e: {  	s17 =	sadd.s32 $0x4, s17;
	v12 =	vand.u32 $0x7F, v12;
	v14 =	vmul.f32 v1, v14;
	v17 =	vmul.f32 v2, v17;
	v1 =	vmovc v16;
	v27 =	vld [tilespmem:s16+$0x1C200];
	v2 =	vmovc v18  }
0x39f: {  	v15 =	vmul.f32 v3, v15;
	s19 =	sshrl.u32 s17, $0x5;
	p0 =	slt.u32 s17, $0xFC;
	v10 =	vor.u32 v23, v10;
	v18 =	vor.u32 v21, v8;
	v16 =	vld [tilespmem:s16+$0x1C210]  }
0x3a0: {  	v12 =	vor.u32 v22, v12;
	v23 =	vmov s19;
	v21 =	vld [tilespmem:s16+$0x1C220];
	v19 =	vmul.f32 v20, v19;
	[tilespmem:v6+s9+$0x0] =	vst.idx.msk $0xffff, v14  }
0x3a1: {  	v20 =	vshll.u32 v23, $0x7;
	v6 =	vor.u32 v7, v18;
	v8 =	vld [tilespmem:s16+$0x1C400];
	[tilespmem:v5+s9+$0x0] =	vst.idx.msk $0xffff, v17;
	v5 =	vor.u32 v7, v10  }
0x3a2: {  	v18 =	vor.u32 v7, v12;
	v14 =	vand.u32 $0x380, v20;
	v3 =	vmovc v26;
	v10 =	vld [tilespmem:s16+$0x1C410];
	v17 =	vshll.u32 v25, $0x3;
	[tilespmem:v24+s9+$0x0] =	vst.idx.msk $0xffff, v19  }
0x3a3: {  	v7 =	vbroadcast v14, $0x0;
	v14 =	vand.u32 $0x7F, v25;
	v12 =	vld [tilespmem:s16+$0x1C420];
	v17 =	vand.u32 $0xFFFFFC00, v17;
	[tilespmem:v4+s9+$0x0] =	vst.idx.msk $0xffff, v15;
	v4 =	vmovc v18  }
0x3a4: {  	v15 =	vshll.u32 v27, $0x3;
	v18 =	vshll.u32 v16, $0x3;
	v17 =	vor.u32 v17, v14;
	v14 =	vld.idx.msk [tilespmem:v13+s1+$0x0], $0xffff  }
0x3a5: {  	v13 =	vand.u32 $0xFFFFFC00, v15;
	v15 =	vshll.u32 v21, $0x3;
	v19 =	vor.u32 v7, v17;
	v24 =	vld [tilespmem:s16+$0x1C430]  }
0x3a6: {  	v20 =	vand.u32 $0x7F, v27;
	v18 =	vand.u32 $0xFFFFFC00, v18;
	v22 =	vand.u32 $0xFFFFFC00, v15;
	v17 =	vld.idx.msk [tilespmem:v11+s1+$0x0], $0xffff  }
.Ltmp13:
0x3a7: {  	v21 =	vand.u32 $0x7F, v21;
	v11 =	vor.u32 v13, v20;
	v20 =	vand.u32 $0x7F, v16;
	v15 =	vld.idx.msk [tilespmem:v9+s1+$0x0], $0xffff;
	(pc) =	sbr.rel @p0 .LBB2_28-.Ltmp13, $4  }
0x3a8: {  	v13 =	vor.u32 v7, v11;
	v9 =	vor.u32 v18, v20;
	v20 =	vor.u32 v22, v21;
	v16 =	vld [tilespmem:s16+$0x1C000]  }
0x3a9: {  	v21 =	vshll.u32 v8, $0x3;
	v11 =	vor.u32 v7, v9;
	v9 =	vor.u32 v7, v20;
	v18 =	vld [tilespmem:s16+$0x1C010]  }
0x3aa: {  	v23 =	vshll.u32 v10, $0x3;
	v22 =	vshll.u32 v12, $0x3;
	v19 =	vld.idx.msk [tilespmem:v19+s1+$0x0], $0xffff;
	v25 =	vshll.u32 v24, $0x3  }
0x3ab: {  	s18 =	sadd.s32 $0x40, s18;
	v21 =	vand.u32 $0xFFFFFC00, v21;
	v24 =	vand.u32 $0x7F, v24;
	v20 =	vld [tilespmem:s16+$0x1C030];
	v25 =	vand.u32 $0xFFFFFC00, v25  }
0x3ac: {  	_ =	sdelay $0x1  }
0x3ad: {  	v23 =	vand.u32 $0xFFFFFC00, v23  }
0x3ae: {  	v26 =	vld [tilespmem:s16+$0x1C020];
	v22 =	vand.u32 $0xFFFFFC00, v22;
	v24 =	vor.u32 v25, v24;
	v8 =	vand.u32 $0x7F, v8  }
0x3af: {  	v10 =	vand.u32 $0x7F, v10;
	v12 =	vand.u32 $0x7F, v12;
	v13 =	vld.idx.msk [tilespmem:v13+s1+$0x0], $0xffff;
	v1 =	vmul.f32 v1, v14  }
0x3b0: {  	v2 =	vmul.f32 v2, v17;
	v11 =	vld.idx.msk [tilespmem:v11+s1+$0x0], $0xffff;
	v24 =	vor.u32 v7, v24;
	v8 =	vor.u32 v21, v8  }
0x3b1: {  	v9 =	vld.idx.msk [tilespmem:v9+s1+$0x0], $0xffff;
	v3 =	vmul.f32 v3, v15;
	v10 =	vor.u32 v23, v10;
	v8 =	vor.u32 v7, v8  }
0x3b2: {  	v12 =	vor.u32 v22, v12;
	[tilespmem:v6+s9+$0x0] =	vst.idx.msk $0xffff, v1;
	v1 =	vor.u32 v7, v10  }
0x3b3: {  	[tilespmem:v5+s9+$0x0] =	vst.idx.msk $0xffff, v2;
	v2 =	vor.u32 v7, v12;
	v14 =	vmul.f32 v20, v19  }
0x3b4: {  	[tilespmem:v4+s9+$0x0] =	vst.idx.msk $0xffff, v3;
	v5 =	vmul.f32 v16, v13  }
0x3b5: {  	v3 =	vmul.f32 v18, v11;
	[tilespmem:v24+s9+$0x0] =	vst.idx.msk $0xffff, v14  }
0x3b6: {  	v4 =	vmul.f32 v26, v9;
	[tilespmem:v8+s9+$0x0] =	vst.idx.msk $0xffff, v5  }
0x3b7: {  	[tilespmem:v1+s9+$0x0] =	vst.idx.msk $0xffff, v3  }
0x3b8: {  	s21 =	simm.s32 $0x0;
	[tilespmem:v2+s9+$0x0] =	vst.idx.msk $0xffff, v4  }
0x3b9: {  	[hbm4b:s31+s21] =	stream.linear.scatter [tilespmem:s9], [sflag:$0x4], $0x2000, $0x38;
	[tilespmem:$0x1C600] =	vst v63  }
0x3ba: {  	s17 =	rddreg [dreg:$0x15]  }
0x3bb: {  	[tilespmem:s21], [sflag:$0x1] =	stream.linear.gather [hbm4b:s17+s21], $0x8000, $0x38;
	[tilespmem:$0x1C600] =	vst v63  }
0x3bc: {  	_ =	swait.ge [sflag:s10], $0x8000  }
0x3bd: {  	[sflag:s10] =	ssyncset.done $0x0  }
0x3be: {  	[sflag:s10] =	ssyncadd.s32 $0xFFFF8000  }
0x3bf: {  	_ =	swait.ge [sflag:s14], $0x2000  }
0x3c0: {  	[sflag:s14] =	ssyncset.done $0x0  }
0x3c1: {  	s18 =	sand.u32 $0x1C0, s21;
	[sflag:s14] =	ssyncadd.s32 $0xFFFFE000  }
0x3c2: {  	v1 =	vld [tilespmem:s18+$0x1C230]  }
0x3c3: {  	s19 =	simm.s32 $0x0;
	s20 =	simm.s32 $0x40;
	v2 =	vld [tilespmem:s18+$0x1C200]  }
0x3c4: {  	s16 =	sand.u32 $0x1C0, s20;
	v4 =	vmov s19;
	v5 =	vld [tilespmem:s18+$0x1C220]  }
0x3c5: {  	v4 =	vshll.u32 v4, $0x7;
	v19 =	vld [tilespmem:s16+$0x1C210]  }
0x3c6: {  	v4 =	vand.u32 $0x380, v4  }
0x3c7: {  	v4 =	vbroadcast v4, $0x0;
	v3 =	vld [tilespmem:s18+$0x1C210]  }
0x3c8: {  	v7 =	vld [tilespmem:s18+$0x1C400];
	v6 =	vshll.u32 v1, $0x3;
	v1 =	vand.u32 $0x7F, v1;
	v9 =	vshll.u32 v2, $0x3  }
0x3c9: {  	v11 =	vshll.u32 v5, $0x3;
	v2 =	vand.u32 $0x7F, v2;
	v5 =	vand.u32 $0x7F, v5  }
0x3ca: {  	v8 =	vld [tilespmem:s18+$0x1C410];
	v22 =	vshll.u32 v19, $0x3;
	v19 =	vand.u32 $0x7F, v19;
	v6 =	vand.u32 $0xFFFFFC00, v6  }
0x3cb: {  	v12 =	vld [tilespmem:s18+$0x1C430];
	v9 =	vand.u32 $0xFFFFFC00, v9;
	v11 =	vand.u32 $0xFFFFFC00, v11;
	v1 =	vor.u32 v6, v1  }
0x3cc: {  	v6 =	vld [tilespmem:s18+$0x1C420];
	v2 =	vor.u32 v9, v2;
	v5 =	vor.u32 v11, v5;
	v10 =	vor.u32 v4, v1  }
0x3cd: {  	v16 =	vld [tilespmem:s18+$0x1C030];
	v11 =	vshll.u32 v7, $0x3;
	v7 =	vand.u32 $0x7F, v7;
	v1 =	vshll.u32 v3, $0x3  }
0x3ce: {  	v18 =	vld [tilespmem:s16+$0x1C200];
	v3 =	vand.u32 $0x7F, v3;
	v9 =	vor.u32 v4, v2;
	v13 =	vand.u32 $0xFFFFFC00, v1  }
0x3cf: {  	v25 =	vld [tilespmem:s16+$0x1C430];
	v15 =	vor.u32 v4, v5;
	v11 =	vand.u32 $0xFFFFFC00, v11;
	v3 =	vor.u32 v13, v3  }
0x3d0: {  	v2 =	vld [tilespmem:s18+$0x1C010];
	v7 =	vor.u32 v11, v7;
	v13 =	vor.u32 v4, v3;
	v3 =	vshll.u32 v12, $0x3  }
0x3d1: {  	v12 =	vand.u32 $0x7F, v12;
	v14 =	vshll.u32 v6, $0x3;
	v17 =	vand.u32 $0xFFFFFC00, v3;
	v5 =	vld.idx.msk [tilespmem:v10+s6+$0x0], $0xffff  }
0x3d2: {  	v6 =	vand.u32 $0x7F, v6;
	v10 =	vshll.u32 v8, $0x3;
	v12 =	vor.u32 v17, v12;
	v17 =	vld [tilespmem:s16+$0x1C230]  }
0x3d3: {  	s21 =	simm.s32 $0x0;
	v1 =	vld [tilespmem:s18+$0x1C000];
	v14 =	vand.u32 $0xFFFFFC00, v14;
	v8 =	vand.u32 $0x7F, v8;
	v10 =	vand.u32 $0xFFFFFC00, v10  }
0x3d4: {  	v11 =	vld [tilespmem:s16+$0x1C220];
	v20 =	vor.u32 v4, v12;
	v10 =	vor.u32 v10, v8;
	v8 =	vmov s21  }
0x3d5: {  	v3 =	vld [tilespmem:s18+$0x1C020];
	v12 =	vor.u32 v14, v6;
	v6 =	vor.u32 v4, v7;
	v14 =	vshll.u32 v8, $0x7  }
0x3d6: {  	v8 =	vld [tilespmem:s16+$0x1C400];
	v7 =	vand.u32 $0x380, v14;
	v21 =	vmul.f32 v16, v5;
	v5 =	vor.u32 v4, v10  }
0x3d7: {  	v10 =	vld [tilespmem:s16+$0x1C410];
	v14 =	vshll.u32 v17, $0x3;
	v4 =	vor.u32 v4, v12;
	v7 =	vbroadcast v7, $0x0  }
0x3d8: {  	v12 =	vld [tilespmem:s16+$0x1C420];
	v16 =	vand.u32 $0x7F, v17;
	v17 =	vshll.u32 v18, $0x3;
	v14 =	vand.u32 $0xFFFFFC00, v14  }
0x3d9: {  	v27 =	vshll.u32 v25, $0x3;
	v16 =	vor.u32 v14, v16;
	v14 =	vld.idx.msk [tilespmem:v9+s6+$0x0], $0xffff;
	v9 =	vand.u32 $0xFFFFFC00, v17  }
0x3da: {  	v15 =	vld.idx.msk [tilespmem:v15+s6+$0x0], $0xffff;
	v17 =	vshll.u32 v11, $0x3;
	v24 =	vor.u32 v7, v16;
	v16 =	vand.u32 $0x7F, v18  }
0x3db: {  	v18 =	vand.u32 $0xFFFFFC00, v22;
	v22 =	vand.u32 $0xFFFFFC00, v17;
	v17 =	vld.idx.msk [tilespmem:v13+s6+$0x0], $0xffff;
	v26 =	vshll.u32 v8, $0x3  }
0x3dc: {  	v11 =	vand.u32 $0x7F, v11;
	[tilespmem:v20+s11+$0x0] =	vst.idx.msk $0xffff, v21;
	v9 =	vor.u32 v9, v16;
	v16 =	vld [tilespmem:s16+$0x1C000];
	v21 =	vand.u32 $0xFFFFFC00, v26  }
0x3dd: {  	v13 =	vor.u32 v7, v9;
	v9 =	vor.u32 v18, v19;
	v19 =	vor.u32 v22, v11;
	v18 =	vld [tilespmem:s16+$0x1C010]  }
0x3de: {  	v20 =	vld [tilespmem:s16+$0x1C030];
	v23 =	vshll.u32 v10, $0x3;
	v22 =	vshll.u32 v12, $0x3;
	v11 =	vor.u32 v7, v9  }
0x3df: {  	s17 =	simm.s32 $0x4;
	s18 =	simm.s32 $0x80;
	v9 =	vor.u32 v7, v19;
	v19 =	vld.idx.msk [tilespmem:v24+s6+$0x0], $0xffff;
	v24 =	vand.u32 $0x7F, v25;
	v25 =	vand.u32 $0xFFFFFC00, v27  }
.LBB2_30:
0x3e0: {  	v23 =	vand.u32 $0xFFFFFC00, v23;
	v26 =	vld [tilespmem:s16+$0x1C020];
	s16 =	sand.u32 $0x1C0, s18;
	v22 =	vand.u32 $0xFFFFFC00, v22;
	v24 =	vor.u32 v25, v24  }
0x3e1: {  	v8 =	vand.u32 $0x7F, v8;
	v10 =	vand.u32 $0x7F, v10;
	v25 =	vld [tilespmem:s16+$0x1C230];
	v24 =	vor.u32 v7, v24  }
0x3e2: {  	s17 =	sadd.s32 $0x4, s17;
	v12 =	vand.u32 $0x7F, v12;
	v14 =	vmul.f32 v1, v14;
	v17 =	vmul.f32 v2, v17;
	v1 =	vmovc v16;
	v27 =	vld [tilespmem:s16+$0x1C200];
	v2 =	vmovc v18  }
0x3e3: {  	v15 =	vmul.f32 v3, v15;
	s19 =	sshrl.u32 s17, $0x5;
	p0 =	slt.u32 s17, $0xFC;
	v10 =	vor.u32 v23, v10;
	v18 =	vor.u32 v21, v8;
	v16 =	vld [tilespmem:s16+$0x1C210]  }
0x3e4: {  	v12 =	vor.u32 v22, v12;
	v23 =	vmov s19;
	v21 =	vld [tilespmem:s16+$0x1C220];
	v19 =	vmul.f32 v20, v19;
	[tilespmem:v6+s11+$0x0] =	vst.idx.msk $0xffff, v14  }
0x3e5: {  	v20 =	vshll.u32 v23, $0x7;
	v6 =	vor.u32 v7, v18;
	v8 =	vld [tilespmem:s16+$0x1C400];
	[tilespmem:v5+s11+$0x0] =	vst.idx.msk $0xffff, v17;
	v5 =	vor.u32 v7, v10  }
0x3e6: {  	v18 =	vor.u32 v7, v12;
	v14 =	vand.u32 $0x380, v20;
	v3 =	vmovc v26;
	v10 =	vld [tilespmem:s16+$0x1C410];
	v17 =	vshll.u32 v25, $0x3;
	[tilespmem:v24+s11+$0x0] =	vst.idx.msk $0xffff, v19  }
0x3e7: {  	v7 =	vbroadcast v14, $0x0;
	v14 =	vand.u32 $0x7F, v25;
	v12 =	vld [tilespmem:s16+$0x1C420];
	v17 =	vand.u32 $0xFFFFFC00, v17;
	[tilespmem:v4+s11+$0x0] =	vst.idx.msk $0xffff, v15;
	v4 =	vmovc v18  }
0x3e8: {  	v15 =	vshll.u32 v27, $0x3;
	v18 =	vshll.u32 v16, $0x3;
	v17 =	vor.u32 v17, v14;
	v14 =	vld.idx.msk [tilespmem:v13+s6+$0x0], $0xffff  }
0x3e9: {  	v13 =	vand.u32 $0xFFFFFC00, v15;
	v15 =	vshll.u32 v21, $0x3;
	v19 =	vor.u32 v7, v17;
	v24 =	vld [tilespmem:s16+$0x1C430]  }
0x3ea: {  	v20 =	vand.u32 $0x7F, v27;
	v18 =	vand.u32 $0xFFFFFC00, v18;
	v22 =	vand.u32 $0xFFFFFC00, v15;
	v17 =	vld.idx.msk [tilespmem:v11+s6+$0x0], $0xffff  }
.Ltmp14:
0x3eb: {  	v21 =	vand.u32 $0x7F, v21;
	v11 =	vor.u32 v13, v20;
	v20 =	vand.u32 $0x7F, v16;
	v15 =	vld.idx.msk [tilespmem:v9+s6+$0x0], $0xffff;
	(pc) =	sbr.rel @p0 .LBB2_30-.Ltmp14, $4  }
0x3ec: {  	v13 =	vor.u32 v7, v11;
	v9 =	vor.u32 v18, v20;
	v20 =	vor.u32 v22, v21;
	v16 =	vld [tilespmem:s16+$0x1C000]  }
0x3ed: {  	v21 =	vshll.u32 v8, $0x3;
	v11 =	vor.u32 v7, v9;
	v9 =	vor.u32 v7, v20;
	v18 =	vld [tilespmem:s16+$0x1C010]  }
0x3ee: {  	v23 =	vshll.u32 v10, $0x3;
	v22 =	vshll.u32 v12, $0x3;
	v19 =	vld.idx.msk [tilespmem:v19+s6+$0x0], $0xffff;
	v25 =	vshll.u32 v24, $0x3  }
0x3ef: {  	s18 =	sadd.s32 $0x40, s18;
	v21 =	vand.u32 $0xFFFFFC00, v21;
	v24 =	vand.u32 $0x7F, v24;
	v20 =	vld [tilespmem:s16+$0x1C030];
	v25 =	vand.u32 $0xFFFFFC00, v25  }
0x3f0: {  	_ =	sdelay $0x1  }
0x3f1: {  	v23 =	vand.u32 $0xFFFFFC00, v23  }
0x3f2: {  	v26 =	vld [tilespmem:s16+$0x1C020];
	v22 =	vand.u32 $0xFFFFFC00, v22;
	v24 =	vor.u32 v25, v24;
	v8 =	vand.u32 $0x7F, v8  }
0x3f3: {  	v10 =	vand.u32 $0x7F, v10;
	v12 =	vand.u32 $0x7F, v12;
	v13 =	vld.idx.msk [tilespmem:v13+s6+$0x0], $0xffff;
	v1 =	vmul.f32 v1, v14  }
0x3f4: {  	v2 =	vmul.f32 v2, v17;
	v11 =	vld.idx.msk [tilespmem:v11+s6+$0x0], $0xffff;
	v24 =	vor.u32 v7, v24;
	v8 =	vor.u32 v21, v8  }
0x3f5: {  	v9 =	vld.idx.msk [tilespmem:v9+s6+$0x0], $0xffff;
	v3 =	vmul.f32 v3, v15;
	v10 =	vor.u32 v23, v10;
	v8 =	vor.u32 v7, v8  }
0x3f6: {  	v12 =	vor.u32 v22, v12;
	[tilespmem:v6+s11+$0x0] =	vst.idx.msk $0xffff, v1;
	v1 =	vor.u32 v7, v10  }
0x3f7: {  	[tilespmem:v5+s11+$0x0] =	vst.idx.msk $0xffff, v2;
	v2 =	vor.u32 v7, v12;
	v14 =	vmul.f32 v20, v19  }
0x3f8: {  	[tilespmem:v4+s11+$0x0] =	vst.idx.msk $0xffff, v3;
	v5 =	vmul.f32 v16, v13  }
0x3f9: {  	v3 =	vmul.f32 v18, v11;
	[tilespmem:v24+s11+$0x0] =	vst.idx.msk $0xffff, v14  }
0x3fa: {  	v4 =	vmul.f32 v26, v9;
	[tilespmem:v8+s11+$0x0] =	vst.idx.msk $0xffff, v5  }
0x3fb: {  	[tilespmem:v1+s11+$0x0] =	vst.idx.msk $0xffff, v3  }
0x3fc: {  	s18 =	simm.s32 $0x0;
	[tilespmem:v2+s11+$0x0] =	vst.idx.msk $0xffff, v4  }
0x3fd: {  	[hbm4b:s0+s18] =	stream.linear.scatter [tilespmem:s11], [sflag:$0x5], $0x2000, $0x38;
	[tilespmem:$0x1C600] =	vst v63  }
0x3fe: {  	_ =	swait.ge [sflag:s12], $0x8000  }
0x3ff: {  	[sflag:s12] =	ssyncset.done $0x0  }
0x400: {  	[sflag:s12] =	ssyncadd.s32 $0xFFFF8000  }
0x401: {  	_ =	swait.ge [sflag:s13], $0x2000  }
0x402: {  	[sflag:s13] =	ssyncset.done $0x0  }
0x403: {  	s17 =	sand.u32 $0x1C0, s18;
	[sflag:s13] =	ssyncadd.s32 $0xFFFFE000  }
0x404: {  	v1 =	vld [tilespmem:s17+$0x1C230]  }
0x405: {  	s19 =	simm.s32 $0x0;
	s20 =	simm.s32 $0x40;
	v2 =	vld [tilespmem:s17+$0x1C200]  }
0x406: {  	s16 =	sand.u32 $0x1C0, s20;
	v4 =	vmov s19;
	v5 =	vld [tilespmem:s17+$0x1C220]  }
0x407: {  	v4 =	vshll.u32 v4, $0x7;
	v19 =	vld [tilespmem:s16+$0x1C210]  }
0x408: {  	v4 =	vand.u32 $0x380, v4  }
0x409: {  	v4 =	vbroadcast v4, $0x0;
	v3 =	vld [tilespmem:s17+$0x1C210]  }
0x40a: {  	v7 =	vld [tilespmem:s17+$0x1C400];
	v6 =	vshll.u32 v1, $0x3;
	v1 =	vand.u32 $0x7F, v1;
	v9 =	vshll.u32 v2, $0x3  }
0x40b: {  	v11 =	vshll.u32 v5, $0x3;
	v2 =	vand.u32 $0x7F, v2;
	v5 =	vand.u32 $0x7F, v5  }
0x40c: {  	v8 =	vld [tilespmem:s17+$0x1C410];
	v22 =	vshll.u32 v19, $0x3;
	v19 =	vand.u32 $0x7F, v19;
	v6 =	vand.u32 $0xFFFFFC00, v6  }
0x40d: {  	v12 =	vld [tilespmem:s17+$0x1C430];
	v9 =	vand.u32 $0xFFFFFC00, v9;
	v11 =	vand.u32 $0xFFFFFC00, v11;
	v1 =	vor.u32 v6, v1  }
0x40e: {  	v6 =	vld [tilespmem:s17+$0x1C420];
	v2 =	vor.u32 v9, v2;
	v5 =	vor.u32 v11, v5;
	v10 =	vor.u32 v4, v1  }
0x40f: {  	v16 =	vld [tilespmem:s17+$0x1C030];
	v11 =	vshll.u32 v7, $0x3;
	v7 =	vand.u32 $0x7F, v7;
	v1 =	vshll.u32 v3, $0x3  }
0x410: {  	v18 =	vld [tilespmem:s16+$0x1C200];
	v3 =	vand.u32 $0x7F, v3;
	v9 =	vor.u32 v4, v2;
	v13 =	vand.u32 $0xFFFFFC00, v1  }
0x411: {  	v25 =	vld [tilespmem:s16+$0x1C430];
	v15 =	vor.u32 v4, v5;
	v11 =	vand.u32 $0xFFFFFC00, v11;
	v3 =	vor.u32 v13, v3  }
0x412: {  	v2 =	vld [tilespmem:s17+$0x1C010];
	v7 =	vor.u32 v11, v7;
	v13 =	vor.u32 v4, v3;
	v3 =	vshll.u32 v12, $0x3  }
0x413: {  	v12 =	vand.u32 $0x7F, v12;
	v14 =	vshll.u32 v6, $0x3;
	v17 =	vand.u32 $0xFFFFFC00, v3;
	v5 =	vld.idx.msk [tilespmem:v10+s7+$0x0], $0xffff  }
0x414: {  	v6 =	vand.u32 $0x7F, v6;
	v10 =	vshll.u32 v8, $0x3;
	v12 =	vor.u32 v17, v12;
	v17 =	vld [tilespmem:s16+$0x1C230]  }
0x415: {  	s21 =	simm.s32 $0x0;
	v1 =	vld [tilespmem:s17+$0x1C000];
	v14 =	vand.u32 $0xFFFFFC00, v14;
	v8 =	vand.u32 $0x7F, v8;
	v10 =	vand.u32 $0xFFFFFC00, v10  }
0x416: {  	v11 =	vld [tilespmem:s16+$0x1C220];
	v20 =	vor.u32 v4, v12;
	v10 =	vor.u32 v10, v8;
	v8 =	vmov s21  }
0x417: {  	v3 =	vld [tilespmem:s17+$0x1C020];
	v12 =	vor.u32 v14, v6;
	v6 =	vor.u32 v4, v7;
	v14 =	vshll.u32 v8, $0x7  }
0x418: {  	v8 =	vld [tilespmem:s16+$0x1C400];
	v7 =	vand.u32 $0x380, v14;
	v21 =	vmul.f32 v16, v5;
	v5 =	vor.u32 v4, v10  }
0x419: {  	v10 =	vld [tilespmem:s16+$0x1C410];
	v14 =	vshll.u32 v17, $0x3;
	v4 =	vor.u32 v4, v12;
	v7 =	vbroadcast v7, $0x0  }
0x41a: {  	v12 =	vld [tilespmem:s16+$0x1C420];
	v16 =	vand.u32 $0x7F, v17;
	v17 =	vshll.u32 v18, $0x3;
	v14 =	vand.u32 $0xFFFFFC00, v14  }
0x41b: {  	v27 =	vshll.u32 v25, $0x3;
	v16 =	vor.u32 v14, v16;
	v14 =	vld.idx.msk [tilespmem:v9+s7+$0x0], $0xffff;
	v9 =	vand.u32 $0xFFFFFC00, v17  }
0x41c: {  	v15 =	vld.idx.msk [tilespmem:v15+s7+$0x0], $0xffff;
	v17 =	vshll.u32 v11, $0x3;
	v24 =	vor.u32 v7, v16;
	v16 =	vand.u32 $0x7F, v18  }
0x41d: {  	v18 =	vand.u32 $0xFFFFFC00, v22;
	v22 =	vand.u32 $0xFFFFFC00, v17;
	v17 =	vld.idx.msk [tilespmem:v13+s7+$0x0], $0xffff;
	v26 =	vshll.u32 v8, $0x3  }
0x41e: {  	v11 =	vand.u32 $0x7F, v11;
	[tilespmem:v20+s9+$0x0] =	vst.idx.msk $0xffff, v21;
	v9 =	vor.u32 v9, v16;
	v16 =	vld [tilespmem:s16+$0x1C000];
	v21 =	vand.u32 $0xFFFFFC00, v26  }
0x41f: {  	v13 =	vor.u32 v7, v9;
	v9 =	vor.u32 v18, v19;
	v19 =	vor.u32 v22, v11;
	v18 =	vld [tilespmem:s16+$0x1C010]  }
0x420: {  	v20 =	vld [tilespmem:s16+$0x1C030];
	v23 =	vshll.u32 v10, $0x3;
	v22 =	vshll.u32 v12, $0x3;
	v11 =	vor.u32 v7, v9  }
0x421: {  	s18 =	simm.s32 $0x80;
	s17 =	simm.s32 $0x4;
	v9 =	vor.u32 v7, v19;
	v19 =	vld.idx.msk [tilespmem:v24+s7+$0x0], $0xffff;
	v24 =	vand.u32 $0x7F, v25;
	v25 =	vand.u32 $0xFFFFFC00, v27  }
.LBB2_32:
0x422: {  	v23 =	vand.u32 $0xFFFFFC00, v23;
	v26 =	vld [tilespmem:s16+$0x1C020];
	s16 =	sand.u32 $0x1C0, s18;
	v22 =	vand.u32 $0xFFFFFC00, v22;
	v24 =	vor.u32 v25, v24  }
0x423: {  	v8 =	vand.u32 $0x7F, v8;
	v10 =	vand.u32 $0x7F, v10;
	v25 =	vld [tilespmem:s16+$0x1C230];
	v24 =	vor.u32 v7, v24  }
0x424: {  	s17 =	sadd.s32 $0x4, s17;
	v12 =	vand.u32 $0x7F, v12;
	v14 =	vmul.f32 v1, v14;
	v17 =	vmul.f32 v2, v17;
	v1 =	vmovc v16;
	v27 =	vld [tilespmem:s16+$0x1C200];
	v2 =	vmovc v18  }
0x425: {  	v15 =	vmul.f32 v3, v15;
	s19 =	sshrl.u32 s17, $0x5;
	p0 =	slt.u32 s17, $0xFC;
	v10 =	vor.u32 v23, v10;
	v18 =	vor.u32 v21, v8;
	v16 =	vld [tilespmem:s16+$0x1C210]  }
0x426: {  	v12 =	vor.u32 v22, v12;
	v23 =	vmov s19;
	v21 =	vld [tilespmem:s16+$0x1C220];
	v19 =	vmul.f32 v20, v19;
	[tilespmem:v6+s9+$0x0] =	vst.idx.msk $0xffff, v14  }
0x427: {  	v20 =	vshll.u32 v23, $0x7;
	v6 =	vor.u32 v7, v18;
	v8 =	vld [tilespmem:s16+$0x1C400];
	[tilespmem:v5+s9+$0x0] =	vst.idx.msk $0xffff, v17;
	v5 =	vor.u32 v7, v10  }
0x428: {  	v18 =	vor.u32 v7, v12;
	v14 =	vand.u32 $0x380, v20;
	v3 =	vmovc v26;
	v10 =	vld [tilespmem:s16+$0x1C410];
	v17 =	vshll.u32 v25, $0x3;
	[tilespmem:v24+s9+$0x0] =	vst.idx.msk $0xffff, v19  }
0x429: {  	v7 =	vbroadcast v14, $0x0;
	v14 =	vand.u32 $0x7F, v25;
	v12 =	vld [tilespmem:s16+$0x1C420];
	v17 =	vand.u32 $0xFFFFFC00, v17;
	[tilespmem:v4+s9+$0x0] =	vst.idx.msk $0xffff, v15;
	v4 =	vmovc v18  }
0x42a: {  	v15 =	vshll.u32 v27, $0x3;
	v18 =	vshll.u32 v16, $0x3;
	v17 =	vor.u32 v17, v14;
	v14 =	vld.idx.msk [tilespmem:v13+s7+$0x0], $0xffff  }
0x42b: {  	v13 =	vand.u32 $0xFFFFFC00, v15;
	v15 =	vshll.u32 v21, $0x3;
	v19 =	vor.u32 v7, v17;
	v24 =	vld [tilespmem:s16+$0x1C430]  }
0x42c: {  	v20 =	vand.u32 $0x7F, v27;
	v18 =	vand.u32 $0xFFFFFC00, v18;
	v22 =	vand.u32 $0xFFFFFC00, v15;
	v17 =	vld.idx.msk [tilespmem:v11+s7+$0x0], $0xffff  }
.Ltmp15:
0x42d: {  	v21 =	vand.u32 $0x7F, v21;
	v11 =	vor.u32 v13, v20;
	v20 =	vand.u32 $0x7F, v16;
	v15 =	vld.idx.msk [tilespmem:v9+s7+$0x0], $0xffff;
	(pc) =	sbr.rel @p0 .LBB2_32-.Ltmp15, $4  }
0x42e: {  	v13 =	vor.u32 v7, v11;
	v9 =	vor.u32 v18, v20;
	v20 =	vor.u32 v22, v21;
	v16 =	vld [tilespmem:s16+$0x1C000]  }
0x42f: {  	v21 =	vshll.u32 v8, $0x3;
	v11 =	vor.u32 v7, v9;
	v9 =	vor.u32 v7, v20;
	v18 =	vld [tilespmem:s16+$0x1C010]  }
0x430: {  	v23 =	vshll.u32 v10, $0x3;
	v22 =	vshll.u32 v12, $0x3;
	v19 =	vld.idx.msk [tilespmem:v19+s7+$0x0], $0xffff;
	v25 =	vshll.u32 v24, $0x3  }
0x431: {  	s18 =	sadd.s32 $0x40, s18;
	v21 =	vand.u32 $0xFFFFFC00, v21;
	v24 =	vand.u32 $0x7F, v24;
	v20 =	vld [tilespmem:s16+$0x1C030];
	v25 =	vand.u32 $0xFFFFFC00, v25  }
0x432: {  	_ =	sdelay $0x1  }
0x433: {  	v23 =	vand.u32 $0xFFFFFC00, v23  }
0x434: {  	v26 =	vld [tilespmem:s16+$0x1C020];
	v22 =	vand.u32 $0xFFFFFC00, v22;
	v24 =	vor.u32 v25, v24;
	v8 =	vand.u32 $0x7F, v8  }
0x435: {  	v10 =	vand.u32 $0x7F, v10;
	v12 =	vand.u32 $0x7F, v12;
	v13 =	vld.idx.msk [tilespmem:v13+s7+$0x0], $0xffff;
	v1 =	vmul.f32 v1, v14  }
0x436: {  	v2 =	vmul.f32 v2, v17;
	v11 =	vld.idx.msk [tilespmem:v11+s7+$0x0], $0xffff;
	v24 =	vor.u32 v7, v24;
	v8 =	vor.u32 v21, v8  }
0x437: {  	v9 =	vld.idx.msk [tilespmem:v9+s7+$0x0], $0xffff;
	v3 =	vmul.f32 v3, v15;
	v10 =	vor.u32 v23, v10;
	v8 =	vor.u32 v7, v8  }
0x438: {  	v12 =	vor.u32 v22, v12;
	[tilespmem:v6+s9+$0x0] =	vst.idx.msk $0xffff, v1;
	v1 =	vor.u32 v7, v10  }
0x439: {  	[tilespmem:v5+s9+$0x0] =	vst.idx.msk $0xffff, v2;
	v2 =	vor.u32 v7, v12;
	v14 =	vmul.f32 v20, v19  }
0x43a: {  	[tilespmem:v4+s9+$0x0] =	vst.idx.msk $0xffff, v3;
	v5 =	vmul.f32 v16, v13  }
0x43b: {  	v3 =	vmul.f32 v18, v11;
	[tilespmem:v24+s9+$0x0] =	vst.idx.msk $0xffff, v14  }
0x43c: {  	v4 =	vmul.f32 v26, v9;
	[tilespmem:v8+s9+$0x0] =	vst.idx.msk $0xffff, v5  }
0x43d: {  	[tilespmem:v1+s9+$0x0] =	vst.idx.msk $0xffff, v3  }
0x43e: {  	s18 =	simm.s32 $0x0;
	[tilespmem:v2+s9+$0x0] =	vst.idx.msk $0xffff, v4  }
0x43f: {  	[hbm4b:s2+s18] =	stream.linear.scatter [tilespmem:s9], [sflag:$0x4], $0x2000, $0x38;
	[tilespmem:$0x1C600] =	vst v63  }
0x440: {  	_ =	swait.ge [sflag:s8], $0x8000  }
0x441: {  	[sflag:s8] =	ssyncset.done $0x0  }
0x442: {  	[sflag:s8] =	ssyncadd.s32 $0xFFFF8000  }
0x443: {  	_ =	swait.ge [sflag:s14], $0x2000  }
0x444: {  	[sflag:s14] =	ssyncset.done $0x0  }
0x445: {  	s17 =	sand.u32 $0x1C0, s18;
	[sflag:s14] =	ssyncadd.s32 $0xFFFFE000  }
0x446: {  	v1 =	vld [tilespmem:s17+$0x1C230]  }
0x447: {  	s19 =	simm.s32 $0x0;
	s20 =	simm.s32 $0x40;
	v2 =	vld [tilespmem:s17+$0x1C200]  }
0x448: {  	s16 =	sand.u32 $0x1C0, s20;
	v4 =	vmov s19;
	v5 =	vld [tilespmem:s17+$0x1C220]  }
0x449: {  	v4 =	vshll.u32 v4, $0x7;
	v19 =	vld [tilespmem:s16+$0x1C210]  }
0x44a: {  	v4 =	vand.u32 $0x380, v4  }
0x44b: {  	v4 =	vbroadcast v4, $0x0;
	v3 =	vld [tilespmem:s17+$0x1C210]  }
0x44c: {  	v7 =	vld [tilespmem:s17+$0x1C400];
	v6 =	vshll.u32 v1, $0x3;
	v1 =	vand.u32 $0x7F, v1;
	v9 =	vshll.u32 v2, $0x3  }
0x44d: {  	v11 =	vshll.u32 v5, $0x3;
	v2 =	vand.u32 $0x7F, v2;
	v5 =	vand.u32 $0x7F, v5  }
0x44e: {  	v8 =	vld [tilespmem:s17+$0x1C410];
	v22 =	vshll.u32 v19, $0x3;
	v19 =	vand.u32 $0x7F, v19;
	v6 =	vand.u32 $0xFFFFFC00, v6  }
0x44f: {  	v12 =	vld [tilespmem:s17+$0x1C430];
	v9 =	vand.u32 $0xFFFFFC00, v9;
	v11 =	vand.u32 $0xFFFFFC00, v11;
	v1 =	vor.u32 v6, v1  }
0x450: {  	v6 =	vld [tilespmem:s17+$0x1C420];
	v2 =	vor.u32 v9, v2;
	v5 =	vor.u32 v11, v5;
	v10 =	vor.u32 v4, v1  }
0x451: {  	v16 =	vld [tilespmem:s17+$0x1C030];
	v11 =	vshll.u32 v7, $0x3;
	v7 =	vand.u32 $0x7F, v7;
	v1 =	vshll.u32 v3, $0x3  }
0x452: {  	v18 =	vld [tilespmem:s16+$0x1C200];
	v3 =	vand.u32 $0x7F, v3;
	v9 =	vor.u32 v4, v2;
	v13 =	vand.u32 $0xFFFFFC00, v1  }
0x453: {  	v25 =	vld [tilespmem:s16+$0x1C430];
	v15 =	vor.u32 v4, v5;
	v11 =	vand.u32 $0xFFFFFC00, v11;
	v3 =	vor.u32 v13, v3  }
0x454: {  	v2 =	vld [tilespmem:s17+$0x1C010];
	v7 =	vor.u32 v11, v7;
	v13 =	vor.u32 v4, v3;
	v3 =	vshll.u32 v12, $0x3  }
0x455: {  	v12 =	vand.u32 $0x7F, v12;
	v14 =	vshll.u32 v6, $0x3;
	v17 =	vand.u32 $0xFFFFFC00, v3;
	v5 =	vld.idx.msk [tilespmem:v10+s1+$0x0], $0xffff  }
0x456: {  	v6 =	vand.u32 $0x7F, v6;
	v10 =	vshll.u32 v8, $0x3;
	v12 =	vor.u32 v17, v12;
	v17 =	vld [tilespmem:s16+$0x1C230]  }
0x457: {  	s21 =	simm.s32 $0x0;
	v1 =	vld [tilespmem:s17+$0x1C000];
	v14 =	vand.u32 $0xFFFFFC00, v14;
	v8 =	vand.u32 $0x7F, v8;
	v10 =	vand.u32 $0xFFFFFC00, v10  }
0x458: {  	v11 =	vld [tilespmem:s16+$0x1C220];
	v20 =	vor.u32 v4, v12;
	v10 =	vor.u32 v10, v8;
	v8 =	vmov s21  }
0x459: {  	v3 =	vld [tilespmem:s17+$0x1C020];
	v12 =	vor.u32 v14, v6;
	v6 =	vor.u32 v4, v7;
	v14 =	vshll.u32 v8, $0x7  }
0x45a: {  	v8 =	vld [tilespmem:s16+$0x1C400];
	v7 =	vand.u32 $0x380, v14;
	v21 =	vmul.f32 v16, v5;
	v5 =	vor.u32 v4, v10  }
0x45b: {  	v10 =	vld [tilespmem:s16+$0x1C410];
	v14 =	vshll.u32 v17, $0x3;
	v4 =	vor.u32 v4, v12;
	v7 =	vbroadcast v7, $0x0  }
0x45c: {  	v12 =	vld [tilespmem:s16+$0x1C420];
	v16 =	vand.u32 $0x7F, v17;
	v17 =	vshll.u32 v18, $0x3;
	v14 =	vand.u32 $0xFFFFFC00, v14  }
0x45d: {  	v27 =	vshll.u32 v25, $0x3;
	v16 =	vor.u32 v14, v16;
	v14 =	vld.idx.msk [tilespmem:v9+s1+$0x0], $0xffff;
	v9 =	vand.u32 $0xFFFFFC00, v17  }
0x45e: {  	v15 =	vld.idx.msk [tilespmem:v15+s1+$0x0], $0xffff;
	v17 =	vshll.u32 v11, $0x3;
	v24 =	vor.u32 v7, v16;
	v16 =	vand.u32 $0x7F, v18  }
0x45f: {  	v18 =	vand.u32 $0xFFFFFC00, v22;
	v22 =	vand.u32 $0xFFFFFC00, v17;
	v17 =	vld.idx.msk [tilespmem:v13+s1+$0x0], $0xffff;
	v26 =	vshll.u32 v8, $0x3  }
0x460: {  	v11 =	vand.u32 $0x7F, v11;
	[tilespmem:v20+s11+$0x0] =	vst.idx.msk $0xffff, v21;
	v9 =	vor.u32 v9, v16;
	v16 =	vld [tilespmem:s16+$0x1C000];
	v21 =	vand.u32 $0xFFFFFC00, v26  }
0x461: {  	v13 =	vor.u32 v7, v9;
	v9 =	vor.u32 v18, v19;
	v19 =	vor.u32 v22, v11;
	v18 =	vld [tilespmem:s16+$0x1C010]  }
0x462: {  	v20 =	vld [tilespmem:s16+$0x1C030];
	v23 =	vshll.u32 v10, $0x3;
	v22 =	vshll.u32 v12, $0x3;
	v11 =	vor.u32 v7, v9  }
0x463: {  	s18 =	simm.s32 $0x80;
	s17 =	simm.s32 $0x4;
	v9 =	vor.u32 v7, v19;
	v19 =	vld.idx.msk [tilespmem:v24+s1+$0x0], $0xffff;
	v24 =	vand.u32 $0x7F, v25;
	v25 =	vand.u32 $0xFFFFFC00, v27  }
.LBB2_34:
0x464: {  	v23 =	vand.u32 $0xFFFFFC00, v23;
	v26 =	vld [tilespmem:s16+$0x1C020];
	s16 =	sand.u32 $0x1C0, s18;
	v22 =	vand.u32 $0xFFFFFC00, v22;
	v24 =	vor.u32 v25, v24  }
0x465: {  	v8 =	vand.u32 $0x7F, v8;
	v10 =	vand.u32 $0x7F, v10;
	v25 =	vld [tilespmem:s16+$0x1C230];
	v24 =	vor.u32 v7, v24  }
0x466: {  	s17 =	sadd.s32 $0x4, s17;
	v12 =	vand.u32 $0x7F, v12;
	v14 =	vmul.f32 v1, v14;
	v17 =	vmul.f32 v2, v17;
	v1 =	vmovc v16;
	v27 =	vld [tilespmem:s16+$0x1C200];
	v2 =	vmovc v18  }
0x467: {  	v15 =	vmul.f32 v3, v15;
	s19 =	sshrl.u32 s17, $0x5;
	p0 =	slt.u32 s17, $0xFC;
	v10 =	vor.u32 v23, v10;
	v18 =	vor.u32 v21, v8;
	v16 =	vld [tilespmem:s16+$0x1C210]  }
0x468: {  	v12 =	vor.u32 v22, v12;
	v23 =	vmov s19;
	v21 =	vld [tilespmem:s16+$0x1C220];
	v19 =	vmul.f32 v20, v19;
	[tilespmem:v6+s11+$0x0] =	vst.idx.msk $0xffff, v14  }
0x469: {  	v20 =	vshll.u32 v23, $0x7;
	v6 =	vor.u32 v7, v18;
	v8 =	vld [tilespmem:s16+$0x1C400];
	[tilespmem:v5+s11+$0x0] =	vst.idx.msk $0xffff, v17;
	v5 =	vor.u32 v7, v10  }
0x46a: {  	v18 =	vor.u32 v7, v12;
	v14 =	vand.u32 $0x380, v20;
	v3 =	vmovc v26;
	v10 =	vld [tilespmem:s16+$0x1C410];
	v17 =	vshll.u32 v25, $0x3;
	[tilespmem:v24+s11+$0x0] =	vst.idx.msk $0xffff, v19  }
0x46b: {  	v7 =	vbroadcast v14, $0x0;
	v14 =	vand.u32 $0x7F, v25;
	v12 =	vld [tilespmem:s16+$0x1C420];
	v17 =	vand.u32 $0xFFFFFC00, v17;
	[tilespmem:v4+s11+$0x0] =	vst.idx.msk $0xffff, v15;
	v4 =	vmovc v18  }
0x46c: {  	v15 =	vshll.u32 v27, $0x3;
	v18 =	vshll.u32 v16, $0x3;
	v17 =	vor.u32 v17, v14;
	v14 =	vld.idx.msk [tilespmem:v13+s1+$0x0], $0xffff  }
0x46d: {  	v13 =	vand.u32 $0xFFFFFC00, v15;
	v15 =	vshll.u32 v21, $0x3;
	v19 =	vor.u32 v7, v17;
	v24 =	vld [tilespmem:s16+$0x1C430]  }
0x46e: {  	v20 =	vand.u32 $0x7F, v27;
	v18 =	vand.u32 $0xFFFFFC00, v18;
	v22 =	vand.u32 $0xFFFFFC00, v15;
	v17 =	vld.idx.msk [tilespmem:v11+s1+$0x0], $0xffff  }
.Ltmp16:
0x46f: {  	v21 =	vand.u32 $0x7F, v21;
	v11 =	vor.u32 v13, v20;
	v20 =	vand.u32 $0x7F, v16;
	v15 =	vld.idx.msk [tilespmem:v9+s1+$0x0], $0xffff;
	(pc) =	sbr.rel @p0 .LBB2_34-.Ltmp16, $4  }
0x470: {  	v13 =	vor.u32 v7, v11;
	v9 =	vor.u32 v18, v20;
	v20 =	vor.u32 v22, v21;
	v16 =	vld [tilespmem:s16+$0x1C000]  }
0x471: {  	v21 =	vshll.u32 v8, $0x3;
	v11 =	vor.u32 v7, v9;
	v9 =	vor.u32 v7, v20;
	v18 =	vld [tilespmem:s16+$0x1C010]  }
0x472: {  	v23 =	vshll.u32 v10, $0x3;
	v22 =	vshll.u32 v12, $0x3;
	v19 =	vld.idx.msk [tilespmem:v19+s1+$0x0], $0xffff;
	v25 =	vshll.u32 v24, $0x3  }
0x473: {  	s18 =	sadd.s32 $0x40, s18;
	v21 =	vand.u32 $0xFFFFFC00, v21;
	v24 =	vand.u32 $0x7F, v24;
	v20 =	vld [tilespmem:s16+$0x1C030];
	v25 =	vand.u32 $0xFFFFFC00, v25  }
0x474: {  	_ =	sdelay $0x1  }
0x475: {  	v23 =	vand.u32 $0xFFFFFC00, v23  }
0x476: {  	v26 =	vld [tilespmem:s16+$0x1C020];
	v22 =	vand.u32 $0xFFFFFC00, v22;
	v24 =	vor.u32 v25, v24;
	v8 =	vand.u32 $0x7F, v8  }
0x477: {  	v10 =	vand.u32 $0x7F, v10;
	v12 =	vand.u32 $0x7F, v12;
	v13 =	vld.idx.msk [tilespmem:v13+s1+$0x0], $0xffff;
	v1 =	vmul.f32 v1, v14  }
0x478: {  	v2 =	vmul.f32 v2, v17;
	v11 =	vld.idx.msk [tilespmem:v11+s1+$0x0], $0xffff;
	v24 =	vor.u32 v7, v24;
	v8 =	vor.u32 v21, v8  }
0x479: {  	v9 =	vld.idx.msk [tilespmem:v9+s1+$0x0], $0xffff;
	v3 =	vmul.f32 v3, v15;
	v10 =	vor.u32 v23, v10;
	v8 =	vor.u32 v7, v8  }
0x47a: {  	v12 =	vor.u32 v22, v12;
	[tilespmem:v6+s11+$0x0] =	vst.idx.msk $0xffff, v1;
	v1 =	vor.u32 v7, v10  }
0x47b: {  	[tilespmem:v5+s11+$0x0] =	vst.idx.msk $0xffff, v2;
	v2 =	vor.u32 v7, v12;
	v61 =	vmul.f32 v20, v19  }
0x47c: {  	[tilespmem:v4+s11+$0x0] =	vst.idx.msk $0xffff, v3;
	v62 =	vmul.f32 v16, v13  }
0x47d: {  	v3 =	vmul.f32 v18, v11;
	[tilespmem:v24+s11+$0x0] =	vst.idx.msk $0xffff, v61  }
0x47e: {  	v63 =	vmul.f32 v26, v9;
	[tilespmem:v8+s11+$0x0] =	vst.idx.msk $0xffff, v62  }
0x47f: {  	[tilespmem:v1+s11+$0x0] =	vst.idx.msk $0xffff, v3  }
0x480: {  	s15 =	sadd.s32 $0x1, s15;
	[tilespmem:v2+s11+$0x0] =	vst.idx.msk $0xffff, v63  }
0x481: {  	[hbm4b:s3+s1] =	stream.linear.scatter [tilespmem:s11], [sflag:$0x5], $0x2000, $0x38;
	[tilespmem:$0x1C600] =	vst v63  }
0x482: {  	p0 =	sne.s32 s15, s4;
	_ =	swait.ge [sflag:s13], $0x2000  }
.Ltmp17:
0x483: {  	[sflag:s13] =	ssyncset.done $0x0;
	(pc) =	sbr.rel @p0 .LBB2_1-.Ltmp17, $4  }
0x484: {  	[sflag:s13] =	ssyncadd.s32 $0xFFFFE000  }
0x485: {  	_ =	swait.ge [sflag:s14], $0x2000  }
0x486: {  	[sflag:s14] =	ssyncset.done $0x0  }
0x487: {  	[sflag:s14] =	ssyncadd.s32 $0xFFFFE000  }
0x488: {  	_ =	sfence.sel $0x180000  }
0x489: {  	[bflag:$0x0] =	sbarrier.arrive $0xFFFF  }
0x48a: {  	_ =	strace $0x90000047  }
0x48b: {  	s0 =	stileid.u32;
	[bflag:$0x2] =	sbarrier.arrive $0xFFFF  }
0x48c: {  	p0 =	sne.s32 s0, $0x0;
	s0 =	rddreg [dreg:$0x5]  }
0x48d: {  	s0 =	sadd.s32 @!p0 $0x100000, s0  }
0x48e: {  	[sflag:s0] =	ssyncadd.tile.s32 @!p0 $0x1;
	_ =	shalt  }
.Lfunc_end2:
_tile_overlayer_lowered:
.L_overlay_start_2:
0x48f: {  	(tag) =	ssettag $0x2  }
0x490: {  	s0 =	rddreg [dreg:$0x0];
	s2 =	stileid.u32  }
0x491: {  	s1 =	rddreg [dreg:$0x1];
	p0 =	sne.s32 s2, $0x0  }
0x492: {  	s3 =	rddreg [dreg:$0x2];
	[bflag:$0x3] =	sbarrier.arrive $0xFFFF;
	s2 =	simm.s32 @!p0 $0x1C06  }
0x493: {  	[timem:s3], [sflag:s2] =	dma.local @!p0 [hbm:s0], s1  }
0x494: {  	s0 =	simm.s32 @!p0 $0x6  }
0x495: {  	_ =	swait.ge @!p0 [sflag:s0], s1  }
0x496: {  	s1 =	ssub.s32 @!p0 $0x0, s1;
	[sflag:s0] =	ssyncset.done @!p0 $0x0  }
0x497: {  	[sflag:s0] =	ssyncadd.s32 @!p0 s1  }
0x498: {  	[bflag:$0x3] =	sbarrier.arrive $0xFFFF  }
0x499: {  	_ =	shalt  }

</sc_bundles>
